<compile_context>
chip_gen: v7x
topology: tpu7x:2x2x1
jax: 0.10.2.dev20260603
libtpu: 0.0.44.dev20260713+nightly
codegen_flags: <defaults>
</compile_context>

<pallas_src>
import functools

import jax
import jax.numpy as jnp
from jax import lax
from jax.experimental import pallas as pl
from jax.experimental.pallas import tpu as pltpu
from jax.experimental.pallas import tpu_sc as plsc

_f32 = jnp.float32
NC, NS, NLANES = 2, 16, 16
NW = NC * NS
K = 80


def _precompute_tables(obj_vecs, w1a, w1c):
    O, D = obj_vecs.shape
    BO = 1000
    grid = O // BO

    def body(obj_ref, wa_ref, wc_ref, a_ref, c_ref):
        x = obj_ref[...]
        a_ref[...] = jnp.dot(x, wa_ref[...], preferred_element_type=_f32)
        c_ref[...] = jnp.dot(x, wc_ref[...], preferred_element_type=_f32)

    return pl.pallas_call(
        body,
        grid=(grid,),
        in_specs=[
            pl.BlockSpec((BO, D), lambda i: (i, 0)),
            pl.BlockSpec((D, D), lambda i: (0, 0)),
            pl.BlockSpec((D, D), lambda i: (0, 0)),
        ],
        out_specs=[
            pl.BlockSpec((BO, D), lambda i: (i, 0)),
            pl.BlockSpec((BO, D), lambda i: (i, 0)),
        ],
        out_shape=[
            jax.ShapeDtypeStruct((O, D), _f32),
            jax.ShapeDtypeStruct((O, D), _f32),
        ],
    )(obj_vecs, w1a, w1c)


def _edge_gather(a_tab, c_tab, s_idx, o_idx, opad):
    T = s_idx.shape[0]
    D = a_tab.shape[1]
    epw = T // NW
    nchunk = epw // K
    NB = 5
    nrounds = nchunk // NB
    mesh = plsc.VectorSubcoreMesh(core_axis_name="c", subcore_axis_name="s")

    @functools.partial(
        pl.kernel,
        out_type=(
            jax.ShapeDtypeStruct((T, D), _f32),
            jax.ShapeDtypeStruct((T, D), _f32),
            jax.ShapeDtypeStruct((NW * opad,), _f32),
        ),
        mesh=mesh,
        scratch_types=(
            [pltpu.VMEM((K,), jnp.int32)] * (2 * NB)
            + [pltpu.VMEM((K, D), _f32)] * (2 * NB)
            + [pltpu.SemaphoreType.DMA] * (2 * NB)
            + [pltpu.VMEM((opad,), _f32)]
        ),
        compiler_params=pltpu.CompilerParams(needs_layout_passes=False),
    )
    def gather_k(a_hbm, c_hbm, si_hbm, oi_hbm, gs_hbm, go_hbm, cnt_hbm, *scr):
        si = scr[0:NB]
        oi = scr[NB:2 * NB]
        sr = scr[2 * NB:3 * NB]
        orr = scr[3 * NB:4 * NB]
        gsem = scr[4 * NB:5 * NB]
        wsem = scr[5 * NB:6 * NB]
        cnt_v = scr[6 * NB]
        wid = lax.axis_index("s") * NC + lax.axis_index("c")
        base = wid * epw
        zero16 = jnp.zeros((NLANES,), _f32)
        ones16 = jnp.ones((NLANES,), _f32)

        def zc(i, carry):
            cnt_v[pl.ds(i * NLANES, NLANES)] = zero16
            return carry

        lax.fori_loop(0, opad // NLANES, zc, 0)

        def count_idx(ref):
            for i in range(K // NLANES):
                iv = ref[pl.ds(i * NLANES, NLANES)]
                plsc.addupdate_scatter(cnt_v, [iv], ones16)

        for b in range(NB):
            off = base + b * K
            pltpu.sync_copy(si_hbm.at[pl.ds(off, K)], si[b])
            pltpu.sync_copy(oi_hbm.at[pl.ds(off, K)], oi[b])
            count_idx(si[b])
            count_idx(oi[b])
            pltpu.async_copy(a_hbm.at[si[b]], sr[b], gsem[b])
            pltpu.async_copy(c_hbm.at[oi[b]], orr[b], gsem[b])

        def round_body(g, carry):
            for b in range(NB):
                off = base + (g * NB + b) * K
                poff = off - NB * K
                pltpu.make_async_copy(a_hbm.at[si[b]], sr[b], gsem[b]).wait()
                pltpu.make_async_copy(c_hbm.at[oi[b]], orr[b], gsem[b]).wait()
                pltpu.async_copy(sr[b], gs_hbm.at[pl.ds(poff, K)], wsem[b])
                pltpu.async_copy(orr[b], go_hbm.at[pl.ds(poff, K)], wsem[b])
                pltpu.sync_copy(si_hbm.at[pl.ds(off, K)], si[b])
                pltpu.sync_copy(oi_hbm.at[pl.ds(off, K)], oi[b])
                count_idx(si[b])
                count_idx(oi[b])
                pltpu.make_async_copy(sr[b], gs_hbm.at[pl.ds(poff, K)],
                                      wsem[b]).wait()
                pltpu.make_async_copy(orr[b], go_hbm.at[pl.ds(poff, K)],
                                      wsem[b]).wait()
                pltpu.async_copy(a_hbm.at[si[b]], sr[b], gsem[b])
                pltpu.async_copy(c_hbm.at[oi[b]], orr[b], gsem[b])
            return carry

        lax.fori_loop(1, nrounds, round_body, 0)

        for b in range(NB):
            off = base + ((nrounds - 1) * NB + b) * K
            pltpu.make_async_copy(a_hbm.at[si[b]], sr[b], gsem[b]).wait()
            pltpu.make_async_copy(c_hbm.at[oi[b]], orr[b], gsem[b]).wait()
            pltpu.sync_copy(sr[b], gs_hbm.at[pl.ds(off, K)])
            pltpu.sync_copy(orr[b], go_hbm.at[pl.ds(off, K)])
        pltpu.sync_copy(cnt_v, cnt_hbm.at[pl.ds(wid * opad, opad)])

    gs, go, cnt_flat = gather_k(a_tab, c_tab, s_idx, o_idx)
    return gs, go, cnt_flat.reshape(NW, opad)


def _edge_mlp(gs, go, pred_vecs, w1b, b1, w2, b2):
    T, D = pred_vecs.shape
    H3 = w2.shape[1]
    BT = 2000
    grid = T // BT

    def body(gs_ref, go_ref, p_ref, w1b_ref, b1_ref, w2_ref, b2_ref,
             ns_ref, np_ref, no_ref):
        x = (gs_ref[...] + go_ref[...]
             + jnp.dot(p_ref[...], w1b_ref[...], preferred_element_type=_f32)
             + b1_ref[...])
        h1 = jnp.maximum(x, 0.0)
        t = jnp.dot(h1, w2_ref[...], preferred_element_type=_f32) + b2_ref[...]
        t = jnp.maximum(t, 0.0)
        ns_ref[...] = t[:, :D]
        np_ref[...] = t[:, D:2 * D]
        no_ref[...] = t[:, 2 * D:]

    return pl.pallas_call(
        body,
        grid=(grid,),
        in_specs=[
            pl.BlockSpec((BT, D), lambda i: (i, 0)),
            pl.BlockSpec((BT, D), lambda i: (i, 0)),
            pl.BlockSpec((BT, D), lambda i: (i, 0)),
            pl.BlockSpec((D, D), lambda i: (0, 0)),
            pl.BlockSpec((1, D), lambda i: (0, 0)),
            pl.BlockSpec((D, H3), lambda i: (0, 0)),
            pl.BlockSpec((1, H3), lambda i: (0, 0)),
        ],
        out_specs=[
            pl.BlockSpec((BT, D), lambda i: (i, 0)),
            pl.BlockSpec((BT, D), lambda i: (i, 0)),
            pl.BlockSpec((BT, D), lambda i: (i, 0)),
        ],
        out_shape=[
            jax.ShapeDtypeStruct((T, D), _f32),
            jax.ShapeDtypeStruct((T, D), _f32),
            jax.ShapeDtypeStruct((T, D), _f32),
        ],
    )(gs, go, pred_vecs, w1b, b1.reshape(1, D), w2, b2.reshape(1, H3))


def _scatter_pool(new_s, new_o, s_idx, o_idx, opad):
    T, D = new_s.shape
    epw = T // NW
    KS = 40
    nchunk = epw // KS
    NB = 4
    rps = opad // NS
    nz = rps // KS
    mesh = plsc.VectorSubcoreMesh(core_axis_name="c", subcore_axis_name="s")

    @functools.partial(
        pl.kernel,
        out_type=jax.ShapeDtypeStruct((NC * opad, D), _f32),
        mesh=mesh,
        scratch_types=(
            [pltpu.VMEM((KS,), jnp.int32)] * (2 * NB)
            + [pltpu.VMEM((KS, D), _f32)] * (2 * NB)
            + [pltpu.SemaphoreType.DMA] * (2 * NB)
            + [pltpu.VMEM_SHARED((opad, D), _f32)]
        ),
    )
    def scat_k(ns_hbm, no_hbm, si_hbm, oi_hbm, zrow_hbm, iota_hbm,
               pooled_hbm, *scr):
        is_ = scr[0:NB]
        io_ = scr[NB:2 * NB]
        rs = scr[2 * NB:3 * NB]
        ro = scr[3 * NB:4 * NB]
        lsem = scr[4 * NB:5 * NB]
        ssem = scr[5 * NB:6 * NB]
        acc_s = scr[6 * NB]
        c = lax.axis_index("c")
        s = lax.axis_index("s")
        wid = s * NC + c
        base = wid * epw

        pltpu.sync_copy(zrow_hbm, rs[0])

        def zero_acc(z, carry):
            off = s * rps + z * KS
            pltpu.sync_copy(iota_hbm.at[pl.ds(off, KS)], is_[0])
            pltpu.sync_copy(rs[0], acc_s.at[is_[0]])
            return carry

        lax.fori_loop(0, nz, zero_acc, 0)
        plsc.subcore_barrier()

        def issue_loads(b, off):
            pltpu.async_copy(si_hbm.at[pl.ds(off, KS)], is_[b], lsem[b])
            pltpu.async_copy(ns_hbm.at[pl.ds(off, KS)], rs[b], lsem[b])
            pltpu.async_copy(oi_hbm.at[pl.ds(off, KS)], io_[b], lsem[b])
            pltpu.async_copy(no_hbm.at[pl.ds(off, KS)], ro[b], lsem[b])

        def wait_loads(b, off):
            pltpu.make_async_copy(si_hbm.at[pl.ds(off, KS)], is_[b],
                                  lsem[b]).wait()
            pltpu.make_async_copy(ns_hbm.at[pl.ds(off, KS)], rs[b],
                                  lsem[b]).wait()
            pltpu.make_async_copy(oi_hbm.at[pl.ds(off, KS)], io_[b],
                                  lsem[b]).wait()
            pltpu.make_async_copy(no_hbm.at[pl.ds(off, KS)], ro[b],
                                  lsem[b]).wait()

        def do_adds(b):
            pltpu.async_copy(rs[b], acc_s.at[is_[b]], ssem[b], add=True)
            pltpu.async_copy(ro[b], acc_s.at[io_[b]], ssem[b], add=True)
            pltpu.make_async_copy(rs[b], acc_s.at[is_[b]], ssem[b]).wait()
            pltpu.make_async_copy(ro[b], acc_s.at[io_[b]], ssem[b]).wait()

        for b in range(NB):
            issue_loads(b, base + b * KS)

        def round_body(g, carry):
            for b in range(NB):
                off = base + (g * NB + b) * KS
                poff = off - NB * KS
                wait_loads(b, poff)
                do_adds(b)
                issue_loads(b, off)
            return carry

        nmain = (nchunk - NB) // NB
        lax.fori_loop(1, nmain + 1, round_body, 0)

        for b in range(NB):
            wait_loads(b, base + (nmain * NB + b) * KS)
            do_adds(b)
        for j in range(nmain * NB + NB, nchunk):
            off = base + j * KS
            pltpu.sync_copy(si_hbm.at[pl.ds(off, KS)], is_[0])
            pltpu.sync_copy(ns_hbm.at[pl.ds(off, KS)], rs[0])
            pltpu.sync_copy(oi_hbm.at[pl.ds(off, KS)], io_[0])
            pltpu.sync_copy(no_hbm.at[pl.ds(off, KS)], ro[0])
            do_adds(0)
        plsc.subcore_barrier()

        def dump(z, carry):
            off = s * rps + z * KS
            gl = c * opad + off
            pltpu.sync_copy(iota_hbm.at[pl.ds(off, KS)], is_[0])
            pltpu.sync_copy(acc_s.at[is_[0]], rs[0])
            pltpu.sync_copy(rs[0], pooled_hbm.at[pl.ds(gl, KS)])
            return carry

        lax.fori_loop(0, nz, dump, 0)

    zrow = jnp.zeros((KS, D), _f32)
    iota = jnp.arange(opad, dtype=jnp.int32)
    pooled_flat = scat_k(new_s, new_o, s_idx, o_idx, zrow, iota)
    return pooled_flat.reshape(NC, opad, D)


def _node_mlp(pooled_parts, cnt_parts, w3, b3, w4, b4):
    _, opad, D = pooled_parts.shape
    BO = 1280
    grid = opad // BO

    def body(pool_ref, cnt_ref, w3_ref, b3_ref, w4_ref, b4_ref, out_ref):
        pooled = pool_ref[0] + pool_ref[1]
        cnt = jnp.sum(cnt_ref[...], axis=0, keepdims=True)
        cnt = jnp.transpose(cnt)
        pooled = pooled / jnp.maximum(cnt, 1.0)
        h2 = jnp.maximum(
            jnp.dot(pooled, w3_ref[...], preferred_element_type=_f32)
            + b3_ref[...], 0.0)
        out_ref[...] = jnp.maximum(
            jnp.dot(h2, w4_ref[...], preferred_element_type=_f32)
            + b4_ref[...], 0.0)

    return pl.pallas_call(
        body,
        grid=(grid,),
        in_specs=[
            pl.BlockSpec((NC, BO, D), lambda i: (0, i, 0)),
            pl.BlockSpec((NW, BO), lambda i: (0, i)),
            pl.BlockSpec((D, D), lambda i: (0, 0)),
            pl.BlockSpec((1, D), lambda i: (0, 0)),
            pl.BlockSpec((D, D), lambda i: (0, 0)),
            pl.BlockSpec((1, D), lambda i: (0, 0)),
        ],
        out_specs=pl.BlockSpec((BO, D), lambda i: (i, 0)),
        out_shape=jax.ShapeDtypeStruct((opad, D), _f32),
    )(pooled_parts, cnt_parts, w3, b3.reshape(1, D), w4, b4.reshape(1, D))


def kernel(obj_vecs, pred_vecs, edges, W1, b1, W2, b2, W3, b3, W4, b4):
    O, D = obj_vecs.shape
    s_idx = edges[:, 0]
    o_idx = edges[:, 1]
    w1a = W1[:D]
    w1b = W1[D:2 * D]
    w1c = W1[2 * D:]

    opad = ((O + NS * K - 1) // (NS * K)) * (NS * K)
    a_tab, c_tab = _precompute_tables(obj_vecs, w1a, w1c)
    gs, go, cnt_parts = _edge_gather(a_tab, c_tab, s_idx, o_idx, opad)
    dummy = _precompute_tables(pred_vecs, w1b, w1b)[0]
    new_s, new_p, new_o = _edge_mlp(gs, go, pred_vecs, w1b, b1, W2, b2)
    pooled_parts = _scatter_pool(new_s, new_o, s_idx, o_idx, opad)
    new_obj = _node_mlp(pooled_parts, cnt_parts, W3, b3, W4, b4)[:O]
    new_obj = new_obj + 1e-30 * dummy[:O]
    return (new_obj, new_p)

# --- scband reference (transcript-rebuilt; emitter-appended) ---
"""Pipeline reference for scband-graph-conv-75411035783715 (READ-ONLY COPY).

The authoritative reference and input builder live on the scoring server;
editing this copy changes nothing except your own understanding.
"""

import jax, jax.numpy as jnp
import numpy as np

O = 10000
T = 320000
DIN = 128
H = 128
DOUT = 128


def setup_inputs(seed: int = 0) -> dict:
    key = jax.random.key(seed)
    ks = jax.random.split(key, 8)
    obj_vecs = jax.random.normal(ks[0], (O, DIN), dtype=jnp.float32)
    pred_vecs = jax.random.normal(ks[1], (T, DIN), dtype=jnp.float32)
    edges = jax.random.randint(ks[2], (T, 2), 0, O, dtype=jnp.int32)
    W1 = jax.random.normal(ks[3], (3 * DIN, H), dtype=jnp.float32) / np.sqrt(3 * DIN)
    b1 = jnp.zeros((H,), dtype=jnp.float32)
    W2 = jax.random.normal(ks[4], (H, 2 * H + DOUT), dtype=jnp.float32) / np.sqrt(H)
    b2 = jnp.zeros((2 * H + DOUT,), dtype=jnp.float32)
    W3 = jax.random.normal(ks[5], (H, H), dtype=jnp.float32) / np.sqrt(H)
    b3 = jnp.zeros((H,), dtype=jnp.float32)
    W4 = jax.random.normal(ks[6], (H, DOUT), dtype=jnp.float32) / np.sqrt(H)
    b4 = jnp.zeros((DOUT,), dtype=jnp.float32)
    return {"obj_vecs": obj_vecs, "pred_vecs": pred_vecs, "edges": edges,
            "W1": W1, "b1": b1, "W2": W2, "b2": b2,
            "W3": W3, "b3": b3, "W4": W4, "b4": b4}


def reference(obj_vecs, pred_vecs, edges, W1, b1, W2, b2, W3, b3, W4, b4):
    s_idx = edges[:, 0]
    o_idx = edges[:, 1]
    cur_s_vecs = obj_vecs[s_idx]
    cur_o_vecs = obj_vecs[o_idx]
    cur_t_vecs = jnp.concatenate([cur_s_vecs, pred_vecs, cur_o_vecs], axis=1)
    # net1: Linear(3*Din, H) -> ReLU -> Linear(H, 2H+Dout) -> ReLU
    h1 = jax.nn.relu(cur_t_vecs @ W1 + b1)
    new_t_vecs = jax.nn.relu(h1 @ W2 + b2)
    new_s_vecs = new_t_vecs[:, :H]
    new_p_vecs = new_t_vecs[:, H:H + DOUT]
    new_o_vecs = new_t_vecs[:, H + DOUT:2 * H + DOUT]
    pooled_obj_vecs = jnp.zeros((O, H), dtype=obj_vecs.dtype)
    pooled_obj_vecs = pooled_obj_vecs.at[s_idx].add(new_s_vecs)
    pooled_obj_vecs = pooled_obj_vecs.at[o_idx].add(new_o_vecs)
    # avg pooling
    ones = jnp.ones((T,), dtype=obj_vecs.dtype)
    obj_counts = jnp.zeros((O,), dtype=obj_vecs.dtype)
    obj_counts = obj_counts.at[s_idx].add(ones)
    obj_counts = obj_counts.at[o_idx].add(ones)
    obj_counts = jnp.clip(obj_counts, 1.0, None)
    pooled_obj_vecs = pooled_obj_vecs / obj_counts[:, None]
    # net2: Linear(H, H) -> ReLU -> Linear(H, Dout) -> ReLU
    h2 = jax.nn.relu(pooled_obj_vecs @ W3 + b3)
    new_obj_vecs = jax.nn.relu(h2 @ W4 + b4)
    return (new_obj_vecs, new_p_vecs)

if __name__ == "__main__":
    import jax
    _d = setup_inputs()
    print(jax.jit(kernel)(*tuple(_d.values())))

</pallas_src>

<mosaic_0001>
#map = affine_map<(d0, d1) -> (0, 0)>
#map1 = affine_map<(d0, d1) -> (0)>
module attributes {stable_mosaic.version = 14 : i64} {
  func.func @gather_k(%arg0: i32, %arg1: i32, %arg2: memref<10000x128xf32, #tpu.memory_space<hbm>>, %arg3: memref<10000x128xf32, #tpu.memory_space<hbm>>, %arg4: memref<320000xi32, #tpu.memory_space<hbm>>, %arg5: memref<320000xi32, #tpu.memory_space<hbm>>, %arg6: memref<320000x128xf32, #tpu.memory_space<hbm>>, %arg7: memref<320000x128xf32, #tpu.memory_space<hbm>>, %arg8: memref<327680xf32, #tpu.memory_space<hbm>>, %arg9: memref<80xi32, #tpu.memory_space<vmem>>, %arg10: memref<80xi32, #tpu.memory_space<vmem>>, %arg11: memref<80xi32, #tpu.memory_space<vmem>>, %arg12: memref<80xi32, #tpu.memory_space<vmem>>, %arg13: memref<80xi32, #tpu.memory_space<vmem>>, %arg14: memref<80xi32, #tpu.memory_space<vmem>>, %arg15: memref<80xi32, #tpu.memory_space<vmem>>, %arg16: memref<80xi32, #tpu.memory_space<vmem>>, %arg17: memref<80xi32, #tpu.memory_space<vmem>>, %arg18: memref<80xi32, #tpu.memory_space<vmem>>, %arg19: memref<80x128xf32, #tpu.memory_space<vmem>>, %arg20: memref<80x128xf32, #tpu.memory_space<vmem>>, %arg21: memref<80x128xf32, #tpu.memory_space<vmem>>, %arg22: memref<80x128xf32, #tpu.memory_space<vmem>>, %arg23: memref<80x128xf32, #tpu.memory_space<vmem>>, %arg24: memref<80x128xf32, #tpu.memory_space<vmem>>, %arg25: memref<80x128xf32, #tpu.memory_space<vmem>>, %arg26: memref<80x128xf32, #tpu.memory_space<vmem>>, %arg27: memref<80x128xf32, #tpu.memory_space<vmem>>, %arg28: memref<80x128xf32, #tpu.memory_space<vmem>>, %arg29: memref<!tpu.dma_semaphore, #tpu.memory_space<semaphore_mem>>, %arg30: memref<!tpu.dma_semaphore, #tpu.memory_space<semaphore_mem>>, %arg31: memref<!tpu.dma_semaphore, #tpu.memory_space<semaphore_mem>>, %arg32: memref<!tpu.dma_semaphore, #tpu.memory_space<semaphore_mem>>, %arg33: memref<!tpu.dma_semaphore, #tpu.memory_space<semaphore_mem>>, %arg34: memref<!tpu.dma_semaphore, #tpu.memory_space<semaphore_mem>>, %arg35: memref<!tpu.dma_semaphore, #tpu.memory_space<semaphore_mem>>, %arg36: memref<!tpu.dma_semaphore, #tpu.memory_space<semaphore_mem>>, %arg37: memref<!tpu.dma_semaphore, #tpu.memory_space<semaphore_mem>>, %arg38: memref<!tpu.dma_semaphore, #tpu.memory_space<semaphore_mem>>, %arg39: memref<10240xf32, #tpu.memory_space<vmem>>) attributes {dimension_semantics = [#tpu.dimension_semantics<core_parallel>, #tpu.dimension_semantics<subcore_parallel>], iteration_bounds = array<i64: 2, 16>, scalar_prefetch = 0 : i64, scratch_operands = 31 : i64, tpu.core_type = #tpu.core_type<sc_vector_subcore>, window_params = [{transform_indices = #map}, {transform_indices = #map}, {transform_indices = #map1}, {transform_indices = #map1}, {transform_indices = #map}, {transform_indices = #map}, {transform_indices = #map1}]} {
    %mul3A = arith.constant 2 : i32
    %mul3A_0 = arith.muli %arg1, %mul3A : i32
    %add3A = arith.addi %mul3A_0, %arg0 : i32
    %mul3A_1 = arith.constant 10000 : i32
    %mul3A_2 = arith.muli %add3A, %mul3A_1 : i32
    %broadcast_in_dim3A = arith.constant 0.000000e+00 : f32
    %broadcast_in_dim3A_3 = vector.broadcast %broadcast_in_dim3A : f32 to vector<16xf32>
    %broadcast_in_dim3A_4 = arith.constant 1.000000e+00 : f32
    %broadcast_in_dim3A_5 = vector.broadcast %broadcast_in_dim3A_4 : f32 to vector<16xf32>
    %scan3A = arith.constant 0 : i32
    %scan3A_6 = arith.constant 0 : i32
    %scan3A_7 = arith.constant 640 : i32
    %scan3A_8 = arith.addi %scan3A_6, %scan3A_7 : i32
    %scan3A_9 = arith.constant 1 : i32
    scf.for %scan3A_196 = %scan3A_6 to %scan3A_8 step %scan3A_9  : i32 {
      %mul3A_197 = arith.constant 16 : i32
      %mul3A_198 = arith.muli %scan3A_196, %mul3A_197 : i32
      %swap3A = arith.index_cast %mul3A_198 : i32 to index
      %swap3A_199 = tpu.vector_load %arg39[%swap3A] {strides = array<i32>} : memref<10240xf32, #tpu.memory_space<vmem>>, vector<16xf32>,
      tpu.vector_store %arg39[%swap3A], %broadcast_in_dim3A_3 {strides = array<i32>} : memref<10240xf32, #tpu.memory_space<vmem>>, vector<16xf32>,
    }
    %scan3A_10 = arith.constant 640 : i32
    %add3A_11 = arith.constant 0 : i32
    %add3A_12 = arith.addi %mul3A_2, %add3A_11 : i32
    "tpu.region"() ({
      %run_scoped3A = tpu.sem_alloc : memref<!tpu.dma_semaphore, #tpu.memory_space<semaphore_mem>>
      %dma_start3A_196 = tpu.memref_slice %arg4[%add3A_12] : memref<320000xi32, #tpu.memory_space<hbm>> -> memref<80xi32, #tpu.memory_space<hbm>>
      %dma_start3A_197 = tpu.memref_slice %arg4[%add3A_12] : memref<320000xi32, #tpu.memory_space<hbm>> -> memref<80xi32, #tpu.memory_space<hbm>>
      tpu.enqueue_dma source(%dma_start3A_197 : memref<80xi32, #tpu.memory_space<hbm>>) target(%arg9 : memref<80xi32, #tpu.memory_space<vmem>>) target_semaphore(%run_scoped3A : memref<!tpu.dma_semaphore, #tpu.memory_space<semaphore_mem>>)
      %dma_wait3A_198 = tpu.memref_slice %arg4[%add3A_12] : memref<320000xi32, #tpu.memory_space<hbm>> -> memref<80xi32, #tpu.memory_space<hbm>>
      %dma_wait3A_199 = tpu.memref_slice %arg4[%add3A_12] : memref<320000xi32, #tpu.memory_space<hbm>> -> memref<80xi32, #tpu.memory_space<hbm>>
      tpu.wait_dma2 semaphore(%run_scoped3A : memref<!tpu.dma_semaphore, #tpu.memory_space<semaphore_mem>>) src(%dma_wait3A_199 : memref<80xi32, #tpu.memory_space<hbm>>) dst(%arg9 : memref<80xi32, #tpu.memory_space<vmem>>)
      tpu.yield
    }) : () -> ()
    "tpu.region"() ({
      %run_scoped3A = tpu.sem_alloc : memref<!tpu.dma_semaphore, #tpu.memory_space<semaphore_mem>>
      %dma_start3A_196 = tpu.memref_slice %arg5[%add3A_12] : memref<320000xi32, #tpu.memory_space<hbm>> -> memref<80xi32, #tpu.memory_space<hbm>>
      %dma_start3A_197 = tpu.memref_slice %arg5[%add3A_12] : memref<320000xi32, #tpu.memory_space<hbm>> -> memref<80xi32, #tpu.memory_space<hbm>>
      tpu.enqueue_dma source(%dma_start3A_197 : memref<80xi32, #tpu.memory_space<hbm>>) target(%arg14 : memref<80xi32, #tpu.memory_space<vmem>>) target_semaphore(%run_scoped3A : memref<!tpu.dma_semaphore, #tpu.memory_space<semaphore_mem>>)
      %dma_wait3A_198 = tpu.memref_slice %arg5[%add3A_12] : memref<320000xi32, #tpu.memory_space<hbm>> -> memref<80xi32, #tpu.memory_space<hbm>>
      %dma_wait3A_199 = tpu.memref_slice %arg5[%add3A_12] : memref<320000xi32, #tpu.memory_space<hbm>> -> memref<80xi32, #tpu.memory_space<hbm>>
      tpu.wait_dma2 semaphore(%run_scoped3A : memref<!tpu.dma_semaphore, #tpu.memory_space<semaphore_mem>>) src(%dma_wait3A_199 : memref<80xi32, #tpu.memory_space<hbm>>) dst(%arg14 : memref<80xi32, #tpu.memory_space<vmem>>)
      tpu.yield
    }) : () -> ()
    %get3A = arith.constant 0 : index
    %get3A_13 = tpu.vector_load %arg9[%get3A] {strides = array<i32>} : memref<80xi32, #tpu.memory_space<vmem>>, vector<16xi32>,
    tpu.vector_store_idx %arg39[%get3A_13], %broadcast_in_dim3A_5 {add = true} : memref<10240xf32, #tpu.memory_space<vmem>>[vector<16xi32>], vector<16xf32>,
    %get3A_14 = arith.constant 16 : index
    %get3A_15 = tpu.vector_load %arg9[%get3A_14] {strides = array<i32>} : memref<80xi32, #tpu.memory_space<vmem>>, vector<16xi32>,
    tpu.vector_store_idx %arg39[%get3A_15], %broadcast_in_dim3A_5 {add = true} : memref<10240xf32, #tpu.memory_space<vmem>>[vector<16xi32>], vector<16xf32>,
    %get3A_16 = arith.constant 32 : index
    %get3A_17 = tpu.vector_load %arg9[%get3A_16] {strides = array<i32>} : memref<80xi32, #tpu.memory_space<vmem>>, vector<16xi32>,
    tpu.vector_store_idx %arg39[%get3A_17], %broadcast_in_dim3A_5 {add = true} : memref<10240xf32, #tpu.memory_space<vmem>>[vector<16xi32>], vector<16xf32>,
    %get3A_18 = arith.constant 48 : index
    %get3A_19 = tpu.vector_load %arg9[%get3A_18] {strides = array<i32>} : memref<80xi32, #tpu.memory_space<vmem>>, vector<16xi32>,
    tpu.vector_store_idx %arg39[%get3A_19], %broadcast_in_dim3A_5 {add = true} : memref<10240xf32, #tpu.memory_space<vmem>>[vector<16xi32>], vector<16xf32>,
    %get3A_20 = arith.constant 64 : index
    %get3A_21 = tpu.vector_load %arg9[%get3A_20] {strides = array<i32>} : memref<80xi32, #tpu.memory_space<vmem>>, vector<16xi32>,
    tpu.vector_store_idx %arg39[%get3A_21], %broadcast_in_dim3A_5 {add = true} : memref<10240xf32, #tpu.memory_space<vmem>>[vector<16xi32>], vector<16xf32>,
    %get3A_22 = arith.constant 0 : index
    %get3A_23 = tpu.vector_load %arg14[%get3A_22] {strides = array<i32>} : memref<80xi32, #tpu.memory_space<vmem>>, vector<16xi32>,
    tpu.vector_store_idx %arg39[%get3A_23], %broadcast_in_dim3A_5 {add = true} : memref<10240xf32, #tpu.memory_space<vmem>>[vector<16xi32>], vector<16xf32>,
    %get3A_24 = arith.constant 16 : index
    %get3A_25 = tpu.vector_load %arg14[%get3A_24] {strides = array<i32>} : memref<80xi32, #tpu.memory_space<vmem>>, vector<16xi32>,
    tpu.vector_store_idx %arg39[%get3A_25], %broadcast_in_dim3A_5 {add = true} : memref<10240xf32, #tpu.memory_space<vmem>>[vector<16xi32>], vector<16xf32>,
    %get3A_26 = arith.constant 32 : index
    %get3A_27 = tpu.vector_load %arg14[%get3A_26] {strides = array<i32>} : memref<80xi32, #tpu.memory_space<vmem>>, vector<16xi32>,
    tpu.vector_store_idx %arg39[%get3A_27], %broadcast_in_dim3A_5 {add = true} : memref<10240xf32, #tpu.memory_space<vmem>>[vector<16xi32>], vector<16xf32>,
    %get3A_28 = arith.constant 48 : index
    %get3A_29 = tpu.vector_load %arg14[%get3A_28] {strides = array<i32>} : memref<80xi32, #tpu.memory_space<vmem>>, vector<16xi32>,
    tpu.vector_store_idx %arg39[%get3A_29], %broadcast_in_dim3A_5 {add = true} : memref<10240xf32, #tpu.memory_space<vmem>>[vector<16xi32>], vector<16xf32>,
    %get3A_30 = arith.constant 64 : index
    %get3A_31 = tpu.vector_load %arg14[%get3A_30] {strides = array<i32>} : memref<80xi32, #tpu.memory_space<vmem>>, vector<16xi32>,
    tpu.vector_store_idx %arg39[%get3A_31], %broadcast_in_dim3A_5 {add = true} : memref<10240xf32, #tpu.memory_space<vmem>>[vector<16xi32>], vector<16xf32>,
    %dma_start3A = arith.constant 0 : i32
    %dma_start3A_32 = arith.constant 0 : i32
    %dma_start3A_33 = tpu.memref_slice %arg2[%dma_start3A, %dma_start3A_32] : memref<10000x128xf32, #tpu.memory_space<hbm>> -> memref<10000x128xf32, #tpu.memory_space<hbm>>
    tpu.enqueue_indirect_dma source(%dma_start3A_33 : memref<10000x128xf32, #tpu.memory_space<hbm>>) target(%arg19 : memref<80x128xf32, #tpu.memory_space<vmem>>) offsets(%arg9 : memref<80xi32, #tpu.memory_space<vmem>>) semaphore(%arg29 : memref<!tpu.dma_semaphore, #tpu.memory_space<semaphore_mem>>)
    %dma_start3A_34 = arith.constant 0 : i32
    %dma_start3A_35 = arith.constant 0 : i32
    %dma_start3A_36 = tpu.memref_slice %arg3[%dma_start3A_34, %dma_start3A_35] : memref<10000x128xf32, #tpu.memory_space<hbm>> -> memref<10000x128xf32, #tpu.memory_space<hbm>>
    tpu.enqueue_indirect_dma source(%dma_start3A_36 : memref<10000x128xf32, #tpu.memory_space<hbm>>) target(%arg24 : memref<80x128xf32, #tpu.memory_space<vmem>>) offsets(%arg14 : memref<80xi32, #tpu.memory_space<vmem>>) semaphore(%arg29 : memref<!tpu.dma_semaphore, #tpu.memory_space<semaphore_mem>>)
    %add3A_37 = arith.constant 80 : i32
    %add3A_38 = arith.addi %mul3A_2, %add3A_37 : i32
    "tpu.region"() ({
      %run_scoped3A = tpu.sem_alloc : memref<!tpu.dma_semaphore, #tpu.memory_space<semaphore_mem>>
      %dma_start3A_196 = tpu.memref_slice %arg4[%add3A_38] : memref<320000xi32, #tpu.memory_space<hbm>> -> memref<80xi32, #tpu.memory_space<hbm>>
      %dma_start3A_197 = tpu.memref_slice %arg4[%add3A_38] : memref<320000xi32, #tpu.memory_space<hbm>> -> memref<80xi32, #tpu.memory_space<hbm>>
      tpu.enqueue_dma source(%dma_start3A_197 : memref<80xi32, #tpu.memory_space<hbm>>) target(%arg10 : memref<80xi32, #tpu.memory_space<vmem>>) target_semaphore(%run_scoped3A : memref<!tpu.dma_semaphore, #tpu.memory_space<semaphore_mem>>)
      %dma_wait3A_198 = tpu.memref_slice %arg4[%add3A_38] : memref<320000xi32, #tpu.memory_space<hbm>> -> memref<80xi32, #tpu.memory_space<hbm>>
      %dma_wait3A_199 = tpu.memref_slice %arg4[%add3A_38] : memref<320000xi32, #tpu.memory_space<hbm>> -> memref<80xi32, #tpu.memory_space<hbm>>
      tpu.wait_dma2 semaphore(%run_scoped3A : memref<!tpu.dma_semaphore, #tpu.memory_space<semaphore_mem>>) src(%dma_wait3A_199 : memref<80xi32, #tpu.memory_space<hbm>>) dst(%arg10 : memref<80xi32, #tpu.memory_space<vmem>>)
      tpu.yield
    }) : () -> ()
    "tpu.region"() ({
      %run_scoped3A = tpu.sem_alloc : memref<!tpu.dma_semaphore, #tpu.memory_space<semaphore_mem>>
      %dma_start3A_196 = tpu.memref_slice %arg5[%add3A_38] : memref<320000xi32, #tpu.memory_space<hbm>> -> memref<80xi32, #tpu.memory_space<hbm>>
      %dma_start3A_197 = tpu.memref_slice %arg5[%add3A_38] : memref<320000xi32, #tpu.memory_space<hbm>> -> memref<80xi32, #tpu.memory_space<hbm>>
      tpu.enqueue_dma source(%dma_start3A_197 : memref<80xi32, #tpu.memory_space<hbm>>) target(%arg15 : memref<80xi32, #tpu.memory_space<vmem>>) target_semaphore(%run_scoped3A : memref<!tpu.dma_semaphore, #tpu.memory_space<semaphore_mem>>)
      %dma_wait3A_198 = tpu.memref_slice %arg5[%add3A_38] : memref<320000xi32, #tpu.memory_space<hbm>> -> memref<80xi32, #tpu.memory_space<hbm>>
      %dma_wait3A_199 = tpu.memref_slice %arg5[%add3A_38] : memref<320000xi32, #tpu.memory_space<hbm>> -> memref<80xi32, #tpu.memory_space<hbm>>
      tpu.wait_dma2 semaphore(%run_scoped3A : memref<!tpu.dma_semaphore, #tpu.memory_space<semaphore_mem>>) src(%dma_wait3A_199 : memref<80xi32, #tpu.memory_space<hbm>>) dst(%arg15 : memref<80xi32, #tpu.memory_space<vmem>>)
      tpu.yield
    }) : () -> ()
    %get3A_39 = arith.constant 0 : index
    %get3A_40 = tpu.vector_load %arg10[%get3A_39] {strides = array<i32>} : memref<80xi32, #tpu.memory_space<vmem>>, vector<16xi32>,
    tpu.vector_store_idx %arg39[%get3A_40], %broadcast_in_dim3A_5 {add = true} : memref<10240xf32, #tpu.memory_space<vmem>>[vector<16xi32>], vector<16xf32>,
    %get3A_41 = arith.constant 16 : index
    %get3A_42 = tpu.vector_load %arg10[%get3A_41] {strides = array<i32>} : memref<80xi32, #tpu.memory_space<vmem>>, vector<16xi32>,
    tpu.vector_store_idx %arg39[%get3A_42], %broadcast_in_dim3A_5 {add = true} : memref<10240xf32, #tpu.memory_space<vmem>>[vector<16xi32>], vector<16xf32>,
    %get3A_43 = arith.constant 32 : index
    %get3A_44 = tpu.vector_load %arg10[%get3A_43] {strides = array<i32>} : memref<80xi32, #tpu.memory_space<vmem>>, vector<16xi32>,
    tpu.vector_store_idx %arg39[%get3A_44], %broadcast_in_dim3A_5 {add = true} : memref<10240xf32, #tpu.memory_space<vmem>>[vector<16xi32>], vector<16xf32>,
    %get3A_45 = arith.constant 48 : index
    %get3A_46 = tpu.vector_load %arg10[%get3A_45] {strides = array<i32>} : memref<80xi32, #tpu.memory_space<vmem>>, vector<16xi32>,
    tpu.vector_store_idx %arg39[%get3A_46], %broadcast_in_dim3A_5 {add = true} : memref<10240xf32, #tpu.memory_space<vmem>>[vector<16xi32>], vector<16xf32>,
    %get3A_47 = arith.constant 64 : index
    %get3A_48 = tpu.vector_load %arg10[%get3A_47] {strides = array<i32>} : memref<80xi32, #tpu.memory_space<vmem>>, vector<16xi32>,
    tpu.vector_store_idx %arg39[%get3A_48], %broadcast_in_dim3A_5 {add = true} : memref<10240xf32, #tpu.memory_space<vmem>>[vector<16xi32>], vector<16xf32>,
    %get3A_49 = arith.constant 0 : index
    %get3A_50 = tpu.vector_load %arg15[%get3A_49] {strides = array<i32>} : memref<80xi32, #tpu.memory_space<vmem>>, vector<16xi32>,
    tpu.vector_store_idx %arg39[%get3A_50], %broadcast_in_dim3A_5 {add = true} : memref<10240xf32, #tpu.memory_space<vmem>>[vector<16xi32>], vector<16xf32>,
    %get3A_51 = arith.constant 16 : index
    %get3A_52 = tpu.vector_load %arg15[%get3A_51] {strides = array<i32>} : memref<80xi32, #tpu.memory_space<vmem>>, vector<16xi32>,
    tpu.vector_store_idx %arg39[%get3A_52], %broadcast_in_dim3A_5 {add = true} : memref<10240xf32, #tpu.memory_space<vmem>>[vector<16xi32>], vector<16xf32>,
    %get3A_53 = arith.constant 32 : index
    %get3A_54 = tpu.vector_load %arg15[%get3A_53] {strides = array<i32>} : memref<80xi32, #tpu.memory_space<vmem>>, vector<16xi32>,
    tpu.vector_store_idx %arg39[%get3A_54], %broadcast_in_dim3A_5 {add = true} : memref<10240xf32, #tpu.memory_space<vmem>>[vector<16xi32>], vector<16xf32>,
    %get3A_55 = arith.constant 48 : index
    %get3A_56 = tpu.vector_load %arg15[%get3A_55] {strides = array<i32>} : memref<80xi32, #tpu.memory_space<vmem>>, vector<16xi32>,
    tpu.vector_store_idx %arg39[%get3A_56], %broadcast_in_dim3A_5 {add = true} : memref<10240xf32, #tpu.memory_space<vmem>>[vector<16xi32>], vector<16xf32>,
    %get3A_57 = arith.constant 64 : index
    %get3A_58 = tpu.vector_load %arg15[%get3A_57] {strides = array<i32>} : memref<80xi32, #tpu.memory_space<vmem>>, vector<16xi32>,
    tpu.vector_store_idx %arg39[%get3A_58], %broadcast_in_dim3A_5 {add = true} : memref<10240xf32, #tpu.memory_space<vmem>>[vector<16xi32>], vector<16xf32>,
    %dma_start3A_59 = arith.constant 0 : i32
    %dma_start3A_60 = arith.constant 0 : i32
    %dma_start3A_61 = tpu.memref_slice %arg2[%dma_start3A_59, %dma_start3A_60] : memref<10000x128xf32, #tpu.memory_space<hbm>> -> memref<10000x128xf32, #tpu.memory_space<hbm>>
    tpu.enqueue_indirect_dma source(%dma_start3A_61 : memref<10000x128xf32, #tpu.memory_space<hbm>>) target(%arg20 : memref<80x128xf32, #tpu.memory_space<vmem>>) offsets(%arg10 : memref<80xi32, #tpu.memory_space<vmem>>) semaphore(%arg30 : memref<!tpu.dma_semaphore, #tpu.memory_space<semaphore_mem>>)
    %dma_start3A_62 = arith.constant 0 : i32
    %dma_start3A_63 = arith.constant 0 : i32
    %dma_start3A_64 = tpu.memref_slice %arg3[%dma_start3A_62, %dma_start3A_63] : memref<10000x128xf32, #tpu.memory_space<hbm>> -> memref<10000x128xf32, #tpu.memory_space<hbm>>
    tpu.enqueue_indirect_dma source(%dma_start3A_64 : memref<10000x128xf32, #tpu.memory_space<hbm>>) target(%arg25 : memref<80x128xf32, #tpu.memory_space<vmem>>) offsets(%arg15 : memref<80xi32, #tpu.memory_space<vmem>>) semaphore(%arg30 : memref<!tpu.dma_semaphore, #tpu.memory_space<semaphore_mem>>)
    %add3A_65 = arith.constant 160 : i32
    %add3A_66 = arith.addi %mul3A_2, %add3A_65 : i32
    "tpu.region"() ({
      %run_scoped3A = tpu.sem_alloc : memref<!tpu.dma_semaphore, #tpu.memory_space<semaphore_mem>>
      %dma_start3A_196 = tpu.memref_slice %arg4[%add3A_66] : memref<320000xi32, #tpu.memory_space<hbm>> -> memref<80xi32, #tpu.memory_space<hbm>>
      %dma_start3A_197 = tpu.memref_slice %arg4[%add3A_66] : memref<320000xi32, #tpu.memory_space<hbm>> -> memref<80xi32, #tpu.memory_space<hbm>>
      tpu.enqueue_dma source(%dma_start3A_197 : memref<80xi32, #tpu.memory_space<hbm>>) target(%arg11 : memref<80xi32, #tpu.memory_space<vmem>>) target_semaphore(%run_scoped3A : memref<!tpu.dma_semaphore, #tpu.memory_space<semaphore_mem>>)
      %dma_wait3A_198 = tpu.memref_slice %arg4[%add3A_66] : memref<320000xi32, #tpu.memory_space<hbm>> -> memref<80xi32, #tpu.memory_space<hbm>>
      %dma_wait3A_199 = tpu.memref_slice %arg4[%add3A_66] : memref<320000xi32, #tpu.memory_space<hbm>> -> memref<80xi32, #tpu.memory_space<hbm>>
      tpu.wait_dma2 semaphore(%run_scoped3A : memref<!tpu.dma_semaphore, #tpu.memory_space<semaphore_mem>>) src(%dma_wait3A_199 : memref<80xi32, #tpu.memory_space<hbm>>) dst(%arg11 : memref<80xi32, #tpu.memory_space<vmem>>)
      tpu.yield
    }) : () -> ()
    "tpu.region"() ({
      %run_scoped3A = tpu.sem_alloc : memref<!tpu.dma_semaphore, #tpu.memory_space<semaphore_mem>>
      %dma_start3A_196 = tpu.memref_slice %arg5[%add3A_66] : memref<320000xi32, #tpu.memory_space<hbm>> -> memref<80xi32, #tpu.memory_space<hbm>>
      %dma_start3A_197 = tpu.memref_slice %arg5[%add3A_66] : memref<320000xi32, #tpu.memory_space<hbm>> -> memref<80xi32, #tpu.memory_space<hbm>>
      tpu.enqueue_dma source(%dma_start3A_197 : memref<80xi32, #tpu.memory_space<hbm>>) target(%arg16 : memref<80xi32, #tpu.memory_space<vmem>>) target_semaphore(%run_scoped3A : memref<!tpu.dma_semaphore, #tpu.memory_space<semaphore_mem>>)
      %dma_wait3A_198 = tpu.memref_slice %arg5[%add3A_66] : memref<320000xi32, #tpu.memory_space<hbm>> -> memref<80xi32, #tpu.memory_space<hbm>>
      %dma_wait3A_199 = tpu.memref_slice %arg5[%add3A_66] : memref<320000xi32, #tpu.memory_space<hbm>> -> memref<80xi32, #tpu.memory_space<hbm>>
      tpu.wait_dma2 semaphore(%run_scoped3A : memref<!tpu.dma_semaphore, #tpu.memory_space<semaphore_mem>>) src(%dma_wait3A_199 : memref<80xi32, #tpu.memory_space<hbm>>) dst(%arg16 : memref<80xi32, #tpu.memory_space<vmem>>)
      tpu.yield
    }) : () -> ()
    %get3A_67 = arith.constant 0 : index
    %get3A_68 = tpu.vector_load %arg11[%get3A_67] {strides = array<i32>} : memref<80xi32, #tpu.memory_space<vmem>>, vector<16xi32>,
    tpu.vector_store_idx %arg39[%get3A_68], %broadcast_in_dim3A_5 {add = true} : memref<10240xf32, #tpu.memory_space<vmem>>[vector<16xi32>], vector<16xf32>,
    %get3A_69 = arith.constant 16 : index
    %get3A_70 = tpu.vector_load %arg11[%get3A_69] {strides = array<i32>} : memref<80xi32, #tpu.memory_space<vmem>>, vector<16xi32>,
    tpu.vector_store_idx %arg39[%get3A_70], %broadcast_in_dim3A_5 {add = true} : memref<10240xf32, #tpu.memory_space<vmem>>[vector<16xi32>], vector<16xf32>,
    %get3A_71 = arith.constant 32 : index
    %get3A_72 = tpu.vector_load %arg11[%get3A_71] {strides = array<i32>} : memref<80xi32, #tpu.memory_space<vmem>>, vector<16xi32>,
    tpu.vector_store_idx %arg39[%get3A_72], %broadcast_in_dim3A_5 {add = true} : memref<10240xf32, #tpu.memory_space<vmem>>[vector<16xi32>], vector<16xf32>,
    %get3A_73 = arith.constant 48 : index
    %get3A_74 = tpu.vector_load %arg11[%get3A_73] {strides = array<i32>} : memref<80xi32, #tpu.memory_space<vmem>>, vector<16xi32>,
    tpu.vector_store_idx %arg39[%get3A_74], %broadcast_in_dim3A_5 {add = true} : memref<10240xf32, #tpu.memory_space<vmem>>[vector<16xi32>], vector<16xf32>,
    %get3A_75 = arith.constant 64 : index
    %get3A_76 = tpu.vector_load %arg11[%get3A_75] {strides = array<i32>} : memref<80xi32, #tpu.memory_space<vmem>>, vector<16xi32>,
    tpu.vector_store_idx %arg39[%get3A_76], %broadcast_in_dim3A_5 {add = true} : memref<10240xf32, #tpu.memory_space<vmem>>[vector<16xi32>], vector<16xf32>,
    %get3A_77 = arith.constant 0 : index
    %get3A_78 = tpu.vector_load %arg16[%get3A_77] {strides = array<i32>} : memref<80xi32, #tpu.memory_space<vmem>>, vector<16xi32>,
    tpu.vector_store_idx %arg39[%get3A_78], %broadcast_in_dim3A_5 {add = true} : memref<10240xf32, #tpu.memory_space<vmem>>[vector<16xi32>], vector<16xf32>,
    %get3A_79 = arith.constant 16 : index
    %get3A_80 = tpu.vector_load %arg16[%get3A_79] {strides = array<i32>} : memref<80xi32, #tpu.memory_space<vmem>>, vector<16xi32>,
    tpu.vector_store_idx %arg39[%get3A_80], %broadcast_in_dim3A_5 {add = true} : memref<10240xf32, #tpu.memory_space<vmem>>[vector<16xi32>], vector<16xf32>,
    %get3A_81 = arith.constant 32 : index
    %get3A_82 = tpu.vector_load %arg16[%get3A_81] {strides = array<i32>} : memref<80xi32, #tpu.memory_space<vmem>>, vector<16xi32>,
    tpu.vector_store_idx %arg39[%get3A_82], %broadcast_in_dim3A_5 {add = true} : memref<10240xf32, #tpu.memory_space<vmem>>[vector<16xi32>], vector<16xf32>,
    %get3A_83 = arith.constant 48 : index
    %get3A_84 = tpu.vector_load %arg16[%get3A_83] {strides = array<i32>} : memref<80xi32, #tpu.memory_space<vmem>>, vector<16xi32>,
    tpu.vector_store_idx %arg39[%get3A_84], %broadcast_in_dim3A_5 {add = true} : memref<10240xf32, #tpu.memory_space<vmem>>[vector<16xi32>], vector<16xf32>,
    %get3A_85 = arith.constant 64 : index
    %get3A_86 = tpu.vector_load %arg16[%get3A_85] {strides = array<i32>} : memref<80xi32, #tpu.memory_space<vmem>>, vector<16xi32>,
    tpu.vector_store_idx %arg39[%get3A_86], %broadcast_in_dim3A_5 {add = true} : memref<10240xf32, #tpu.memory_space<vmem>>[vector<16xi32>], vector<16xf32>,
    %dma_start3A_87 = arith.constant 0 : i32
    %dma_start3A_88 = arith.constant 0 : i32
    %dma_start3A_89 = tpu.memref_slice %arg2[%dma_start3A_87, %dma_start3A_88] : memref<10000x128xf32, #tpu.memory_space<hbm>> -> memref<10000x128xf32, #tpu.memory_space<hbm>>
    tpu.enqueue_indirect_dma source(%dma_start3A_89 : memref<10000x128xf32, #tpu.memory_space<hbm>>) target(%arg21 : memref<80x128xf32, #tpu.memory_space<vmem>>) offsets(%arg11 : memref<80xi32, #tpu.memory_space<vmem>>) semaphore(%arg31 : memref<!tpu.dma_semaphore, #tpu.memory_space<semaphore_mem>>)
    %dma_start3A_90 = arith.constant 0 : i32
    %dma_start3A_91 = arith.constant 0 : i32
    %dma_start3A_92 = tpu.memref_slice %arg3[%dma_start3A_90, %dma_start3A_91] : memref<10000x128xf32, #tpu.memory_space<hbm>> -> memref<10000x128xf32, #tpu.memory_space<hbm>>
    tpu.enqueue_indirect_dma source(%dma_start3A_92 : memref<10000x128xf32, #tpu.memory_space<hbm>>) target(%arg26 : memref<80x128xf32, #tpu.memory_space<vmem>>) offsets(%arg16 : memref<80xi32, #tpu.memory_space<vmem>>) semaphore(%arg31 : memref<!tpu.dma_semaphore, #tpu.memory_space<semaphore_mem>>)
    %add3A_93 = arith.constant 240 : i32
    %add3A_94 = arith.addi %mul3A_2, %add3A_93 : i32
    "tpu.region"() ({
      %run_scoped3A = tpu.sem_alloc : memref<!tpu.dma_semaphore, #tpu.memory_space<semaphore_mem>>
      %dma_start3A_196 = tpu.memref_slice %arg4[%add3A_94] : memref<320000xi32, #tpu.memory_space<hbm>> -> memref<80xi32, #tpu.memory_space<hbm>>
      %dma_start3A_197 = tpu.memref_slice %arg4[%add3A_94] : memref<320000xi32, #tpu.memory_space<hbm>> -> memref<80xi32, #tpu.memory_space<hbm>>
      tpu.enqueue_dma source(%dma_start3A_197 : memref<80xi32, #tpu.memory_space<hbm>>) target(%arg12 : memref<80xi32, #tpu.memory_space<vmem>>) target_semaphore(%run_scoped3A : memref<!tpu.dma_semaphore, #tpu.memory_space<semaphore_mem>>)
      %dma_wait3A_198 = tpu.memref_slice %arg4[%add3A_94] : memref<320000xi32, #tpu.memory_space<hbm>> -> memref<80xi32, #tpu.memory_space<hbm>>
      %dma_wait3A_199 = tpu.memref_slice %arg4[%add3A_94] : memref<320000xi32, #tpu.memory_space<hbm>> -> memref<80xi32, #tpu.memory_space<hbm>>
      tpu.wait_dma2 semaphore(%run_scoped3A : memref<!tpu.dma_semaphore, #tpu.memory_space<semaphore_mem>>) src(%dma_wait3A_199 : memref<80xi32, #tpu.memory_space<hbm>>) dst(%arg12 : memref<80xi32, #tpu.memory_space<vmem>>)
      tpu.yield
    }) : () -> ()
    "tpu.region"() ({
      %run_scoped3A = tpu.sem_alloc : memref<!tpu.dma_semaphore, #tpu.memory_space<semaphore_mem>>
      %dma_start3A_196 = tpu.memref_slice %arg5[%add3A_94] : memref<320000xi32, #tpu.memory_space<hbm>> -> memref<80xi32, #tpu.memory_space<hbm>>
      %dma_start3A_197 = tpu.memref_slice %arg5[%add3A_94] : memref<320000xi32, #tpu.memory_space<hbm>> -> memref<80xi32, #tpu.memory_space<hbm>>
      tpu.enqueue_dma source(%dma_start3A_197 : memref<80xi32, #tpu.memory_space<hbm>>) target(%arg17 : memref<80xi32, #tpu.memory_space<vmem>>) target_semaphore(%run_scoped3A : memref<!tpu.dma_semaphore, #tpu.memory_space<semaphore_mem>>)
      %dma_wait3A_198 = tpu.memref_slice %arg5[%add3A_94] : memref<320000xi32, #tpu.memory_space<hbm>> -> memref<80xi32, #tpu.memory_space<hbm>>
      %dma_wait3A_199 = tpu.memref_slice %arg5[%add3A_94] : memref<320000xi32, #tpu.memory_space<hbm>> -> memref<80xi32, #tpu.memory_space<hbm>>
      tpu.wait_dma2 semaphore(%run_scoped3A : memref<!tpu.dma_semaphore, #tpu.memory_space<semaphore_mem>>) src(%dma_wait3A_199 : memref<80xi32, #tpu.memory_space<hbm>>) dst(%arg17 : memref<80xi32, #tpu.memory_space<vmem>>)
      tpu.yield
    }) : () -> ()
    %get3A_95 = arith.constant 0 : index
    %get3A_96 = tpu.vector_load %arg12[%get3A_95] {strides = array<i32>} : memref<80xi32, #tpu.memory_space<vmem>>, vector<16xi32>,
    tpu.vector_store_idx %arg39[%get3A_96], %broadcast_in_dim3A_5 {add = true} : memref<10240xf32, #tpu.memory_space<vmem>>[vector<16xi32>], vector<16xf32>,
    %get3A_97 = arith.constant 16 : index
    %get3A_98 = tpu.vector_load %arg12[%get3A_97] {strides = array<i32>} : memref<80xi32, #tpu.memory_space<vmem>>, vector<16xi32>,
    tpu.vector_store_idx %arg39[%get3A_98], %broadcast_in_dim3A_5 {add = true} : memref<10240xf32, #tpu.memory_space<vmem>>[vector<16xi32>], vector<16xf32>,
    %get3A_99 = arith.constant 32 : index
    %get3A_100 = tpu.vector_load %arg12[%get3A_99] {strides = array<i32>} : memref<80xi32, #tpu.memory_space<vmem>>, vector<16xi32>,
    tpu.vector_store_idx %arg39[%get3A_100], %broadcast_in_dim3A_5 {add = true} : memref<10240xf32, #tpu.memory_space<vmem>>[vector<16xi32>], vector<16xf32>,
    %get3A_101 = arith.constant 48 : index
    %get3A_102 = tpu.vector_load %arg12[%get3A_101] {strides = array<i32>} : memref<80xi32, #tpu.memory_space<vmem>>, vector<16xi32>,
    tpu.vector_store_idx %arg39[%get3A_102], %broadcast_in_dim3A_5 {add = true} : memref<10240xf32, #tpu.memory_space<vmem>>[vector<16xi32>], vector<16xf32>,
    %get3A_103 = arith.constant 64 : index
    %get3A_104 = tpu.vector_load %arg12[%get3A_103] {strides = array<i32>} : memref<80xi32, #tpu.memory_space<vmem>>, vector<16xi32>,
    tpu.vector_store_idx %arg39[%get3A_104], %broadcast_in_dim3A_5 {add = true} : memref<10240xf32, #tpu.memory_space<vmem>>[vector<16xi32>], vector<16xf32>,
    %get3A_105 = arith.constant 0 : index
    %get3A_106 = tpu.vector_load %arg17[%get3A_105] {strides = array<i32>} : memref<80xi32, #tpu.memory_space<vmem>>, vector<16xi32>,
    tpu.vector_store_idx %arg39[%get3A_106], %broadcast_in_dim3A_5 {add = true} : memref<10240xf32, #tpu.memory_space<vmem>>[vector<16xi32>], vector<16xf32>,
    %get3A_107 = arith.constant 16 : index
    %get3A_108 = tpu.vector_load %arg17[%get3A_107] {strides = array<i32>} : memref<80xi32, #tpu.memory_space<vmem>>, vector<16xi32>,
    tpu.vector_store_idx %arg39[%get3A_108], %broadcast_in_dim3A_5 {add = true} : memref<10240xf32, #tpu.memory_space<vmem>>[vector<16xi32>], vector<16xf32>,
    %get3A_109 = arith.constant 32 : index
    %get3A_110 = tpu.vector_load %arg17[%get3A_109] {strides = array<i32>} : memref<80xi32, #tpu.memory_space<vmem>>, vector<16xi32>,
    tpu.vector_store_idx %arg39[%get3A_110], %broadcast_in_dim3A_5 {add = true} : memref<10240xf32, #tpu.memory_space<vmem>>[vector<16xi32>], vector<16xf32>,
    %get3A_111 = arith.constant 48 : index
    %get3A_112 = tpu.vector_load %arg17[%get3A_111] {strides = array<i32>} : memref<80xi32, #tpu.memory_space<vmem>>, vector<16xi32>,
    tpu.vector_store_idx %arg39[%get3A_112], %broadcast_in_dim3A_5 {add = true} : memref<10240xf32, #tpu.memory_space<vmem>>[vector<16xi32>], vector<16xf32>,
    %get3A_113 = arith.constant 64 : index
    %get3A_114 = tpu.vector_load %arg17[%get3A_113] {strides = array<i32>} : memref<80xi32, #tpu.memory_space<vmem>>, vector<16xi32>,
    tpu.vector_store_idx %arg39[%get3A_114], %broadcast_in_dim3A_5 {add = true} : memref<10240xf32, #tpu.memory_space<vmem>>[vector<16xi32>], vector<16xf32>,
    %dma_start3A_115 = arith.constant 0 : i32
    %dma_start3A_116 = arith.constant 0 : i32
    %dma_start3A_117 = tpu.memref_slice %arg2[%dma_start3A_115, %dma_start3A_116] : memref<10000x128xf32, #tpu.memory_space<hbm>> -> memref<10000x128xf32, #tpu.memory_space<hbm>>
    tpu.enqueue_indirect_dma source(%dma_start3A_117 : memref<10000x128xf32, #tpu.memory_space<hbm>>) target(%arg22 : memref<80x128xf32, #tpu.memory_space<vmem>>) offsets(%arg12 : memref<80xi32, #tpu.memory_space<vmem>>) semaphore(%arg32 : memref<!tpu.dma_semaphore, #tpu.memory_space<semaphore_mem>>)
    %dma_start3A_118 = arith.constant 0 : i32
    %dma_start3A_119 = arith.constant 0 : i32
    %dma_start3A_120 = tpu.memref_slice %arg3[%dma_start3A_118, %dma_start3A_119] : memref<10000x128xf32, #tpu.memory_space<hbm>> -> memref<10000x128xf32, #tpu.memory_space<hbm>>
    tpu.enqueue_indirect_dma source(%dma_start3A_120 : memref<10000x128xf32, #tpu.memory_space<hbm>>) target(%arg27 : memref<80x128xf32, #tpu.memory_space<vmem>>) offsets(%arg17 : memref<80xi32, #tpu.memory_space<vmem>>) semaphore(%arg32 : memref<!tpu.dma_semaphore, #tpu.memory_space<semaphore_mem>>)
    %add3A_121 = arith.constant 320 : i32
    %add3A_122 = arith.addi %mul3A_2, %add3A_121 : i32
    "tpu.region"() ({
      %run_scoped3A = tpu.sem_alloc : memref<!tpu.dma_semaphore, #tpu.memory_space<semaphore_mem>>
      %dma_start3A_196 = tpu.memref_slice %arg4[%add3A_122] : memref<320000xi32, #tpu.memory_space<hbm>> -> memref<80xi32, #tpu.memory_space<hbm>>
      %dma_start3A_197 = tpu.memref_slice %arg4[%add3A_122] : memref<320000xi32, #tpu.memory_space<hbm>> -> memref<80xi32, #tpu.memory_space<hbm>>
      tpu.enqueue_dma source(%dma_start3A_197 : memref<80xi32, #tpu.memory_space<hbm>>) target(%arg13 : memref<80xi32, #tpu.memory_space<vmem>>) target_semaphore(%run_scoped3A : memref<!tpu.dma_semaphore, #tpu.memory_space<semaphore_mem>>)
      %dma_wait3A_198 = tpu.memref_slice %arg4[%add3A_122] : memref<320000xi32, #tpu.memory_space<hbm>> -> memref<80xi32, #tpu.memory_space<hbm>>
      %dma_wait3A_199 = tpu.memref_slice %arg4[%add3A_122] : memref<320000xi32, #tpu.memory_space<hbm>> -> memref<80xi32, #tpu.memory_space<hbm>>
      tpu.wait_dma2 semaphore(%run_scoped3A : memref<!tpu.dma_semaphore, #tpu.memory_space<semaphore_mem>>) src(%dma_wait3A_199 : memref<80xi32, #tpu.memory_space<hbm>>) dst(%arg13 : memref<80xi32, #tpu.memory_space<vmem>>)
      tpu.yield
    }) : () -> ()
    "tpu.region"() ({
      %run_scoped3A = tpu.sem_alloc : memref<!tpu.dma_semaphore, #tpu.memory_space<semaphore_mem>>
      %dma_start3A_196 = tpu.memref_slice %arg5[%add3A_122] : memref<320000xi32, #tpu.memory_space<hbm>> -> memref<80xi32, #tpu.memory_space<hbm>>
      %dma_start3A_197 = tpu.memref_slice %arg5[%add3A_122] : memref<320000xi32, #tpu.memory_space<hbm>> -> memref<80xi32, #tpu.memory_space<hbm>>
      tpu.enqueue_dma source(%dma_start3A_197 : memref<80xi32, #tpu.memory_space<hbm>>) target(%arg18 : memref<80xi32, #tpu.memory_space<vmem>>) target_semaphore(%run_scoped3A : memref<!tpu.dma_semaphore, #tpu.memory_space<semaphore_mem>>)
      %dma_wait3A_198 = tpu.memref_slice %arg5[%add3A_122] : memref<320000xi32, #tpu.memory_space<hbm>> -> memref<80xi32, #tpu.memory_space<hbm>>
      %dma_wait3A_199 = tpu.memref_slice %arg5[%add3A_122] : memref<320000xi32, #tpu.memory_space<hbm>> -> memref<80xi32, #tpu.memory_space<hbm>>
      tpu.wait_dma2 semaphore(%run_scoped3A : memref<!tpu.dma_semaphore, #tpu.memory_space<semaphore_mem>>) src(%dma_wait3A_199 : memref<80xi32, #tpu.memory_space<hbm>>) dst(%arg18 : memref<80xi32, #tpu.memory_space<vmem>>)
      tpu.yield
    }) : () -> ()
    %get3A_123 = arith.constant 0 : index
    %get3A_124 = tpu.vector_load %arg13[%get3A_123] {strides = array<i32>} : memref<80xi32, #tpu.memory_space<vmem>>, vector<16xi32>,
    tpu.vector_store_idx %arg39[%get3A_124], %broadcast_in_dim3A_5 {add = true} : memref<10240xf32, #tpu.memory_space<vmem>>[vector<16xi32>], vector<16xf32>,
    %get3A_125 = arith.constant 16 : index
    %get3A_126 = tpu.vector_load %arg13[%get3A_125] {strides = array<i32>} : memref<80xi32, #tpu.memory_space<vmem>>, vector<16xi32>,
    tpu.vector_store_idx %arg39[%get3A_126], %broadcast_in_dim3A_5 {add = true} : memref<10240xf32, #tpu.memory_space<vmem>>[vector<16xi32>], vector<16xf32>,
    %get3A_127 = arith.constant 32 : index
    %get3A_128 = tpu.vector_load %arg13[%get3A_127] {strides = array<i32>} : memref<80xi32, #tpu.memory_space<vmem>>, vector<16xi32>,
    tpu.vector_store_idx %arg39[%get3A_128], %broadcast_in_dim3A_5 {add = true} : memref<10240xf32, #tpu.memory_space<vmem>>[vector<16xi32>], vector<16xf32>,
    %get3A_129 = arith.constant 48 : index
    %get3A_130 = tpu.vector_load %arg13[%get3A_129] {strides = array<i32>} : memref<80xi32, #tpu.memory_space<vmem>>, vector<16xi32>,
    tpu.vector_store_idx %arg39[%get3A_130], %broadcast_in_dim3A_5 {add = true} : memref<10240xf32, #tpu.memory_space<vmem>>[vector<16xi32>], vector<16xf32>,
    %get3A_131 = arith.constant 64 : index
    %get3A_132 = tpu.vector_load %arg13[%get3A_131] {strides = array<i32>} : memref<80xi32, #tpu.memory_space<vmem>>, vector<16xi32>,
    tpu.vector_store_idx %arg39[%get3A_132], %broadcast_in_dim3A_5 {add = true} : memref<10240xf32, #tpu.memory_space<vmem>>[vector<16xi32>], vector<16xf32>,
    %get3A_133 = arith.constant 0 : index
    %get3A_134 = tpu.vector_load %arg18[%get3A_133] {strides = array<i32>} : memref<80xi32, #tpu.memory_space<vmem>>, vector<16xi32>,
    tpu.vector_store_idx %arg39[%get3A_134], %broadcast_in_dim3A_5 {add = true} : memref<10240xf32, #tpu.memory_space<vmem>>[vector<16xi32>], vector<16xf32>,
    %get3A_135 = arith.constant 16 : index
    %get3A_136 = tpu.vector_load %arg18[%get3A_135] {strides = array<i32>} : memref<80xi32, #tpu.memory_space<vmem>>, vector<16xi32>,
    tpu.vector_store_idx %arg39[%get3A_136], %broadcast_in_dim3A_5 {add = true} : memref<10240xf32, #tpu.memory_space<vmem>>[vector<16xi32>], vector<16xf32>,
    %get3A_137 = arith.constant 32 : index
    %get3A_138 = tpu.vector_load %arg18[%get3A_137] {strides = array<i32>} : memref<80xi32, #tpu.memory_space<vmem>>, vector<16xi32>,
    tpu.vector_store_idx %arg39[%get3A_138], %broadcast_in_dim3A_5 {add = true} : memref<10240xf32, #tpu.memory_space<vmem>>[vector<16xi32>], vector<16xf32>,
    %get3A_139 = arith.constant 48 : index
    %get3A_140 = tpu.vector_load %arg18[%get3A_139] {strides = array<i32>} : memref<80xi32, #tpu.memory_space<vmem>>, vector<16xi32>,
    tpu.vector_store_idx %arg39[%get3A_140], %broadcast_in_dim3A_5 {add = true} : memref<10240xf32, #tpu.memory_space<vmem>>[vector<16xi32>], vector<16xf32>,
    %get3A_141 = arith.constant 64 : index
    %get3A_142 = tpu.vector_load %arg18[%get3A_141] {strides = array<i32>} : memref<80xi32, #tpu.memory_space<vmem>>, vector<16xi32>,
    tpu.vector_store_idx %arg39[%get3A_142], %broadcast_in_dim3A_5 {add = true} : memref<10240xf32, #tpu.memory_space<vmem>>[vector<16xi32>], vector<16xf32>,
    %dma_start3A_143 = arith.constant 0 : i32
    %dma_start3A_144 = arith.constant 0 : i32
    %dma_start3A_145 = tpu.memref_slice %arg2[%dma_start3A_143, %dma_start3A_144] : memref<10000x128xf32, #tpu.memory_space<hbm>> -> memref<10000x128xf32, #tpu.memory_space<hbm>>
    tpu.enqueue_indirect_dma source(%dma_start3A_145 : memref<10000x128xf32, #tpu.memory_space<hbm>>) target(%arg23 : memref<80x128xf32, #tpu.memory_space<vmem>>) offsets(%arg13 : memref<80xi32, #tpu.memory_space<vmem>>) semaphore(%arg33 : memref<!tpu.dma_semaphore, #tpu.memory_space<semaphore_mem>>)
    %dma_start3A_146 = arith.constant 0 : i32
    %dma_start3A_147 = arith.constant 0 : i32
    %dma_start3A_148 = tpu.memref_slice %arg3[%dma_start3A_146, %dma_start3A_147] : memref<10000x128xf32, #tpu.memory_space<hbm>> -> memref<10000x128xf32, #tpu.memory_space<hbm>>
    tpu.enqueue_indirect_dma source(%dma_start3A_148 : memref<10000x128xf32, #tpu.memory_space<hbm>>) target(%arg28 : memref<80x128xf32, #tpu.memory_space<vmem>>) offsets(%arg18 : memref<80xi32, #tpu.memory_space<vmem>>) semaphore(%arg33 : memref<!tpu.dma_semaphore, #tpu.memory_space<semaphore_mem>>)
    %scan3A_149 = arith.constant 0 : i32
    %scan3A_150 = arith.constant 1 : i32
    %scan3A_151 = arith.constant 24 : i32
    %scan3A_152 = arith.addi %scan3A_150, %scan3A_151 : i32
    %scan3A_153 = arith.constant 1 : i32
    scf.for %scan3A_196 = %scan3A_150 to %scan3A_152 step %scan3A_153  : i32 {
      %mul3A_197 = arith.constant 5 : i32
      %mul3A_198 = arith.muli %scan3A_196, %mul3A_197 : i32
      %add3A_199 = arith.constant 0 : i32
      %add3A_200 = arith.addi %mul3A_198, %add3A_199 : i32
      %mul3A_201 = arith.constant 80 : i32
      %mul3A_202 = arith.muli %add3A_200, %mul3A_201 : i32
      %add3A_203 = arith.addi %mul3A_2, %mul3A_202 : i32
      %sub3A = arith.constant 400 : i32
      %sub3A_204 = arith.subi %add3A_203, %sub3A : i32
      %dma_wait3A_205 = arith.constant 0 : i32
      %dma_wait3A_206 = arith.constant 0 : i32
      %dma_wait3A_207 = tpu.memref_slice %arg2[%dma_wait3A_205, %dma_wait3A_206] : memref<10000x128xf32, #tpu.memory_space<hbm>> -> memref<10000x128xf32, #tpu.memory_space<hbm>>
      tpu.wait_indirect_dma semaphore(%arg29 : memref<!tpu.dma_semaphore, #tpu.memory_space<semaphore_mem>>) src(%dma_wait3A_207 : memref<10000x128xf32, #tpu.memory_space<hbm>>) dst(%arg19 : memref<80x128xf32, #tpu.memory_space<vmem>>)
      %dma_wait3A_208 = arith.constant 0 : i32
      %dma_wait3A_209 = arith.constant 0 : i32
      %dma_wait3A_210 = tpu.memref_slice %arg3[%dma_wait3A_208, %dma_wait3A_209] : memref<10000x128xf32, #tpu.memory_space<hbm>> -> memref<10000x128xf32, #tpu.memory_space<hbm>>
      tpu.wait_indirect_dma semaphore(%arg29 : memref<!tpu.dma_semaphore, #tpu.memory_space<semaphore_mem>>) src(%dma_wait3A_210 : memref<10000x128xf32, #tpu.memory_space<hbm>>) dst(%arg24 : memref<80x128xf32, #tpu.memory_space<vmem>>)
      %dma_start3A_211 = arith.constant 0 : i32
      %dma_start3A_212 = tpu.memref_slice %arg6[%sub3A_204, %dma_start3A_211] : memref<320000x128xf32, #tpu.memory_space<hbm>> -> memref<80x128xf32, #tpu.memory_space<hbm>>
      %dma_start3A_213 = arith.constant 0 : i32
      %dma_start3A_214 = tpu.memref_slice %arg6[%sub3A_204, %dma_start3A_213] : memref<320000x128xf32, #tpu.memory_space<hbm>> -> memref<80x128xf32, #tpu.memory_space<hbm>>
      tpu.enqueue_dma source(%arg19 : memref<80x128xf32, #tpu.memory_space<vmem>>) target(%dma_start3A_214 : memref<80x128xf32, #tpu.memory_space<hbm>>) target_semaphore(%arg34 : memref<!tpu.dma_semaphore, #tpu.memory_space<semaphore_mem>>)
      %dma_start3A_215 = arith.constant 0 : i32
      %dma_start3A_216 = tpu.memref_slice %arg7[%sub3A_204, %dma_start3A_215] : memref<320000x128xf32, #tpu.memory_space<hbm>> -> memref<80x128xf32, #tpu.memory_space<hbm>>
      %dma_start3A_217 = arith.constant 0 : i32
      %dma_start3A_218 = tpu.memref_slice %arg7[%sub3A_204, %dma_start3A_217] : memref<320000x128xf32, #tpu.memory_space<hbm>> -> memref<80x128xf32, #tpu.memory_space<hbm>>
      tpu.enqueue_dma source(%arg24 : memref<80x128xf32, #tpu.memory_space<vmem>>) target(%dma_start3A_218 : memref<80x128xf32, #tpu.memory_space<hbm>>) target_semaphore(%arg34 : memref<!tpu.dma_semaphore, #tpu.memory_space<semaphore_mem>>)
      "tpu.region"() ({
        %run_scoped3A = tpu.sem_alloc : memref<!tpu.dma_semaphore, #tpu.memory_space<semaphore_mem>>
        %dma_start3A_481 = tpu.memref_slice %arg4[%add3A_203] : memref<320000xi32, #tpu.memory_space<hbm>> -> memref<80xi32, #tpu.memory_space<hbm>>
        %dma_start3A_482 = tpu.memref_slice %arg4[%add3A_203] : memref<320000xi32, #tpu.memory_space<hbm>> -> memref<80xi32, #tpu.memory_space<hbm>>
        tpu.enqueue_dma source(%dma_start3A_482 : memref<80xi32, #tpu.memory_space<hbm>>) target(%arg9 : memref<80xi32, #tpu.memory_space<vmem>>) target_semaphore(%run_scoped3A : memref<!tpu.dma_semaphore, #tpu.memory_space<semaphore_mem>>)
        %dma_wait3A_483 = tpu.memref_slice %arg4[%add3A_203] : memref<320000xi32, #tpu.memory_space<hbm>> -> memref<80xi32, #tpu.memory_space<hbm>>
        %dma_wait3A_484 = tpu.memref_slice %arg4[%add3A_203] : memref<320000xi32, #tpu.memory_space<hbm>> -> memref<80xi32, #tpu.memory_space<hbm>>
        tpu.wait_dma2 semaphore(%run_scoped3A : memref<!tpu.dma_semaphore, #tpu.memory_space<semaphore_mem>>) src(%dma_wait3A_484 : memref<80xi32, #tpu.memory_space<hbm>>) dst(%arg9 : memref<80xi32, #tpu.memory_space<vmem>>)
        tpu.yield
      }) : () -> ()
      "tpu.region"() ({
        %run_scoped3A = tpu.sem_alloc : memref<!tpu.dma_semaphore, #tpu.memory_space<semaphore_mem>>
        %dma_start3A_481 = tpu.memref_slice %arg5[%add3A_203] : memref<320000xi32, #tpu.memory_space<hbm>> -> memref<80xi32, #tpu.memory_space<hbm>>
        %dma_start3A_482 = tpu.memref_slice %arg5[%add3A_203] : memref<320000xi32, #tpu.memory_space<hbm>> -> memref<80xi32, #tpu.memory_space<hbm>>
        tpu.enqueue_dma source(%dma_start3A_482 : memref<80xi32, #tpu.memory_space<hbm>>) target(%arg14 : memref<80xi32, #tpu.memory_space<vmem>>) target_semaphore(%run_scoped3A : memref<!tpu.dma_semaphore, #tpu.memory_space<semaphore_mem>>)
        %dma_wait3A_483 = tpu.memref_slice %arg5[%add3A_203] : memref<320000xi32, #tpu.memory_space<hbm>> -> memref<80xi32, #tpu.memory_space<hbm>>
        %dma_wait3A_484 = tpu.memref_slice %arg5[%add3A_203] : memref<320000xi32, #tpu.memory_space<hbm>> -> memref<80xi32, #tpu.memory_space<hbm>>
        tpu.wait_dma2 semaphore(%run_scoped3A : memref<!tpu.dma_semaphore, #tpu.memory_space<semaphore_mem>>) src(%dma_wait3A_484 : memref<80xi32, #tpu.memory_space<hbm>>) dst(%arg14 : memref<80xi32, #tpu.memory_space<vmem>>)
        tpu.yield
      }) : () -> ()
      %get3A_219 = arith.constant 0 : index
      %get3A_220 = tpu.vector_load %arg9[%get3A_219] {strides = array<i32>} : memref<80xi32, #tpu.memory_space<vmem>>, vector<16xi32>,
      tpu.vector_store_idx %arg39[%get3A_220], %broadcast_in_dim3A_5 {add = true} : memref<10240xf32, #tpu.memory_space<vmem>>[vector<16xi32>], vector<16xf32>,
      %get3A_221 = arith.constant 16 : index
      %get3A_222 = tpu.vector_load %arg9[%get3A_221] {strides = array<i32>} : memref<80xi32, #tpu.memory_space<vmem>>, vector<16xi32>,
      tpu.vector_store_idx %arg39[%get3A_222], %broadcast_in_dim3A_5 {add = true} : memref<10240xf32, #tpu.memory_space<vmem>>[vector<16xi32>], vector<16xf32>,
      %get3A_223 = arith.constant 32 : index
      %get3A_224 = tpu.vector_load %arg9[%get3A_223] {strides = array<i32>} : memref<80xi32, #tpu.memory_space<vmem>>, vector<16xi32>,
      tpu.vector_store_idx %arg39[%get3A_224], %broadcast_in_dim3A_5 {add = true} : memref<10240xf32, #tpu.memory_space<vmem>>[vector<16xi32>], vector<16xf32>,
      %get3A_225 = arith.constant 48 : index
      %get3A_226 = tpu.vector_load %arg9[%get3A_225] {strides = array<i32>} : memref<80xi32, #tpu.memory_space<vmem>>, vector<16xi32>,
      tpu.vector_store_idx %arg39[%get3A_226], %broadcast_in_dim3A_5 {add = true} : memref<10240xf32, #tpu.memory_space<vmem>>[vector<16xi32>], vector<16xf32>,
      %get3A_227 = arith.constant 64 : index
      %get3A_228 = tpu.vector_load %arg9[%get3A_227] {strides = array<i32>} : memref<80xi32, #tpu.memory_space<vmem>>, vector<16xi32>,
      tpu.vector_store_idx %arg39[%get3A_228], %broadcast_in_dim3A_5 {add = true} : memref<10240xf32, #tpu.memory_space<vmem>>[vector<16xi32>], vector<16xf32>,
      %get3A_229 = arith.constant 0 : index
      %get3A_230 = tpu.vector_load %arg14[%get3A_229] {strides = array<i32>} : memref<80xi32, #tpu.memory_space<vmem>>, vector<16xi32>,
      tpu.vector_store_idx %arg39[%get3A_230], %broadcast_in_dim3A_5 {add = true} : memref<10240xf32, #tpu.memory_space<vmem>>[vector<16xi32>], vector<16xf32>,
      %get3A_231 = arith.constant 16 : index
      %get3A_232 = tpu.vector_load %arg14[%get3A_231] {strides = array<i32>} : memref<80xi32, #tpu.memory_space<vmem>>, vector<16xi32>,
      tpu.vector_store_idx %arg39[%get3A_232], %broadcast_in_dim3A_5 {add = true} : memref<10240xf32, #tpu.memory_space<vmem>>[vector<16xi32>], vector<16xf32>,
      %get3A_233 = arith.constant 32 : index
      %get3A_234 = tpu.vector_load %arg14[%get3A_233] {strides = array<i32>} : memref<80xi32, #tpu.memory_space<vmem>>, vector<16xi32>,
      tpu.vector_store_idx %arg39[%get3A_234], %broadcast_in_dim3A_5 {add = true} : memref<10240xf32, #tpu.memory_space<vmem>>[vector<16xi32>], vector<16xf32>,
      %get3A_235 = arith.constant 48 : index
      %get3A_236 = tpu.vector_load %arg14[%get3A_235] {strides = array<i32>} : memref<80xi32, #tpu.memory_space<vmem>>, vector<16xi32>,
      tpu.vector_store_idx %arg39[%get3A_236], %broadcast_in_dim3A_5 {add = true} : memref<10240xf32, #tpu.memory_space<vmem>>[vector<16xi32>], vector<16xf32>,
      %get3A_237 = arith.constant 64 : index
      %get3A_238 = tpu.vector_load %arg14[%get3A_237] {strides = array<i32>} : memref<80xi32, #tpu.memory_space<vmem>>, vector<16xi32>,
      tpu.vector_store_idx %arg39[%get3A_238], %broadcast_in_dim3A_5 {add = true} : memref<10240xf32, #tpu.memory_space<vmem>>[vector<16xi32>], vector<16xf32>,
      %dma_wait3A_239 = arith.constant 0 : i32
      %dma_wait3A_240 = tpu.memref_slice %arg6[%sub3A_204, %dma_wait3A_239] : memref<320000x128xf32, #tpu.memory_space<hbm>> -> memref<80x128xf32, #tpu.memory_space<hbm>>
      %dma_wait3A_241 = arith.constant 0 : i32
      %dma_wait3A_242 = tpu.memref_slice %arg6[%sub3A_204, %dma_wait3A_241] : memref<320000x128xf32, #tpu.memory_space<hbm>> -> memref<80x128xf32, #tpu.memory_space<hbm>>
      tpu.wait_dma2 semaphore(%arg34 : memref<!tpu.dma_semaphore, #tpu.memory_space<semaphore_mem>>) src(%arg19 : memref<80x128xf32, #tpu.memory_space<vmem>>) dst(%dma_wait3A_242 : memref<80x128xf32, #tpu.memory_space<hbm>>)
      %dma_wait3A_243 = arith.constant 0 : i32
      %dma_wait3A_244 = tpu.memref_slice %arg7[%sub3A_204, %dma_wait3A_243] : memref<320000x128xf32, #tpu.memory_space<hbm>> -> memref<80x128xf32, #tpu.memory_space<hbm>>
      %dma_wait3A_245 = arith.constant 0 : i32
      %dma_wait3A_246 = tpu.memref_slice %arg7[%sub3A_204, %dma_wait3A_245] : memref<320000x128xf32, #tpu.memory_space<hbm>> -> memref<80x128xf32, #tpu.memory_space<hbm>>
      tpu.wait_dma2 semaphore(%arg34 : memref<!tpu.dma_semaphore, #tpu.memory_space<semaphore_mem>>) src(%arg24 : memref<80x128xf32, #tpu.memory_space<vmem>>) dst(%dma_wait3A_246 : memref<80x128xf32, #tpu.memory_space<hbm>>)
      %dma_start3A_247 = arith.constant 0 : i32
      %dma_start3A_248 = arith.constant 0 : i32
      %dma_start3A_249 = tpu.memref_slice %arg2[%dma_start3A_247, %dma_start3A_248] : memref<10000x128xf32, #tpu.memory_space<hbm>> -> memref<10000x128xf32, #tpu.memory_space<hbm>>
      tpu.enqueue_indirect_dma source(%dma_start3A_249 : memref<10000x128xf32, #tpu.memory_space<hbm>>) target(%arg19 : memref<80x128xf32, #tpu.memory_space<vmem>>) offsets(%arg9 : memref<80xi32, #tpu.memory_space<vmem>>) semaphore(%arg29 : memref<!tpu.dma_semaphore, #tpu.memory_space<semaphore_mem>>)
      %dma_start3A_250 = arith.constant 0 : i32
      %dma_start3A_251 = arith.constant 0 : i32
      %dma_start3A_252 = tpu.memref_slice %arg3[%dma_start3A_250, %dma_start3A_251] : memref<10000x128xf32, #tpu.memory_space<hbm>> -> memref<10000x128xf32, #tpu.memory_space<hbm>>
      tpu.enqueue_indirect_dma source(%dma_start3A_252 : memref<10000x128xf32, #tpu.memory_space<hbm>>) target(%arg24 : memref<80x128xf32, #tpu.memory_space<vmem>>) offsets(%arg14 : memref<80xi32, #tpu.memory_space<vmem>>) semaphore(%arg29 : memref<!tpu.dma_semaphore, #tpu.memory_space<semaphore_mem>>)
      %mul3A_253 = arith.constant 5 : i32
      %mul3A_254 = arith.muli %scan3A_196, %mul3A_253 : i32
      %add3A_255 = arith.constant 1 : i32
      %add3A_256 = arith.addi %mul3A_254, %add3A_255 : i32
      %mul3A_257 = arith.constant 80 : i32
      %mul3A_258 = arith.muli %add3A_256, %mul3A_257 : i32
      %add3A_259 = arith.addi %mul3A_2, %mul3A_258 : i32
      %sub3A_260 = arith.constant 400 : i32
      %sub3A_261 = arith.subi %add3A_259, %sub3A_260 : i32
      %dma_wait3A_262 = arith.constant 0 : i32
      %dma_wait3A_263 = arith.constant 0 : i32
      %dma_wait3A_264 = tpu.memref_slice %arg2[%dma_wait3A_262, %dma_wait3A_263] : memref<10000x128xf32, #tpu.memory_space<hbm>> -> memref<10000x128xf32, #tpu.memory_space<hbm>>
      tpu.wait_indirect_dma semaphore(%arg30 : memref<!tpu.dma_semaphore, #tpu.memory_space<semaphore_mem>>) src(%dma_wait3A_264 : memref<10000x128xf32, #tpu.memory_space<hbm>>) dst(%arg20 : memref<80x128xf32, #tpu.memory_space<vmem>>)
      %dma_wait3A_265 = arith.constant 0 : i32
      %dma_wait3A_266 = arith.constant 0 : i32
      %dma_wait3A_267 = tpu.memref_slice %arg3[%dma_wait3A_265, %dma_wait3A_266] : memref<10000x128xf32, #tpu.memory_space<hbm>> -> memref<10000x128xf32, #tpu.memory_space<hbm>>
      tpu.wait_indirect_dma semaphore(%arg30 : memref<!tpu.dma_semaphore, #tpu.memory_space<semaphore_mem>>) src(%dma_wait3A_267 : memref<10000x128xf32, #tpu.memory_space<hbm>>) dst(%arg25 : memref<80x128xf32, #tpu.memory_space<vmem>>)
      %dma_start3A_268 = arith.constant 0 : i32
      %dma_start3A_269 = tpu.memref_slice %arg6[%sub3A_261, %dma_start3A_268] : memref<320000x128xf32, #tpu.memory_space<hbm>> -> memref<80x128xf32, #tpu.memory_space<hbm>>
      %dma_start3A_270 = arith.constant 0 : i32
      %dma_start3A_271 = tpu.memref_slice %arg6[%sub3A_261, %dma_start3A_270] : memref<320000x128xf32, #tpu.memory_space<hbm>> -> memref<80x128xf32, #tpu.memory_space<hbm>>
      tpu.enqueue_dma source(%arg20 : memref<80x128xf32, #tpu.memory_space<vmem>>) target(%dma_start3A_271 : memref<80x128xf32, #tpu.memory_space<hbm>>) target_semaphore(%arg35 : memref<!tpu.dma_semaphore, #tpu.memory_space<semaphore_mem>>)
      %dma_start3A_272 = arith.constant 0 : i32
      %dma_start3A_273 = tpu.memref_slice %arg7[%sub3A_261, %dma_start3A_272] : memref<320000x128xf32, #tpu.memory_space<hbm>> -> memref<80x128xf32, #tpu.memory_space<hbm>>
      %dma_start3A_274 = arith.constant 0 : i32
      %dma_start3A_275 = tpu.memref_slice %arg7[%sub3A_261, %dma_start3A_274] : memref<320000x128xf32, #tpu.memory_space<hbm>> -> memref<80x128xf32, #tpu.memory_space<hbm>>
      tpu.enqueue_dma source(%arg25 : memref<80x128xf32, #tpu.memory_space<vmem>>) target(%dma_start3A_275 : memref<80x128xf32, #tpu.memory_space<hbm>>) target_semaphore(%arg35 : memref<!tpu.dma_semaphore, #tpu.memory_space<semaphore_mem>>)
      "tpu.region"() ({
        %run_scoped3A = tpu.sem_alloc : memref<!tpu.dma_semaphore, #tpu.memory_space<semaphore_mem>>
        %dma_start3A_481 = tpu.memref_slice %arg4[%add3A_259] : memref<320000xi32, #tpu.memory_space<hbm>> -> memref<80xi32, #tpu.memory_space<hbm>>
        %dma_start3A_482 = tpu.memref_slice %arg4[%add3A_259] : memref<320000xi32, #tpu.memory_space<hbm>> -> memref<80xi32, #tpu.memory_space<hbm>>
        tpu.enqueue_dma source(%dma_start3A_482 : memref<80xi32, #tpu.memory_space<hbm>>) target(%arg10 : memref<80xi32, #tpu.memory_space<vmem>>) target_semaphore(%run_scoped3A : memref<!tpu.dma_semaphore, #tpu.memory_space<semaphore_mem>>)
        %dma_wait3A_483 = tpu.memref_slice %arg4[%add3A_259] : memref<320000xi32, #tpu.memory_space<hbm>> -> memref<80xi32, #tpu.memory_space<hbm>>
        %dma_wait3A_484 = tpu.memref_slice %arg4[%add3A_259] : memref<320000xi32, #tpu.memory_space<hbm>> -> memref<80xi32, #tpu.memory_space<hbm>>
        tpu.wait_dma2 semaphore(%run_scoped3A : memref<!tpu.dma_semaphore, #tpu.memory_space<semaphore_mem>>) src(%dma_wait3A_484 : memref<80xi32, #tpu.memory_space<hbm>>) dst(%arg10 : memref<80xi32, #tpu.memory_space<vmem>>)
        tpu.yield
      }) : () -> ()
      "tpu.region"() ({
        %run_scoped3A = tpu.sem_alloc : memref<!tpu.dma_semaphore, #tpu.memory_space<semaphore_mem>>
        %dma_start3A_481 = tpu.memref_slice %arg5[%add3A_259] : memref<320000xi32, #tpu.memory_space<hbm>> -> memref<80xi32, #tpu.memory_space<hbm>>
        %dma_start3A_482 = tpu.memref_slice %arg5[%add3A_259] : memref<320000xi32, #tpu.memory_space<hbm>> -> memref<80xi32, #tpu.memory_space<hbm>>
        tpu.enqueue_dma source(%dma_start3A_482 : memref<80xi32, #tpu.memory_space<hbm>>) target(%arg15 : memref<80xi32, #tpu.memory_space<vmem>>) target_semaphore(%run_scoped3A : memref<!tpu.dma_semaphore, #tpu.memory_space<semaphore_mem>>)
        %dma_wait3A_483 = tpu.memref_slice %arg5[%add3A_259] : memref<320000xi32, #tpu.memory_space<hbm>> -> memref<80xi32, #tpu.memory_space<hbm>>
        %dma_wait3A_484 = tpu.memref_slice %arg5[%add3A_259] : memref<320000xi32, #tpu.memory_space<hbm>> -> memref<80xi32, #tpu.memory_space<hbm>>
        tpu.wait_dma2 semaphore(%run_scoped3A : memref<!tpu.dma_semaphore, #tpu.memory_space<semaphore_mem>>) src(%dma_wait3A_484 : memref<80xi32, #tpu.memory_space<hbm>>) dst(%arg15 : memref<80xi32, #tpu.memory_space<vmem>>)
        tpu.yield
      }) : () -> ()
      %get3A_276 = arith.constant 0 : index
      %get3A_277 = tpu.vector_load %arg10[%get3A_276] {strides = array<i32>} : memref<80xi32, #tpu.memory_space<vmem>>, vector<16xi32>,
      tpu.vector_store_idx %arg39[%get3A_277], %broadcast_in_dim3A_5 {add = true} : memref<10240xf32, #tpu.memory_space<vmem>>[vector<16xi32>], vector<16xf32>,
      %get3A_278 = arith.constant 16 : index
      %get3A_279 = tpu.vector_load %arg10[%get3A_278] {strides = array<i32>} : memref<80xi32, #tpu.memory_space<vmem>>, vector<16xi32>,
      tpu.vector_store_idx %arg39[%get3A_279], %broadcast_in_dim3A_5 {add = true} : memref<10240xf32, #tpu.memory_space<vmem>>[vector<16xi32>], vector<16xf32>,
      %get3A_280 = arith.constant 32 : index
      %get3A_281 = tpu.vector_load %arg10[%get3A_280] {strides = array<i32>} : memref<80xi32, #tpu.memory_space<vmem>>, vector<16xi32>,
      tpu.vector_store_idx %arg39[%get3A_281], %broadcast_in_dim3A_5 {add = true} : memref<10240xf32, #tpu.memory_space<vmem>>[vector<16xi32>], vector<16xf32>,
      %get3A_282 = arith.constant 48 : index
      %get3A_283 = tpu.vector_load %arg10[%get3A_282] {strides = array<i32>} : memref<80xi32, #tpu.memory_space<vmem>>, vector<16xi32>,
      tpu.vector_store_idx %arg39[%get3A_283], %broadcast_in_dim3A_5 {add = true} : memref<10240xf32, #tpu.memory_space<vmem>>[vector<16xi32>], vector<16xf32>,
      %get3A_284 = arith.constant 64 : index
      %get3A_285 = tpu.vector_load %arg10[%get3A_284] {strides = array<i32>} : memref<80xi32, #tpu.memory_space<vmem>>, vector<16xi32>,
      tpu.vector_store_idx %arg39[%get3A_285], %broadcast_in_dim3A_5 {add = true} : memref<10240xf32, #tpu.memory_space<vmem>>[vector<16xi32>], vector<16xf32>,
      %get3A_286 = arith.constant 0 : index
      %get3A_287 = tpu.vector_load %arg15[%get3A_286] {strides = array<i32>} : memref<80xi32, #tpu.memory_space<vmem>>, vector<16xi32>,
      tpu.vector_store_idx %arg39[%get3A_287], %broadcast_in_dim3A_5 {add = true} : memref<10240xf32, #tpu.memory_space<vmem>>[vector<16xi32>], vector<16xf32>,
      %get3A_288 = arith.constant 16 : index
      %get3A_289 = tpu.vector_load %arg15[%get3A_288] {strides = array<i32>} : memref<80xi32, #tpu.memory_space<vmem>>, vector<16xi32>,
      tpu.vector_store_idx %arg39[%get3A_289], %broadcast_in_dim3A_5 {add = true} : memref<10240xf32, #tpu.memory_space<vmem>>[vector<16xi32>], vector<16xf32>,
      %get3A_290 = arith.constant 32 : index
      %get3A_291 = tpu.vector_load %arg15[%get3A_290] {strides = array<i32>} : memref<80xi32, #tpu.memory_space<vmem>>, vector<16xi32>,
      tpu.vector_store_idx %arg39[%get3A_291], %broadcast_in_dim3A_5 {add = true} : memref<10240xf32, #tpu.memory_space<vmem>>[vector<16xi32>], vector<16xf32>,
      %get3A_292 = arith.constant 48 : index
      %get3A_293 = tpu.vector_load %arg15[%get3A_292] {strides = array<i32>} : memref<80xi32, #tpu.memory_space<vmem>>, vector<16xi32>,
      tpu.vector_store_idx %arg39[%get3A_293], %broadcast_in_dim3A_5 {add = true} : memref<10240xf32, #tpu.memory_space<vmem>>[vector<16xi32>], vector<16xf32>,
      %get3A_294 = arith.constant 64 : index
      %get3A_295 = tpu.vector_load %arg15[%get3A_294] {strides = array<i32>} : memref<80xi32, #tpu.memory_space<vmem>>, vector<16xi32>,
      tpu.vector_store_idx %arg39[%get3A_295], %broadcast_in_dim3A_5 {add = true} : memref<10240xf32, #tpu.memory_space<vmem>>[vector<16xi32>], vector<16xf32>,
      %dma_wait3A_296 = arith.constant 0 : i32
      %dma_wait3A_297 = tpu.memref_slice %arg6[%sub3A_261, %dma_wait3A_296] : memref<320000x128xf32, #tpu.memory_space<hbm>> -> memref<80x128xf32, #tpu.memory_space<hbm>>
      %dma_wait3A_298 = arith.constant 0 : i32
      %dma_wait3A_299 = tpu.memref_slice %arg6[%sub3A_261, %dma_wait3A_298] : memref<320000x128xf32, #tpu.memory_space<hbm>> -> memref<80x128xf32, #tpu.memory_space<hbm>>
      tpu.wait_dma2 semaphore(%arg35 : memref<!tpu.dma_semaphore, #tpu.memory_space<semaphore_mem>>) src(%arg20 : memref<80x128xf32, #tpu.memory_space<vmem>>) dst(%dma_wait3A_299 : memref<80x128xf32, #tpu.memory_space<hbm>>)
      %dma_wait3A_300 = arith.constant 0 : i32
      %dma_wait3A_301 = tpu.memref_slice %arg7[%sub3A_261, %dma_wait3A_300] : memref<320000x128xf32, #tpu.memory_space<hbm>> -> memref<80x128xf32, #tpu.memory_space<hbm>>
      %dma_wait3A_302 = arith.constant 0 : i32
      %dma_wait3A_303 = tpu.memref_slice %arg7[%sub3A_261, %dma_wait3A_302] : memref<320000x128xf32, #tpu.memory_space<hbm>> -> memref<80x128xf32, #tpu.memory_space<hbm>>
      tpu.wait_dma2 semaphore(%arg35 : memref<!tpu.dma_semaphore, #tpu.memory_space<semaphore_mem>>) src(%arg25 : memref<80x128xf32, #tpu.memory_space<vmem>>) dst(%dma_wait3A_303 : memref<80x128xf32, #tpu.memory_space<hbm>>)
      %dma_start3A_304 = arith.constant 0 : i32
      %dma_start3A_305 = arith.constant 0 : i32
      %dma_start3A_306 = tpu.memref_slice %arg2[%dma_start3A_304, %dma_start3A_305] : memref<10000x128xf32, #tpu.memory_space<hbm>> -> memref<10000x128xf32, #tpu.memory_space<hbm>>
      tpu.enqueue_indirect_dma source(%dma_start3A_306 : memref<10000x128xf32, #tpu.memory_space<hbm>>) target(%arg20 : memref<80x128xf32, #tpu.memory_space<vmem>>) offsets(%arg10 : memref<80xi32, #tpu.memory_space<vmem>>) semaphore(%arg30 : memref<!tpu.dma_semaphore, #tpu.memory_space<semaphore_mem>>)
      %dma_start3A_307 = arith.constant 0 : i32
      %dma_start3A_308 = arith.constant 0 : i32
      %dma_start3A_309 = tpu.memref_slice %arg3[%dma_start3A_307, %dma_start3A_308] : memref<10000x128xf32, #tpu.memory_space<hbm>> -> memref<10000x128xf32, #tpu.memory_space<hbm>>
      tpu.enqueue_indirect_dma source(%dma_start3A_309 : memref<10000x128xf32, #tpu.memory_space<hbm>>) target(%arg25 : memref<80x128xf32, #tpu.memory_space<vmem>>) offsets(%arg15 : memref<80xi32, #tpu.memory_space<vmem>>) semaphore(%arg30 : memref<!tpu.dma_semaphore, #tpu.memory_space<semaphore_mem>>)
      %mul3A_310 = arith.constant 5 : i32
      %mul3A_311 = arith.muli %scan3A_196, %mul3A_310 : i32
      %add3A_312 = arith.constant 2 : i32
      %add3A_313 = arith.addi %mul3A_311, %add3A_312 : i32
      %mul3A_314 = arith.constant 80 : i32
      %mul3A_315 = arith.muli %add3A_313, %mul3A_314 : i32
      %add3A_316 = arith.addi %mul3A_2, %mul3A_315 : i32
      %sub3A_317 = arith.constant 400 : i32
      %sub3A_318 = arith.subi %add3A_316, %sub3A_317 : i32
      %dma_wait3A_319 = arith.constant 0 : i32
      %dma_wait3A_320 = arith.constant 0 : i32
      %dma_wait3A_321 = tpu.memref_slice %arg2[%dma_wait3A_319, %dma_wait3A_320] : memref<10000x128xf32, #tpu.memory_space<hbm>> -> memref<10000x128xf32, #tpu.memory_space<hbm>>
      tpu.wait_indirect_dma semaphore(%arg31 : memref<!tpu.dma_semaphore, #tpu.memory_space<semaphore_mem>>) src(%dma_wait3A_321 : memref<10000x128xf32, #tpu.memory_space<hbm>>) dst(%arg21 : memref<80x128xf32, #tpu.memory_space<vmem>>)
      %dma_wait3A_322 = arith.constant 0 : i32
      %dma_wait3A_323 = arith.constant 0 : i32
      %dma_wait3A_324 = tpu.memref_slice %arg3[%dma_wait3A_322, %dma_wait3A_323] : memref<10000x128xf32, #tpu.memory_space<hbm>> -> memref<10000x128xf32, #tpu.memory_space<hbm>>
      tpu.wait_indirect_dma semaphore(%arg31 : memref<!tpu.dma_semaphore, #tpu.memory_space<semaphore_mem>>) src(%dma_wait3A_324 : memref<10000x128xf32, #tpu.memory_space<hbm>>) dst(%arg26 : memref<80x128xf32, #tpu.memory_space<vmem>>)
      %dma_start3A_325 = arith.constant 0 : i32
      %dma_start3A_326 = tpu.memref_slice %arg6[%sub3A_318, %dma_start3A_325] : memref<320000x128xf32, #tpu.memory_space<hbm>> -> memref<80x128xf32, #tpu.memory_space<hbm>>
      %dma_start3A_327 = arith.constant 0 : i32
      %dma_start3A_328 = tpu.memref_slice %arg6[%sub3A_318, %dma_start3A_327] : memref<320000x128xf32, #tpu.memory_space<hbm>> -> memref<80x128xf32, #tpu.memory_space<hbm>>
      tpu.enqueue_dma source(%arg21 : memref<80x128xf32, #tpu.memory_space<vmem>>) target(%dma_start3A_328 : memref<80x128xf32, #tpu.memory_space<hbm>>) target_semaphore(%arg36 : memref<!tpu.dma_semaphore, #tpu.memory_space<semaphore_mem>>)
      %dma_start3A_329 = arith.constant 0 : i32
      %dma_start3A_330 = tpu.memref_slice %arg7[%sub3A_318, %dma_start3A_329] : memref<320000x128xf32, #tpu.memory_space<hbm>> -> memref<80x128xf32, #tpu.memory_space<hbm>>
      %dma_start3A_331 = arith.constant 0 : i32
      %dma_start3A_332 = tpu.memref_slice %arg7[%sub3A_318, %dma_start3A_331] : memref<320000x128xf32, #tpu.memory_space<hbm>> -> memref<80x128xf32, #tpu.memory_space<hbm>>
      tpu.enqueue_dma source(%arg26 : memref<80x128xf32, #tpu.memory_space<vmem>>) target(%dma_start3A_332 : memref<80x128xf32, #tpu.memory_space<hbm>>) target_semaphore(%arg36 : memref<!tpu.dma_semaphore, #tpu.memory_space<semaphore_mem>>)
      "tpu.region"() ({
        %run_scoped3A = tpu.sem_alloc : memref<!tpu.dma_semaphore, #tpu.memory_space<semaphore_mem>>
        %dma_start3A_481 = tpu.memref_slice %arg4[%add3A_316] : memref<320000xi32, #tpu.memory_space<hbm>> -> memref<80xi32, #tpu.memory_space<hbm>>
        %dma_start3A_482 = tpu.memref_slice %arg4[%add3A_316] : memref<320000xi32, #tpu.memory_space<hbm>> -> memref<80xi32, #tpu.memory_space<hbm>>
        tpu.enqueue_dma source(%dma_start3A_482 : memref<80xi32, #tpu.memory_space<hbm>>) target(%arg11 : memref<80xi32, #tpu.memory_space<vmem>>) target_semaphore(%run_scoped3A : memref<!tpu.dma_semaphore, #tpu.memory_space<semaphore_mem>>)
        %dma_wait3A_483 = tpu.memref_slice %arg4[%add3A_316] : memref<320000xi32, #tpu.memory_space<hbm>> -> memref<80xi32, #tpu.memory_space<hbm>>
        %dma_wait3A_484 = tpu.memref_slice %arg4[%add3A_316] : memref<320000xi32, #tpu.memory_space<hbm>> -> memref<80xi32, #tpu.memory_space<hbm>>
        tpu.wait_dma2 semaphore(%run_scoped3A : memref<!tpu.dma_semaphore, #tpu.memory_space<semaphore_mem>>) src(%dma_wait3A_484 : memref<80xi32, #tpu.memory_space<hbm>>) dst(%arg11 : memref<80xi32, #tpu.memory_space<vmem>>)
        tpu.yield
      }) : () -> ()
      "tpu.region"() ({
        %run_scoped3A = tpu.sem_alloc : memref<!tpu.dma_semaphore, #tpu.memory_space<semaphore_mem>>
        %dma_start3A_481 = tpu.memref_slice %arg5[%add3A_316] : memref<320000xi32, #tpu.memory_space<hbm>> -> memref<80xi32, #tpu.memory_space<hbm>>
        %dma_start3A_482 = tpu.memref_slice %arg5[%add3A_316] : memref<320000xi32, #tpu.memory_space<hbm>> -> memref<80xi32, #tpu.memory_space<hbm>>
        tpu.enqueue_dma source(%dma_start3A_482 : memref<80xi32, #tpu.memory_space<hbm>>) target(%arg16 : memref<80xi32, #tpu.memory_space<vmem>>) target_semaphore(%run_scoped3A : memref<!tpu.dma_semaphore, #tpu.memory_space<semaphore_mem>>)
        %dma_wait3A_483 = tpu.memref_slice %arg5[%add3A_316] : memref<320000xi32, #tpu.memory_space<hbm>> -> memref<80xi32, #tpu.memory_space<hbm>>
        %dma_wait3A_484 = tpu.memref_slice %arg5[%add3A_316] : memref<320000xi32, #tpu.memory_space<hbm>> -> memref<80xi32, #tpu.memory_space<hbm>>
        tpu.wait_dma2 semaphore(%run_scoped3A : memref<!tpu.dma_semaphore, #tpu.memory_space<semaphore_mem>>) src(%dma_wait3A_484 : memref<80xi32, #tpu.memory_space<hbm>>) dst(%arg16 : memref<80xi32, #tpu.memory_space<vmem>>)
        tpu.yield
      }) : () -> ()
      %get3A_333 = arith.constant 0 : index
      %get3A_334 = tpu.vector_load %arg11[%get3A_333] {strides = array<i32>} : memref<80xi32, #tpu.memory_space<vmem>>, vector<16xi32>,
      tpu.vector_store_idx %arg39[%get3A_334], %broadcast_in_dim3A_5 {add = true} : memref<10240xf32, #tpu.memory_space<vmem>>[vector<16xi32>], vector<16xf32>,
      %get3A_335 = arith.constant 16 : index
      %get3A_336 = tpu.vector_load %arg11[%get3A_335] {strides = array<i32>} : memref<80xi32, #tpu.memory_space<vmem>>, vector<16xi32>,
      tpu.vector_store_idx %arg39[%get3A_336], %broadcast_in_dim3A_5 {add = true} : memref<10240xf32, #tpu.memory_space<vmem>>[vector<16xi32>], vector<16xf32>,
      %get3A_337 = arith.constant 32 : index
      %get3A_338 = tpu.vector_load %arg11[%get3A_337] {strides = array<i32>} : memref<80xi32, #tpu.memory_space<vmem>>, vector<16xi32>,
      tpu.vector_store_idx %arg39[%get3A_338], %broadcast_in_dim3A_5 {add = true} : memref<10240xf32, #tpu.memory_space<vmem>>[vector<16xi32>], vector<16xf32>,
      %get3A_339 = arith.constant 48 : index
      %get3A_340 = tpu.vector_load %arg11[%get3A_339] {strides = array<i32>} : memref<80xi32, #tpu.memory_space<vmem>>, vector<16xi32>,
      tpu.vector_store_idx %arg39[%get3A_340], %broadcast_in_dim3A_5 {add = true} : memref<10240xf32, #tpu.memory_space<vmem>>[vector<16xi32>], vector<16xf32>,
      %get3A_341 = arith.constant 64 : index
      %get3A_342 = tpu.vector_load %arg11[%get3A_341] {strides = array<i32>} : memref<80xi32, #tpu.memory_space<vmem>>, vector<16xi32>,
      tpu.vector_store_idx %arg39[%get3A_342], %broadcast_in_dim3A_5 {add = true} : memref<10240xf32, #tpu.memory_space<vmem>>[vector<16xi32>], vector<16xf32>,
      %get3A_343 = arith.constant 0 : index
      %get3A_344 = tpu.vector_load %arg16[%get3A_343] {strides = array<i32>} : memref<80xi32, #tpu.memory_space<vmem>>, vector<16xi32>,
      tpu.vector_store_idx %arg39[%get3A_344], %broadcast_in_dim3A_5 {add = true} : memref<10240xf32, #tpu.memory_space<vmem>>[vector<16xi32>], vector<16xf32>,
      %get3A_345 = arith.constant 16 : index
      %get3A_346 = tpu.vector_load %arg16[%get3A_345] {strides = array<i32>} : memref<80xi32, #tpu.memory_space<vmem>>, vector<16xi32>,
      tpu.vector_store_idx %arg39[%get3A_346], %broadcast_in_dim3A_5 {add = true} : memref<10240xf32, #tpu.memory_space<vmem>>[vector<16xi32>], vector<16xf32>,
      %get3A_347 = arith.constant 32 : index
      %get3A_348 = tpu.vector_load %arg16[%get3A_347] {strides = array<i32>} : memref<80xi32, #tpu.memory_space<vmem>>, vector<16xi32>,
      tpu.vector_store_idx %arg39[%get3A_348], %broadcast_in_dim3A_5 {add = true} : memref<10240xf32, #tpu.memory_space<vmem>>[vector<16xi32>], vector<16xf32>,
      %get3A_349 = arith.constant 48 : index
      %get3A_350 = tpu.vector_load %arg16[%get3A_349] {strides = array<i32>} : memref<80xi32, #tpu.memory_space<vmem>>, vector<16xi32>,
      tpu.vector_store_idx %arg39[%get3A_350], %broadcast_in_dim3A_5 {add = true} : memref<10240xf32, #tpu.memory_space<vmem>>[vector<16xi32>], vector<16xf32>,
      %get3A_351 = arith.constant 64 : index
      %get3A_352 = tpu.vector_load %arg16[%get3A_351] {strides = array<i32>} : memref<80xi32, #tpu.memory_space<vmem>>, vector<16xi32>,
      tpu.vector_store_idx %arg39[%get3A_352], %broadcast_in_dim3A_5 {add = true} : memref<10240xf32, #tpu.memory_space<vmem>>[vector<16xi32>], vector<16xf32>,
      %dma_wait3A_353 = arith.constant 0 : i32
      %dma_wait3A_354 = tpu.memref_slice %arg6[%sub3A_318, %dma_wait3A_353] : memref<320000x128xf32, #tpu.memory_space<hbm>> -> memref<80x128xf32, #tpu.memory_space<hbm>>
      %dma_wait3A_355 = arith.constant 0 : i32
      %dma_wait3A_356 = tpu.memref_slice %arg6[%sub3A_318, %dma_wait3A_355] : memref<320000x128xf32, #tpu.memory_space<hbm>> -> memref<80x128xf32, #tpu.memory_space<hbm>>
      tpu.wait_dma2 semaphore(%arg36 : memref<!tpu.dma_semaphore, #tpu.memory_space<semaphore_mem>>) src(%arg21 : memref<80x128xf32, #tpu.memory_space<vmem>>) dst(%dma_wait3A_356 : memref<80x128xf32, #tpu.memory_space<hbm>>)
      %dma_wait3A_357 = arith.constant 0 : i32
      %dma_wait3A_358 = tpu.memref_slice %arg7[%sub3A_318, %dma_wait3A_357] : memref<320000x128xf32, #tpu.memory_space<hbm>> -> memref<80x128xf32, #tpu.memory_space<hbm>>
      %dma_wait3A_359 = arith.constant 0 : i32
      %dma_wait3A_360 = tpu.memref_slice %arg7[%sub3A_318, %dma_wait3A_359] : memref<320000x128xf32, #tpu.memory_space<hbm>> -> memref<80x128xf32, #tpu.memory_space<hbm>>
      tpu.wait_dma2 semaphore(%arg36 : memref<!tpu.dma_semaphore, #tpu.memory_space<semaphore_mem>>) src(%arg26 : memref<80x128xf32, #tpu.memory_space<vmem>>) dst(%dma_wait3A_360 : memref<80x128xf32, #tpu.memory_space<hbm>>)
      %dma_start3A_361 = arith.constant 0 : i32
      %dma_start3A_362 = arith.constant 0 : i32
      %dma_start3A_363 = tpu.memref_slice %arg2[%dma_start3A_361, %dma_start3A_362] : memref<10000x128xf32, #tpu.memory_space<hbm>> -> memref<10000x128xf32, #tpu.memory_space<hbm>>
      tpu.enqueue_indirect_dma source(%dma_start3A_363 : memref<10000x128xf32, #tpu.memory_space<hbm>>) target(%arg21 : memref<80x128xf32, #tpu.memory_space<vmem>>) offsets(%arg11 : memref<80xi32, #tpu.memory_space<vmem>>) semaphore(%arg31 : memref<!tpu.dma_semaphore, #tpu.memory_space<semaphore_mem>>)
      %dma_start3A_364 = arith.constant 0 : i32
      %dma_start3A_365 = arith.constant 0 : i32
      %dma_start3A_366 = tpu.memref_slice %arg3[%dma_start3A_364, %dma_start3A_365] : memref<10000x128xf32, #tpu.memory_space<hbm>> -> memref<10000x128xf32, #tpu.memory_space<hbm>>
      tpu.enqueue_indirect_dma source(%dma_start3A_366 : memref<10000x128xf32, #tpu.memory_space<hbm>>) target(%arg26 : memref<80x128xf32, #tpu.memory_space<vmem>>) offsets(%arg16 : memref<80xi32, #tpu.memory_space<vmem>>) semaphore(%arg31 : memref<!tpu.dma_semaphore, #tpu.memory_space<semaphore_mem>>)
      %mul3A_367 = arith.constant 5 : i32
      %mul3A_368 = arith.muli %scan3A_196, %mul3A_367 : i32
      %add3A_369 = arith.constant 3 : i32
      %add3A_370 = arith.addi %mul3A_368, %add3A_369 : i32
      %mul3A_371 = arith.constant 80 : i32
      %mul3A_372 = arith.muli %add3A_370, %mul3A_371 : i32
      %add3A_373 = arith.addi %mul3A_2, %mul3A_372 : i32
      %sub3A_374 = arith.constant 400 : i32
      %sub3A_375 = arith.subi %add3A_373, %sub3A_374 : i32
      %dma_wait3A_376 = arith.constant 0 : i32
      %dma_wait3A_377 = arith.constant 0 : i32
      %dma_wait3A_378 = tpu.memref_slice %arg2[%dma_wait3A_376, %dma_wait3A_377] : memref<10000x128xf32, #tpu.memory_space<hbm>> -> memref<10000x128xf32, #tpu.memory_space<hbm>>
      tpu.wait_indirect_dma semaphore(%arg32 : memref<!tpu.dma_semaphore, #tpu.memory_space<semaphore_mem>>) src(%dma_wait3A_378 : memref<10000x128xf32, #tpu.memory_space<hbm>>) dst(%arg22 : memref<80x128xf32, #tpu.memory_space<vmem>>)
      %dma_wait3A_379 = arith.constant 0 : i32
      %dma_wait3A_380 = arith.constant 0 : i32
      %dma_wait3A_381 = tpu.memref_slice %arg3[%dma_wait3A_379, %dma_wait3A_380] : memref<10000x128xf32, #tpu.memory_space<hbm>> -> memref<10000x128xf32, #tpu.memory_space<hbm>>
      tpu.wait_indirect_dma semaphore(%arg32 : memref<!tpu.dma_semaphore, #tpu.memory_space<semaphore_mem>>) src(%dma_wait3A_381 : memref<10000x128xf32, #tpu.memory_space<hbm>>) dst(%arg27 : memref<80x128xf32, #tpu.memory_space<vmem>>)
      %dma_start3A_382 = arith.constant 0 : i32
      %dma_start3A_383 = tpu.memref_slice %arg6[%sub3A_375, %dma_start3A_382] : memref<320000x128xf32, #tpu.memory_space<hbm>> -> memref<80x128xf32, #tpu.memory_space<hbm>>
      %dma_start3A_384 = arith.constant 0 : i32
      %dma_start3A_385 = tpu.memref_slice %arg6[%sub3A_375, %dma_start3A_384] : memref<320000x128xf32, #tpu.memory_space<hbm>> -> memref<80x128xf32, #tpu.memory_space<hbm>>
      tpu.enqueue_dma source(%arg22 : memref<80x128xf32, #tpu.memory_space<vmem>>) target(%dma_start3A_385 : memref<80x128xf32, #tpu.memory_space<hbm>>) target_semaphore(%arg37 : memref<!tpu.dma_semaphore, #tpu.memory_space<semaphore_mem>>)
      %dma_start3A_386 = arith.constant 0 : i32
      %dma_start3A_387 = tpu.memref_slice %arg7[%sub3A_375, %dma_start3A_386] : memref<320000x128xf32, #tpu.memory_space<hbm>> -> memref<80x128xf32, #tpu.memory_space<hbm>>
      %dma_start3A_388 = arith.constant 0 : i32
      %dma_start3A_389 = tpu.memref_slice %arg7[%sub3A_375, %dma_start3A_388] : memref<320000x128xf32, #tpu.memory_space<hbm>> -> memref<80x128xf32, #tpu.memory_space<hbm>>
      tpu.enqueue_dma source(%arg27 : memref<80x128xf32, #tpu.memory_space<vmem>>) target(%dma_start3A_389 : memref<80x128xf32, #tpu.memory_space<hbm>>) target_semaphore(%arg37 : memref<!tpu.dma_semaphore, #tpu.memory_space<semaphore_mem>>)
      "tpu.region"() ({
        %run_scoped3A = tpu.sem_alloc : memref<!tpu.dma_semaphore, #tpu.memory_space<semaphore_mem>>
        %dma_start3A_481 = tpu.memref_slice %arg4[%add3A_373] : memref<320000xi32, #tpu.memory_space<hbm>> -> memref<80xi32, #tpu.memory_space<hbm>>
        %dma_start3A_482 = tpu.memref_slice %arg4[%add3A_373] : memref<320000xi32, #tpu.memory_space<hbm>> -> memref<80xi32, #tpu.memory_space<hbm>>
        tpu.enqueue_dma source(%dma_start3A_482 : memref<80xi32, #tpu.memory_space<hbm>>) target(%arg12 : memref<80xi32, #tpu.memory_space<vmem>>) target_semaphore(%run_scoped3A : memref<!tpu.dma_semaphore, #tpu.memory_space<semaphore_mem>>)
        %dma_wait3A_483 = tpu.memref_slice %arg4[%add3A_373] : memref<320000xi32, #tpu.memory_space<hbm>> -> memref<80xi32, #tpu.memory_space<hbm>>
        %dma_wait3A_484 = tpu.memref_slice %arg4[%add3A_373] : memref<320000xi32, #tpu.memory_space<hbm>> -> memref<80xi32, #tpu.memory_space<hbm>>
        tpu.wait_dma2 semaphore(%run_scoped3A : memref<!tpu.dma_semaphore, #tpu.memory_space<semaphore_mem>>) src(%dma_wait3A_484 : memref<80xi32, #tpu.memory_space<hbm>>) dst(%arg12 : memref<80xi32, #tpu.memory_space<vmem>>)
        tpu.yield
      }) : () -> ()
      "tpu.region"() ({
        %run_scoped3A = tpu.sem_alloc : memref<!tpu.dma_semaphore, #tpu.memory_space<semaphore_mem>>
        %dma_start3A_481 = tpu.memref_slice %arg5[%add3A_373] : memref<320000xi32, #tpu.memory_space<hbm>> -> memref<80xi32, #tpu.memory_space<hbm>>
        %dma_start3A_482 = tpu.memref_slice %arg5[%add3A_373] : memref<320000xi32, #tpu.memory_space<hbm>> -> memref<80xi32, #tpu.memory_space<hbm>>
        tpu.enqueue_dma source(%dma_start3A_482 : memref<80xi32, #tpu.memory_space<hbm>>) target(%arg17 : memref<80xi32, #tpu.memory_space<vmem>>) target_semaphore(%run_scoped3A : memref<!tpu.dma_semaphore, #tpu.memory_space<semaphore_mem>>)
        %dma_wait3A_483 = tpu.memref_slice %arg5[%add3A_373] : memref<320000xi32, #tpu.memory_space<hbm>> -> memref<80xi32, #tpu.memory_space<hbm>>
        %dma_wait3A_484 = tpu.memref_slice %arg5[%add3A_373] : memref<320000xi32, #tpu.memory_space<hbm>> -> memref<80xi32, #tpu.memory_space<hbm>>
        tpu.wait_dma2 semaphore(%run_scoped3A : memref<!tpu.dma_semaphore, #tpu.memory_space<semaphore_mem>>) src(%dma_wait3A_484 : memref<80xi32, #tpu.memory_space<hbm>>) dst(%arg17 : memref<80xi32, #tpu.memory_space<vmem>>)
        tpu.yield
      }) : () -> ()
      %get3A_390 = arith.constant 0 : index
      %get3A_391 = tpu.vector_load %arg12[%get3A_390] {strides = array<i32>} : memref<80xi32, #tpu.memory_space<vmem>>, vector<16xi32>,
      tpu.vector_store_idx %arg39[%get3A_391], %broadcast_in_dim3A_5 {add = true} : memref<10240xf32, #tpu.memory_space<vmem>>[vector<16xi32>], vector<16xf32>,
      %get3A_392 = arith.constant 16 : index
      %get3A_393 = tpu.vector_load %arg12[%get3A_392] {strides = array<i32>} : memref<80xi32, #tpu.memory_space<vmem>>, vector<16xi32>,
      tpu.vector_store_idx %arg39[%get3A_393], %broadcast_in_dim3A_5 {add = true} : memref<10240xf32, #tpu.memory_space<vmem>>[vector<16xi32>], vector<16xf32>,
      %get3A_394 = arith.constant 32 : index
      %get3A_395 = tpu.vector_load %arg12[%get3A_394] {strides = array<i32>} : memref<80xi32, #tpu.memory_space<vmem>>, vector<16xi32>,
      tpu.vector_store_idx %arg39[%get3A_395], %broadcast_in_dim3A_5 {add = true} : memref<10240xf32, #tpu.memory_space<vmem>>[vector<16xi32>], vector<16xf32>,
      %get3A_396 = arith.constant 48 : index
      %get3A_397 = tpu.vector_load %arg12[%get3A_396] {strides = array<i32>} : memref<80xi32, #tpu.memory_space<vmem>>, vector<16xi32>,
      tpu.vector_store_idx %arg39[%get3A_397], %broadcast_in_dim3A_5 {add = true} : memref<10240xf32, #tpu.memory_space<vmem>>[vector<16xi32>], vector<16xf32>,
      %get3A_398 = arith.constant 64 : index
      %get3A_399 = tpu.vector_load %arg12[%get3A_398] {strides = array<i32>} : memref<80xi32, #tpu.memory_space<vmem>>, vector<16xi32>,
      tpu.vector_store_idx %arg39[%get3A_399], %broadcast_in_dim3A_5 {add = true} : memref<10240xf32, #tpu.memory_space<vmem>>[vector<16xi32>], vector<16xf32>,
      %get3A_400 = arith.constant 0 : index
      %get3A_401 = tpu.vector_load %arg17[%get3A_400] {strides = array<i32>} : memref<80xi32, #tpu.memory_space<vmem>>, vector<16xi32>,
      tpu.vector_store_idx %arg39[%get3A_401], %broadcast_in_dim3A_5 {add = true} : memref<10240xf32, #tpu.memory_space<vmem>>[vector<16xi32>], vector<16xf32>,
      %get3A_402 = arith.constant 16 : index
      %get3A_403 = tpu.vector_load %arg17[%get3A_402] {strides = array<i32>} : memref<80xi32, #tpu.memory_space<vmem>>, vector<16xi32>,
      tpu.vector_store_idx %arg39[%get3A_403], %broadcast_in_dim3A_5 {add = true} : memref<10240xf32, #tpu.memory_space<vmem>>[vector<16xi32>], vector<16xf32>,
      %get3A_404 = arith.constant 32 : index
      %get3A_405 = tpu.vector_load %arg17[%get3A_404] {strides = array<i32>} : memref<80xi32, #tpu.memory_space<vmem>>, vector<16xi32>,
      tpu.vector_store_idx %arg39[%get3A_405], %broadcast_in_dim3A_5 {add = true} : memref<10240xf32, #tpu.memory_space<vmem>>[vector<16xi32>], vector<16xf32>,
      %get3A_406 = arith.constant 48 : index
      %get3A_407 = tpu.vector_load %arg17[%get3A_406] {strides = array<i32>} : memref<80xi32, #tpu.memory_space<vmem>>, vector<16xi32>,
      tpu.vector_store_idx %arg39[%get3A_407], %broadcast_in_dim3A_5 {add = true} : memref<10240xf32, #tpu.memory_space<vmem>>[vector<16xi32>], vector<16xf32>,
      %get3A_408 = arith.constant 64 : index
      %get3A_409 = tpu.vector_load %arg17[%get3A_408] {strides = array<i32>} : memref<80xi32, #tpu.memory_space<vmem>>, vector<16xi32>,
      tpu.vector_store_idx %arg39[%get3A_409], %broadcast_in_dim3A_5 {add = true} : memref<10240xf32, #tpu.memory_space<vmem>>[vector<16xi32>], vector<16xf32>,
      %dma_wait3A_410 = arith.constant 0 : i32
      %dma_wait3A_411 = tpu.memref_slice %arg6[%sub3A_375, %dma_wait3A_410] : memref<320000x128xf32, #tpu.memory_space<hbm>> -> memref<80x128xf32, #tpu.memory_space<hbm>>
      %dma_wait3A_412 = arith.constant 0 : i32
      %dma_wait3A_413 = tpu.memref_slice %arg6[%sub3A_375, %dma_wait3A_412] : memref<320000x128xf32, #tpu.memory_space<hbm>> -> memref<80x128xf32, #tpu.memory_space<hbm>>
      tpu.wait_dma2 semaphore(%arg37 : memref<!tpu.dma_semaphore, #tpu.memory_space<semaphore_mem>>) src(%arg22 : memref<80x128xf32, #tpu.memory_space<vmem>>) dst(%dma_wait3A_413 : memref<80x128xf32, #tpu.memory_space<hbm>>)
      %dma_wait3A_414 = arith.constant 0 : i32
      %dma_wait3A_415 = tpu.memref_slice %arg7[%sub3A_375, %dma_wait3A_414] : memref<320000x128xf32, #tpu.memory_space<hbm>> -> memref<80x128xf32, #tpu.memory_space<hbm>>
      %dma_wait3A_416 = arith.constant 0 : i32
      %dma_wait3A_417 = tpu.memref_slice %arg7[%sub3A_375, %dma_wait3A_416] : memref<320000x128xf32, #tpu.memory_space<hbm>> -> memref<80x128xf32, #tpu.memory_space<hbm>>
      tpu.wait_dma2 semaphore(%arg37 : memref<!tpu.dma_semaphore, #tpu.memory_space<semaphore_mem>>) src(%arg27 : memref<80x128xf32, #tpu.memory_space<vmem>>) dst(%dma_wait3A_417 : memref<80x128xf32, #tpu.memory_space<hbm>>)
      %dma_start3A_418 = arith.constant 0 : i32
      %dma_start3A_419 = arith.constant 0 : i32
      %dma_start3A_420 = tpu.memref_slice %arg2[%dma_start3A_418, %dma_start3A_419] : memref<10000x128xf32, #tpu.memory_space<hbm>> -> memref<10000x128xf32, #tpu.memory_space<hbm>>
      tpu.enqueue_indirect_dma source(%dma_start3A_420 : memref<10000x128xf32, #tpu.memory_space<hbm>>) target(%arg22 : memref<80x128xf32, #tpu.memory_space<vmem>>) offsets(%arg12 : memref<80xi32, #tpu.memory_space<vmem>>) semaphore(%arg32 : memref<!tpu.dma_semaphore, #tpu.memory_space<semaphore_mem>>)
      %dma_start3A_421 = arith.constant 0 : i32
      %dma_start3A_422 = arith.constant 0 : i32
      %dma_start3A_423 = tpu.memref_slice %arg3[%dma_start3A_421, %dma_start3A_422] : memref<10000x128xf32, #tpu.memory_space<hbm>> -> memref<10000x128xf32, #tpu.memory_space<hbm>>
      tpu.enqueue_indirect_dma source(%dma_start3A_423 : memref<10000x128xf32, #tpu.memory_space<hbm>>) target(%arg27 : memref<80x128xf32, #tpu.memory_space<vmem>>) offsets(%arg17 : memref<80xi32, #tpu.memory_space<vmem>>) semaphore(%arg32 : memref<!tpu.dma_semaphore, #tpu.memory_space<semaphore_mem>>)
      %mul3A_424 = arith.constant 5 : i32
      %mul3A_425 = arith.muli %scan3A_196, %mul3A_424 : i32
      %add3A_426 = arith.constant 4 : i32
      %add3A_427 = arith.addi %mul3A_425, %add3A_426 : i32
      %mul3A_428 = arith.constant 80 : i32
      %mul3A_429 = arith.muli %add3A_427, %mul3A_428 : i32
      %add3A_430 = arith.addi %mul3A_2, %mul3A_429 : i32
      %sub3A_431 = arith.constant 400 : i32
      %sub3A_432 = arith.subi %add3A_430, %sub3A_431 : i32
      %dma_wait3A_433 = arith.constant 0 : i32
      %dma_wait3A_434 = arith.constant 0 : i32
      %dma_wait3A_435 = tpu.memref_slice %arg2[%dma_wait3A_433, %dma_wait3A_434] : memref<10000x128xf32, #tpu.memory_space<hbm>> -> memref<10000x128xf32, #tpu.memory_space<hbm>>
      tpu.wait_indirect_dma semaphore(%arg33 : memref<!tpu.dma_semaphore, #tpu.memory_space<semaphore_mem>>) src(%dma_wait3A_435 : memref<10000x128xf32, #tpu.memory_space<hbm>>) dst(%arg23 : memref<80x128xf32, #tpu.memory_space<vmem>>)
      %dma_wait3A_436 = arith.constant 0 : i32
      %dma_wait3A_437 = arith.constant 0 : i32
      %dma_wait3A_438 = tpu.memref_slice %arg3[%dma_wait3A_436, %dma_wait3A_437] : memref<10000x128xf32, #tpu.memory_space<hbm>> -> memref<10000x128xf32, #tpu.memory_space<hbm>>
      tpu.wait_indirect_dma semaphore(%arg33 : memref<!tpu.dma_semaphore, #tpu.memory_space<semaphore_mem>>) src(%dma_wait3A_438 : memref<10000x128xf32, #tpu.memory_space<hbm>>) dst(%arg28 : memref<80x128xf32, #tpu.memory_space<vmem>>)
      %dma_start3A_439 = arith.constant 0 : i32
      %dma_start3A_440 = tpu.memref_slice %arg6[%sub3A_432, %dma_start3A_439] : memref<320000x128xf32, #tpu.memory_space<hbm>> -> memref<80x128xf32, #tpu.memory_space<hbm>>
      %dma_start3A_441 = arith.constant 0 : i32
      %dma_start3A_442 = tpu.memref_slice %arg6[%sub3A_432, %dma_start3A_441] : memref<320000x128xf32, #tpu.memory_space<hbm>> -> memref<80x128xf32, #tpu.memory_space<hbm>>
      tpu.enqueue_dma source(%arg23 : memref<80x128xf32, #tpu.memory_space<vmem>>) target(%dma_start3A_442 : memref<80x128xf32, #tpu.memory_space<hbm>>) target_semaphore(%arg38 : memref<!tpu.dma_semaphore, #tpu.memory_space<semaphore_mem>>)
      %dma_start3A_443 = arith.constant 0 : i32
      %dma_start3A_444 = tpu.memref_slice %arg7[%sub3A_432, %dma_start3A_443] : memref<320000x128xf32, #tpu.memory_space<hbm>> -> memref<80x128xf32, #tpu.memory_space<hbm>>
      %dma_start3A_445 = arith.constant 0 : i32
      %dma_start3A_446 = tpu.memref_slice %arg7[%sub3A_432, %dma_start3A_445] : memref<320000x128xf32, #tpu.memory_space<hbm>> -> memref<80x128xf32, #tpu.memory_space<hbm>>
      tpu.enqueue_dma source(%arg28 : memref<80x128xf32, #tpu.memory_space<vmem>>) target(%dma_start3A_446 : memref<80x128xf32, #tpu.memory_space<hbm>>) target_semaphore(%arg38 : memref<!tpu.dma_semaphore, #tpu.memory_space<semaphore_mem>>)
      "tpu.region"() ({
        %run_scoped3A = tpu.sem_alloc : memref<!tpu.dma_semaphore, #tpu.memory_space<semaphore_mem>>
        %dma_start3A_481 = tpu.memref_slice %arg4[%add3A_430] : memref<320000xi32, #tpu.memory_space<hbm>> -> memref<80xi32, #tpu.memory_space<hbm>>
        %dma_start3A_482 = tpu.memref_slice %arg4[%add3A_430] : memref<320000xi32, #tpu.memory_space<hbm>> -> memref<80xi32, #tpu.memory_space<hbm>>
        tpu.enqueue_dma source(%dma_start3A_482 : memref<80xi32, #tpu.memory_space<hbm>>) target(%arg13 : memref<80xi32, #tpu.memory_space<vmem>>) target_semaphore(%run_scoped3A : memref<!tpu.dma_semaphore, #tpu.memory_space<semaphore_mem>>)
        %dma_wait3A_483 = tpu.memref_slice %arg4[%add3A_430] : memref<320000xi32, #tpu.memory_space<hbm>> -> memref<80xi32, #tpu.memory_space<hbm>>
        %dma_wait3A_484 = tpu.memref_slice %arg4[%add3A_430] : memref<320000xi32, #tpu.memory_space<hbm>> -> memref<80xi32, #tpu.memory_space<hbm>>
        tpu.wait_dma2 semaphore(%run_scoped3A : memref<!tpu.dma_semaphore, #tpu.memory_space<semaphore_mem>>) src(%dma_wait3A_484 : memref<80xi32, #tpu.memory_space<hbm>>) dst(%arg13 : memref<80xi32, #tpu.memory_space<vmem>>)
        tpu.yield
      }) : () -> ()
      "tpu.region"() ({
        %run_scoped3A = tpu.sem_alloc : memref<!tpu.dma_semaphore, #tpu.memory_space<semaphore_mem>>
        %dma_start3A_481 = tpu.memref_slice %arg5[%add3A_430] : memref<320000xi32, #tpu.memory_space<hbm>> -> memref<80xi32, #tpu.memory_space<hbm>>
        %dma_start3A_482 = tpu.memref_slice %arg5[%add3A_430] : memref<320000xi32, #tpu.memory_space<hbm>> -> memref<80xi32, #tpu.memory_space<hbm>>
        tpu.enqueue_dma source(%dma_start3A_482 : memref<80xi32, #tpu.memory_space<hbm>>) target(%arg18 : memref<80xi32, #tpu.memory_space<vmem>>) target_semaphore(%run_scoped3A : memref<!tpu.dma_semaphore, #tpu.memory_space<semaphore_mem>>)
        %dma_wait3A_483 = tpu.memref_slice %arg5[%add3A_430] : memref<320000xi32, #tpu.memory_space<hbm>> -> memref<80xi32, #tpu.memory_space<hbm>>
        %dma_wait3A_484 = tpu.memref_slice %arg5[%add3A_430] : memref<320000xi32, #tpu.memory_space<hbm>> -> memref<80xi32, #tpu.memory_space<hbm>>
        tpu.wait_dma2 semaphore(%run_scoped3A : memref<!tpu.dma_semaphore, #tpu.memory_space<semaphore_mem>>) src(%dma_wait3A_484 : memref<80xi32, #tpu.memory_space<hbm>>) dst(%arg18 : memref<80xi32, #tpu.memory_space<vmem>>)
        tpu.yield
      }) : () -> ()
      %get3A_447 = arith.constant 0 : index
      %get3A_448 = tpu.vector_load %arg13[%get3A_447] {strides = array<i32>} : memref<80xi32, #tpu.memory_space<vmem>>, vector<16xi32>,
      tpu.vector_store_idx %arg39[%get3A_448], %broadcast_in_dim3A_5 {add = true} : memref<10240xf32, #tpu.memory_space<vmem>>[vector<16xi32>], vector<16xf32>,
      %get3A_449 = arith.constant 16 : index
      %get3A_450 = tpu.vector_load %arg13[%get3A_449] {strides = array<i32>} : memref<80xi32, #tpu.memory_space<vmem>>, vector<16xi32>,
      tpu.vector_store_idx %arg39[%get3A_450], %broadcast_in_dim3A_5 {add = true} : memref<10240xf32, #tpu.memory_space<vmem>>[vector<16xi32>], vector<16xf32>,
      %get3A_451 = arith.constant 32 : index
      %get3A_452 = tpu.vector_load %arg13[%get3A_451] {strides = array<i32>} : memref<80xi32, #tpu.memory_space<vmem>>, vector<16xi32>,
      tpu.vector_store_idx %arg39[%get3A_452], %broadcast_in_dim3A_5 {add = true} : memref<10240xf32, #tpu.memory_space<vmem>>[vector<16xi32>], vector<16xf32>,
      %get3A_453 = arith.constant 48 : index
      %get3A_454 = tpu.vector_load %arg13[%get3A_453] {strides = array<i32>} : memref<80xi32, #tpu.memory_space<vmem>>, vector<16xi32>,
      tpu.vector_store_idx %arg39[%get3A_454], %broadcast_in_dim3A_5 {add = true} : memref<10240xf32, #tpu.memory_space<vmem>>[vector<16xi32>], vector<16xf32>,
      %get3A_455 = arith.constant 64 : index
      %get3A_456 = tpu.vector_load %arg13[%get3A_455] {strides = array<i32>} : memref<80xi32, #tpu.memory_space<vmem>>, vector<16xi32>,
      tpu.vector_store_idx %arg39[%get3A_456], %broadcast_in_dim3A_5 {add = true} : memref<10240xf32, #tpu.memory_space<vmem>>[vector<16xi32>], vector<16xf32>,
      %get3A_457 = arith.constant 0 : index
      %get3A_458 = tpu.vector_load %arg18[%get3A_457] {strides = array<i32>} : memref<80xi32, #tpu.memory_space<vmem>>, vector<16xi32>,
      tpu.vector_store_idx %arg39[%get3A_458], %broadcast_in_dim3A_5 {add = true} : memref<10240xf32, #tpu.memory_space<vmem>>[vector<16xi32>], vector<16xf32>,
      %get3A_459 = arith.constant 16 : index
      %get3A_460 = tpu.vector_load %arg18[%get3A_459] {strides = array<i32>} : memref<80xi32, #tpu.memory_space<vmem>>, vector<16xi32>,
      tpu.vector_store_idx %arg39[%get3A_460], %broadcast_in_dim3A_5 {add = true} : memref<10240xf32, #tpu.memory_space<vmem>>[vector<16xi32>], vector<16xf32>,
      %get3A_461 = arith.constant 32 : index
      %get3A_462 = tpu.vector_load %arg18[%get3A_461] {strides = array<i32>} : memref<80xi32, #tpu.memory_space<vmem>>, vector<16xi32>,
      tpu.vector_store_idx %arg39[%get3A_462], %broadcast_in_dim3A_5 {add = true} : memref<10240xf32, #tpu.memory_space<vmem>>[vector<16xi32>], vector<16xf32>,
      %get3A_463 = arith.constant 48 : index
      %get3A_464 = tpu.vector_load %arg18[%get3A_463] {strides = array<i32>} : memref<80xi32, #tpu.memory_space<vmem>>, vector<16xi32>,
      tpu.vector_store_idx %arg39[%get3A_464], %broadcast_in_dim3A_5 {add = true} : memref<10240xf32, #tpu.memory_space<vmem>>[vector<16xi32>], vector<16xf32>,
      %get3A_465 = arith.constant 64 : index
      %get3A_466 = tpu.vector_load %arg18[%get3A_465] {strides = array<i32>} : memref<80xi32, #tpu.memory_space<vmem>>, vector<16xi32>,
      tpu.vector_store_idx %arg39[%get3A_466], %broadcast_in_dim3A_5 {add = true} : memref<10240xf32, #tpu.memory_space<vmem>>[vector<16xi32>], vector<16xf32>,
      %dma_wait3A_467 = arith.constant 0 : i32
      %dma_wait3A_468 = tpu.memref_slice %arg6[%sub3A_432, %dma_wait3A_467] : memref<320000x128xf32, #tpu.memory_space<hbm>> -> memref<80x128xf32, #tpu.memory_space<hbm>>
      %dma_wait3A_469 = arith.constant 0 : i32
      %dma_wait3A_470 = tpu.memref_slice %arg6[%sub3A_432, %dma_wait3A_469] : memref<320000x128xf32, #tpu.memory_space<hbm>> -> memref<80x128xf32, #tpu.memory_space<hbm>>
      tpu.wait_dma2 semaphore(%arg38 : memref<!tpu.dma_semaphore, #tpu.memory_space<semaphore_mem>>) src(%arg23 : memref<80x128xf32, #tpu.memory_space<vmem>>) dst(%dma_wait3A_470 : memref<80x128xf32, #tpu.memory_space<hbm>>)
      %dma_wait3A_471 = arith.constant 0 : i32
      %dma_wait3A_472 = tpu.memref_slice %arg7[%sub3A_432, %dma_wait3A_471] : memref<320000x128xf32, #tpu.memory_space<hbm>> -> memref<80x128xf32, #tpu.memory_space<hbm>>
      %dma_wait3A_473 = arith.constant 0 : i32
      %dma_wait3A_474 = tpu.memref_slice %arg7[%sub3A_432, %dma_wait3A_473] : memref<320000x128xf32, #tpu.memory_space<hbm>> -> memref<80x128xf32, #tpu.memory_space<hbm>>
      tpu.wait_dma2 semaphore(%arg38 : memref<!tpu.dma_semaphore, #tpu.memory_space<semaphore_mem>>) src(%arg28 : memref<80x128xf32, #tpu.memory_space<vmem>>) dst(%dma_wait3A_474 : memref<80x128xf32, #tpu.memory_space<hbm>>)
      %dma_start3A_475 = arith.constant 0 : i32
      %dma_start3A_476 = arith.constant 0 : i32
      %dma_start3A_477 = tpu.memref_slice %arg2[%dma_start3A_475, %dma_start3A_476] : memref<10000x128xf32, #tpu.memory_space<hbm>> -> memref<10000x128xf32, #tpu.memory_space<hbm>>
      tpu.enqueue_indirect_dma source(%dma_start3A_477 : memref<10000x128xf32, #tpu.memory_space<hbm>>) target(%arg23 : memref<80x128xf32, #tpu.memory_space<vmem>>) offsets(%arg13 : memref<80xi32, #tpu.memory_space<vmem>>) semaphore(%arg33 : memref<!tpu.dma_semaphore, #tpu.memory_space<semaphore_mem>>)
      %dma_start3A_478 = arith.constant 0 : i32
      %dma_start3A_479 = arith.constant 0 : i32
      %dma_start3A_480 = tpu.memref_slice %arg3[%dma_start3A_478, %dma_start3A_479] : memref<10000x128xf32, #tpu.memory_space<hbm>> -> memref<10000x128xf32, #tpu.memory_space<hbm>>
      tpu.enqueue_indirect_dma source(%dma_start3A_480 : memref<10000x128xf32, #tpu.memory_space<hbm>>) target(%arg28 : memref<80x128xf32, #tpu.memory_space<vmem>>) offsets(%arg18 : memref<80xi32, #tpu.memory_space<vmem>>) semaphore(%arg33 : memref<!tpu.dma_semaphore, #tpu.memory_space<semaphore_mem>>)
    }
    %scan3A_154 = arith.constant 24 : i32
    %add3A_155 = arith.constant 9600 : i32
    %add3A_156 = arith.addi %mul3A_2, %add3A_155 : i32
    %dma_wait3A = arith.constant 0 : i32
    %dma_wait3A_157 = arith.constant 0 : i32
    %dma_wait3A_158 = tpu.memref_slice %arg2[%dma_wait3A, %dma_wait3A_157] : memref<10000x128xf32, #tpu.memory_space<hbm>> -> memref<10000x128xf32, #tpu.memory_space<hbm>>
    tpu.wait_indirect_dma semaphore(%arg29 : memref<!tpu.dma_semaphore, #tpu.memory_space<semaphore_mem>>) src(%dma_wait3A_158 : memref<10000x128xf32, #tpu.memory_space<hbm>>) dst(%arg19 : memref<80x128xf32, #tpu.memory_space<vmem>>)
    %dma_wait3A_159 = arith.constant 0 : i32
    %dma_wait3A_160 = arith.constant 0 : i32
    %dma_wait3A_161 = tpu.memref_slice %arg3[%dma_wait3A_159, %dma_wait3A_160] : memref<10000x128xf32, #tpu.memory_space<hbm>> -> memref<10000x128xf32, #tpu.memory_space<hbm>>
    tpu.wait_indirect_dma semaphore(%arg29 : memref<!tpu.dma_semaphore, #tpu.memory_space<semaphore_mem>>) src(%dma_wait3A_161 : memref<10000x128xf32, #tpu.memory_space<hbm>>) dst(%arg24 : memref<80x128xf32, #tpu.memory_space<vmem>>)
    "tpu.region"() ({
      %run_scoped3A = tpu.sem_alloc : memref<!tpu.dma_semaphore, #tpu.memory_space<semaphore_mem>>
      %dma_start3A_196 = arith.constant 0 : i32
      %dma_start3A_197 = tpu.memref_slice %arg6[%add3A_156, %dma_start3A_196] : memref<320000x128xf32, #tpu.memory_space<hbm>> -> memref<80x128xf32, #tpu.memory_space<hbm>>
      %dma_start3A_198 = arith.constant 0 : i32
      %dma_start3A_199 = tpu.memref_slice %arg6[%add3A_156, %dma_start3A_198] : memref<320000x128xf32, #tpu.memory_space<hbm>> -> memref<80x128xf32, #tpu.memory_space<hbm>>
      tpu.enqueue_dma source(%arg19 : memref<80x128xf32, #tpu.memory_space<vmem>>) target(%dma_start3A_199 : memref<80x128xf32, #tpu.memory_space<hbm>>) target_semaphore(%run_scoped3A : memref<!tpu.dma_semaphore, #tpu.memory_space<semaphore_mem>>)
      %dma_wait3A_200 = arith.constant 0 : i32
      %dma_wait3A_201 = tpu.memref_slice %arg6[%add3A_156, %dma_wait3A_200] : memref<320000x128xf32, #tpu.memory_space<hbm>> -> memref<80x128xf32, #tpu.memory_space<hbm>>
      %dma_wait3A_202 = arith.constant 0 : i32
      %dma_wait3A_203 = tpu.memref_slice %arg6[%add3A_156, %dma_wait3A_202] : memref<320000x128xf32, #tpu.memory_space<hbm>> -> memref<80x128xf32, #tpu.memory_space<hbm>>
      tpu.wait_dma2 semaphore(%run_scoped3A : memref<!tpu.dma_semaphore, #tpu.memory_space<semaphore_mem>>) src(%arg19 : memref<80x128xf32, #tpu.memory_space<vmem>>) dst(%dma_wait3A_203 : memref<80x128xf32, #tpu.memory_space<hbm>>)
      tpu.yield
    }) : () -> ()
    "tpu.region"() ({
      %run_scoped3A = tpu.sem_alloc : memref<!tpu.dma_semaphore, #tpu.memory_space<semaphore_mem>>
      %dma_start3A_196 = arith.constant 0 : i32
      %dma_start3A_197 = tpu.memref_slice %arg7[%add3A_156, %dma_start3A_196] : memref<320000x128xf32, #tpu.memory_space<hbm>> -> memref<80x128xf32, #tpu.memory_space<hbm>>
      %dma_start3A_198 = arith.constant 0 : i32
      %dma_start3A_199 = tpu.memref_slice %arg7[%add3A_156, %dma_start3A_198] : memref<320000x128xf32, #tpu.memory_space<hbm>> -> memref<80x128xf32, #tpu.memory_space<hbm>>
      tpu.enqueue_dma source(%arg24 : memref<80x128xf32, #tpu.memory_space<vmem>>) target(%dma_start3A_199 : memref<80x128xf32, #tpu.memory_space<hbm>>) target_semaphore(%run_scoped3A : memref<!tpu.dma_semaphore, #tpu.memory_space<semaphore_mem>>)
      %dma_wait3A_200 = arith.constant 0 : i32
      %dma_wait3A_201 = tpu.memref_slice %arg7[%add3A_156, %dma_wait3A_200] : memref<320000x128xf32, #tpu.memory_space<hbm>> -> memref<80x128xf32, #tpu.memory_space<hbm>>
      %dma_wait3A_202 = arith.constant 0 : i32
      %dma_wait3A_203 = tpu.memref_slice %arg7[%add3A_156, %dma_wait3A_202] : memref<320000x128xf32, #tpu.memory_space<hbm>> -> memref<80x128xf32, #tpu.memory_space<hbm>>
      tpu.wait_dma2 semaphore(%run_scoped3A : memref<!tpu.dma_semaphore, #tpu.memory_space<semaphore_mem>>) src(%arg24 : memref<80x128xf32, #tpu.memory_space<vmem>>) dst(%dma_wait3A_203 : memref<80x128xf32, #tpu.memory_space<hbm>>)
      tpu.yield
    }) : () -> ()
    %add3A_162 = arith.constant 9680 : i32
    %add3A_163 = arith.addi %mul3A_2, %add3A_162 : i32
    %dma_wait3A_164 = arith.constant 0 : i32
    %dma_wait3A_165 = arith.constant 0 : i32
    %dma_wait3A_166 = tpu.memref_slice %arg2[%dma_wait3A_164, %dma_wait3A_165] : memref<10000x128xf32, #tpu.memory_space<hbm>> -> memref<10000x128xf32, #tpu.memory_space<hbm>>
    tpu.wait_indirect_dma semaphore(%arg30 : memref<!tpu.dma_semaphore, #tpu.memory_space<semaphore_mem>>) src(%dma_wait3A_166 : memref<10000x128xf32, #tpu.memory_space<hbm>>) dst(%arg20 : memref<80x128xf32, #tpu.memory_space<vmem>>)
    %dma_wait3A_167 = arith.constant 0 : i32
    %dma_wait3A_168 = arith.constant 0 : i32
    %dma_wait3A_169 = tpu.memref_slice %arg3[%dma_wait3A_167, %dma_wait3A_168] : memref<10000x128xf32, #tpu.memory_space<hbm>> -> memref<10000x128xf32, #tpu.memory_space<hbm>>
    tpu.wait_indirect_dma semaphore(%arg30 : memref<!tpu.dma_semaphore, #tpu.memory_space<semaphore_mem>>) src(%dma_wait3A_169 : memref<10000x128xf32, #tpu.memory_space<hbm>>) dst(%arg25 : memref<80x128xf32, #tpu.memory_space<vmem>>)
    "tpu.region"() ({
      %run_scoped3A = tpu.sem_alloc : memref<!tpu.dma_semaphore, #tpu.memory_space<semaphore_mem>>
      %dma_start3A_196 = arith.constant 0 : i32
      %dma_start3A_197 = tpu.memref_slice %arg6[%add3A_163, %dma_start3A_196] : memref<320000x128xf32, #tpu.memory_space<hbm>> -> memref<80x128xf32, #tpu.memory_space<hbm>>
      %dma_start3A_198 = arith.constant 0 : i32
      %dma_start3A_199 = tpu.memref_slice %arg6[%add3A_163, %dma_start3A_198] : memref<320000x128xf32, #tpu.memory_space<hbm>> -> memref<80x128xf32, #tpu.memory_space<hbm>>
      tpu.enqueue_dma source(%arg20 : memref<80x128xf32, #tpu.memory_space<vmem>>) target(%dma_start3A_199 : memref<80x128xf32, #tpu.memory_space<hbm>>) target_semaphore(%run_scoped3A : memref<!tpu.dma_semaphore, #tpu.memory_space<semaphore_mem>>)
      %dma_wait3A_200 = arith.constant 0 : i32
      %dma_wait3A_201 = tpu.memref_slice %arg6[%add3A_163, %dma_wait3A_200] : memref<320000x128xf32, #tpu.memory_space<hbm>> -> memref<80x128xf32, #tpu.memory_space<hbm>>
      %dma_wait3A_202 = arith.constant 0 : i32
      %dma_wait3A_203 = tpu.memref_slice %arg6[%add3A_163, %dma_wait3A_202] : memref<320000x128xf32, #tpu.memory_space<hbm>> -> memref<80x128xf32, #tpu.memory_space<hbm>>
      tpu.wait_dma2 semaphore(%run_scoped3A : memref<!tpu.dma_semaphore, #tpu.memory_space<semaphore_mem>>) src(%arg20 : memref<80x128xf32, #tpu.memory_space<vmem>>) dst(%dma_wait3A_203 : memref<80x128xf32, #tpu.memory_space<hbm>>)
      tpu.yield
    }) : () -> ()
    "tpu.region"() ({
      %run_scoped3A = tpu.sem_alloc : memref<!tpu.dma_semaphore, #tpu.memory_space<semaphore_mem>>
      %dma_start3A_196 = arith.constant 0 : i32
      %dma_start3A_197 = tpu.memref_slice %arg7[%add3A_163, %dma_start3A_196] : memref<320000x128xf32, #tpu.memory_space<hbm>> -> memref<80x128xf32, #tpu.memory_space<hbm>>
      %dma_start3A_198 = arith.constant 0 : i32
      %dma_start3A_199 = tpu.memref_slice %arg7[%add3A_163, %dma_start3A_198] : memref<320000x128xf32, #tpu.memory_space<hbm>> -> memref<80x128xf32, #tpu.memory_space<hbm>>
      tpu.enqueue_dma source(%arg25 : memref<80x128xf32, #tpu.memory_space<vmem>>) target(%dma_start3A_199 : memref<80x128xf32, #tpu.memory_space<hbm>>) target_semaphore(%run_scoped3A : memref<!tpu.dma_semaphore, #tpu.memory_space<semaphore_mem>>)
      %dma_wait3A_200 = arith.constant 0 : i32
      %dma_wait3A_201 = tpu.memref_slice %arg7[%add3A_163, %dma_wait3A_200] : memref<320000x128xf32, #tpu.memory_space<hbm>> -> memref<80x128xf32, #tpu.memory_space<hbm>>
      %dma_wait3A_202 = arith.constant 0 : i32
      %dma_wait3A_203 = tpu.memref_slice %arg7[%add3A_163, %dma_wait3A_202] : memref<320000x128xf32, #tpu.memory_space<hbm>> -> memref<80x128xf32, #tpu.memory_space<hbm>>
      tpu.wait_dma2 semaphore(%run_scoped3A : memref<!tpu.dma_semaphore, #tpu.memory_space<semaphore_mem>>) src(%arg25 : memref<80x128xf32, #tpu.memory_space<vmem>>) dst(%dma_wait3A_203 : memref<80x128xf32, #tpu.memory_space<hbm>>)
      tpu.yield
    }) : () -> ()
    %add3A_170 = arith.constant 9760 : i32
    %add3A_171 = arith.addi %mul3A_2, %add3A_170 : i32
    %dma_wait3A_172 = arith.constant 0 : i32
    %dma_wait3A_173 = arith.constant 0 : i32
    %dma_wait3A_174 = tpu.memref_slice %arg2[%dma_wait3A_172, %dma_wait3A_173] : memref<10000x128xf32, #tpu.memory_space<hbm>> -> memref<10000x128xf32, #tpu.memory_space<hbm>>
    tpu.wait_indirect_dma semaphore(%arg31 : memref<!tpu.dma_semaphore, #tpu.memory_space<semaphore_mem>>) src(%dma_wait3A_174 : memref<10000x128xf32, #tpu.memory_space<hbm>>) dst(%arg21 : memref<80x128xf32, #tpu.memory_space<vmem>>)
    %dma_wait3A_175 = arith.constant 0 : i32
    %dma_wait3A_176 = arith.constant 0 : i32
    %dma_wait3A_177 = tpu.memref_slice %arg3[%dma_wait3A_175, %dma_wait3A_176] : memref<10000x128xf32, #tpu.memory_space<hbm>> -> memref<10000x128xf32, #tpu.memory_space<hbm>>
    tpu.wait_indirect_dma semaphore(%arg31 : memref<!tpu.dma_semaphore, #tpu.memory_space<semaphore_mem>>) src(%dma_wait3A_177 : memref<10000x128xf32, #tpu.memory_space<hbm>>) dst(%arg26 : memref<80x128xf32, #tpu.memory_space<vmem>>)
    "tpu.region"() ({
      %run_scoped3A = tpu.sem_alloc : memref<!tpu.dma_semaphore, #tpu.memory_space<semaphore_mem>>
      %dma_start3A_196 = arith.constant 0 : i32
      %dma_start3A_197 = tpu.memref_slice %arg6[%add3A_171, %dma_start3A_196] : memref<320000x128xf32, #tpu.memory_space<hbm>> -> memref<80x128xf32, #tpu.memory_space<hbm>>
      %dma_start3A_198 = arith.constant 0 : i32
      %dma_start3A_199 = tpu.memref_slice %arg6[%add3A_171, %dma_start3A_198] : memref<320000x128xf32, #tpu.memory_space<hbm>> -> memref<80x128xf32, #tpu.memory_space<hbm>>
      tpu.enqueue_dma source(%arg21 : memref<80x128xf32, #tpu.memory_space<vmem>>) target(%dma_start3A_199 : memref<80x128xf32, #tpu.memory_space<hbm>>) target_semaphore(%run_scoped3A : memref<!tpu.dma_semaphore, #tpu.memory_space<semaphore_mem>>)
      %dma_wait3A_200 = arith.constant 0 : i32
      %dma_wait3A_201 = tpu.memref_slice %arg6[%add3A_171, %dma_wait3A_200] : memref<320000x128xf32, #tpu.memory_space<hbm>> -> memref<80x128xf32, #tpu.memory_space<hbm>>
      %dma_wait3A_202 = arith.constant 0 : i32
      %dma_wait3A_203 = tpu.memref_slice %arg6[%add3A_171, %dma_wait3A_202] : memref<320000x128xf32, #tpu.memory_space<hbm>> -> memref<80x128xf32, #tpu.memory_space<hbm>>
      tpu.wait_dma2 semaphore(%run_scoped3A : memref<!tpu.dma_semaphore, #tpu.memory_space<semaphore_mem>>) src(%arg21 : memref<80x128xf32, #tpu.memory_space<vmem>>) dst(%dma_wait3A_203 : memref<80x128xf32, #tpu.memory_space<hbm>>)
      tpu.yield
    }) : () -> ()
    "tpu.region"() ({
      %run_scoped3A = tpu.sem_alloc : memref<!tpu.dma_semaphore, #tpu.memory_space<semaphore_mem>>
      %dma_start3A_196 = arith.constant 0 : i32
      %dma_start3A_197 = tpu.memref_slice %arg7[%add3A_171, %dma_start3A_196] : memref<320000x128xf32, #tpu.memory_space<hbm>> -> memref<80x128xf32, #tpu.memory_space<hbm>>
      %dma_start3A_198 = arith.constant 0 : i32
      %dma_start3A_199 = tpu.memref_slice %arg7[%add3A_171, %dma_start3A_198] : memref<320000x128xf32, #tpu.memory_space<hbm>> -> memref<80x128xf32, #tpu.memory_space<hbm>>
      tpu.enqueue_dma source(%arg26 : memref<80x128xf32, #tpu.memory_space<vmem>>) target(%dma_start3A_199 : memref<80x128xf32, #tpu.memory_space<hbm>>) target_semaphore(%run_scoped3A : memref<!tpu.dma_semaphore, #tpu.memory_space<semaphore_mem>>)
      %dma_wait3A_200 = arith.constant 0 : i32
      %dma_wait3A_201 = tpu.memref_slice %arg7[%add3A_171, %dma_wait3A_200] : memref<320000x128xf32, #tpu.memory_space<hbm>> -> memref<80x128xf32, #tpu.memory_space<hbm>>
      %dma_wait3A_202 = arith.constant 0 : i32
      %dma_wait3A_203 = tpu.memref_slice %arg7[%add3A_171, %dma_wait3A_202] : memref<320000x128xf32, #tpu.memory_space<hbm>> -> memref<80x128xf32, #tpu.memory_space<hbm>>
      tpu.wait_dma2 semaphore(%run_scoped3A : memref<!tpu.dma_semaphore, #tpu.memory_space<semaphore_mem>>) src(%arg26 : memref<80x128xf32, #tpu.memory_space<vmem>>) dst(%dma_wait3A_203 : memref<80x128xf32, #tpu.memory_space<hbm>>)
      tpu.yield
    }) : () -> ()
    %add3A_178 = arith.constant 9840 : i32
    %add3A_179 = arith.addi %mul3A_2, %add3A_178 : i32
    %dma_wait3A_180 = arith.constant 0 : i32
    %dma_wait3A_181 = arith.constant 0 : i32
    %dma_wait3A_182 = tpu.memref_slice %arg2[%dma_wait3A_180, %dma_wait3A_181] : memref<10000x128xf32, #tpu.memory_space<hbm>> -> memref<10000x128xf32, #tpu.memory_space<hbm>>
    tpu.wait_indirect_dma semaphore(%arg32 : memref<!tpu.dma_semaphore, #tpu.memory_space<semaphore_mem>>) src(%dma_wait3A_182 : memref<10000x128xf32, #tpu.memory_space<hbm>>) dst(%arg22 : memref<80x128xf32, #tpu.memory_space<vmem>>)
    %dma_wait3A_183 = arith.constant 0 : i32
    %dma_wait3A_184 = arith.constant 0 : i32
    %dma_wait3A_185 = tpu.memref_slice %arg3[%dma_wait3A_183, %dma_wait3A_184] : memref<10000x128xf32, #tpu.memory_space<hbm>> -> memref<10000x128xf32, #tpu.memory_space<hbm>>
    tpu.wait_indirect_dma semaphore(%arg32 : memref<!tpu.dma_semaphore, #tpu.memory_space<semaphore_mem>>) src(%dma_wait3A_185 : memref<10000x128xf32, #tpu.memory_space<hbm>>) dst(%arg27 : memref<80x128xf32, #tpu.memory_space<vmem>>)
    "tpu.region"() ({
      %run_scoped3A = tpu.sem_alloc : memref<!tpu.dma_semaphore, #tpu.memory_space<semaphore_mem>>
      %dma_start3A_196 = arith.constant 0 : i32
      %dma_start3A_197 = tpu.memref_slice %arg6[%add3A_179, %dma_start3A_196] : memref<320000x128xf32, #tpu.memory_space<hbm>> -> memref<80x128xf32, #tpu.memory_space<hbm>>
      %dma_start3A_198 = arith.constant 0 : i32
      %dma_start3A_199 = tpu.memref_slice %arg6[%add3A_179, %dma_start3A_198] : memref<320000x128xf32, #tpu.memory_space<hbm>> -> memref<80x128xf32, #tpu.memory_space<hbm>>
      tpu.enqueue_dma source(%arg22 : memref<80x128xf32, #tpu.memory_space<vmem>>) target(%dma_start3A_199 : memref<80x128xf32, #tpu.memory_space<hbm>>) target_semaphore(%run_scoped3A : memref<!tpu.dma_semaphore, #tpu.memory_space<semaphore_mem>>)
      %dma_wait3A_200 = arith.constant 0 : i32
      %dma_wait3A_201 = tpu.memref_slice %arg6[%add3A_179, %dma_wait3A_200] : memref<320000x128xf32, #tpu.memory_space<hbm>> -> memref<80x128xf32, #tpu.memory_space<hbm>>
      %dma_wait3A_202 = arith.constant 0 : i32
      %dma_wait3A_203 = tpu.memref_slice %arg6[%add3A_179, %dma_wait3A_202] : memref<320000x128xf32, #tpu.memory_space<hbm>> -> memref<80x128xf32, #tpu.memory_space<hbm>>
      tpu.wait_dma2 semaphore(%run_scoped3A : memref<!tpu.dma_semaphore, #tpu.memory_space<semaphore_mem>>) src(%arg22 : memref<80x128xf32, #tpu.memory_space<vmem>>) dst(%dma_wait3A_203 : memref<80x128xf32, #tpu.memory_space<hbm>>)
      tpu.yield
    }) : () -> ()
    "tpu.region"() ({
      %run_scoped3A = tpu.sem_alloc : memref<!tpu.dma_semaphore, #tpu.memory_space<semaphore_mem>>
      %dma_start3A_196 = arith.constant 0 : i32
      %dma_start3A_197 = tpu.memref_slice %arg7[%add3A_179, %dma_start3A_196] : memref<320000x128xf32, #tpu.memory_space<hbm>> -> memref<80x128xf32, #tpu.memory_space<hbm>>
      %dma_start3A_198 = arith.constant 0 : i32
      %dma_start3A_199 = tpu.memref_slice %arg7[%add3A_179, %dma_start3A_198] : memref<320000x128xf32, #tpu.memory_space<hbm>> -> memref<80x128xf32, #tpu.memory_space<hbm>>
      tpu.enqueue_dma source(%arg27 : memref<80x128xf32, #tpu.memory_space<vmem>>) target(%dma_start3A_199 : memref<80x128xf32, #tpu.memory_space<hbm>>) target_semaphore(%run_scoped3A : memref<!tpu.dma_semaphore, #tpu.memory_space<semaphore_mem>>)
      %dma_wait3A_200 = arith.constant 0 : i32
      %dma_wait3A_201 = tpu.memref_slice %arg7[%add3A_179, %dma_wait3A_200] : memref<320000x128xf32, #tpu.memory_space<hbm>> -> memref<80x128xf32, #tpu.memory_space<hbm>>
      %dma_wait3A_202 = arith.constant 0 : i32
      %dma_wait3A_203 = tpu.memref_slice %arg7[%add3A_179, %dma_wait3A_202] : memref<320000x128xf32, #tpu.memory_space<hbm>> -> memref<80x128xf32, #tpu.memory_space<hbm>>
      tpu.wait_dma2 semaphore(%run_scoped3A : memref<!tpu.dma_semaphore, #tpu.memory_space<semaphore_mem>>) src(%arg27 : memref<80x128xf32, #tpu.memory_space<vmem>>) dst(%dma_wait3A_203 : memref<80x128xf32, #tpu.memory_space<hbm>>)
      tpu.yield
    }) : () -> ()
    %add3A_186 = arith.constant 9920 : i32
    %add3A_187 = arith.addi %mul3A_2, %add3A_186 : i32
    %dma_wait3A_188 = arith.constant 0 : i32
    %dma_wait3A_189 = arith.constant 0 : i32
    %dma_wait3A_190 = tpu.memref_slice %arg2[%dma_wait3A_188, %dma_wait3A_189] : memref<10000x128xf32, #tpu.memory_space<hbm>> -> memref<10000x128xf32, #tpu.memory_space<hbm>>
    tpu.wait_indirect_dma semaphore(%arg33 : memref<!tpu.dma_semaphore, #tpu.memory_space<semaphore_mem>>) src(%dma_wait3A_190 : memref<10000x128xf32, #tpu.memory_space<hbm>>) dst(%arg23 : memref<80x128xf32, #tpu.memory_space<vmem>>)
    %dma_wait3A_191 = arith.constant 0 : i32
    %dma_wait3A_192 = arith.constant 0 : i32
    %dma_wait3A_193 = tpu.memref_slice %arg3[%dma_wait3A_191, %dma_wait3A_192] : memref<10000x128xf32, #tpu.memory_space<hbm>> -> memref<10000x128xf32, #tpu.memory_space<hbm>>
    tpu.wait_indirect_dma semaphore(%arg33 : memref<!tpu.dma_semaphore, #tpu.memory_space<semaphore_mem>>) src(%dma_wait3A_193 : memref<10000x128xf32, #tpu.memory_space<hbm>>) dst(%arg28 : memref<80x128xf32, #tpu.memory_space<vmem>>)
    "tpu.region"() ({
      %run_scoped3A = tpu.sem_alloc : memref<!tpu.dma_semaphore, #tpu.memory_space<semaphore_mem>>
      %dma_start3A_196 = arith.constant 0 : i32
      %dma_start3A_197 = tpu.memref_slice %arg6[%add3A_187, %dma_start3A_196] : memref<320000x128xf32, #tpu.memory_space<hbm>> -> memref<80x128xf32, #tpu.memory_space<hbm>>
      %dma_start3A_198 = arith.constant 0 : i32
      %dma_start3A_199 = tpu.memref_slice %arg6[%add3A_187, %dma_start3A_198] : memref<320000x128xf32, #tpu.memory_space<hbm>> -> memref<80x128xf32, #tpu.memory_space<hbm>>
      tpu.enqueue_dma source(%arg23 : memref<80x128xf32, #tpu.memory_space<vmem>>) target(%dma_start3A_199 : memref<80x128xf32, #tpu.memory_space<hbm>>) target_semaphore(%run_scoped3A : memref<!tpu.dma_semaphore, #tpu.memory_space<semaphore_mem>>)
      %dma_wait3A_200 = arith.constant 0 : i32
      %dma_wait3A_201 = tpu.memref_slice %arg6[%add3A_187, %dma_wait3A_200] : memref<320000x128xf32, #tpu.memory_space<hbm>> -> memref<80x128xf32, #tpu.memory_space<hbm>>
      %dma_wait3A_202 = arith.constant 0 : i32
      %dma_wait3A_203 = tpu.memref_slice %arg6[%add3A_187, %dma_wait3A_202] : memref<320000x128xf32, #tpu.memory_space<hbm>> -> memref<80x128xf32, #tpu.memory_space<hbm>>
      tpu.wait_dma2 semaphore(%run_scoped3A : memref<!tpu.dma_semaphore, #tpu.memory_space<semaphore_mem>>) src(%arg23 : memref<80x128xf32, #tpu.memory_space<vmem>>) dst(%dma_wait3A_203 : memref<80x128xf32, #tpu.memory_space<hbm>>)
      tpu.yield
    }) : () -> ()
    "tpu.region"() ({
      %run_scoped3A = tpu.sem_alloc : memref<!tpu.dma_semaphore, #tpu.memory_space<semaphore_mem>>
      %dma_start3A_196 = arith.constant 0 : i32
      %dma_start3A_197 = tpu.memref_slice %arg7[%add3A_187, %dma_start3A_196] : memref<320000x128xf32, #tpu.memory_space<hbm>> -> memref<80x128xf32, #tpu.memory_space<hbm>>
      %dma_start3A_198 = arith.constant 0 : i32
      %dma_start3A_199 = tpu.memref_slice %arg7[%add3A_187, %dma_start3A_198] : memref<320000x128xf32, #tpu.memory_space<hbm>> -> memref<80x128xf32, #tpu.memory_space<hbm>>
      tpu.enqueue_dma source(%arg28 : memref<80x128xf32, #tpu.memory_space<vmem>>) target(%dma_start3A_199 : memref<80x128xf32, #tpu.memory_space<hbm>>) target_semaphore(%run_scoped3A : memref<!tpu.dma_semaphore, #tpu.memory_space<semaphore_mem>>)
      %dma_wait3A_200 = arith.constant 0 : i32
      %dma_wait3A_201 = tpu.memref_slice %arg7[%add3A_187, %dma_wait3A_200] : memref<320000x128xf32, #tpu.memory_space<hbm>> -> memref<80x128xf32, #tpu.memory_space<hbm>>
      %dma_wait3A_202 = arith.constant 0 : i32
      %dma_wait3A_203 = tpu.memref_slice %arg7[%add3A_187, %dma_wait3A_202] : memref<320000x128xf32, #tpu.memory_space<hbm>> -> memref<80x128xf32, #tpu.memory_space<hbm>>
      tpu.wait_dma2 semaphore(%run_scoped3A : memref<!tpu.dma_semaphore, #tpu.memory_space<semaphore_mem>>) src(%arg28 : memref<80x128xf32, #tpu.memory_space<vmem>>) dst(%dma_wait3A_203 : memref<80x128xf32, #tpu.memory_space<hbm>>)
      tpu.yield
    }) : () -> ()
    %mul3A_194 = arith.constant 10240 : i32
    %mul3A_195 = arith.muli %add3A, %mul3A_194 : i32
    "tpu.region"() ({
      %run_scoped3A = tpu.sem_alloc : memref<!tpu.dma_semaphore, #tpu.memory_space<semaphore_mem>>
      %dma_start3A_196 = tpu.memref_slice %arg8[%mul3A_195] : memref<327680xf32, #tpu.memory_space<hbm>> -> memref<10240xf32, #tpu.memory_space<hbm>>
      %dma_start3A_197 = tpu.memref_slice %arg8[%mul3A_195] : memref<327680xf32, #tpu.memory_space<hbm>> -> memref<10240xf32, #tpu.memory_space<hbm>>
      tpu.enqueue_dma source(%arg39 : memref<10240xf32, #tpu.memory_space<vmem>>) target(%dma_start3A_197 : memref<10240xf32, #tpu.memory_space<hbm>>) target_semaphore(%run_scoped3A : memref<!tpu.dma_semaphore, #tpu.memory_space<semaphore_mem>>)
      %dma_wait3A_198 = tpu.memref_slice %arg8[%mul3A_195] : memref<327680xf32, #tpu.memory_space<hbm>> -> memref<10240xf32, #tpu.memory_space<hbm>>
      %dma_wait3A_199 = tpu.memref_slice %arg8[%mul3A_195] : memref<327680xf32, #tpu.memory_space<hbm>> -> memref<10240xf32, #tpu.memory_space<hbm>>
      tpu.wait_dma2 semaphore(%run_scoped3A : memref<!tpu.dma_semaphore, #tpu.memory_space<semaphore_mem>>) src(%arg39 : memref<10240xf32, #tpu.memory_space<vmem>>) dst(%dma_wait3A_199 : memref<10240xf32, #tpu.memory_space<hbm>>)
      tpu.yield
    }) : () -> ()
    return
  }
}

#map = affine_map<(d0, d1) -> (0, 0)>
#map1 = affine_map<(d0, d1) -> (0)>
module attributes {stable_mosaic.version = 14 : i64} {
  func.func @scat_k(%arg0: i32, %arg1: i32, %arg2: memref<320000x128xf32, #tpu.memory_space<hbm>>, %arg3: memref<320000x128xf32, #tpu.memory_space<hbm>>, %arg4: memref<320000xi32, #tpu.memory_space<hbm>>, %arg5: memref<320000xi32, #tpu.memory_space<hbm>>, %arg6: memref<40x128xf32, #tpu.memory_space<hbm>>, %arg7: memref<10240xi32, #tpu.memory_space<hbm>>, %arg8: memref<20480x128xf32, #tpu.memory_space<hbm>>, %arg9: memref<40xi32, #tpu.memory_space<vmem>>, %arg10: memref<40xi32, #tpu.memory_space<vmem>>, %arg11: memref<40xi32, #tpu.memory_space<vmem>>, %arg12: memref<40xi32, #tpu.memory_space<vmem>>, %arg13: memref<40xi32, #tpu.memory_space<vmem>>, %arg14: memref<40xi32, #tpu.memory_space<vmem>>, %arg15: memref<40xi32, #tpu.memory_space<vmem>>, %arg16: memref<40xi32, #tpu.memory_space<vmem>>, %arg17: memref<40x128xf32, #tpu.memory_space<vmem>>, %arg18: memref<40x128xf32, #tpu.memory_space<vmem>>, %arg19: memref<40x128xf32, #tpu.memory_space<vmem>>, %arg20: memref<40x128xf32, #tpu.memory_space<vmem>>, %arg21: memref<40x128xf32, #tpu.memory_space<vmem>>, %arg22: memref<40x128xf32, #tpu.memory_space<vmem>>, %arg23: memref<40x128xf32, #tpu.memory_space<vmem>>, %arg24: memref<40x128xf32, #tpu.memory_space<vmem>>, %arg25: memref<!tpu.dma_semaphore, #tpu.memory_space<semaphore_mem>>, %arg26: memref<!tpu.dma_semaphore, #tpu.memory_space<semaphore_mem>>, %arg27: memref<!tpu.dma_semaphore, #tpu.memory_space<semaphore_mem>>, %arg28: memref<!tpu.dma_semaphore, #tpu.memory_space<semaphore_mem>>, %arg29: memref<!tpu.dma_semaphore, #tpu.memory_space<semaphore_mem>>, %arg30: memref<!tpu.dma_semaphore, #tpu.memory_space<semaphore_mem>>, %arg31: memref<!tpu.dma_semaphore, #tpu.memory_space<semaphore_mem>>, %arg32: memref<!tpu.dma_semaphore, #tpu.memory_space<semaphore_mem>>, %arg33: memref<10240x128xf32, #tpu.memory_space<vmem_shared>>) attributes {dimension_semantics = [#tpu.dimension_semantics<core_parallel>, #tpu.dimension_semantics<subcore_parallel>], iteration_bounds = array<i64: 2, 16>, scalar_prefetch = 0 : i64, scratch_operands = 25 : i64, tpu.core_type = #tpu.core_type<sc_vector_subcore>, window_params = [{transform_indices = #map}, {transform_indices = #map}, {transform_indices = #map1}, {transform_indices = #map1}, {transform_indices = #map}, {transform_indices = #map1}, {transform_indices = #map}]} {
    %mul3A = arith.constant 2 : i32
    %mul3A_0 = arith.muli %arg1, %mul3A : i32
    %add3A = arith.addi %mul3A_0, %arg0 : i32
    %mul3A_1 = arith.constant 10000 : i32
    %mul3A_2 = arith.muli %add3A, %mul3A_1 : i32
    "tpu.region"() ({
      %run_scoped3A = tpu.sem_alloc : memref<!tpu.dma_semaphore, #tpu.memory_space<semaphore_mem>>
      tpu.enqueue_dma source(%arg6 : memref<40x128xf32, #tpu.memory_space<hbm>>) target(%arg17 : memref<40x128xf32, #tpu.memory_space<vmem>>) target_semaphore(%run_scoped3A : memref<!tpu.dma_semaphore, #tpu.memory_space<semaphore_mem>>)
      tpu.wait_dma2 semaphore(%run_scoped3A : memref<!tpu.dma_semaphore, #tpu.memory_space<semaphore_mem>>) src(%arg6 : memref<40x128xf32, #tpu.memory_space<hbm>>) dst(%arg17 : memref<40x128xf32, #tpu.memory_space<vmem>>)
      tpu.yield
    }) : () -> ()
    %scan3A = arith.constant 0 : i32
    %scan3A_3 = arith.constant 0 : i32
    %scan3A_4 = arith.constant 16 : i32
    %scan3A_5 = arith.addi %scan3A_3, %scan3A_4 : i32
    %scan3A_6 = arith.constant 1 : i32
    scf.for %scan3A_207 = %scan3A_3 to %scan3A_5 step %scan3A_6  : i32 {
      %mul3A_208 = arith.constant 640 : i32
      %mul3A_209 = arith.muli %arg1, %mul3A_208 : i32
      %mul3A_210 = arith.constant 40 : i32
      %mul3A_211 = arith.muli %scan3A_207, %mul3A_210 : i32
      %add3A_212 = arith.addi %mul3A_209, %mul3A_211 : i32
      "tpu.region"() ({
        %run_scoped3A = tpu.sem_alloc : memref<!tpu.dma_semaphore, #tpu.memory_space<semaphore_mem>>
        %dma_start3A_213 = tpu.memref_slice %arg7[%add3A_212] : memref<10240xi32, #tpu.memory_space<hbm>> -> memref<40xi32, #tpu.memory_space<hbm>>
        %dma_start3A_214 = tpu.memref_slice %arg7[%add3A_212] : memref<10240xi32, #tpu.memory_space<hbm>> -> memref<40xi32, #tpu.memory_space<hbm>>
        tpu.enqueue_dma source(%dma_start3A_214 : memref<40xi32, #tpu.memory_space<hbm>>) target(%arg9 : memref<40xi32, #tpu.memory_space<vmem>>) target_semaphore(%run_scoped3A : memref<!tpu.dma_semaphore, #tpu.memory_space<semaphore_mem>>)
        %dma_wait3A_215 = tpu.memref_slice %arg7[%add3A_212] : memref<10240xi32, #tpu.memory_space<hbm>> -> memref<40xi32, #tpu.memory_space<hbm>>
        %dma_wait3A_216 = tpu.memref_slice %arg7[%add3A_212] : memref<10240xi32, #tpu.memory_space<hbm>> -> memref<40xi32, #tpu.memory_space<hbm>>
        tpu.wait_dma2 semaphore(%run_scoped3A : memref<!tpu.dma_semaphore, #tpu.memory_space<semaphore_mem>>) src(%dma_wait3A_216 : memref<40xi32, #tpu.memory_space<hbm>>) dst(%arg9 : memref<40xi32, #tpu.memory_space<vmem>>)
        tpu.yield
      }) : () -> ()
      "tpu.region"() ({
        %run_scoped3A = tpu.sem_alloc : memref<!tpu.dma_semaphore, #tpu.memory_space<semaphore_mem>>
        %dma_start3A_213 = arith.constant 0 : i32
        %dma_start3A_214 = arith.constant 0 : i32
        %dma_start3A_215 = tpu.memref_slice %arg33[%dma_start3A_213, %dma_start3A_214] : memref<10240x128xf32, #tpu.memory_space<vmem_shared>> -> memref<10240x128xf32, #tpu.memory_space<vmem_shared>>
        tpu.enqueue_indirect_dma source(%arg17 : memref<40x128xf32, #tpu.memory_space<vmem>>) target(%dma_start3A_215 : memref<10240x128xf32, #tpu.memory_space<vmem_shared>>) offsets(%arg9 : memref<40xi32, #tpu.memory_space<vmem>>) semaphore(%run_scoped3A : memref<!tpu.dma_semaphore, #tpu.memory_space<semaphore_mem>>)
        %dma_wait3A_216 = arith.constant 0 : i32
        %dma_wait3A_217 = arith.constant 0 : i32
        %dma_wait3A_218 = tpu.memref_slice %arg33[%dma_wait3A_216, %dma_wait3A_217] : memref<10240x128xf32, #tpu.memory_space<vmem_shared>> -> memref<10240x128xf32, #tpu.memory_space<vmem_shared>>
        tpu.wait_indirect_dma semaphore(%run_scoped3A : memref<!tpu.dma_semaphore, #tpu.memory_space<semaphore_mem>>) src(%arg17 : memref<40x128xf32, #tpu.memory_space<vmem>>) dst(%dma_wait3A_218 : memref<10240x128xf32, #tpu.memory_space<vmem_shared>>)
        tpu.yield
      }) : () -> ()
    }
    %scan3A_7 = arith.constant 16 : i32
    %barrier3A = arith.constant 0 : index
    tpu.barrier barrier_id(%barrier3A)
    %add3A_8 = arith.constant 0 : i32
    %add3A_9 = arith.addi %mul3A_2, %add3A_8 : i32
    %dma_start3A = tpu.memref_slice %arg4[%add3A_9] : memref<320000xi32, #tpu.memory_space<hbm>> -> memref<40xi32, #tpu.memory_space<hbm>>
    %dma_start3A_10 = tpu.memref_slice %arg4[%add3A_9] : memref<320000xi32, #tpu.memory_space<hbm>> -> memref<40xi32, #tpu.memory_space<hbm>>
    tpu.enqueue_dma source(%dma_start3A_10 : memref<40xi32, #tpu.memory_space<hbm>>) target(%arg9 : memref<40xi32, #tpu.memory_space<vmem>>) target_semaphore(%arg25 : memref<!tpu.dma_semaphore, #tpu.memory_space<semaphore_mem>>)
    %dma_start3A_11 = arith.constant 0 : i32
    %dma_start3A_12 = tpu.memref_slice %arg2[%add3A_9, %dma_start3A_11] : memref<320000x128xf32, #tpu.memory_space<hbm>> -> memref<40x128xf32, #tpu.memory_space<hbm>>
    %dma_start3A_13 = arith.constant 0 : i32
    %dma_start3A_14 = tpu.memref_slice %arg2[%add3A_9, %dma_start3A_13] : memref<320000x128xf32, #tpu.memory_space<hbm>> -> memref<40x128xf32, #tpu.memory_space<hbm>>
    tpu.enqueue_dma source(%dma_start3A_14 : memref<40x128xf32, #tpu.memory_space<hbm>>) target(%arg17 : memref<40x128xf32, #tpu.memory_space<vmem>>) target_semaphore(%arg25 : memref<!tpu.dma_semaphore, #tpu.memory_space<semaphore_mem>>)
    %dma_start3A_15 = tpu.memref_slice %arg5[%add3A_9] : memref<320000xi32, #tpu.memory_space<hbm>> -> memref<40xi32, #tpu.memory_space<hbm>>
    %dma_start3A_16 = tpu.memref_slice %arg5[%add3A_9] : memref<320000xi32, #tpu.memory_space<hbm>> -> memref<40xi32, #tpu.memory_space<hbm>>
    tpu.enqueue_dma source(%dma_start3A_16 : memref<40xi32, #tpu.memory_space<hbm>>) target(%arg13 : memref<40xi32, #tpu.memory_space<vmem>>) target_semaphore(%arg25 : memref<!tpu.dma_semaphore, #tpu.memory_space<semaphore_mem>>)
    %dma_start3A_17 = arith.constant 0 : i32
    %dma_start3A_18 = tpu.memref_slice %arg3[%add3A_9, %dma_start3A_17] : memref<320000x128xf32, #tpu.memory_space<hbm>> -> memref<40x128xf32, #tpu.memory_space<hbm>>
    %dma_start3A_19 = arith.constant 0 : i32
    %dma_start3A_20 = tpu.memref_slice %arg3[%add3A_9, %dma_start3A_19] : memref<320000x128xf32, #tpu.memory_space<hbm>> -> memref<40x128xf32, #tpu.memory_space<hbm>>
    tpu.enqueue_dma source(%dma_start3A_20 : memref<40x128xf32, #tpu.memory_space<hbm>>) target(%arg21 : memref<40x128xf32, #tpu.memory_space<vmem>>) target_semaphore(%arg25 : memref<!tpu.dma_semaphore, #tpu.memory_space<semaphore_mem>>)
    %add3A_21 = arith.constant 40 : i32
    %add3A_22 = arith.addi %mul3A_2, %add3A_21 : i32
    %dma_start3A_23 = tpu.memref_slice %arg4[%add3A_22] : memref<320000xi32, #tpu.memory_space<hbm>> -> memref<40xi32, #tpu.memory_space<hbm>>
    %dma_start3A_24 = tpu.memref_slice %arg4[%add3A_22] : memref<320000xi32, #tpu.memory_space<hbm>> -> memref<40xi32, #tpu.memory_space<hbm>>
    tpu.enqueue_dma source(%dma_start3A_24 : memref<40xi32, #tpu.memory_space<hbm>>) target(%arg10 : memref<40xi32, #tpu.memory_space<vmem>>) target_semaphore(%arg26 : memref<!tpu.dma_semaphore, #tpu.memory_space<semaphore_mem>>)
    %dma_start3A_25 = arith.constant 0 : i32
    %dma_start3A_26 = tpu.memref_slice %arg2[%add3A_22, %dma_start3A_25] : memref<320000x128xf32, #tpu.memory_space<hbm>> -> memref<40x128xf32, #tpu.memory_space<hbm>>
    %dma_start3A_27 = arith.constant 0 : i32
    %dma_start3A_28 = tpu.memref_slice %arg2[%add3A_22, %dma_start3A_27] : memref<320000x128xf32, #tpu.memory_space<hbm>> -> memref<40x128xf32, #tpu.memory_space<hbm>>
    tpu.enqueue_dma source(%dma_start3A_28 : memref<40x128xf32, #tpu.memory_space<hbm>>) target(%arg18 : memref<40x128xf32, #tpu.memory_space<vmem>>) target_semaphore(%arg26 : memref<!tpu.dma_semaphore, #tpu.memory_space<semaphore_mem>>)
    %dma_start3A_29 = tpu.memref_slice %arg5[%add3A_22] : memref<320000xi32, #tpu.memory_space<hbm>> -> memref<40xi32, #tpu.memory_space<hbm>>
    %dma_start3A_30 = tpu.memref_slice %arg5[%add3A_22] : memref<320000xi32, #tpu.memory_space<hbm>> -> memref<40xi32, #tpu.memory_space<hbm>>
    tpu.enqueue_dma source(%dma_start3A_30 : memref<40xi32, #tpu.memory_space<hbm>>) target(%arg14 : memref<40xi32, #tpu.memory_space<vmem>>) target_semaphore(%arg26 : memref<!tpu.dma_semaphore, #tpu.memory_space<semaphore_mem>>)
    %dma_start3A_31 = arith.constant 0 : i32
    %dma_start3A_32 = tpu.memref_slice %arg3[%add3A_22, %dma_start3A_31] : memref<320000x128xf32, #tpu.memory_space<hbm>> -> memref<40x128xf32, #tpu.memory_space<hbm>>
    %dma_start3A_33 = arith.constant 0 : i32
    %dma_start3A_34 = tpu.memref_slice %arg3[%add3A_22, %dma_start3A_33] : memref<320000x128xf32, #tpu.memory_space<hbm>> -> memref<40x128xf32, #tpu.memory_space<hbm>>
    tpu.enqueue_dma source(%dma_start3A_34 : memref<40x128xf32, #tpu.memory_space<hbm>>) target(%arg22 : memref<40x128xf32, #tpu.memory_space<vmem>>) target_semaphore(%arg26 : memref<!tpu.dma_semaphore, #tpu.memory_space<semaphore_mem>>)
    %add3A_35 = arith.constant 80 : i32
    %add3A_36 = arith.addi %mul3A_2, %add3A_35 : i32
    %dma_start3A_37 = tpu.memref_slice %arg4[%add3A_36] : memref<320000xi32, #tpu.memory_space<hbm>> -> memref<40xi32, #tpu.memory_space<hbm>>
    %dma_start3A_38 = tpu.memref_slice %arg4[%add3A_36] : memref<320000xi32, #tpu.memory_space<hbm>> -> memref<40xi32, #tpu.memory_space<hbm>>
    tpu.enqueue_dma source(%dma_start3A_38 : memref<40xi32, #tpu.memory_space<hbm>>) target(%arg11 : memref<40xi32, #tpu.memory_space<vmem>>) target_semaphore(%arg27 : memref<!tpu.dma_semaphore, #tpu.memory_space<semaphore_mem>>)
    %dma_start3A_39 = arith.constant 0 : i32
    %dma_start3A_40 = tpu.memref_slice %arg2[%add3A_36, %dma_start3A_39] : memref<320000x128xf32, #tpu.memory_space<hbm>> -> memref<40x128xf32, #tpu.memory_space<hbm>>
    %dma_start3A_41 = arith.constant 0 : i32
    %dma_start3A_42 = tpu.memref_slice %arg2[%add3A_36, %dma_start3A_41] : memref<320000x128xf32, #tpu.memory_space<hbm>> -> memref<40x128xf32, #tpu.memory_space<hbm>>
    tpu.enqueue_dma source(%dma_start3A_42 : memref<40x128xf32, #tpu.memory_space<hbm>>) target(%arg19 : memref<40x128xf32, #tpu.memory_space<vmem>>) target_semaphore(%arg27 : memref<!tpu.dma_semaphore, #tpu.memory_space<semaphore_mem>>)
    %dma_start3A_43 = tpu.memref_slice %arg5[%add3A_36] : memref<320000xi32, #tpu.memory_space<hbm>> -> memref<40xi32, #tpu.memory_space<hbm>>
    %dma_start3A_44 = tpu.memref_slice %arg5[%add3A_36] : memref<320000xi32, #tpu.memory_space<hbm>> -> memref<40xi32, #tpu.memory_space<hbm>>
    tpu.enqueue_dma source(%dma_start3A_44 : memref<40xi32, #tpu.memory_space<hbm>>) target(%arg15 : memref<40xi32, #tpu.memory_space<vmem>>) target_semaphore(%arg27 : memref<!tpu.dma_semaphore, #tpu.memory_space<semaphore_mem>>)
    %dma_start3A_45 = arith.constant 0 : i32
    %dma_start3A_46 = tpu.memref_slice %arg3[%add3A_36, %dma_start3A_45] : memref<320000x128xf32, #tpu.memory_space<hbm>> -> memref<40x128xf32, #tpu.memory_space<hbm>>
    %dma_start3A_47 = arith.constant 0 : i32
    %dma_start3A_48 = tpu.memref_slice %arg3[%add3A_36, %dma_start3A_47] : memref<320000x128xf32, #tpu.memory_space<hbm>> -> memref<40x128xf32, #tpu.memory_space<hbm>>
    tpu.enqueue_dma source(%dma_start3A_48 : memref<40x128xf32, #tpu.memory_space<hbm>>) target(%arg23 : memref<40x128xf32, #tpu.memory_space<vmem>>) target_semaphore(%arg27 : memref<!tpu.dma_semaphore, #tpu.memory_space<semaphore_mem>>)
    %add3A_49 = arith.constant 120 : i32
    %add3A_50 = arith.addi %mul3A_2, %add3A_49 : i32
    %dma_start3A_51 = tpu.memref_slice %arg4[%add3A_50] : memref<320000xi32, #tpu.memory_space<hbm>> -> memref<40xi32, #tpu.memory_space<hbm>>
    %dma_start3A_52 = tpu.memref_slice %arg4[%add3A_50] : memref<320000xi32, #tpu.memory_space<hbm>> -> memref<40xi32, #tpu.memory_space<hbm>>
    tpu.enqueue_dma source(%dma_start3A_52 : memref<40xi32, #tpu.memory_space<hbm>>) target(%arg12 : memref<40xi32, #tpu.memory_space<vmem>>) target_semaphore(%arg28 : memref<!tpu.dma_semaphore, #tpu.memory_space<semaphore_mem>>)
    %dma_start3A_53 = arith.constant 0 : i32
    %dma_start3A_54 = tpu.memref_slice %arg2[%add3A_50, %dma_start3A_53] : memref<320000x128xf32, #tpu.memory_space<hbm>> -> memref<40x128xf32, #tpu.memory_space<hbm>>
    %dma_start3A_55 = arith.constant 0 : i32
    %dma_start3A_56 = tpu.memref_slice %arg2[%add3A_50, %dma_start3A_55] : memref<320000x128xf32, #tpu.memory_space<hbm>> -> memref<40x128xf32, #tpu.memory_space<hbm>>
    tpu.enqueue_dma source(%dma_start3A_56 : memref<40x128xf32, #tpu.memory_space<hbm>>) target(%arg20 : memref<40x128xf32, #tpu.memory_space<vmem>>) target_semaphore(%arg28 : memref<!tpu.dma_semaphore, #tpu.memory_space<semaphore_mem>>)
    %dma_start3A_57 = tpu.memref_slice %arg5[%add3A_50] : memref<320000xi32, #tpu.memory_space<hbm>> -> memref<40xi32, #tpu.memory_space<hbm>>
    %dma_start3A_58 = tpu.memref_slice %arg5[%add3A_50] : memref<320000xi32, #tpu.memory_space<hbm>> -> memref<40xi32, #tpu.memory_space<hbm>>
    tpu.enqueue_dma source(%dma_start3A_58 : memref<40xi32, #tpu.memory_space<hbm>>) target(%arg16 : memref<40xi32, #tpu.memory_space<vmem>>) target_semaphore(%arg28 : memref<!tpu.dma_semaphore, #tpu.memory_space<semaphore_mem>>)
    %dma_start3A_59 = arith.constant 0 : i32
    %dma_start3A_60 = tpu.memref_slice %arg3[%add3A_50, %dma_start3A_59] : memref<320000x128xf32, #tpu.memory_space<hbm>> -> memref<40x128xf32, #tpu.memory_space<hbm>>
    %dma_start3A_61 = arith.constant 0 : i32
    %dma_start3A_62 = tpu.memref_slice %arg3[%add3A_50, %dma_start3A_61] : memref<320000x128xf32, #tpu.memory_space<hbm>> -> memref<40x128xf32, #tpu.memory_space<hbm>>
    tpu.enqueue_dma source(%dma_start3A_62 : memref<40x128xf32, #tpu.memory_space<hbm>>) target(%arg24 : memref<40x128xf32, #tpu.memory_space<vmem>>) target_semaphore(%arg28 : memref<!tpu.dma_semaphore, #tpu.memory_space<semaphore_mem>>)
    %scan3A_63 = arith.constant 0 : i32
    %scan3A_64 = arith.constant 1 : i32
    %scan3A_65 = arith.constant 61 : i32
    %scan3A_66 = arith.addi %scan3A_64, %scan3A_65 : i32
    %scan3A_67 = arith.constant 1 : i32
    scf.for %scan3A_207 = %scan3A_64 to %scan3A_66 step %scan3A_67  : i32 {
      %mul3A_208 = arith.constant 4 : i32
      %mul3A_209 = arith.muli %scan3A_207, %mul3A_208 : i32
      %add3A_210 = arith.constant 0 : i32
      %add3A_211 = arith.addi %mul3A_209, %add3A_210 : i32
      %mul3A_212 = arith.constant 40 : i32
      %mul3A_213 = arith.muli %add3A_211, %mul3A_212 : i32
      %add3A_214 = arith.addi %mul3A_2, %mul3A_213 : i32
      %sub3A = arith.constant 160 : i32
      %sub3A_215 = arith.subi %add3A_214, %sub3A : i32
      %dma_wait3A_216 = tpu.memref_slice %arg4[%sub3A_215] : memref<320000xi32, #tpu.memory_space<hbm>> -> memref<40xi32, #tpu.memory_space<hbm>>
      %dma_wait3A_217 = tpu.memref_slice %arg4[%sub3A_215] : memref<320000xi32, #tpu.memory_space<hbm>> -> memref<40xi32, #tpu.memory_space<hbm>>
      tpu.wait_dma2 semaphore(%arg25 : memref<!tpu.dma_semaphore, #tpu.memory_space<semaphore_mem>>) src(%dma_wait3A_217 : memref<40xi32, #tpu.memory_space<hbm>>) dst(%arg9 : memref<40xi32, #tpu.memory_space<vmem>>)
      %dma_wait3A_218 = arith.constant 0 : i32
      %dma_wait3A_219 = tpu.memref_slice %arg2[%sub3A_215, %dma_wait3A_218] : memref<320000x128xf32, #tpu.memory_space<hbm>> -> memref<40x128xf32, #tpu.memory_space<hbm>>
      %dma_wait3A_220 = arith.constant 0 : i32
      %dma_wait3A_221 = tpu.memref_slice %arg2[%sub3A_215, %dma_wait3A_220] : memref<320000x128xf32, #tpu.memory_space<hbm>> -> memref<40x128xf32, #tpu.memory_space<hbm>>
      tpu.wait_dma2 semaphore(%arg25 : memref<!tpu.dma_semaphore, #tpu.memory_space<semaphore_mem>>) src(%dma_wait3A_221 : memref<40x128xf32, #tpu.memory_space<hbm>>) dst(%arg17 : memref<40x128xf32, #tpu.memory_space<vmem>>)
      %dma_wait3A_222 = tpu.memref_slice %arg5[%sub3A_215] : memref<320000xi32, #tpu.memory_space<hbm>> -> memref<40xi32, #tpu.memory_space<hbm>>
      %dma_wait3A_223 = tpu.memref_slice %arg5[%sub3A_215] : memref<320000xi32, #tpu.memory_space<hbm>> -> memref<40xi32, #tpu.memory_space<hbm>>
      tpu.wait_dma2 semaphore(%arg25 : memref<!tpu.dma_semaphore, #tpu.memory_space<semaphore_mem>>) src(%dma_wait3A_223 : memref<40xi32, #tpu.memory_space<hbm>>) dst(%arg13 : memref<40xi32, #tpu.memory_space<vmem>>)
      %dma_wait3A_224 = arith.constant 0 : i32
      %dma_wait3A_225 = tpu.memref_slice %arg3[%sub3A_215, %dma_wait3A_224] : memref<320000x128xf32, #tpu.memory_space<hbm>> -> memref<40x128xf32, #tpu.memory_space<hbm>>
      %dma_wait3A_226 = arith.constant 0 : i32
      %dma_wait3A_227 = tpu.memref_slice %arg3[%sub3A_215, %dma_wait3A_226] : memref<320000x128xf32, #tpu.memory_space<hbm>> -> memref<40x128xf32, #tpu.memory_space<hbm>>
      tpu.wait_dma2 semaphore(%arg25 : memref<!tpu.dma_semaphore, #tpu.memory_space<semaphore_mem>>) src(%dma_wait3A_227 : memref<40x128xf32, #tpu.memory_space<hbm>>) dst(%arg21 : memref<40x128xf32, #tpu.memory_space<vmem>>)
      %dma_start3A_228 = arith.constant 0 : i32
      %dma_start3A_229 = arith.constant 0 : i32
      %dma_start3A_230 = tpu.memref_slice %arg33[%dma_start3A_228, %dma_start3A_229] : memref<10240x128xf32, #tpu.memory_space<vmem_shared>> -> memref<10240x128xf32, #tpu.memory_space<vmem_shared>>
      tpu.enqueue_indirect_dma source(%arg17 : memref<40x128xf32, #tpu.memory_space<vmem>>) target(%dma_start3A_230 : memref<10240x128xf32, #tpu.memory_space<vmem_shared>>) offsets(%arg9 : memref<40xi32, #tpu.memory_space<vmem>>) semaphore(%arg29 : memref<!tpu.dma_semaphore, #tpu.memory_space<semaphore_mem>>) {add = true}
      %dma_start3A_231 = arith.constant 0 : i32
      %dma_start3A_232 = arith.constant 0 : i32
      %dma_start3A_233 = tpu.memref_slice %arg33[%dma_start3A_231, %dma_start3A_232] : memref<10240x128xf32, #tpu.memory_space<vmem_shared>> -> memref<10240x128xf32, #tpu.memory_space<vmem_shared>>
      tpu.enqueue_indirect_dma source(%arg21 : memref<40x128xf32, #tpu.memory_space<vmem>>) target(%dma_start3A_233 : memref<10240x128xf32, #tpu.memory_space<vmem_shared>>) offsets(%arg13 : memref<40xi32, #tpu.memory_space<vmem>>) semaphore(%arg29 : memref<!tpu.dma_semaphore, #tpu.memory_space<semaphore_mem>>) {add = true}
      %dma_wait3A_234 = arith.constant 0 : i32
      %dma_wait3A_235 = arith.constant 0 : i32
      %dma_wait3A_236 = tpu.memref_slice %arg33[%dma_wait3A_234, %dma_wait3A_235] : memref<10240x128xf32, #tpu.memory_space<vmem_shared>> -> memref<10240x128xf32, #tpu.memory_space<vmem_shared>>
      tpu.wait_indirect_dma semaphore(%arg29 : memref<!tpu.dma_semaphore, #tpu.memory_space<semaphore_mem>>) src(%arg17 : memref<40x128xf32, #tpu.memory_space<vmem>>) dst(%dma_wait3A_236 : memref<10240x128xf32, #tpu.memory_space<vmem_shared>>)
      %dma_wait3A_237 = arith.constant 0 : i32
      %dma_wait3A_238 = arith.constant 0 : i32
      %dma_wait3A_239 = tpu.memref_slice %arg33[%dma_wait3A_237, %dma_wait3A_238] : memref<10240x128xf32, #tpu.memory_space<vmem_shared>> -> memref<10240x128xf32, #tpu.memory_space<vmem_shared>>
      tpu.wait_indirect_dma semaphore(%arg29 : memref<!tpu.dma_semaphore, #tpu.memory_space<semaphore_mem>>) src(%arg21 : memref<40x128xf32, #tpu.memory_space<vmem>>) dst(%dma_wait3A_239 : memref<10240x128xf32, #tpu.memory_space<vmem_shared>>)
      %dma_start3A_240 = tpu.memref_slice %arg4[%add3A_214] : memref<320000xi32, #tpu.memory_space<hbm>> -> memref<40xi32, #tpu.memory_space<hbm>>
      %dma_start3A_241 = tpu.memref_slice %arg4[%add3A_214] : memref<320000xi32, #tpu.memory_space<hbm>> -> memref<40xi32, #tpu.memory_space<hbm>>
      tpu.enqueue_dma source(%dma_start3A_241 : memref<40xi32, #tpu.memory_space<hbm>>) target(%arg9 : memref<40xi32, #tpu.memory_space<vmem>>) target_semaphore(%arg25 : memref<!tpu.dma_semaphore, #tpu.memory_space<semaphore_mem>>)
      %dma_start3A_242 = arith.constant 0 : i32
      %dma_start3A_243 = tpu.memref_slice %arg2[%add3A_214, %dma_start3A_242] : memref<320000x128xf32, #tpu.memory_space<hbm>> -> memref<40x128xf32, #tpu.memory_space<hbm>>
      %dma_start3A_244 = arith.constant 0 : i32
      %dma_start3A_245 = tpu.memref_slice %arg2[%add3A_214, %dma_start3A_244] : memref<320000x128xf32, #tpu.memory_space<hbm>> -> memref<40x128xf32, #tpu.memory_space<hbm>>
      tpu.enqueue_dma source(%dma_start3A_245 : memref<40x128xf32, #tpu.memory_space<hbm>>) target(%arg17 : memref<40x128xf32, #tpu.memory_space<vmem>>) target_semaphore(%arg25 : memref<!tpu.dma_semaphore, #tpu.memory_space<semaphore_mem>>)
      %dma_start3A_246 = tpu.memref_slice %arg5[%add3A_214] : memref<320000xi32, #tpu.memory_space<hbm>> -> memref<40xi32, #tpu.memory_space<hbm>>
      %dma_start3A_247 = tpu.memref_slice %arg5[%add3A_214] : memref<320000xi32, #tpu.memory_space<hbm>> -> memref<40xi32, #tpu.memory_space<hbm>>
      tpu.enqueue_dma source(%dma_start3A_247 : memref<40xi32, #tpu.memory_space<hbm>>) target(%arg13 : memref<40xi32, #tpu.memory_space<vmem>>) target_semaphore(%arg25 : memref<!tpu.dma_semaphore, #tpu.memory_space<semaphore_mem>>)
      %dma_start3A_248 = arith.constant 0 : i32
      %dma_start3A_249 = tpu.memref_slice %arg3[%add3A_214, %dma_start3A_248] : memref<320000x128xf32, #tpu.memory_space<hbm>> -> memref<40x128xf32, #tpu.memory_space<hbm>>
      %dma_start3A_250 = arith.constant 0 : i32
      %dma_start3A_251 = tpu.memref_slice %arg3[%add3A_214, %dma_start3A_250] : memref<320000x128xf32, #tpu.memory_space<hbm>> -> memref<40x128xf32, #tpu.memory_space<hbm>>
      tpu.enqueue_dma source(%dma_start3A_251 : memref<40x128xf32, #tpu.memory_space<hbm>>) target(%arg21 : memref<40x128xf32, #tpu.memory_space<vmem>>) target_semaphore(%arg25 : memref<!tpu.dma_semaphore, #tpu.memory_space<semaphore_mem>>)
      %mul3A_252 = arith.constant 4 : i32
      %mul3A_253 = arith.muli %scan3A_207, %mul3A_252 : i32
      %add3A_254 = arith.constant 1 : i32
      %add3A_255 = arith.addi %mul3A_253, %add3A_254 : i32
      %mul3A_256 = arith.constant 40 : i32
      %mul3A_257 = arith.muli %add3A_255, %mul3A_256 : i32
      %add3A_258 = arith.addi %mul3A_2, %mul3A_257 : i32
      %sub3A_259 = arith.constant 160 : i32
      %sub3A_260 = arith.subi %add3A_258, %sub3A_259 : i32
      %dma_wait3A_261 = tpu.memref_slice %arg4[%sub3A_260] : memref<320000xi32, #tpu.memory_space<hbm>> -> memref<40xi32, #tpu.memory_space<hbm>>
      %dma_wait3A_262 = tpu.memref_slice %arg4[%sub3A_260] : memref<320000xi32, #tpu.memory_space<hbm>> -> memref<40xi32, #tpu.memory_space<hbm>>
      tpu.wait_dma2 semaphore(%arg26 : memref<!tpu.dma_semaphore, #tpu.memory_space<semaphore_mem>>) src(%dma_wait3A_262 : memref<40xi32, #tpu.memory_space<hbm>>) dst(%arg10 : memref<40xi32, #tpu.memory_space<vmem>>)
      %dma_wait3A_263 = arith.constant 0 : i32
      %dma_wait3A_264 = tpu.memref_slice %arg2[%sub3A_260, %dma_wait3A_263] : memref<320000x128xf32, #tpu.memory_space<hbm>> -> memref<40x128xf32, #tpu.memory_space<hbm>>
      %dma_wait3A_265 = arith.constant 0 : i32
      %dma_wait3A_266 = tpu.memref_slice %arg2[%sub3A_260, %dma_wait3A_265] : memref<320000x128xf32, #tpu.memory_space<hbm>> -> memref<40x128xf32, #tpu.memory_space<hbm>>
      tpu.wait_dma2 semaphore(%arg26 : memref<!tpu.dma_semaphore, #tpu.memory_space<semaphore_mem>>) src(%dma_wait3A_266 : memref<40x128xf32, #tpu.memory_space<hbm>>) dst(%arg18 : memref<40x128xf32, #tpu.memory_space<vmem>>)
      %dma_wait3A_267 = tpu.memref_slice %arg5[%sub3A_260] : memref<320000xi32, #tpu.memory_space<hbm>> -> memref<40xi32, #tpu.memory_space<hbm>>
      %dma_wait3A_268 = tpu.memref_slice %arg5[%sub3A_260] : memref<320000xi32, #tpu.memory_space<hbm>> -> memref<40xi32, #tpu.memory_space<hbm>>
      tpu.wait_dma2 semaphore(%arg26 : memref<!tpu.dma_semaphore, #tpu.memory_space<semaphore_mem>>) src(%dma_wait3A_268 : memref<40xi32, #tpu.memory_space<hbm>>) dst(%arg14 : memref<40xi32, #tpu.memory_space<vmem>>)
      %dma_wait3A_269 = arith.constant 0 : i32
      %dma_wait3A_270 = tpu.memref_slice %arg3[%sub3A_260, %dma_wait3A_269] : memref<320000x128xf32, #tpu.memory_space<hbm>> -> memref<40x128xf32, #tpu.memory_space<hbm>>
      %dma_wait3A_271 = arith.constant 0 : i32
      %dma_wait3A_272 = tpu.memref_slice %arg3[%sub3A_260, %dma_wait3A_271] : memref<320000x128xf32, #tpu.memory_space<hbm>> -> memref<40x128xf32, #tpu.memory_space<hbm>>
      tpu.wait_dma2 semaphore(%arg26 : memref<!tpu.dma_semaphore, #tpu.memory_space<semaphore_mem>>) src(%dma_wait3A_272 : memref<40x128xf32, #tpu.memory_space<hbm>>) dst(%arg22 : memref<40x128xf32, #tpu.memory_space<vmem>>)
      %dma_start3A_273 = arith.constant 0 : i32
      %dma_start3A_274 = arith.constant 0 : i32
      %dma_start3A_275 = tpu.memref_slice %arg33[%dma_start3A_273, %dma_start3A_274] : memref<10240x128xf32, #tpu.memory_space<vmem_shared>> -> memref<10240x128xf32, #tpu.memory_space<vmem_shared>>
      tpu.enqueue_indirect_dma source(%arg18 : memref<40x128xf32, #tpu.memory_space<vmem>>) target(%dma_start3A_275 : memref<10240x128xf32, #tpu.memory_space<vmem_shared>>) offsets(%arg10 : memref<40xi32, #tpu.memory_space<vmem>>) semaphore(%arg30 : memref<!tpu.dma_semaphore, #tpu.memory_space<semaphore_mem>>) {add = true}
      %dma_start3A_276 = arith.constant 0 : i32
      %dma_start3A_277 = arith.constant 0 : i32
      %dma_start3A_278 = tpu.memref_slice %arg33[%dma_start3A_276, %dma_start3A_277] : memref<10240x128xf32, #tpu.memory_space<vmem_shared>> -> memref<10240x128xf32, #tpu.memory_space<vmem_shared>>
      tpu.enqueue_indirect_dma source(%arg22 : memref<40x128xf32, #tpu.memory_space<vmem>>) target(%dma_start3A_278 : memref<10240x128xf32, #tpu.memory_space<vmem_shared>>) offsets(%arg14 : memref<40xi32, #tpu.memory_space<vmem>>) semaphore(%arg30 : memref<!tpu.dma_semaphore, #tpu.memory_space<semaphore_mem>>) {add = true}
      %dma_wait3A_279 = arith.constant 0 : i32
      %dma_wait3A_280 = arith.constant 0 : i32
      %dma_wait3A_281 = tpu.memref_slice %arg33[%dma_wait3A_279, %dma_wait3A_280] : memref<10240x128xf32, #tpu.memory_space<vmem_shared>> -> memref<10240x128xf32, #tpu.memory_space<vmem_shared>>
      tpu.wait_indirect_dma semaphore(%arg30 : memref<!tpu.dma_semaphore, #tpu.memory_space<semaphore_mem>>) src(%arg18 : memref<40x128xf32, #tpu.memory_space<vmem>>) dst(%dma_wait3A_281 : memref<10240x128xf32, #tpu.memory_space<vmem_shared>>)
      %dma_wait3A_282 = arith.constant 0 : i32
      %dma_wait3A_283 = arith.constant 0 : i32
      %dma_wait3A_284 = tpu.memref_slice %arg33[%dma_wait3A_282, %dma_wait3A_283] : memref<10240x128xf32, #tpu.memory_space<vmem_shared>> -> memref<10240x128xf32, #tpu.memory_space<vmem_shared>>
      tpu.wait_indirect_dma semaphore(%arg30 : memref<!tpu.dma_semaphore, #tpu.memory_space<semaphore_mem>>) src(%arg22 : memref<40x128xf32, #tpu.memory_space<vmem>>) dst(%dma_wait3A_284 : memref<10240x128xf32, #tpu.memory_space<vmem_shared>>)
      %dma_start3A_285 = tpu.memref_slice %arg4[%add3A_258] : memref<320000xi32, #tpu.memory_space<hbm>> -> memref<40xi32, #tpu.memory_space<hbm>>
      %dma_start3A_286 = tpu.memref_slice %arg4[%add3A_258] : memref<320000xi32, #tpu.memory_space<hbm>> -> memref<40xi32, #tpu.memory_space<hbm>>
      tpu.enqueue_dma source(%dma_start3A_286 : memref<40xi32, #tpu.memory_space<hbm>>) target(%arg10 : memref<40xi32, #tpu.memory_space<vmem>>) target_semaphore(%arg26 : memref<!tpu.dma_semaphore, #tpu.memory_space<semaphore_mem>>)
      %dma_start3A_287 = arith.constant 0 : i32
      %dma_start3A_288 = tpu.memref_slice %arg2[%add3A_258, %dma_start3A_287] : memref<320000x128xf32, #tpu.memory_space<hbm>> -> memref<40x128xf32, #tpu.memory_space<hbm>>
      %dma_start3A_289 = arith.constant 0 : i32
      %dma_start3A_290 = tpu.memref_slice %arg2[%add3A_258, %dma_start3A_289] : memref<320000x128xf32, #tpu.memory_space<hbm>> -> memref<40x128xf32, #tpu.memory_space<hbm>>
      tpu.enqueue_dma source(%dma_start3A_290 : memref<40x128xf32, #tpu.memory_space<hbm>>) target(%arg18 : memref<40x128xf32, #tpu.memory_space<vmem>>) target_semaphore(%arg26 : memref<!tpu.dma_semaphore, #tpu.memory_space<semaphore_mem>>)
      %dma_start3A_291 = tpu.memref_slice %arg5[%add3A_258] : memref<320000xi32, #tpu.memory_space<hbm>> -> memref<40xi32, #tpu.memory_space<hbm>>
      %dma_start3A_292 = tpu.memref_slice %arg5[%add3A_258] : memref<320000xi32, #tpu.memory_space<hbm>> -> memref<40xi32, #tpu.memory_space<hbm>>
      tpu.enqueue_dma source(%dma_start3A_292 : memref<40xi32, #tpu.memory_space<hbm>>) target(%arg14 : memref<40xi32, #tpu.memory_space<vmem>>) target_semaphore(%arg26 : memref<!tpu.dma_semaphore, #tpu.memory_space<semaphore_mem>>)
      %dma_start3A_293 = arith.constant 0 : i32
      %dma_start3A_294 = tpu.memref_slice %arg3[%add3A_258, %dma_start3A_293] : memref<320000x128xf32, #tpu.memory_space<hbm>> -> memref<40x128xf32, #tpu.memory_space<hbm>>
      %dma_start3A_295 = arith.constant 0 : i32
      %dma_start3A_296 = tpu.memref_slice %arg3[%add3A_258, %dma_start3A_295] : memref<320000x128xf32, #tpu.memory_space<hbm>> -> memref<40x128xf32, #tpu.memory_space<hbm>>
      tpu.enqueue_dma source(%dma_start3A_296 : memref<40x128xf32, #tpu.memory_space<hbm>>) target(%arg22 : memref<40x128xf32, #tpu.memory_space<vmem>>) target_semaphore(%arg26 : memref<!tpu.dma_semaphore, #tpu.memory_space<semaphore_mem>>)
      %mul3A_297 = arith.constant 4 : i32
      %mul3A_298 = arith.muli %scan3A_207, %mul3A_297 : i32
      %add3A_299 = arith.constant 2 : i32
      %add3A_300 = arith.addi %mul3A_298, %add3A_299 : i32
      %mul3A_301 = arith.constant 40 : i32
      %mul3A_302 = arith.muli %add3A_300, %mul3A_301 : i32
      %add3A_303 = arith.addi %mul3A_2, %mul3A_302 : i32
      %sub3A_304 = arith.constant 160 : i32
      %sub3A_305 = arith.subi %add3A_303, %sub3A_304 : i32
      %dma_wait3A_306 = tpu.memref_slice %arg4[%sub3A_305] : memref<320000xi32, #tpu.memory_space<hbm>> -> memref<40xi32, #tpu.memory_space<hbm>>
      %dma_wait3A_307 = tpu.memref_slice %arg4[%sub3A_305] : memref<320000xi32, #tpu.memory_space<hbm>> -> memref<40xi32, #tpu.memory_space<hbm>>
      tpu.wait_dma2 semaphore(%arg27 : memref<!tpu.dma_semaphore, #tpu.memory_space<semaphore_mem>>) src(%dma_wait3A_307 : memref<40xi32, #tpu.memory_space<hbm>>) dst(%arg11 : memref<40xi32, #tpu.memory_space<vmem>>)
      %dma_wait3A_308 = arith.constant 0 : i32
      %dma_wait3A_309 = tpu.memref_slice %arg2[%sub3A_305, %dma_wait3A_308] : memref<320000x128xf32, #tpu.memory_space<hbm>> -> memref<40x128xf32, #tpu.memory_space<hbm>>
      %dma_wait3A_310 = arith.constant 0 : i32
      %dma_wait3A_311 = tpu.memref_slice %arg2[%sub3A_305, %dma_wait3A_310] : memref<320000x128xf32, #tpu.memory_space<hbm>> -> memref<40x128xf32, #tpu.memory_space<hbm>>
      tpu.wait_dma2 semaphore(%arg27 : memref<!tpu.dma_semaphore, #tpu.memory_space<semaphore_mem>>) src(%dma_wait3A_311 : memref<40x128xf32, #tpu.memory_space<hbm>>) dst(%arg19 : memref<40x128xf32, #tpu.memory_space<vmem>>)
      %dma_wait3A_312 = tpu.memref_slice %arg5[%sub3A_305] : memref<320000xi32, #tpu.memory_space<hbm>> -> memref<40xi32, #tpu.memory_space<hbm>>
      %dma_wait3A_313 = tpu.memref_slice %arg5[%sub3A_305] : memref<320000xi32, #tpu.memory_space<hbm>> -> memref<40xi32, #tpu.memory_space<hbm>>
      tpu.wait_dma2 semaphore(%arg27 : memref<!tpu.dma_semaphore, #tpu.memory_space<semaphore_mem>>) src(%dma_wait3A_313 : memref<40xi32, #tpu.memory_space<hbm>>) dst(%arg15 : memref<40xi32, #tpu.memory_space<vmem>>)
      %dma_wait3A_314 = arith.constant 0 : i32
      %dma_wait3A_315 = tpu.memref_slice %arg3[%sub3A_305, %dma_wait3A_314] : memref<320000x128xf32, #tpu.memory_space<hbm>> -> memref<40x128xf32, #tpu.memory_space<hbm>>
      %dma_wait3A_316 = arith.constant 0 : i32
      %dma_wait3A_317 = tpu.memref_slice %arg3[%sub3A_305, %dma_wait3A_316] : memref<320000x128xf32, #tpu.memory_space<hbm>> -> memref<40x128xf32, #tpu.memory_space<hbm>>
      tpu.wait_dma2 semaphore(%arg27 : memref<!tpu.dma_semaphore, #tpu.memory_space<semaphore_mem>>) src(%dma_wait3A_317 : memref<40x128xf32, #tpu.memory_space<hbm>>) dst(%arg23 : memref<40x128xf32, #tpu.memory_space<vmem>>)
      %dma_start3A_318 = arith.constant 0 : i32
      %dma_start3A_319 = arith.constant 0 : i32
      %dma_start3A_320 = tpu.memref_slice %arg33[%dma_start3A_318, %dma_start3A_319] : memref<10240x128xf32, #tpu.memory_space<vmem_shared>> -> memref<10240x128xf32, #tpu.memory_space<vmem_shared>>
      tpu.enqueue_indirect_dma source(%arg19 : memref<40x128xf32, #tpu.memory_space<vmem>>) target(%dma_start3A_320 : memref<10240x128xf32, #tpu.memory_space<vmem_shared>>) offsets(%arg11 : memref<40xi32, #tpu.memory_space<vmem>>) semaphore(%arg31 : memref<!tpu.dma_semaphore, #tpu.memory_space<semaphore_mem>>) {add = true}
      %dma_start3A_321 = arith.constant 0 : i32
      %dma_start3A_322 = arith.constant 0 : i32
      %dma_start3A_323 = tpu.memref_slice %arg33[%dma_start3A_321, %dma_start3A_322] : memref<10240x128xf32, #tpu.memory_space<vmem_shared>> -> memref<10240x128xf32, #tpu.memory_space<vmem_shared>>
      tpu.enqueue_indirect_dma source(%arg23 : memref<40x128xf32, #tpu.memory_space<vmem>>) target(%dma_start3A_323 : memref<10240x128xf32, #tpu.memory_space<vmem_shared>>) offsets(%arg15 : memref<40xi32, #tpu.memory_space<vmem>>) semaphore(%arg31 : memref<!tpu.dma_semaphore, #tpu.memory_space<semaphore_mem>>) {add = true}
      %dma_wait3A_324 = arith.constant 0 : i32
      %dma_wait3A_325 = arith.constant 0 : i32
      %dma_wait3A_326 = tpu.memref_slice %arg33[%dma_wait3A_324, %dma_wait3A_325] : memref<10240x128xf32, #tpu.memory_space<vmem_shared>> -> memref<10240x128xf32, #tpu.memory_space<vmem_shared>>
      tpu.wait_indirect_dma semaphore(%arg31 : memref<!tpu.dma_semaphore, #tpu.memory_space<semaphore_mem>>) src(%arg19 : memref<40x128xf32, #tpu.memory_space<vmem>>) dst(%dma_wait3A_326 : memref<10240x128xf32, #tpu.memory_space<vmem_shared>>)
      %dma_wait3A_327 = arith.constant 0 : i32
      %dma_wait3A_328 = arith.constant 0 : i32
      %dma_wait3A_329 = tpu.memref_slice %arg33[%dma_wait3A_327, %dma_wait3A_328] : memref<10240x128xf32, #tpu.memory_space<vmem_shared>> -> memref<10240x128xf32, #tpu.memory_space<vmem_shared>>
      tpu.wait_indirect_dma semaphore(%arg31 : memref<!tpu.dma_semaphore, #tpu.memory_space<semaphore_mem>>) src(%arg23 : memref<40x128xf32, #tpu.memory_space<vmem>>) dst(%dma_wait3A_329 : memref<10240x128xf32, #tpu.memory_space<vmem_shared>>)
      %dma_start3A_330 = tpu.memref_slice %arg4[%add3A_303] : memref<320000xi32, #tpu.memory_space<hbm>> -> memref<40xi32, #tpu.memory_space<hbm>>
      %dma_start3A_331 = tpu.memref_slice %arg4[%add3A_303] : memref<320000xi32, #tpu.memory_space<hbm>> -> memref<40xi32, #tpu.memory_space<hbm>>
      tpu.enqueue_dma source(%dma_start3A_331 : memref<40xi32, #tpu.memory_space<hbm>>) target(%arg11 : memref<40xi32, #tpu.memory_space<vmem>>) target_semaphore(%arg27 : memref<!tpu.dma_semaphore, #tpu.memory_space<semaphore_mem>>)
      %dma_start3A_332 = arith.constant 0 : i32
      %dma_start3A_333 = tpu.memref_slice %arg2[%add3A_303, %dma_start3A_332] : memref<320000x128xf32, #tpu.memory_space<hbm>> -> memref<40x128xf32, #tpu.memory_space<hbm>>
      %dma_start3A_334 = arith.constant 0 : i32
      %dma_start3A_335 = tpu.memref_slice %arg2[%add3A_303, %dma_start3A_334] : memref<320000x128xf32, #tpu.memory_space<hbm>> -> memref<40x128xf32, #tpu.memory_space<hbm>>
      tpu.enqueue_dma source(%dma_start3A_335 : memref<40x128xf32, #tpu.memory_space<hbm>>) target(%arg19 : memref<40x128xf32, #tpu.memory_space<vmem>>) target_semaphore(%arg27 : memref<!tpu.dma_semaphore, #tpu.memory_space<semaphore_mem>>)
      %dma_start3A_336 = tpu.memref_slice %arg5[%add3A_303] : memref<320000xi32, #tpu.memory_space<hbm>> -> memref<40xi32, #tpu.memory_space<hbm>>
      %dma_start3A_337 = tpu.memref_slice %arg5[%add3A_303] : memref<320000xi32, #tpu.memory_space<hbm>> -> memref<40xi32, #tpu.memory_space<hbm>>
      tpu.enqueue_dma source(%dma_start3A_337 : memref<40xi32, #tpu.memory_space<hbm>>) target(%arg15 : memref<40xi32, #tpu.memory_space<vmem>>) target_semaphore(%arg27 : memref<!tpu.dma_semaphore, #tpu.memory_space<semaphore_mem>>)
      %dma_start3A_338 = arith.constant 0 : i32
      %dma_start3A_339 = tpu.memref_slice %arg3[%add3A_303, %dma_start3A_338] : memref<320000x128xf32, #tpu.memory_space<hbm>> -> memref<40x128xf32, #tpu.memory_space<hbm>>
      %dma_start3A_340 = arith.constant 0 : i32
      %dma_start3A_341 = tpu.memref_slice %arg3[%add3A_303, %dma_start3A_340] : memref<320000x128xf32, #tpu.memory_space<hbm>> -> memref<40x128xf32, #tpu.memory_space<hbm>>
      tpu.enqueue_dma source(%dma_start3A_341 : memref<40x128xf32, #tpu.memory_space<hbm>>) target(%arg23 : memref<40x128xf32, #tpu.memory_space<vmem>>) target_semaphore(%arg27 : memref<!tpu.dma_semaphore, #tpu.memory_space<semaphore_mem>>)
      %mul3A_342 = arith.constant 4 : i32
      %mul3A_343 = arith.muli %scan3A_207, %mul3A_342 : i32
      %add3A_344 = arith.constant 3 : i32
      %add3A_345 = arith.addi %mul3A_343, %add3A_344 : i32
      %mul3A_346 = arith.constant 40 : i32
      %mul3A_347 = arith.muli %add3A_345, %mul3A_346 : i32
      %add3A_348 = arith.addi %mul3A_2, %mul3A_347 : i32
      %sub3A_349 = arith.constant 160 : i32
      %sub3A_350 = arith.subi %add3A_348, %sub3A_349 : i32
      %dma_wait3A_351 = tpu.memref_slice %arg4[%sub3A_350] : memref<320000xi32, #tpu.memory_space<hbm>> -> memref<40xi32, #tpu.memory_space<hbm>>
      %dma_wait3A_352 = tpu.memref_slice %arg4[%sub3A_350] : memref<320000xi32, #tpu.memory_space<hbm>> -> memref<40xi32, #tpu.memory_space<hbm>>
      tpu.wait_dma2 semaphore(%arg28 : memref<!tpu.dma_semaphore, #tpu.memory_space<semaphore_mem>>) src(%dma_wait3A_352 : memref<40xi32, #tpu.memory_space<hbm>>) dst(%arg12 : memref<40xi32, #tpu.memory_space<vmem>>)
      %dma_wait3A_353 = arith.constant 0 : i32
      %dma_wait3A_354 = tpu.memref_slice %arg2[%sub3A_350, %dma_wait3A_353] : memref<320000x128xf32, #tpu.memory_space<hbm>> -> memref<40x128xf32, #tpu.memory_space<hbm>>
      %dma_wait3A_355 = arith.constant 0 : i32
      %dma_wait3A_356 = tpu.memref_slice %arg2[%sub3A_350, %dma_wait3A_355] : memref<320000x128xf32, #tpu.memory_space<hbm>> -> memref<40x128xf32, #tpu.memory_space<hbm>>
      tpu.wait_dma2 semaphore(%arg28 : memref<!tpu.dma_semaphore, #tpu.memory_space<semaphore_mem>>) src(%dma_wait3A_356 : memref<40x128xf32, #tpu.memory_space<hbm>>) dst(%arg20 : memref<40x128xf32, #tpu.memory_space<vmem>>)
      %dma_wait3A_357 = tpu.memref_slice %arg5[%sub3A_350] : memref<320000xi32, #tpu.memory_space<hbm>> -> memref<40xi32, #tpu.memory_space<hbm>>
      %dma_wait3A_358 = tpu.memref_slice %arg5[%sub3A_350] : memref<320000xi32, #tpu.memory_space<hbm>> -> memref<40xi32, #tpu.memory_space<hbm>>
      tpu.wait_dma2 semaphore(%arg28 : memref<!tpu.dma_semaphore, #tpu.memory_space<semaphore_mem>>) src(%dma_wait3A_358 : memref<40xi32, #tpu.memory_space<hbm>>) dst(%arg16 : memref<40xi32, #tpu.memory_space<vmem>>)
      %dma_wait3A_359 = arith.constant 0 : i32
      %dma_wait3A_360 = tpu.memref_slice %arg3[%sub3A_350, %dma_wait3A_359] : memref<320000x128xf32, #tpu.memory_space<hbm>> -> memref<40x128xf32, #tpu.memory_space<hbm>>
      %dma_wait3A_361 = arith.constant 0 : i32
      %dma_wait3A_362 = tpu.memref_slice %arg3[%sub3A_350, %dma_wait3A_361] : memref<320000x128xf32, #tpu.memory_space<hbm>> -> memref<40x128xf32, #tpu.memory_space<hbm>>
      tpu.wait_dma2 semaphore(%arg28 : memref<!tpu.dma_semaphore, #tpu.memory_space<semaphore_mem>>) src(%dma_wait3A_362 : memref<40x128xf32, #tpu.memory_space<hbm>>) dst(%arg24 : memref<40x128xf32, #tpu.memory_space<vmem>>)
      %dma_start3A_363 = arith.constant 0 : i32
      %dma_start3A_364 = arith.constant 0 : i32
      %dma_start3A_365 = tpu.memref_slice %arg33[%dma_start3A_363, %dma_start3A_364] : memref<10240x128xf32, #tpu.memory_space<vmem_shared>> -> memref<10240x128xf32, #tpu.memory_space<vmem_shared>>
      tpu.enqueue_indirect_dma source(%arg20 : memref<40x128xf32, #tpu.memory_space<vmem>>) target(%dma_start3A_365 : memref<10240x128xf32, #tpu.memory_space<vmem_shared>>) offsets(%arg12 : memref<40xi32, #tpu.memory_space<vmem>>) semaphore(%arg32 : memref<!tpu.dma_semaphore, #tpu.memory_space<semaphore_mem>>) {add = true}
      %dma_start3A_366 = arith.constant 0 : i32
      %dma_start3A_367 = arith.constant 0 : i32
      %dma_start3A_368 = tpu.memref_slice %arg33[%dma_start3A_366, %dma_start3A_367] : memref<10240x128xf32, #tpu.memory_space<vmem_shared>> -> memref<10240x128xf32, #tpu.memory_space<vmem_shared>>
      tpu.enqueue_indirect_dma source(%arg24 : memref<40x128xf32, #tpu.memory_space<vmem>>) target(%dma_start3A_368 : memref<10240x128xf32, #tpu.memory_space<vmem_shared>>) offsets(%arg16 : memref<40xi32, #tpu.memory_space<vmem>>) semaphore(%arg32 : memref<!tpu.dma_semaphore, #tpu.memory_space<semaphore_mem>>) {add = true}
      %dma_wait3A_369 = arith.constant 0 : i32
      %dma_wait3A_370 = arith.constant 0 : i32
      %dma_wait3A_371 = tpu.memref_slice %arg33[%dma_wait3A_369, %dma_wait3A_370] : memref<10240x128xf32, #tpu.memory_space<vmem_shared>> -> memref<10240x128xf32, #tpu.memory_space<vmem_shared>>
      tpu.wait_indirect_dma semaphore(%arg32 : memref<!tpu.dma_semaphore, #tpu.memory_space<semaphore_mem>>) src(%arg20 : memref<40x128xf32, #tpu.memory_space<vmem>>) dst(%dma_wait3A_371 : memref<10240x128xf32, #tpu.memory_space<vmem_shared>>)
      %dma_wait3A_372 = arith.constant 0 : i32
      %dma_wait3A_373 = arith.constant 0 : i32
      %dma_wait3A_374 = tpu.memref_slice %arg33[%dma_wait3A_372, %dma_wait3A_373] : memref<10240x128xf32, #tpu.memory_space<vmem_shared>> -> memref<10240x128xf32, #tpu.memory_space<vmem_shared>>
      tpu.wait_indirect_dma semaphore(%arg32 : memref<!tpu.dma_semaphore, #tpu.memory_space<semaphore_mem>>) src(%arg24 : memref<40x128xf32, #tpu.memory_space<vmem>>) dst(%dma_wait3A_374 : memref<10240x128xf32, #tpu.memory_space<vmem_shared>>)
      %dma_start3A_375 = tpu.memref_slice %arg4[%add3A_348] : memref<320000xi32, #tpu.memory_space<hbm>> -> memref<40xi32, #tpu.memory_space<hbm>>
      %dma_start3A_376 = tpu.memref_slice %arg4[%add3A_348] : memref<320000xi32, #tpu.memory_space<hbm>> -> memref<40xi32, #tpu.memory_space<hbm>>
      tpu.enqueue_dma source(%dma_start3A_376 : memref<40xi32, #tpu.memory_space<hbm>>) target(%arg12 : memref<40xi32, #tpu.memory_space<vmem>>) target_semaphore(%arg28 : memref<!tpu.dma_semaphore, #tpu.memory_space<semaphore_mem>>)
      %dma_start3A_377 = arith.constant 0 : i32
      %dma_start3A_378 = tpu.memref_slice %arg2[%add3A_348, %dma_start3A_377] : memref<320000x128xf32, #tpu.memory_space<hbm>> -> memref<40x128xf32, #tpu.memory_space<hbm>>
      %dma_start3A_379 = arith.constant 0 : i32
      %dma_start3A_380 = tpu.memref_slice %arg2[%add3A_348, %dma_start3A_379] : memref<320000x128xf32, #tpu.memory_space<hbm>> -> memref<40x128xf32, #tpu.memory_space<hbm>>
      tpu.enqueue_dma source(%dma_start3A_380 : memref<40x128xf32, #tpu.memory_space<hbm>>) target(%arg20 : memref<40x128xf32, #tpu.memory_space<vmem>>) target_semaphore(%arg28 : memref<!tpu.dma_semaphore, #tpu.memory_space<semaphore_mem>>)
      %dma_start3A_381 = tpu.memref_slice %arg5[%add3A_348] : memref<320000xi32, #tpu.memory_space<hbm>> -> memref<40xi32, #tpu.memory_space<hbm>>
      %dma_start3A_382 = tpu.memref_slice %arg5[%add3A_348] : memref<320000xi32, #tpu.memory_space<hbm>> -> memref<40xi32, #tpu.memory_space<hbm>>
      tpu.enqueue_dma source(%dma_start3A_382 : memref<40xi32, #tpu.memory_space<hbm>>) target(%arg16 : memref<40xi32, #tpu.memory_space<vmem>>) target_semaphore(%arg28 : memref<!tpu.dma_semaphore, #tpu.memory_space<semaphore_mem>>)
      %dma_start3A_383 = arith.constant 0 : i32
      %dma_start3A_384 = tpu.memref_slice %arg3[%add3A_348, %dma_start3A_383] : memref<320000x128xf32, #tpu.memory_space<hbm>> -> memref<40x128xf32, #tpu.memory_space<hbm>>
      %dma_start3A_385 = arith.constant 0 : i32
      %dma_start3A_386 = tpu.memref_slice %arg3[%add3A_348, %dma_start3A_385] : memref<320000x128xf32, #tpu.memory_space<hbm>> -> memref<40x128xf32, #tpu.memory_space<hbm>>
      tpu.enqueue_dma source(%dma_start3A_386 : memref<40x128xf32, #tpu.memory_space<hbm>>) target(%arg24 : memref<40x128xf32, #tpu.memory_space<vmem>>) target_semaphore(%arg28 : memref<!tpu.dma_semaphore, #tpu.memory_space<semaphore_mem>>)
    }
    %scan3A_68 = arith.constant 61 : i32
    %add3A_69 = arith.constant 9760 : i32
    %add3A_70 = arith.addi %mul3A_2, %add3A_69 : i32
    %dma_wait3A = tpu.memref_slice %arg4[%add3A_70] : memref<320000xi32, #tpu.memory_space<hbm>> -> memref<40xi32, #tpu.memory_space<hbm>>
    %dma_wait3A_71 = tpu.memref_slice %arg4[%add3A_70] : memref<320000xi32, #tpu.memory_space<hbm>> -> memref<40xi32, #tpu.memory_space<hbm>>
    tpu.wait_dma2 semaphore(%arg25 : memref<!tpu.dma_semaphore, #tpu.memory_space<semaphore_mem>>) src(%dma_wait3A_71 : memref<40xi32, #tpu.memory_space<hbm>>) dst(%arg9 : memref<40xi32, #tpu.memory_space<vmem>>)
    %dma_wait3A_72 = arith.constant 0 : i32
    %dma_wait3A_73 = tpu.memref_slice %arg2[%add3A_70, %dma_wait3A_72] : memref<320000x128xf32, #tpu.memory_space<hbm>> -> memref<40x128xf32, #tpu.memory_space<hbm>>
    %dma_wait3A_74 = arith.constant 0 : i32
    %dma_wait3A_75 = tpu.memref_slice %arg2[%add3A_70, %dma_wait3A_74] : memref<320000x128xf32, #tpu.memory_space<hbm>> -> memref<40x128xf32, #tpu.memory_space<hbm>>
    tpu.wait_dma2 semaphore(%arg25 : memref<!tpu.dma_semaphore, #tpu.memory_space<semaphore_mem>>) src(%dma_wait3A_75 : memref<40x128xf32, #tpu.memory_space<hbm>>) dst(%arg17 : memref<40x128xf32, #tpu.memory_space<vmem>>)
    %dma_wait3A_76 = tpu.memref_slice %arg5[%add3A_70] : memref<320000xi32, #tpu.memory_space<hbm>> -> memref<40xi32, #tpu.memory_space<hbm>>
    %dma_wait3A_77 = tpu.memref_slice %arg5[%add3A_70] : memref<320000xi32, #tpu.memory_space<hbm>> -> memref<40xi32, #tpu.memory_space<hbm>>
    tpu.wait_dma2 semaphore(%arg25 : memref<!tpu.dma_semaphore, #tpu.memory_space<semaphore_mem>>) src(%dma_wait3A_77 : memref<40xi32, #tpu.memory_space<hbm>>) dst(%arg13 : memref<40xi32, #tpu.memory_space<vmem>>)
    %dma_wait3A_78 = arith.constant 0 : i32
    %dma_wait3A_79 = tpu.memref_slice %arg3[%add3A_70, %dma_wait3A_78] : memref<320000x128xf32, #tpu.memory_space<hbm>> -> memref<40x128xf32, #tpu.memory_space<hbm>>
    %dma_wait3A_80 = arith.constant 0 : i32
    %dma_wait3A_81 = tpu.memref_slice %arg3[%add3A_70, %dma_wait3A_80] : memref<320000x128xf32, #tpu.memory_space<hbm>> -> memref<40x128xf32, #tpu.memory_space<hbm>>
    tpu.wait_dma2 semaphore(%arg25 : memref<!tpu.dma_semaphore, #tpu.memory_space<semaphore_mem>>) src(%dma_wait3A_81 : memref<40x128xf32, #tpu.memory_space<hbm>>) dst(%arg21 : memref<40x128xf32, #tpu.memory_space<vmem>>)
    %dma_start3A_82 = arith.constant 0 : i32
    %dma_start3A_83 = arith.constant 0 : i32
    %dma_start3A_84 = tpu.memref_slice %arg33[%dma_start3A_82, %dma_start3A_83] : memref<10240x128xf32, #tpu.memory_space<vmem_shared>> -> memref<10240x128xf32, #tpu.memory_space<vmem_shared>>
    tpu.enqueue_indirect_dma source(%arg17 : memref<40x128xf32, #tpu.memory_space<vmem>>) target(%dma_start3A_84 : memref<10240x128xf32, #tpu.memory_space<vmem_shared>>) offsets(%arg9 : memref<40xi32, #tpu.memory_space<vmem>>) semaphore(%arg29 : memref<!tpu.dma_semaphore, #tpu.memory_space<semaphore_mem>>) {add = true}
    %dma_start3A_85 = arith.constant 0 : i32
    %dma_start3A_86 = arith.constant 0 : i32
    %dma_start3A_87 = tpu.memref_slice %arg33[%dma_start3A_85, %dma_start3A_86] : memref<10240x128xf32, #tpu.memory_space<vmem_shared>> -> memref<10240x128xf32, #tpu.memory_space<vmem_shared>>
    tpu.enqueue_indirect_dma source(%arg21 : memref<40x128xf32, #tpu.memory_space<vmem>>) target(%dma_start3A_87 : memref<10240x128xf32, #tpu.memory_space<vmem_shared>>) offsets(%arg13 : memref<40xi32, #tpu.memory_space<vmem>>) semaphore(%arg29 : memref<!tpu.dma_semaphore, #tpu.memory_space<semaphore_mem>>) {add = true}
    %dma_wait3A_88 = arith.constant 0 : i32
    %dma_wait3A_89 = arith.constant 0 : i32
    %dma_wait3A_90 = tpu.memref_slice %arg33[%dma_wait3A_88, %dma_wait3A_89] : memref<10240x128xf32, #tpu.memory_space<vmem_shared>> -> memref<10240x128xf32, #tpu.memory_space<vmem_shared>>
    tpu.wait_indirect_dma semaphore(%arg29 : memref<!tpu.dma_semaphore, #tpu.memory_space<semaphore_mem>>) src(%arg17 : memref<40x128xf32, #tpu.memory_space<vmem>>) dst(%dma_wait3A_90 : memref<10240x128xf32, #tpu.memory_space<vmem_shared>>)
    %dma_wait3A_91 = arith.constant 0 : i32
    %dma_wait3A_92 = arith.constant 0 : i32
    %dma_wait3A_93 = tpu.memref_slice %arg33[%dma_wait3A_91, %dma_wait3A_92] : memref<10240x128xf32, #tpu.memory_space<vmem_shared>> -> memref<10240x128xf32, #tpu.memory_space<vmem_shared>>
    tpu.wait_indirect_dma semaphore(%arg29 : memref<!tpu.dma_semaphore, #tpu.memory_space<semaphore_mem>>) src(%arg21 : memref<40x128xf32, #tpu.memory_space<vmem>>) dst(%dma_wait3A_93 : memref<10240x128xf32, #tpu.memory_space<vmem_shared>>)
    %add3A_94 = arith.constant 9800 : i32
    %add3A_95 = arith.addi %mul3A_2, %add3A_94 : i32
    %dma_wait3A_96 = tpu.memref_slice %arg4[%add3A_95] : memref<320000xi32, #tpu.memory_space<hbm>> -> memref<40xi32, #tpu.memory_space<hbm>>
    %dma_wait3A_97 = tpu.memref_slice %arg4[%add3A_95] : memref<320000xi32, #tpu.memory_space<hbm>> -> memref<40xi32, #tpu.memory_space<hbm>>
    tpu.wait_dma2 semaphore(%arg26 : memref<!tpu.dma_semaphore, #tpu.memory_space<semaphore_mem>>) src(%dma_wait3A_97 : memref<40xi32, #tpu.memory_space<hbm>>) dst(%arg10 : memref<40xi32, #tpu.memory_space<vmem>>)
    %dma_wait3A_98 = arith.constant 0 : i32
    %dma_wait3A_99 = tpu.memref_slice %arg2[%add3A_95, %dma_wait3A_98] : memref<320000x128xf32, #tpu.memory_space<hbm>> -> memref<40x128xf32, #tpu.memory_space<hbm>>
    %dma_wait3A_100 = arith.constant 0 : i32
    %dma_wait3A_101 = tpu.memref_slice %arg2[%add3A_95, %dma_wait3A_100] : memref<320000x128xf32, #tpu.memory_space<hbm>> -> memref<40x128xf32, #tpu.memory_space<hbm>>
    tpu.wait_dma2 semaphore(%arg26 : memref<!tpu.dma_semaphore, #tpu.memory_space<semaphore_mem>>) src(%dma_wait3A_101 : memref<40x128xf32, #tpu.memory_space<hbm>>) dst(%arg18 : memref<40x128xf32, #tpu.memory_space<vmem>>)
    %dma_wait3A_102 = tpu.memref_slice %arg5[%add3A_95] : memref<320000xi32, #tpu.memory_space<hbm>> -> memref<40xi32, #tpu.memory_space<hbm>>
    %dma_wait3A_103 = tpu.memref_slice %arg5[%add3A_95] : memref<320000xi32, #tpu.memory_space<hbm>> -> memref<40xi32, #tpu.memory_space<hbm>>
    tpu.wait_dma2 semaphore(%arg26 : memref<!tpu.dma_semaphore, #tpu.memory_space<semaphore_mem>>) src(%dma_wait3A_103 : memref<40xi32, #tpu.memory_space<hbm>>) dst(%arg14 : memref<40xi32, #tpu.memory_space<vmem>>)
    %dma_wait3A_104 = arith.constant 0 : i32
    %dma_wait3A_105 = tpu.memref_slice %arg3[%add3A_95, %dma_wait3A_104] : memref<320000x128xf32, #tpu.memory_space<hbm>> -> memref<40x128xf32, #tpu.memory_space<hbm>>
    %dma_wait3A_106 = arith.constant 0 : i32
    %dma_wait3A_107 = tpu.memref_slice %arg3[%add3A_95, %dma_wait3A_106] : memref<320000x128xf32, #tpu.memory_space<hbm>> -> memref<40x128xf32, #tpu.memory_space<hbm>>
    tpu.wait_dma2 semaphore(%arg26 : memref<!tpu.dma_semaphore, #tpu.memory_space<semaphore_mem>>) src(%dma_wait3A_107 : memref<40x128xf32, #tpu.memory_space<hbm>>) dst(%arg22 : memref<40x128xf32, #tpu.memory_space<vmem>>)
    %dma_start3A_108 = arith.constant 0 : i32
    %dma_start3A_109 = arith.constant 0 : i32
    %dma_start3A_110 = tpu.memref_slice %arg33[%dma_start3A_108, %dma_start3A_109] : memref<10240x128xf32, #tpu.memory_space<vmem_shared>> -> memref<10240x128xf32, #tpu.memory_space<vmem_shared>>
    tpu.enqueue_indirect_dma source(%arg18 : memref<40x128xf32, #tpu.memory_space<vmem>>) target(%dma_start3A_110 : memref<10240x128xf32, #tpu.memory_space<vmem_shared>>) offsets(%arg10 : memref<40xi32, #tpu.memory_space<vmem>>) semaphore(%arg30 : memref<!tpu.dma_semaphore, #tpu.memory_space<semaphore_mem>>) {add = true}
    %dma_start3A_111 = arith.constant 0 : i32
    %dma_start3A_112 = arith.constant 0 : i32
    %dma_start3A_113 = tpu.memref_slice %arg33[%dma_start3A_111, %dma_start3A_112] : memref<10240x128xf32, #tpu.memory_space<vmem_shared>> -> memref<10240x128xf32, #tpu.memory_space<vmem_shared>>
    tpu.enqueue_indirect_dma source(%arg22 : memref<40x128xf32, #tpu.memory_space<vmem>>) target(%dma_start3A_113 : memref<10240x128xf32, #tpu.memory_space<vmem_shared>>) offsets(%arg14 : memref<40xi32, #tpu.memory_space<vmem>>) semaphore(%arg30 : memref<!tpu.dma_semaphore, #tpu.memory_space<semaphore_mem>>) {add = true}
    %dma_wait3A_114 = arith.constant 0 : i32
    %dma_wait3A_115 = arith.constant 0 : i32
    %dma_wait3A_116 = tpu.memref_slice %arg33[%dma_wait3A_114, %dma_wait3A_115] : memref<10240x128xf32, #tpu.memory_space<vmem_shared>> -> memref<10240x128xf32, #tpu.memory_space<vmem_shared>>
    tpu.wait_indirect_dma semaphore(%arg30 : memref<!tpu.dma_semaphore, #tpu.memory_space<semaphore_mem>>) src(%arg18 : memref<40x128xf32, #tpu.memory_space<vmem>>) dst(%dma_wait3A_116 : memref<10240x128xf32, #tpu.memory_space<vmem_shared>>)
    %dma_wait3A_117 = arith.constant 0 : i32
    %dma_wait3A_118 = arith.constant 0 : i32
    %dma_wait3A_119 = tpu.memref_slice %arg33[%dma_wait3A_117, %dma_wait3A_118] : memref<10240x128xf32, #tpu.memory_space<vmem_shared>> -> memref<10240x128xf32, #tpu.memory_space<vmem_shared>>
    tpu.wait_indirect_dma semaphore(%arg30 : memref<!tpu.dma_semaphore, #tpu.memory_space<semaphore_mem>>) src(%arg22 : memref<40x128xf32, #tpu.memory_space<vmem>>) dst(%dma_wait3A_119 : memref<10240x128xf32, #tpu.memory_space<vmem_shared>>)
    %add3A_120 = arith.constant 9840 : i32
    %add3A_121 = arith.addi %mul3A_2, %add3A_120 : i32
    %dma_wait3A_122 = tpu.memref_slice %arg4[%add3A_121] : memref<320000xi32, #tpu.memory_space<hbm>> -> memref<40xi32, #tpu.memory_space<hbm>>
    %dma_wait3A_123 = tpu.memref_slice %arg4[%add3A_121] : memref<320000xi32, #tpu.memory_space<hbm>> -> memref<40xi32, #tpu.memory_space<hbm>>
    tpu.wait_dma2 semaphore(%arg27 : memref<!tpu.dma_semaphore, #tpu.memory_space<semaphore_mem>>) src(%dma_wait3A_123 : memref<40xi32, #tpu.memory_space<hbm>>) dst(%arg11 : memref<40xi32, #tpu.memory_space<vmem>>)
    %dma_wait3A_124 = arith.constant 0 : i32
    %dma_wait3A_125 = tpu.memref_slice %arg2[%add3A_121, %dma_wait3A_124] : memref<320000x128xf32, #tpu.memory_space<hbm>> -> memref<40x128xf32, #tpu.memory_space<hbm>>
    %dma_wait3A_126 = arith.constant 0 : i32
    %dma_wait3A_127 = tpu.memref_slice %arg2[%add3A_121, %dma_wait3A_126] : memref<320000x128xf32, #tpu.memory_space<hbm>> -> memref<40x128xf32, #tpu.memory_space<hbm>>
    tpu.wait_dma2 semaphore(%arg27 : memref<!tpu.dma_semaphore, #tpu.memory_space<semaphore_mem>>) src(%dma_wait3A_127 : memref<40x128xf32, #tpu.memory_space<hbm>>) dst(%arg19 : memref<40x128xf32, #tpu.memory_space<vmem>>)
    %dma_wait3A_128 = tpu.memref_slice %arg5[%add3A_121] : memref<320000xi32, #tpu.memory_space<hbm>> -> memref<40xi32, #tpu.memory_space<hbm>>
    %dma_wait3A_129 = tpu.memref_slice %arg5[%add3A_121] : memref<320000xi32, #tpu.memory_space<hbm>> -> memref<40xi32, #tpu.memory_space<hbm>>
    tpu.wait_dma2 semaphore(%arg27 : memref<!tpu.dma_semaphore, #tpu.memory_space<semaphore_mem>>) src(%dma_wait3A_129 : memref<40xi32, #tpu.memory_space<hbm>>) dst(%arg15 : memref<40xi32, #tpu.memory_space<vmem>>)
    %dma_wait3A_130 = arith.constant 0 : i32
    %dma_wait3A_131 = tpu.memref_slice %arg3[%add3A_121, %dma_wait3A_130] : memref<320000x128xf32, #tpu.memory_space<hbm>> -> memref<40x128xf32, #tpu.memory_space<hbm>>
    %dma_wait3A_132 = arith.constant 0 : i32
    %dma_wait3A_133 = tpu.memref_slice %arg3[%add3A_121, %dma_wait3A_132] : memref<320000x128xf32, #tpu.memory_space<hbm>> -> memref<40x128xf32, #tpu.memory_space<hbm>>
    tpu.wait_dma2 semaphore(%arg27 : memref<!tpu.dma_semaphore, #tpu.memory_space<semaphore_mem>>) src(%dma_wait3A_133 : memref<40x128xf32, #tpu.memory_space<hbm>>) dst(%arg23 : memref<40x128xf32, #tpu.memory_space<vmem>>)
    %dma_start3A_134 = arith.constant 0 : i32
    %dma_start3A_135 = arith.constant 0 : i32
    %dma_start3A_136 = tpu.memref_slice %arg33[%dma_start3A_134, %dma_start3A_135] : memref<10240x128xf32, #tpu.memory_space<vmem_shared>> -> memref<10240x128xf32, #tpu.memory_space<vmem_shared>>
    tpu.enqueue_indirect_dma source(%arg19 : memref<40x128xf32, #tpu.memory_space<vmem>>) target(%dma_start3A_136 : memref<10240x128xf32, #tpu.memory_space<vmem_shared>>) offsets(%arg11 : memref<40xi32, #tpu.memory_space<vmem>>) semaphore(%arg31 : memref<!tpu.dma_semaphore, #tpu.memory_space<semaphore_mem>>) {add = true}
    %dma_start3A_137 = arith.constant 0 : i32
    %dma_start3A_138 = arith.constant 0 : i32
    %dma_start3A_139 = tpu.memref_slice %arg33[%dma_start3A_137, %dma_start3A_138] : memref<10240x128xf32, #tpu.memory_space<vmem_shared>> -> memref<10240x128xf32, #tpu.memory_space<vmem_shared>>
    tpu.enqueue_indirect_dma source(%arg23 : memref<40x128xf32, #tpu.memory_space<vmem>>) target(%dma_start3A_139 : memref<10240x128xf32, #tpu.memory_space<vmem_shared>>) offsets(%arg15 : memref<40xi32, #tpu.memory_space<vmem>>) semaphore(%arg31 : memref<!tpu.dma_semaphore, #tpu.memory_space<semaphore_mem>>) {add = true}
    %dma_wait3A_140 = arith.constant 0 : i32
    %dma_wait3A_141 = arith.constant 0 : i32
    %dma_wait3A_142 = tpu.memref_slice %arg33[%dma_wait3A_140, %dma_wait3A_141] : memref<10240x128xf32, #tpu.memory_space<vmem_shared>> -> memref<10240x128xf32, #tpu.memory_space<vmem_shared>>
    tpu.wait_indirect_dma semaphore(%arg31 : memref<!tpu.dma_semaphore, #tpu.memory_space<semaphore_mem>>) src(%arg19 : memref<40x128xf32, #tpu.memory_space<vmem>>) dst(%dma_wait3A_142 : memref<10240x128xf32, #tpu.memory_space<vmem_shared>>)
    %dma_wait3A_143 = arith.constant 0 : i32
    %dma_wait3A_144 = arith.constant 0 : i32
    %dma_wait3A_145 = tpu.memref_slice %arg33[%dma_wait3A_143, %dma_wait3A_144] : memref<10240x128xf32, #tpu.memory_space<vmem_shared>> -> memref<10240x128xf32, #tpu.memory_space<vmem_shared>>
    tpu.wait_indirect_dma semaphore(%arg31 : memref<!tpu.dma_semaphore, #tpu.memory_space<semaphore_mem>>) src(%arg23 : memref<40x128xf32, #tpu.memory_space<vmem>>) dst(%dma_wait3A_145 : memref<10240x128xf32, #tpu.memory_space<vmem_shared>>)
    %add3A_146 = arith.constant 9880 : i32
    %add3A_147 = arith.addi %mul3A_2, %add3A_146 : i32
    %dma_wait3A_148 = tpu.memref_slice %arg4[%add3A_147] : memref<320000xi32, #tpu.memory_space<hbm>> -> memref<40xi32, #tpu.memory_space<hbm>>
    %dma_wait3A_149 = tpu.memref_slice %arg4[%add3A_147] : memref<320000xi32, #tpu.memory_space<hbm>> -> memref<40xi32, #tpu.memory_space<hbm>>
    tpu.wait_dma2 semaphore(%arg28 : memref<!tpu.dma_semaphore, #tpu.memory_space<semaphore_mem>>) src(%dma_wait3A_149 : memref<40xi32, #tpu.memory_space<hbm>>) dst(%arg12 : memref<40xi32, #tpu.memory_space<vmem>>)
    %dma_wait3A_150 = arith.constant 0 : i32
    %dma_wait3A_151 = tpu.memref_slice %arg2[%add3A_147, %dma_wait3A_150] : memref<320000x128xf32, #tpu.memory_space<hbm>> -> memref<40x128xf32, #tpu.memory_space<hbm>>
    %dma_wait3A_152 = arith.constant 0 : i32
    %dma_wait3A_153 = tpu.memref_slice %arg2[%add3A_147, %dma_wait3A_152] : memref<320000x128xf32, #tpu.memory_space<hbm>> -> memref<40x128xf32, #tpu.memory_space<hbm>>
    tpu.wait_dma2 semaphore(%arg28 : memref<!tpu.dma_semaphore, #tpu.memory_space<semaphore_mem>>) src(%dma_wait3A_153 : memref<40x128xf32, #tpu.memory_space<hbm>>) dst(%arg20 : memref<40x128xf32, #tpu.memory_space<vmem>>)
    %dma_wait3A_154 = tpu.memref_slice %arg5[%add3A_147] : memref<320000xi32, #tpu.memory_space<hbm>> -> memref<40xi32, #tpu.memory_space<hbm>>
    %dma_wait3A_155 = tpu.memref_slice %arg5[%add3A_147] : memref<320000xi32, #tpu.memory_space<hbm>> -> memref<40xi32, #tpu.memory_space<hbm>>
    tpu.wait_dma2 semaphore(%arg28 : memref<!tpu.dma_semaphore, #tpu.memory_space<semaphore_mem>>) src(%dma_wait3A_155 : memref<40xi32, #tpu.memory_space<hbm>>) dst(%arg16 : memref<40xi32, #tpu.memory_space<vmem>>)
    %dma_wait3A_156 = arith.constant 0 : i32
    %dma_wait3A_157 = tpu.memref_slice %arg3[%add3A_147, %dma_wait3A_156] : memref<320000x128xf32, #tpu.memory_space<hbm>> -> memref<40x128xf32, #tpu.memory_space<hbm>>
    %dma_wait3A_158 = arith.constant 0 : i32
    %dma_wait3A_159 = tpu.memref_slice %arg3[%add3A_147, %dma_wait3A_158] : memref<320000x128xf32, #tpu.memory_space<hbm>> -> memref<40x128xf32, #tpu.memory_space<hbm>>
    tpu.wait_dma2 semaphore(%arg28 : memref<!tpu.dma_semaphore, #tpu.memory_space<semaphore_mem>>) src(%dma_wait3A_159 : memref<40x128xf32, #tpu.memory_space<hbm>>) dst(%arg24 : memref<40x128xf32, #tpu.memory_space<vmem>>)
    %dma_start3A_160 = arith.constant 0 : i32
    %dma_start3A_161 = arith.constant 0 : i32
    %dma_start3A_162 = tpu.memref_slice %arg33[%dma_start3A_160, %dma_start3A_161] : memref<10240x128xf32, #tpu.memory_space<vmem_shared>> -> memref<10240x128xf32, #tpu.memory_space<vmem_shared>>
    tpu.enqueue_indirect_dma source(%arg20 : memref<40x128xf32, #tpu.memory_space<vmem>>) target(%dma_start3A_162 : memref<10240x128xf32, #tpu.memory_space<vmem_shared>>) offsets(%arg12 : memref<40xi32, #tpu.memory_space<vmem>>) semaphore(%arg32 : memref<!tpu.dma_semaphore, #tpu.memory_space<semaphore_mem>>) {add = true}
    %dma_start3A_163 = arith.constant 0 : i32
    %dma_start3A_164 = arith.constant 0 : i32
    %dma_start3A_165 = tpu.memref_slice %arg33[%dma_start3A_163, %dma_start3A_164] : memref<10240x128xf32, #tpu.memory_space<vmem_shared>> -> memref<10240x128xf32, #tpu.memory_space<vmem_shared>>
    tpu.enqueue_indirect_dma source(%arg24 : memref<40x128xf32, #tpu.memory_space<vmem>>) target(%dma_start3A_165 : memref<10240x128xf32, #tpu.memory_space<vmem_shared>>) offsets(%arg16 : memref<40xi32, #tpu.memory_space<vmem>>) semaphore(%arg32 : memref<!tpu.dma_semaphore, #tpu.memory_space<semaphore_mem>>) {add = true}
    %dma_wait3A_166 = arith.constant 0 : i32
    %dma_wait3A_167 = arith.constant 0 : i32
    %dma_wait3A_168 = tpu.memref_slice %arg33[%dma_wait3A_166, %dma_wait3A_167] : memref<10240x128xf32, #tpu.memory_space<vmem_shared>> -> memref<10240x128xf32, #tpu.memory_space<vmem_shared>>
    tpu.wait_indirect_dma semaphore(%arg32 : memref<!tpu.dma_semaphore, #tpu.memory_space<semaphore_mem>>) src(%arg20 : memref<40x128xf32, #tpu.memory_space<vmem>>) dst(%dma_wait3A_168 : memref<10240x128xf32, #tpu.memory_space<vmem_shared>>)
    %dma_wait3A_169 = arith.constant 0 : i32
    %dma_wait3A_170 = arith.constant 0 : i32
    %dma_wait3A_171 = tpu.memref_slice %arg33[%dma_wait3A_169, %dma_wait3A_170] : memref<10240x128xf32, #tpu.memory_space<vmem_shared>> -> memref<10240x128xf32, #tpu.memory_space<vmem_shared>>
    tpu.wait_indirect_dma semaphore(%arg32 : memref<!tpu.dma_semaphore, #tpu.memory_space<semaphore_mem>>) src(%arg24 : memref<40x128xf32, #tpu.memory_space<vmem>>) dst(%dma_wait3A_171 : memref<10240x128xf32, #tpu.memory_space<vmem_shared>>)
    %add3A_172 = arith.constant 9920 : i32
    %add3A_173 = arith.addi %mul3A_2, %add3A_172 : i32
    "tpu.region"() ({
      %run_scoped3A = tpu.sem_alloc : memref<!tpu.dma_semaphore, #tpu.memory_space<semaphore_mem>>
      %dma_start3A_207 = tpu.memref_slice %arg4[%add3A_173] : memref<320000xi32, #tpu.memory_space<hbm>> -> memref<40xi32, #tpu.memory_space<hbm>>
      %dma_start3A_208 = tpu.memref_slice %arg4[%add3A_173] : memref<320000xi32, #tpu.memory_space<hbm>> -> memref<40xi32, #tpu.memory_space<hbm>>
      tpu.enqueue_dma source(%dma_start3A_208 : memref<40xi32, #tpu.memory_space<hbm>>) target(%arg9 : memref<40xi32, #tpu.memory_space<vmem>>) target_semaphore(%run_scoped3A : memref<!tpu.dma_semaphore, #tpu.memory_space<semaphore_mem>>)
      %dma_wait3A_209 = tpu.memref_slice %arg4[%add3A_173] : memref<320000xi32, #tpu.memory_space<hbm>> -> memref<40xi32, #tpu.memory_space<hbm>>
      %dma_wait3A_210 = tpu.memref_slice %arg4[%add3A_173] : memref<320000xi32, #tpu.memory_space<hbm>> -> memref<40xi32, #tpu.memory_space<hbm>>
      tpu.wait_dma2 semaphore(%run_scoped3A : memref<!tpu.dma_semaphore, #tpu.memory_space<semaphore_mem>>) src(%dma_wait3A_210 : memref<40xi32, #tpu.memory_space<hbm>>) dst(%arg9 : memref<40xi32, #tpu.memory_space<vmem>>)
      tpu.yield
    }) : () -> ()
    "tpu.region"() ({
      %run_scoped3A = tpu.sem_alloc : memref<!tpu.dma_semaphore, #tpu.memory_space<semaphore_mem>>
      %dma_start3A_207 = arith.constant 0 : i32
      %dma_start3A_208 = tpu.memref_slice %arg2[%add3A_173, %dma_start3A_207] : memref<320000x128xf32, #tpu.memory_space<hbm>> -> memref<40x128xf32, #tpu.memory_space<hbm>>
      %dma_start3A_209 = arith.constant 0 : i32
      %dma_start3A_210 = tpu.memref_slice %arg2[%add3A_173, %dma_start3A_209] : memref<320000x128xf32, #tpu.memory_space<hbm>> -> memref<40x128xf32, #tpu.memory_space<hbm>>
      tpu.enqueue_dma source(%dma_start3A_210 : memref<40x128xf32, #tpu.memory_space<hbm>>) target(%arg17 : memref<40x128xf32, #tpu.memory_space<vmem>>) target_semaphore(%run_scoped3A : memref<!tpu.dma_semaphore, #tpu.memory_space<semaphore_mem>>)
      %dma_wait3A_211 = arith.constant 0 : i32
      %dma_wait3A_212 = tpu.memref_slice %arg2[%add3A_173, %dma_wait3A_211] : memref<320000x128xf32, #tpu.memory_space<hbm>> -> memref<40x128xf32, #tpu.memory_space<hbm>>
      %dma_wait3A_213 = arith.constant 0 : i32
      %dma_wait3A_214 = tpu.memref_slice %arg2[%add3A_173, %dma_wait3A_213] : memref<320000x128xf32, #tpu.memory_space<hbm>> -> memref<40x128xf32, #tpu.memory_space<hbm>>
      tpu.wait_dma2 semaphore(%run_scoped3A : memref<!tpu.dma_semaphore, #tpu.memory_space<semaphore_mem>>) src(%dma_wait3A_214 : memref<40x128xf32, #tpu.memory_space<hbm>>) dst(%arg17 : memref<40x128xf32, #tpu.memory_space<vmem>>)
      tpu.yield
    }) : () -> ()
    "tpu.region"() ({
      %run_scoped3A = tpu.sem_alloc : memref<!tpu.dma_semaphore, #tpu.memory_space<semaphore_mem>>
      %dma_start3A_207 = tpu.memref_slice %arg5[%add3A_173] : memref<320000xi32, #tpu.memory_space<hbm>> -> memref<40xi32, #tpu.memory_space<hbm>>
      %dma_start3A_208 = tpu.memref_slice %arg5[%add3A_173] : memref<320000xi32, #tpu.memory_space<hbm>> -> memref<40xi32, #tpu.memory_space<hbm>>
      tpu.enqueue_dma source(%dma_start3A_208 : memref<40xi32, #tpu.memory_space<hbm>>) target(%arg13 : memref<40xi32, #tpu.memory_space<vmem>>) target_semaphore(%run_scoped3A : memref<!tpu.dma_semaphore, #tpu.memory_space<semaphore_mem>>)
      %dma_wait3A_209 = tpu.memref_slice %arg5[%add3A_173] : memref<320000xi32, #tpu.memory_space<hbm>> -> memref<40xi32, #tpu.memory_space<hbm>>
      %dma_wait3A_210 = tpu.memref_slice %arg5[%add3A_173] : memref<320000xi32, #tpu.memory_space<hbm>> -> memref<40xi32, #tpu.memory_space<hbm>>
      tpu.wait_dma2 semaphore(%run_scoped3A : memref<!tpu.dma_semaphore, #tpu.memory_space<semaphore_mem>>) src(%dma_wait3A_210 : memref<40xi32, #tpu.memory_space<hbm>>) dst(%arg13 : memref<40xi32, #tpu.memory_space<vmem>>)
      tpu.yield
    }) : () -> ()
    "tpu.region"() ({
      %run_scoped3A = tpu.sem_alloc : memref<!tpu.dma_semaphore, #tpu.memory_space<semaphore_mem>>
      %dma_start3A_207 = arith.constant 0 : i32
      %dma_start3A_208 = tpu.memref_slice %arg3[%add3A_173, %dma_start3A_207] : memref<320000x128xf32, #tpu.memory_space<hbm>> -> memref<40x128xf32, #tpu.memory_space<hbm>>
      %dma_start3A_209 = arith.constant 0 : i32
      %dma_start3A_210 = tpu.memref_slice %arg3[%add3A_173, %dma_start3A_209] : memref<320000x128xf32, #tpu.memory_space<hbm>> -> memref<40x128xf32, #tpu.memory_space<hbm>>
      tpu.enqueue_dma source(%dma_start3A_210 : memref<40x128xf32, #tpu.memory_space<hbm>>) target(%arg21 : memref<40x128xf32, #tpu.memory_space<vmem>>) target_semaphore(%run_scoped3A : memref<!tpu.dma_semaphore, #tpu.memory_space<semaphore_mem>>)
      %dma_wait3A_211 = arith.constant 0 : i32
      %dma_wait3A_212 = tpu.memref_slice %arg3[%add3A_173, %dma_wait3A_211] : memref<320000x128xf32, #tpu.memory_space<hbm>> -> memref<40x128xf32, #tpu.memory_space<hbm>>
      %dma_wait3A_213 = arith.constant 0 : i32
      %dma_wait3A_214 = tpu.memref_slice %arg3[%add3A_173, %dma_wait3A_213] : memref<320000x128xf32, #tpu.memory_space<hbm>> -> memref<40x128xf32, #tpu.memory_space<hbm>>
      tpu.wait_dma2 semaphore(%run_scoped3A : memref<!tpu.dma_semaphore, #tpu.memory_space<semaphore_mem>>) src(%dma_wait3A_214 : memref<40x128xf32, #tpu.memory_space<hbm>>) dst(%arg21 : memref<40x128xf32, #tpu.memory_space<vmem>>)
      tpu.yield
    }) : () -> ()
    %dma_start3A_174 = arith.constant 0 : i32
    %dma_start3A_175 = arith.constant 0 : i32
    %dma_start3A_176 = tpu.memref_slice %arg33[%dma_start3A_174, %dma_start3A_175] : memref<10240x128xf32, #tpu.memory_space<vmem_shared>> -> memref<10240x128xf32, #tpu.memory_space<vmem_shared>>
    tpu.enqueue_indirect_dma source(%arg17 : memref<40x128xf32, #tpu.memory_space<vmem>>) target(%dma_start3A_176 : memref<10240x128xf32, #tpu.memory_space<vmem_shared>>) offsets(%arg9 : memref<40xi32, #tpu.memory_space<vmem>>) semaphore(%arg29 : memref<!tpu.dma_semaphore, #tpu.memory_space<semaphore_mem>>) {add = true}
    %dma_start3A_177 = arith.constant 0 : i32
    %dma_start3A_178 = arith.constant 0 : i32
    %dma_start3A_179 = tpu.memref_slice %arg33[%dma_start3A_177, %dma_start3A_178] : memref<10240x128xf32, #tpu.memory_space<vmem_shared>> -> memref<10240x128xf32, #tpu.memory_space<vmem_shared>>
    tpu.enqueue_indirect_dma source(%arg21 : memref<40x128xf32, #tpu.memory_space<vmem>>) target(%dma_start3A_179 : memref<10240x128xf32, #tpu.memory_space<vmem_shared>>) offsets(%arg13 : memref<40xi32, #tpu.memory_space<vmem>>) semaphore(%arg29 : memref<!tpu.dma_semaphore, #tpu.memory_space<semaphore_mem>>) {add = true}
    %dma_wait3A_180 = arith.constant 0 : i32
    %dma_wait3A_181 = arith.constant 0 : i32
    %dma_wait3A_182 = tpu.memref_slice %arg33[%dma_wait3A_180, %dma_wait3A_181] : memref<10240x128xf32, #tpu.memory_space<vmem_shared>> -> memref<10240x128xf32, #tpu.memory_space<vmem_shared>>
    tpu.wait_indirect_dma semaphore(%arg29 : memref<!tpu.dma_semaphore, #tpu.memory_space<semaphore_mem>>) src(%arg17 : memref<40x128xf32, #tpu.memory_space<vmem>>) dst(%dma_wait3A_182 : memref<10240x128xf32, #tpu.memory_space<vmem_shared>>)
    %dma_wait3A_183 = arith.constant 0 : i32
    %dma_wait3A_184 = arith.constant 0 : i32
    %dma_wait3A_185 = tpu.memref_slice %arg33[%dma_wait3A_183, %dma_wait3A_184] : memref<10240x128xf32, #tpu.memory_space<vmem_shared>> -> memref<10240x128xf32, #tpu.memory_space<vmem_shared>>
    tpu.wait_indirect_dma semaphore(%arg29 : memref<!tpu.dma_semaphore, #tpu.memory_space<semaphore_mem>>) src(%arg21 : memref<40x128xf32, #tpu.memory_space<vmem>>) dst(%dma_wait3A_185 : memref<10240x128xf32, #tpu.memory_space<vmem_shared>>)
    %add3A_186 = arith.constant 9960 : i32
    %add3A_187 = arith.addi %mul3A_2, %add3A_186 : i32
    "tpu.region"() ({
      %run_scoped3A = tpu.sem_alloc : memref<!tpu.dma_semaphore, #tpu.memory_space<semaphore_mem>>
      %dma_start3A_207 = tpu.memref_slice %arg4[%add3A_187] : memref<320000xi32, #tpu.memory_space<hbm>> -> memref<40xi32, #tpu.memory_space<hbm>>
      %dma_start3A_208 = tpu.memref_slice %arg4[%add3A_187] : memref<320000xi32, #tpu.memory_space<hbm>> -> memref<40xi32, #tpu.memory_space<hbm>>
      tpu.enqueue_dma source(%dma_start3A_208 : memref<40xi32, #tpu.memory_space<hbm>>) target(%arg9 : memref<40xi32, #tpu.memory_space<vmem>>) target_semaphore(%run_scoped3A : memref<!tpu.dma_semaphore, #tpu.memory_space<semaphore_mem>>)
      %dma_wait3A_209 = tpu.memref_slice %arg4[%add3A_187] : memref<320000xi32, #tpu.memory_space<hbm>> -> memref<40xi32, #tpu.memory_space<hbm>>
      %dma_wait3A_210 = tpu.memref_slice %arg4[%add3A_187] : memref<320000xi32, #tpu.memory_space<hbm>> -> memref<40xi32, #tpu.memory_space<hbm>>
      tpu.wait_dma2 semaphore(%run_scoped3A : memref<!tpu.dma_semaphore, #tpu.memory_space<semaphore_mem>>) src(%dma_wait3A_210 : memref<40xi32, #tpu.memory_space<hbm>>) dst(%arg9 : memref<40xi32, #tpu.memory_space<vmem>>)
      tpu.yield
    }) : () -> ()
    "tpu.region"() ({
      %run_scoped3A = tpu.sem_alloc : memref<!tpu.dma_semaphore, #tpu.memory_space<semaphore_mem>>
      %dma_start3A_207 = arith.constant 0 : i32
      %dma_start3A_208 = tpu.memref_slice %arg2[%add3A_187, %dma_start3A_207] : memref<320000x128xf32, #tpu.memory_space<hbm>> -> memref<40x128xf32, #tpu.memory_space<hbm>>
      %dma_start3A_209 = arith.constant 0 : i32
      %dma_start3A_210 = tpu.memref_slice %arg2[%add3A_187, %dma_start3A_209] : memref<320000x128xf32, #tpu.memory_space<hbm>> -> memref<40x128xf32, #tpu.memory_space<hbm>>
      tpu.enqueue_dma source(%dma_start3A_210 : memref<40x128xf32, #tpu.memory_space<hbm>>) target(%arg17 : memref<40x128xf32, #tpu.memory_space<vmem>>) target_semaphore(%run_scoped3A : memref<!tpu.dma_semaphore, #tpu.memory_space<semaphore_mem>>)
      %dma_wait3A_211 = arith.constant 0 : i32
      %dma_wait3A_212 = tpu.memref_slice %arg2[%add3A_187, %dma_wait3A_211] : memref<320000x128xf32, #tpu.memory_space<hbm>> -> memref<40x128xf32, #tpu.memory_space<hbm>>
      %dma_wait3A_213 = arith.constant 0 : i32
      %dma_wait3A_214 = tpu.memref_slice %arg2[%add3A_187, %dma_wait3A_213] : memref<320000x128xf32, #tpu.memory_space<hbm>> -> memref<40x128xf32, #tpu.memory_space<hbm>>
      tpu.wait_dma2 semaphore(%run_scoped3A : memref<!tpu.dma_semaphore, #tpu.memory_space<semaphore_mem>>) src(%dma_wait3A_214 : memref<40x128xf32, #tpu.memory_space<hbm>>) dst(%arg17 : memref<40x128xf32, #tpu.memory_space<vmem>>)
      tpu.yield
    }) : () -> ()
    "tpu.region"() ({
      %run_scoped3A = tpu.sem_alloc : memref<!tpu.dma_semaphore, #tpu.memory_space<semaphore_mem>>
      %dma_start3A_207 = tpu.memref_slice %arg5[%add3A_187] : memref<320000xi32, #tpu.memory_space<hbm>> -> memref<40xi32, #tpu.memory_space<hbm>>
      %dma_start3A_208 = tpu.memref_slice %arg5[%add3A_187] : memref<320000xi32, #tpu.memory_space<hbm>> -> memref<40xi32, #tpu.memory_space<hbm>>
      tpu.enqueue_dma source(%dma_start3A_208 : memref<40xi32, #tpu.memory_space<hbm>>) target(%arg13 : memref<40xi32, #tpu.memory_space<vmem>>) target_semaphore(%run_scoped3A : memref<!tpu.dma_semaphore, #tpu.memory_space<semaphore_mem>>)
      %dma_wait3A_209 = tpu.memref_slice %arg5[%add3A_187] : memref<320000xi32, #tpu.memory_space<hbm>> -> memref<40xi32, #tpu.memory_space<hbm>>
      %dma_wait3A_210 = tpu.memref_slice %arg5[%add3A_187] : memref<320000xi32, #tpu.memory_space<hbm>> -> memref<40xi32, #tpu.memory_space<hbm>>
      tpu.wait_dma2 semaphore(%run_scoped3A : memref<!tpu.dma_semaphore, #tpu.memory_space<semaphore_mem>>) src(%dma_wait3A_210 : memref<40xi32, #tpu.memory_space<hbm>>) dst(%arg13 : memref<40xi32, #tpu.memory_space<vmem>>)
      tpu.yield
    }) : () -> ()
    "tpu.region"() ({
      %run_scoped3A = tpu.sem_alloc : memref<!tpu.dma_semaphore, #tpu.memory_space<semaphore_mem>>
      %dma_start3A_207 = arith.constant 0 : i32
      %dma_start3A_208 = tpu.memref_slice %arg3[%add3A_187, %dma_start3A_207] : memref<320000x128xf32, #tpu.memory_space<hbm>> -> memref<40x128xf32, #tpu.memory_space<hbm>>
      %dma_start3A_209 = arith.constant 0 : i32
      %dma_start3A_210 = tpu.memref_slice %arg3[%add3A_187, %dma_start3A_209] : memref<320000x128xf32, #tpu.memory_space<hbm>> -> memref<40x128xf32, #tpu.memory_space<hbm>>
      tpu.enqueue_dma source(%dma_start3A_210 : memref<40x128xf32, #tpu.memory_space<hbm>>) target(%arg21 : memref<40x128xf32, #tpu.memory_space<vmem>>) target_semaphore(%run_scoped3A : memref<!tpu.dma_semaphore, #tpu.memory_space<semaphore_mem>>)
      %dma_wait3A_211 = arith.constant 0 : i32
      %dma_wait3A_212 = tpu.memref_slice %arg3[%add3A_187, %dma_wait3A_211] : memref<320000x128xf32, #tpu.memory_space<hbm>> -> memref<40x128xf32, #tpu.memory_space<hbm>>
      %dma_wait3A_213 = arith.constant 0 : i32
      %dma_wait3A_214 = tpu.memref_slice %arg3[%add3A_187, %dma_wait3A_213] : memref<320000x128xf32, #tpu.memory_space<hbm>> -> memref<40x128xf32, #tpu.memory_space<hbm>>
      tpu.wait_dma2 semaphore(%run_scoped3A : memref<!tpu.dma_semaphore, #tpu.memory_space<semaphore_mem>>) src(%dma_wait3A_214 : memref<40x128xf32, #tpu.memory_space<hbm>>) dst(%arg21 : memref<40x128xf32, #tpu.memory_space<vmem>>)
      tpu.yield
    }) : () -> ()
    %dma_start3A_188 = arith.constant 0 : i32
    %dma_start3A_189 = arith.constant 0 : i32
    %dma_start3A_190 = tpu.memref_slice %arg33[%dma_start3A_188, %dma_start3A_189] : memref<10240x128xf32, #tpu.memory_space<vmem_shared>> -> memref<10240x128xf32, #tpu.memory_space<vmem_shared>>
    tpu.enqueue_indirect_dma source(%arg17 : memref<40x128xf32, #tpu.memory_space<vmem>>) target(%dma_start3A_190 : memref<10240x128xf32, #tpu.memory_space<vmem_shared>>) offsets(%arg9 : memref<40xi32, #tpu.memory_space<vmem>>) semaphore(%arg29 : memref<!tpu.dma_semaphore, #tpu.memory_space<semaphore_mem>>) {add = true}
    %dma_start3A_191 = arith.constant 0 : i32
    %dma_start3A_192 = arith.constant 0 : i32
    %dma_start3A_193 = tpu.memref_slice %arg33[%dma_start3A_191, %dma_start3A_192] : memref<10240x128xf32, #tpu.memory_space<vmem_shared>> -> memref<10240x128xf32, #tpu.memory_space<vmem_shared>>
    tpu.enqueue_indirect_dma source(%arg21 : memref<40x128xf32, #tpu.memory_space<vmem>>) target(%dma_start3A_193 : memref<10240x128xf32, #tpu.memory_space<vmem_shared>>) offsets(%arg13 : memref<40xi32, #tpu.memory_space<vmem>>) semaphore(%arg29 : memref<!tpu.dma_semaphore, #tpu.memory_space<semaphore_mem>>) {add = true}
    %dma_wait3A_194 = arith.constant 0 : i32
    %dma_wait3A_195 = arith.constant 0 : i32
    %dma_wait3A_196 = tpu.memref_slice %arg33[%dma_wait3A_194, %dma_wait3A_195] : memref<10240x128xf32, #tpu.memory_space<vmem_shared>> -> memref<10240x128xf32, #tpu.memory_space<vmem_shared>>
    tpu.wait_indirect_dma semaphore(%arg29 : memref<!tpu.dma_semaphore, #tpu.memory_space<semaphore_mem>>) src(%arg17 : memref<40x128xf32, #tpu.memory_space<vmem>>) dst(%dma_wait3A_196 : memref<10240x128xf32, #tpu.memory_space<vmem_shared>>)
    %dma_wait3A_197 = arith.constant 0 : i32
    %dma_wait3A_198 = arith.constant 0 : i32
    %dma_wait3A_199 = tpu.memref_slice %arg33[%dma_wait3A_197, %dma_wait3A_198] : memref<10240x128xf32, #tpu.memory_space<vmem_shared>> -> memref<10240x128xf32, #tpu.memory_space<vmem_shared>>
    tpu.wait_indirect_dma semaphore(%arg29 : memref<!tpu.dma_semaphore, #tpu.memory_space<semaphore_mem>>) src(%arg21 : memref<40x128xf32, #tpu.memory_space<vmem>>) dst(%dma_wait3A_199 : memref<10240x128xf32, #tpu.memory_space<vmem_shared>>)
    %barrier3A_200 = arith.constant 0 : index
    tpu.barrier barrier_id(%barrier3A_200)
    %scan3A_201 = arith.constant 0 : i32
    %scan3A_202 = arith.constant 0 : i32
    %scan3A_203 = arith.constant 16 : i32
    %scan3A_204 = arith.addi %scan3A_202, %scan3A_203 : i32
    %scan3A_205 = arith.constant 1 : i32
    scf.for %scan3A_207 = %scan3A_202 to %scan3A_204 step %scan3A_205  : i32 {
      %mul3A_208 = arith.constant 640 : i32
      %mul3A_209 = arith.muli %arg1, %mul3A_208 : i32
      %mul3A_210 = arith.constant 40 : i32
      %mul3A_211 = arith.muli %scan3A_207, %mul3A_210 : i32
      %add3A_212 = arith.addi %mul3A_209, %mul3A_211 : i32
      %mul3A_213 = arith.constant 10240 : i32
      %mul3A_214 = arith.muli %arg0, %mul3A_213 : i32
      %add3A_215 = arith.addi %mul3A_214, %add3A_212 : i32
      "tpu.region"() ({
        %run_scoped3A = tpu.sem_alloc : memref<!tpu.dma_semaphore, #tpu.memory_space<semaphore_mem>>
        %dma_start3A_216 = tpu.memref_slice %arg7[%add3A_212] : memref<10240xi32, #tpu.memory_space<hbm>> -> memref<40xi32, #tpu.memory_space<hbm>>
        %dma_start3A_217 = tpu.memref_slice %arg7[%add3A_212] : memref<10240xi32, #tpu.memory_space<hbm>> -> memref<40xi32, #tpu.memory_space<hbm>>
        tpu.enqueue_dma source(%dma_start3A_217 : memref<40xi32, #tpu.memory_space<hbm>>) target(%arg9 : memref<40xi32, #tpu.memory_space<vmem>>) target_semaphore(%run_scoped3A : memref<!tpu.dma_semaphore, #tpu.memory_space<semaphore_mem>>)
        %dma_wait3A_218 = tpu.memref_slice %arg7[%add3A_212] : memref<10240xi32, #tpu.memory_space<hbm>> -> memref<40xi32, #tpu.memory_space<hbm>>
        %dma_wait3A_219 = tpu.memref_slice %arg7[%add3A_212] : memref<10240xi32, #tpu.memory_space<hbm>> -> memref<40xi32, #tpu.memory_space<hbm>>
        tpu.wait_dma2 semaphore(%run_scoped3A : memref<!tpu.dma_semaphore, #tpu.memory_space<semaphore_mem>>) src(%dma_wait3A_219 : memref<40xi32, #tpu.memory_space<hbm>>) dst(%arg9 : memref<40xi32, #tpu.memory_space<vmem>>)
        tpu.yield
      }) : () -> ()
      "tpu.region"() ({
        %run_scoped3A = tpu.sem_alloc : memref<!tpu.dma_semaphore, #tpu.memory_space<semaphore_mem>>
        %dma_start3A_216 = arith.constant 0 : i32
        %dma_start3A_217 = arith.constant 0 : i32
        %dma_start3A_218 = tpu.memref_slice %arg33[%dma_start3A_216, %dma_start3A_217] : memref<10240x128xf32, #tpu.memory_space<vmem_shared>> -> memref<10240x128xf32, #tpu.memory_space<vmem_shared>>
        tpu.enqueue_indirect_dma source(%dma_start3A_218 : memref<10240x128xf32, #tpu.memory_space<vmem_shared>>) target(%arg17 : memref<40x128xf32, #tpu.memory_space<vmem>>) offsets(%arg9 : memref<40xi32, #tpu.memory_space<vmem>>) semaphore(%run_scoped3A : memref<!tpu.dma_semaphore, #tpu.memory_space<semaphore_mem>>)
        %dma_wait3A_219 = arith.constant 0 : i32
        %dma_wait3A_220 = arith.constant 0 : i32
        %dma_wait3A_221 = tpu.memref_slice %arg33[%dma_wait3A_219, %dma_wait3A_220] : memref<10240x128xf32, #tpu.memory_space<vmem_shared>> -> memref<10240x128xf32, #tpu.memory_space<vmem_shared>>
        tpu.wait_indirect_dma semaphore(%run_scoped3A : memref<!tpu.dma_semaphore, #tpu.memory_space<semaphore_mem>>) src(%dma_wait3A_221 : memref<10240x128xf32, #tpu.memory_space<vmem_shared>>) dst(%arg17 : memref<40x128xf32, #tpu.memory_space<vmem>>)
        tpu.yield
      }) : () -> ()
      "tpu.region"() ({
        %run_scoped3A = tpu.sem_alloc : memref<!tpu.dma_semaphore, #tpu.memory_space<semaphore_mem>>
        %dma_start3A_216 = arith.constant 0 : i32
        %dma_start3A_217 = tpu.memref_slice %arg8[%add3A_215, %dma_start3A_216] : memref<20480x128xf32, #tpu.memory_space<hbm>> -> memref<40x128xf32, #tpu.memory_space<hbm>>
        %dma_start3A_218 = arith.constant 0 : i32
        %dma_start3A_219 = tpu.memref_slice %arg8[%add3A_215, %dma_start3A_218] : memref<20480x128xf32, #tpu.memory_space<hbm>> -> memref<40x128xf32, #tpu.memory_space<hbm>>
        tpu.enqueue_dma source(%arg17 : memref<40x128xf32, #tpu.memory_space<vmem>>) target(%dma_start3A_219 : memref<40x128xf32, #tpu.memory_space<hbm>>) target_semaphore(%run_scoped3A : memref<!tpu.dma_semaphore, #tpu.memory_space<semaphore_mem>>)
        %dma_wait3A_220 = arith.constant 0 : i32
        %dma_wait3A_221 = tpu.memref_slice %arg8[%add3A_215, %dma_wait3A_220] : memref<20480x128xf32, #tpu.memory_space<hbm>> -> memref<40x128xf32, #tpu.memory_space<hbm>>
        %dma_wait3A_222 = arith.constant 0 : i32
        %dma_wait3A_223 = tpu.memref_slice %arg8[%add3A_215, %dma_wait3A_222] : memref<20480x128xf32, #tpu.memory_space<hbm>> -> memref<40x128xf32, #tpu.memory_space<hbm>>
        tpu.wait_dma2 semaphore(%run_scoped3A : memref<!tpu.dma_semaphore, #tpu.memory_space<semaphore_mem>>) src(%arg17 : memref<40x128xf32, #tpu.memory_space<vmem>>) dst(%dma_wait3A_223 : memref<40x128xf32, #tpu.memory_space<hbm>>)
        tpu.yield
      }) : () -> ()
    }
    %scan3A_206 = arith.constant 16 : i32
    return
  }
}

module attributes {stable_mosaic.version = 14 : i64} {
  func.func @body(%arg0: i32, %arg1: memref<2000x128xf32, #tpu.memory_space<vmem>>, %arg2: memref<2000x128xf32, #tpu.memory_space<vmem>>, %arg3: memref<2000x128xf32, #tpu.memory_space<vmem>>, %arg4: memref<128x128xf32, #tpu.memory_space<vmem>>, %arg5: memref<1x128xf32, #tpu.memory_space<vmem>>, %arg6: memref<128x384xf32, #tpu.memory_space<vmem>>, %arg7: memref<1x384xf32, #tpu.memory_space<vmem>>, %arg8: memref<2000x128xf32, #tpu.memory_space<vmem>>, %arg9: memref<2000x128xf32, #tpu.memory_space<vmem>>, %arg10: memref<2000x128xf32, #tpu.memory_space<vmem>>) attributes {dimension_semantics = [#tpu.dimension_semantics<arbitrary>], iteration_bounds = array<i64: 160>, scalar_prefetch = 0 : i64, scratch_operands = 0 : i64, tpu.core_type = #tpu.core_type<tc>, window_params = [{transform_indices = @transform_0, window_bounds = array<i64: 2000, 128>}, {transform_indices = @transform_1, window_bounds = array<i64: 2000, 128>}, {transform_indices = @transform_2, window_bounds = array<i64: 2000, 128>}, {pipeline_mode = #tpu.pipeline_mode<synchronous>, transform_indices = @transform_3, window_bounds = array<i64: 128, 128>}, {pipeline_mode = #tpu.pipeline_mode<synchronous>, transform_indices = @transform_4, window_bounds = array<i64: 1, 128>}, {pipeline_mode = #tpu.pipeline_mode<synchronous>, transform_indices = @transform_5, window_bounds = array<i64: 128, 384>}, {pipeline_mode = #tpu.pipeline_mode<synchronous>, transform_indices = @transform_6, window_bounds = array<i64: 1, 384>}, {transform_indices = @transform_7, window_bounds = array<i64: 2000, 128>}, {transform_indices = @transform_8, window_bounds = array<i64: 2000, 128>}, {transform_indices = @transform_9, window_bounds = array<i64: 2000, 128>}]} {
    %get3A = arith.constant 0 : index
    %get3A_0 = arith.constant 0 : index
    %get3A_1 = vector.load %arg1[%get3A, %get3A_0] : memref<2000x128xf32, #tpu.memory_space<vmem>>, vector<2000x128xf32>
    %get3A_2 = arith.constant 0 : index
    %get3A_3 = arith.constant 0 : index
    %get3A_4 = vector.load %arg2[%get3A_2, %get3A_3] : memref<2000x128xf32, #tpu.memory_space<vmem>>, vector<2000x128xf32>
    %add3A = arith.addf %get3A_1, %get3A_4 : vector<2000x128xf32>
    %get3A_5 = arith.constant 0 : index
    %get3A_6 = arith.constant 0 : index
    %get3A_7 = vector.load %arg3[%get3A_5, %get3A_6] : memref<2000x128xf32, #tpu.memory_space<vmem>>, vector<2000x128xf32>
    %get3A_8 = arith.constant 0 : index
    %get3A_9 = arith.constant 0 : index
    %get3A_10 = vector.load %arg4[%get3A_8, %get3A_9] : memref<128x128xf32, #tpu.memory_space<vmem>>, vector<128x128xf32>
    %dot_general3A = arith.constant dense<0.000000e+00> : vector<2000x128xf32>
    %dot_general3A_11 = tpu.matmul %get3A_7, %get3A_10, %dot_general3A {dimension_numbers = #tpu.dot_dimension_numbers<[1], [0], [0], [1], [0, 0, 1, 1], [], []>, transpose_lhs_hint = false} : vector<2000x128xf32>, vector<128x128xf32>, vector<2000x128xf32> -> vector<2000x128xf32>
    %add3A_12 = arith.addf %add3A, %dot_general3A_11 : vector<2000x128xf32>
    %get3A_13 = arith.constant 0 : index
    %get3A_14 = arith.constant 0 : index
    %get3A_15 = vector.load %arg5[%get3A_13, %get3A_14] : memref<1x128xf32, #tpu.memory_space<vmem>>, vector<1x128xf32>
    %add3A_16 = vector.broadcast %get3A_15 : vector<1x128xf32> to vector<2000x128xf32>
    %add3A_17 = arith.addf %add3A_12, %add3A_16 : vector<2000x128xf32>
    %max3A = arith.constant 0.000000e+00 : f32
    %max3A_18 = vector.broadcast %max3A : f32 to vector<2000x128xf32>
    %max3A_19 = arith.maximumf %add3A_17, %max3A_18 : vector<2000x128xf32>
    %get3A_20 = arith.constant 0 : index
    %get3A_21 = arith.constant 0 : index
    %get3A_22 = vector.load %arg6[%get3A_20, %get3A_21] : memref<128x384xf32, #tpu.memory_space<vmem>>, vector<128x384xf32>
    %dot_general3A_23 = arith.constant dense<0.000000e+00> : vector<2000x384xf32>
    %dot_general3A_24 = tpu.matmul %max3A_19, %get3A_22, %dot_general3A_23 {dimension_numbers = #tpu.dot_dimension_numbers<[1], [0], [0], [1], [0, 0, 1, 1], [], []>, transpose_lhs_hint = false} : vector<2000x128xf32>, vector<128x384xf32>, vector<2000x384xf32> -> vector<2000x384xf32>
    %get3A_25 = arith.constant 0 : index
    %get3A_26 = arith.constant 0 : index
    %get3A_27 = vector.load %arg7[%get3A_25, %get3A_26] : memref<1x384xf32, #tpu.memory_space<vmem>>, vector<1x384xf32>
    %add3A_28 = vector.broadcast %get3A_27 : vector<1x384xf32> to vector<2000x384xf32>
    %add3A_29 = arith.addf %dot_general3A_24, %add3A_28 : vector<2000x384xf32>
    %max3A_30 = arith.constant 0.000000e+00 : f32
    %max3A_31 = vector.broadcast %max3A_30 : f32 to vector<2000x384xf32>
    %max3A_32 = arith.maximumf %add3A_29, %max3A_31 : vector<2000x384xf32>
    %slice3A = vector.extract_strided_slice %max3A_32 {offsets = [0, 0], sizes = [2000, 128], strides = [1, 1]} : vector<2000x384xf32> to vector<2000x128xf32>
    %swap3A = arith.constant 0 : index
    %swap3A_33 = arith.constant 0 : index
    %swap3A_34 = vector.load %arg8[%swap3A, %swap3A_33] : memref<2000x128xf32, #tpu.memory_space<vmem>>, vector<2000x128xf32>
    tpu.vector_store %arg8[%swap3A, %swap3A_33], %slice3A {strides = array<i32>} : memref<2000x128xf32, #tpu.memory_space<vmem>>, vector<2000x128xf32>,
    %slice3A_35 = vector.extract_strided_slice %max3A_32 {offsets = [0, 128], sizes = [2000, 128], strides = [1, 1]} : vector<2000x384xf32> to vector<2000x128xf32>
    %swap3A_36 = arith.constant 0 : index
    %swap3A_37 = arith.constant 0 : index
    %swap3A_38 = vector.load %arg9[%swap3A_36, %swap3A_37] : memref<2000x128xf32, #tpu.memory_space<vmem>>, vector<2000x128xf32>
    tpu.vector_store %arg9[%swap3A_36, %swap3A_37], %slice3A_35 {strides = array<i32>} : memref<2000x128xf32, #tpu.memory_space<vmem>>, vector<2000x128xf32>,
    %slice3A_39 = vector.extract_strided_slice %max3A_32 {offsets = [0, 256], sizes = [2000, 128], strides = [1, 1]} : vector<2000x384xf32> to vector<2000x128xf32>
    %swap3A_40 = arith.constant 0 : index
    %swap3A_41 = arith.constant 0 : index
    %swap3A_42 = vector.load %arg10[%swap3A_40, %swap3A_41] : memref<2000x128xf32, #tpu.memory_space<vmem>>, vector<2000x128xf32>
    tpu.vector_store %arg10[%swap3A_40, %swap3A_41], %slice3A_39 {strides = array<i32>} : memref<2000x128xf32, #tpu.memory_space<vmem>>, vector<2000x128xf32>,
    return
  }
  func.func @transform_0(%arg0: i32) -> (i32, i32) {
    %c0_i32 = arith.constant 0 : i32
    %c0_i32_0 = arith.constant 0 : i32
    return %arg0, %c0_i32 : i32, i32
  }
  func.func @transform_1(%arg0: i32) -> (i32, i32) {
    %c0_i32 = arith.constant 0 : i32
    %c0_i32_0 = arith.constant 0 : i32
    return %arg0, %c0_i32 : i32, i32
  }
  func.func @transform_2(%arg0: i32) -> (i32, i32) {
    %c0_i32 = arith.constant 0 : i32
    %c0_i32_0 = arith.constant 0 : i32
    return %arg0, %c0_i32 : i32, i32
  }
  func.func @transform_3(%arg0: i32) -> (i32, i32) {
    %c0_i32 = arith.constant 0 : i32
    %c0_i32_0 = arith.constant 0 : i32
    %c0_i32_1 = arith.constant 0 : i32
    return %c0_i32, %c0_i32_0 : i32, i32
  }
  func.func @transform_4(%arg0: i32) -> (i32, i32) {
    %c0_i32 = arith.constant 0 : i32
    %c0_i32_0 = arith.constant 0 : i32
    %c0_i32_1 = arith.constant 0 : i32
    return %c0_i32, %c0_i32_0 : i32, i32
  }
  func.func @transform_5(%arg0: i32) -> (i32, i32) {
    %c0_i32 = arith.constant 0 : i32
    %c0_i32_0 = arith.constant 0 : i32
    %c0_i32_1 = arith.constant 0 : i32
    return %c0_i32, %c0_i32_0 : i32, i32
  }
  func.func @transform_6(%arg0: i32) -> (i32, i32) {
    %c0_i32 = arith.constant 0 : i32
    %c0_i32_0 = arith.constant 0 : i32
    %c0_i32_1 = arith.constant 0 : i32
    return %c0_i32, %c0_i32_0 : i32, i32
  }
  func.func @transform_7(%arg0: i32) -> (i32, i32) {
    %c0_i32 = arith.constant 0 : i32
    %c0_i32_0 = arith.constant 0 : i32
    return %arg0, %c0_i32 : i32, i32
  }
  func.func @transform_8(%arg0: i32) -> (i32, i32) {
    %c0_i32 = arith.constant 0 : i32
    %c0_i32_0 = arith.constant 0 : i32
    return %arg0, %c0_i32 : i32, i32
  }
  func.func @transform_9(%arg0: i32) -> (i32, i32) {
    %c0_i32 = arith.constant 0 : i32
    %c0_i32_0 = arith.constant 0 : i32
    return %arg0, %c0_i32 : i32, i32
  }
}

module attributes {stable_mosaic.version = 14 : i64} {
  func.func @body(%arg0: i32, %arg1: memref<1000x128xf32, #tpu.memory_space<vmem>>, %arg2: memref<128x128xf32, #tpu.memory_space<vmem>>, %arg3: memref<128x128xf32, #tpu.memory_space<vmem>>, %arg4: memref<1000x128xf32, #tpu.memory_space<vmem>>, %arg5: memref<1000x128xf32, #tpu.memory_space<vmem>>) attributes {dimension_semantics = [#tpu.dimension_semantics<arbitrary>], iteration_bounds = array<i64: 10>, scalar_prefetch = 0 : i64, scratch_operands = 0 : i64, tpu.core_type = #tpu.core_type<tc>, window_params = [{transform_indices = @transform_0, window_bounds = array<i64: 1000, 128>}, {pipeline_mode = #tpu.pipeline_mode<synchronous>, transform_indices = @transform_1, window_bounds = array<i64: 128, 128>}, {pipeline_mode = #tpu.pipeline_mode<synchronous>, transform_indices = @transform_2, window_bounds = array<i64: 128, 128>}, {transform_indices = @transform_3, window_bounds = array<i64: 1000, 128>}, {transform_indices = @transform_4, window_bounds = array<i64: 1000, 128>}]} {
    %get3A = arith.constant 0 : index
    %get3A_0 = arith.constant 0 : index
    %get3A_1 = vector.load %arg1[%get3A, %get3A_0] : memref<1000x128xf32, #tpu.memory_space<vmem>>, vector<1000x128xf32>
    %get3A_2 = arith.constant 0 : index
    %get3A_3 = arith.constant 0 : index
    %get3A_4 = vector.load %arg2[%get3A_2, %get3A_3] : memref<128x128xf32, #tpu.memory_space<vmem>>, vector<128x128xf32>
    %dot_general3A = arith.constant dense<0.000000e+00> : vector<1000x128xf32>
    %dot_general3A_5 = tpu.matmul %get3A_1, %get3A_4, %dot_general3A {dimension_numbers = #tpu.dot_dimension_numbers<[1], [0], [0], [1], [0, 0, 1, 1], [], []>, transpose_lhs_hint = false} : vector<1000x128xf32>, vector<128x128xf32>, vector<1000x128xf32> -> vector<1000x128xf32>
    %swap3A = arith.constant 0 : index
    %swap3A_6 = arith.constant 0 : index
    %swap3A_7 = vector.load %arg4[%swap3A, %swap3A_6] : memref<1000x128xf32, #tpu.memory_space<vmem>>, vector<1000x128xf32>
    tpu.vector_store %arg4[%swap3A, %swap3A_6], %dot_general3A_5 {strides = array<i32>} : memref<1000x128xf32, #tpu.memory_space<vmem>>, vector<1000x128xf32>,
    %get3A_8 = arith.constant 0 : index
    %get3A_9 = arith.constant 0 : index
    %get3A_10 = vector.load %arg3[%get3A_8, %get3A_9] : memref<128x128xf32, #tpu.memory_space<vmem>>, vector<128x128xf32>
    %dot_general3A_11 = arith.constant dense<0.000000e+00> : vector<1000x128xf32>
    %dot_general3A_12 = tpu.matmul %get3A_1, %get3A_10, %dot_general3A_11 {dimension_numbers = #tpu.dot_dimension_numbers<[1], [0], [0], [1], [0, 0, 1, 1], [], []>, transpose_lhs_hint = false} : vector<1000x128xf32>, vector<128x128xf32>, vector<1000x128xf32> -> vector<1000x128xf32>
    %swap3A_13 = arith.constant 0 : index
    %swap3A_14 = arith.constant 0 : index
    %swap3A_15 = vector.load %arg5[%swap3A_13, %swap3A_14] : memref<1000x128xf32, #tpu.memory_space<vmem>>, vector<1000x128xf32>
    tpu.vector_store %arg5[%swap3A_13, %swap3A_14], %dot_general3A_12 {strides = array<i32>} : memref<1000x128xf32, #tpu.memory_space<vmem>>, vector<1000x128xf32>,
    return
  }
  func.func @transform_0(%arg0: i32) -> (i32, i32) {
    %c0_i32 = arith.constant 0 : i32
    %c0_i32_0 = arith.constant 0 : i32
    return %arg0, %c0_i32 : i32, i32
  }
  func.func @transform_1(%arg0: i32) -> (i32, i32) {
    %c0_i32 = arith.constant 0 : i32
    %c0_i32_0 = arith.constant 0 : i32
    %c0_i32_1 = arith.constant 0 : i32
    return %c0_i32, %c0_i32_0 : i32, i32
  }
  func.func @transform_2(%arg0: i32) -> (i32, i32) {
    %c0_i32 = arith.constant 0 : i32
    %c0_i32_0 = arith.constant 0 : i32
    %c0_i32_1 = arith.constant 0 : i32
    return %c0_i32, %c0_i32_0 : i32, i32
  }
  func.func @transform_3(%arg0: i32) -> (i32, i32) {
    %c0_i32 = arith.constant 0 : i32
    %c0_i32_0 = arith.constant 0 : i32
    return %arg0, %c0_i32 : i32, i32
  }
  func.func @transform_4(%arg0: i32) -> (i32, i32) {
    %c0_i32 = arith.constant 0 : i32
    %c0_i32_0 = arith.constant 0 : i32
    return %arg0, %c0_i32 : i32, i32
  }
}

module attributes {stable_mosaic.version = 14 : i64} {
  func.func @body(%arg0: i32, %arg1: memref<1000x128xf32, #tpu.memory_space<vmem>>, %arg2: memref<128x128xf32, #tpu.memory_space<vmem>>, %arg3: memref<128x128xf32, #tpu.memory_space<vmem>>, %arg4: memref<1000x128xf32, #tpu.memory_space<vmem>>, %arg5: memref<1000x128xf32, #tpu.memory_space<vmem>>) attributes {dimension_semantics = [#tpu.dimension_semantics<arbitrary>], iteration_bounds = array<i64: 320>, scalar_prefetch = 0 : i64, scratch_operands = 0 : i64, tpu.core_type = #tpu.core_type<tc>, window_params = [{transform_indices = @transform_0, window_bounds = array<i64: 1000, 128>}, {pipeline_mode = #tpu.pipeline_mode<synchronous>, transform_indices = @transform_1, window_bounds = array<i64: 128, 128>}, {pipeline_mode = #tpu.pipeline_mode<synchronous>, transform_indices = @transform_2, window_bounds = array<i64: 128, 128>}, {transform_indices = @transform_3, window_bounds = array<i64: 1000, 128>}, {transform_indices = @transform_4, window_bounds = array<i64: 1000, 128>}]} {
    %get3A = arith.constant 0 : index
    %get3A_0 = arith.constant 0 : index
    %get3A_1 = vector.load %arg1[%get3A, %get3A_0] : memref<1000x128xf32, #tpu.memory_space<vmem>>, vector<1000x128xf32>
    %get3A_2 = arith.constant 0 : index
    %get3A_3 = arith.constant 0 : index
    %get3A_4 = vector.load %arg2[%get3A_2, %get3A_3] : memref<128x128xf32, #tpu.memory_space<vmem>>, vector<128x128xf32>
    %dot_general3A = arith.constant dense<0.000000e+00> : vector<1000x128xf32>
    %dot_general3A_5 = tpu.matmul %get3A_1, %get3A_4, %dot_general3A {dimension_numbers = #tpu.dot_dimension_numbers<[1], [0], [0], [1], [0, 0, 1, 1], [], []>, transpose_lhs_hint = false} : vector<1000x128xf32>, vector<128x128xf32>, vector<1000x128xf32> -> vector<1000x128xf32>
    %swap3A = arith.constant 0 : index
    %swap3A_6 = arith.constant 0 : index
    %swap3A_7 = vector.load %arg4[%swap3A, %swap3A_6] : memref<1000x128xf32, #tpu.memory_space<vmem>>, vector<1000x128xf32>
    tpu.vector_store %arg4[%swap3A, %swap3A_6], %dot_general3A_5 {strides = array<i32>} : memref<1000x128xf32, #tpu.memory_space<vmem>>, vector<1000x128xf32>,
    %get3A_8 = arith.constant 0 : index
    %get3A_9 = arith.constant 0 : index
    %get3A_10 = vector.load %arg3[%get3A_8, %get3A_9] : memref<128x128xf32, #tpu.memory_space<vmem>>, vector<128x128xf32>
    %dot_general3A_11 = arith.constant dense<0.000000e+00> : vector<1000x128xf32>
    %dot_general3A_12 = tpu.matmul %get3A_1, %get3A_10, %dot_general3A_11 {dimension_numbers = #tpu.dot_dimension_numbers<[1], [0], [0], [1], [0, 0, 1, 1], [], []>, transpose_lhs_hint = false} : vector<1000x128xf32>, vector<128x128xf32>, vector<1000x128xf32> -> vector<1000x128xf32>
    %swap3A_13 = arith.constant 0 : index
    %swap3A_14 = arith.constant 0 : index
    %swap3A_15 = vector.load %arg5[%swap3A_13, %swap3A_14] : memref<1000x128xf32, #tpu.memory_space<vmem>>, vector<1000x128xf32>
    tpu.vector_store %arg5[%swap3A_13, %swap3A_14], %dot_general3A_12 {strides = array<i32>} : memref<1000x128xf32, #tpu.memory_space<vmem>>, vector<1000x128xf32>,
    return
  }
  func.func @transform_0(%arg0: i32) -> (i32, i32) {
    %c0_i32 = arith.constant 0 : i32
    %c0_i32_0 = arith.constant 0 : i32
    return %arg0, %c0_i32 : i32, i32
  }
  func.func @transform_1(%arg0: i32) -> (i32, i32) {
    %c0_i32 = arith.constant 0 : i32
    %c0_i32_0 = arith.constant 0 : i32
    %c0_i32_1 = arith.constant 0 : i32
    return %c0_i32, %c0_i32_0 : i32, i32
  }
  func.func @transform_2(%arg0: i32) -> (i32, i32) {
    %c0_i32 = arith.constant 0 : i32
    %c0_i32_0 = arith.constant 0 : i32
    %c0_i32_1 = arith.constant 0 : i32
    return %c0_i32, %c0_i32_0 : i32, i32
  }
  func.func @transform_3(%arg0: i32) -> (i32, i32) {
    %c0_i32 = arith.constant 0 : i32
    %c0_i32_0 = arith.constant 0 : i32
    return %arg0, %c0_i32 : i32, i32
  }
  func.func @transform_4(%arg0: i32) -> (i32, i32) {
    %c0_i32 = arith.constant 0 : i32
    %c0_i32_0 = arith.constant 0 : i32
    return %arg0, %c0_i32 : i32, i32
  }
}

module attributes {stable_mosaic.version = 14 : i64} {
  func.func @body(%arg0: i32, %arg1: memref<2x1280x128xf32, #tpu.memory_space<vmem>>, %arg2: memref<32x1280xf32, #tpu.memory_space<vmem>>, %arg3: memref<128x128xf32, #tpu.memory_space<vmem>>, %arg4: memref<1x128xf32, #tpu.memory_space<vmem>>, %arg5: memref<128x128xf32, #tpu.memory_space<vmem>>, %arg6: memref<1x128xf32, #tpu.memory_space<vmem>>, %arg7: memref<1280x128xf32, #tpu.memory_space<vmem>>) attributes {dimension_semantics = [#tpu.dimension_semantics<arbitrary>], iteration_bounds = array<i64: 8>, scalar_prefetch = 0 : i64, scratch_operands = 0 : i64, tpu.core_type = #tpu.core_type<tc>, window_params = [{transform_indices = @transform_0, window_bounds = array<i64: 2, 1280, 128>}, {transform_indices = @transform_1, window_bounds = array<i64: 32, 1280>}, {pipeline_mode = #tpu.pipeline_mode<synchronous>, transform_indices = @transform_2, window_bounds = array<i64: 128, 128>}, {pipeline_mode = #tpu.pipeline_mode<synchronous>, transform_indices = @transform_3, window_bounds = array<i64: 1, 128>}, {pipeline_mode = #tpu.pipeline_mode<synchronous>, transform_indices = @transform_4, window_bounds = array<i64: 128, 128>}, {pipeline_mode = #tpu.pipeline_mode<synchronous>, transform_indices = @transform_5, window_bounds = array<i64: 1, 128>}, {transform_indices = @transform_6, window_bounds = array<i64: 1280, 128>}]} {
    %get3A = arith.constant 0 : index
    %get3A_0 = arith.constant 0 : index
    %get3A_1 = arith.constant 0 : index
    %get3A_2 = vector.load %arg1[%get3A, %get3A_0, %get3A_1] : memref<2x1280x128xf32, #tpu.memory_space<vmem>>, vector<1x1280x128xf32>
    %get3A_3 = vector.shape_cast %get3A_2 : vector<1x1280x128xf32> to vector<1280x128xf32>
    %get3A_4 = arith.constant 1 : index
    %get3A_5 = arith.constant 0 : index
    %get3A_6 = arith.constant 0 : index
    %get3A_7 = vector.load %arg1[%get3A_4, %get3A_5, %get3A_6] : memref<2x1280x128xf32, #tpu.memory_space<vmem>>, vector<1x1280x128xf32>
    %get3A_8 = vector.shape_cast %get3A_7 : vector<1x1280x128xf32> to vector<1280x128xf32>
    %add3A = arith.addf %get3A_3, %get3A_8 : vector<1280x128xf32>
    %get3A_9 = arith.constant 0 : index
    %get3A_10 = arith.constant 0 : index
    %get3A_11 = vector.load %arg2[%get3A_9, %get3A_10] : memref<32x1280xf32, #tpu.memory_space<vmem>>, vector<32x1280xf32>
    %reduce_sum3A = arith.constant dense<0.000000e+00> : vector<1280xf32>
    %reduce_sum3A_12 = vector.multi_reduction <add>, %get3A_11, %reduce_sum3A [0] : vector<32x1280xf32> to vector<1280xf32>
    %broadcast_in_dim3A = vector.shape_cast %reduce_sum3A_12 : vector<1280xf32> to vector<1x1280xf32>
    %transpose3A = tpu.transpose %broadcast_in_dim3A, [1, 0] : vector<1x1280xf32> -> vector<1280x1xf32>
    %max3A = arith.constant 1.000000e+00 : f32
    %max3A_13 = vector.broadcast %max3A : f32 to vector<1280x1xf32>
    %max3A_14 = arith.maximumf %transpose3A, %max3A_13 : vector<1280x1xf32>
    %div3A = vector.broadcast %max3A_14 : vector<1280x1xf32> to vector<1280x128xf32>
    %div3A_15 = arith.divf %add3A, %div3A : vector<1280x128xf32>
    %get3A_16 = arith.constant 0 : index
    %get3A_17 = arith.constant 0 : index
    %get3A_18 = vector.load %arg3[%get3A_16, %get3A_17] : memref<128x128xf32, #tpu.memory_space<vmem>>, vector<128x128xf32>
    %dot_general3A = arith.constant dense<0.000000e+00> : vector<1280x128xf32>
    %dot_general3A_19 = tpu.matmul %div3A_15, %get3A_18, %dot_general3A {dimension_numbers = #tpu.dot_dimension_numbers<[1], [0], [0], [1], [0, 0, 1, 1], [], []>, transpose_lhs_hint = false} : vector<1280x128xf32>, vector<128x128xf32>, vector<1280x128xf32> -> vector<1280x128xf32>
    %get3A_20 = arith.constant 0 : index
    %get3A_21 = arith.constant 0 : index
    %get3A_22 = vector.load %arg4[%get3A_20, %get3A_21] : memref<1x128xf32, #tpu.memory_space<vmem>>, vector<1x128xf32>
    %add3A_23 = vector.broadcast %get3A_22 : vector<1x128xf32> to vector<1280x128xf32>
    %add3A_24 = arith.addf %dot_general3A_19, %add3A_23 : vector<1280x128xf32>
    %max3A_25 = arith.constant 0.000000e+00 : f32
    %max3A_26 = vector.broadcast %max3A_25 : f32 to vector<1280x128xf32>
    %max3A_27 = arith.maximumf %add3A_24, %max3A_26 : vector<1280x128xf32>
    %get3A_28 = arith.constant 0 : index
    %get3A_29 = arith.constant 0 : index
    %get3A_30 = vector.load %arg5[%get3A_28, %get3A_29] : memref<128x128xf32, #tpu.memory_space<vmem>>, vector<128x128xf32>
    %dot_general3A_31 = arith.constant dense<0.000000e+00> : vector<1280x128xf32>
    %dot_general3A_32 = tpu.matmul %max3A_27, %get3A_30, %dot_general3A_31 {dimension_numbers = #tpu.dot_dimension_numbers<[1], [0], [0], [1], [0, 0, 1, 1], [], []>, transpose_lhs_hint = false} : vector<1280x128xf32>, vector<128x128xf32>, vector<1280x128xf32> -> vector<1280x128xf32>
    %get3A_33 = arith.constant 0 : index
    %get3A_34 = arith.constant 0 : index
    %get3A_35 = vector.load %arg6[%get3A_33, %get3A_34] : memref<1x128xf32, #tpu.memory_space<vmem>>, vector<1x128xf32>
    %add3A_36 = vector.broadcast %get3A_35 : vector<1x128xf32> to vector<1280x128xf32>
    %add3A_37 = arith.addf %dot_general3A_32, %add3A_36 : vector<1280x128xf32>
    %max3A_38 = arith.constant 0.000000e+00 : f32
    %max3A_39 = vector.broadcast %max3A_38 : f32 to vector<1280x128xf32>
    %max3A_40 = arith.maximumf %add3A_37, %max3A_39 : vector<1280x128xf32>
    %swap3A = arith.constant 0 : index
    %swap3A_41 = arith.constant 0 : index
    %swap3A_42 = vector.load %arg7[%swap3A, %swap3A_41] : memref<1280x128xf32, #tpu.memory_space<vmem>>, vector<1280x128xf32>
    tpu.vector_store %arg7[%swap3A, %swap3A_41], %max3A_40 {strides = array<i32>} : memref<1280x128xf32, #tpu.memory_space<vmem>>, vector<1280x128xf32>,
    return
  }
  func.func @transform_0(%arg0: i32) -> (i32, i32, i32) {
    %c0_i32 = arith.constant 0 : i32
    %c0_i32_0 = arith.constant 0 : i32
    %c0_i32_1 = arith.constant 0 : i32
    return %c0_i32, %arg0, %c0_i32_0 : i32, i32, i32
  }
  func.func @transform_1(%arg0: i32) -> (i32, i32) {
    %c0_i32 = arith.constant 0 : i32
    %c0_i32_0 = arith.constant 0 : i32
    return %c0_i32, %arg0 : i32, i32
  }
  func.func @transform_2(%arg0: i32) -> (i32, i32) {
    %c0_i32 = arith.constant 0 : i32
    %c0_i32_0 = arith.constant 0 : i32
    %c0_i32_1 = arith.constant 0 : i32
    return %c0_i32, %c0_i32_0 : i32, i32
  }
  func.func @transform_3(%arg0: i32) -> (i32, i32) {
    %c0_i32 = arith.constant 0 : i32
    %c0_i32_0 = arith.constant 0 : i32
    %c0_i32_1 = arith.constant 0 : i32
    return %c0_i32, %c0_i32_0 : i32, i32
  }
  func.func @transform_4(%arg0: i32) -> (i32, i32) {
    %c0_i32 = arith.constant 0 : i32
    %c0_i32_0 = arith.constant 0 : i32
    %c0_i32_1 = arith.constant 0 : i32
    return %c0_i32, %c0_i32_0 : i32, i32
  }
  func.func @transform_5(%arg0: i32) -> (i32, i32) {
    %c0_i32 = arith.constant 0 : i32
    %c0_i32_0 = arith.constant 0 : i32
    %c0_i32_1 = arith.constant 0 : i32
    return %c0_i32, %c0_i32_0 : i32, i32
  }
  func.func @transform_6(%arg0: i32) -> (i32, i32) {
    %c0_i32 = arith.constant 0 : i32
    %c0_i32_0 = arith.constant 0 : i32
    return %arg0, %c0_i32 : i32, i32
  }
}

</mosaic_0001>

<sc_bundles>
// kernel: kernel.11.cloned.1.call-start
scs
__scs_entry_jumppad:
0x0: {  	(pc) =	sbr.rel $0x88, $3  }
0x1: {  	(tag) =	ssettag $0x0;
	lr =	simm.s32 $0x1  }
0x2: {  	[smem:$0x3F96] =	sst lr;
	_ =	strace $0xD0000000  }
0x3: {  	_ = 	snop  }
0x4: {  	_ = 	snop  }
0x5: {  	_ = 	snop  }
0x6: {  	_ = 	snop  }
0x7: {  	_ = 	snop  }
__scs_overlays_trampoline_lowered:
0x8: {  	[smem:$0x3FA5] =	sst s0  }
0x9: {  	[smem:$0x3FA6] =	sst s1  }
0xa: {  	[smem:$0x3FA7] =	sst s2  }
0xb: {  	[smem:$0x3FA8] =	sst s3  }
0xc: {  	[smem:$0x3FA9] =	sst s4  }
0xd: {  	[smem:$0x3FAA] =	sst s5  }
0xe: {  	[smem:$0x3FAB] =	sst s6  }
0xf: {  	[smem:$0x3FAC] =	sst s7  }
0x10: {  	[smem:$0x3FAD] =	sst s8  }
0x11: {  	[smem:$0x3FAE] =	sst s9;
	s0 =	simm.s32 @!p0 $0x0  }
0x12: {  	s1 =	sld [smem:$0x3F94];
	s0 =	simm.s32 @p0 $0x1  }
0x13: {  	[smem:$0x3FAF] =	sst s0;
	s0 =	simm.s32 @!p1 $0x0  }
0x14: {  	s2 =	sld [smem:$0x3F93];
	s0 =	simm.s32 @p1 $0x1  }
0x15: {  	[smem:$0x3FB0] =	sst s0;
	s0 =	simm.s32 @!p2 $0x0  }
0x16: {  	s3 =	sld [smem:$0x3FDB];
	s0 =	simm.s32 @p2 $0x1  }
0x17: {  	s4 =	simm.s32 $0x1BF5;
	[smem:$0x3FB2] =	sst s0  }
0x18: {  	s0 =	sld [smem:$0x3F95];
	_ =	swait.ge [sflag:s4], $0x0  }
0x19: {  	s7 =	sld [smem:$0x3F96]  }
0x1a: {  	s8 =	sadd.s32 $0xFFFFE003, lr  }
0x1b: {  	s9 =	sadd.s32 $0xFFFFFEF7, lr;
	s5 =	simm.s32 $0xFFFFFFFF;
	p2 =	slt.u32 s8, $0xFFFFF086  }
0x1c: {  	p1 =	slt.u32 s9, $0xF7A;
	s5 =	simm.s32 @!p2 $0x0  }
0x1d: {  	s5 =	simm.s32 @p1 $0x1;
	p0 =	seq.s32 s7, s2  }
0x1e: {  	s7 =	smul.u32 @!p0 $0xF7A, s2;
	p2 =	seq.s32 @!p0 s5, $0x0  }
0x1f: {  	s9 =	smul.u32 $0xF7A, s1;
	s8 =	simm.s32 @!p0 $0x1BF5;
	p2 =	por !p2, p0  }
0x20: {  	[sflag:s8] =	ssyncset.s32 @!p0 $0xFFFFF086;
	s6 =	sadd.s32 @!p0 s3, s7;
	s7 =	simm.s32 @!p0 $0x108  }
0x21: {  	s3 =	sadd.s32 s3, s9;
	s6 =	sadd.s32 @!p0 $0x88, s6;
	s7 =	simm.s32 @p2 $0x1082  }
0x22: {  	[simem:s7], [sflag:s8] =	dma.local @!p0 [hbm:s6], $0xF7A  }
0x23: {  	s9 =	sor.u32 $0xD0000000, s2;
	s6 =	simm.s32 $0x108;
	_ =	swait.ge @!p0 [sflag:s8], $0x0  }
0x24: {  	s3 =	sadd.s32 $0x88, s3;
	s6 =	simm.s32 @!p1 $0x1082;
	[sflag:s4] =	ssyncset.s32 $0xFFFFF086  }
0x25: {  	[simem:s6], [sflag:s4] =	dma.local [hbm:s3], $0xF7A  }
0x26: {  	[smem:$0x3F96] =	sst s1;
	(tag) =	ssettag s2;
	_ =	strace s9  }
0x27: {  	s1 =	sld [smem:$0x3FA6]  }
0x28: {  	s2 =	sld [smem:$0x3FA7]  }
0x29: {  	s4 =	sld [smem:$0x3FA9]  }
0x2a: {  	p0 =	seq.s32 s5, $0x0;
	s5 =	sld [smem:$0x3FAA]  }
0x2b: {  	s6 =	sld [smem:$0x3FAB]  }
0x2c: {  	s7 =	sld [smem:$0x3FAC]  }
0x2d: {  	s3 =	simm.s32 $0x108;
	s8 =	sld [smem:$0x3FAD]  }
0x2e: {  	s3 =	simm.s32 @!p0 $0x1082;
	s9 =	sld [smem:$0x3FAE]  }
0x2f: {  	lr =	sadd.s32 s0, s3;
	s0 =	sld [smem:$0x3FA5]  }
0x30: {  	s3 =	sld [smem:$0x3FA8]  }
0x31: {  	[smem:$0x3FB1] =	sst s10  }
0x32: {  	s10 =	sld [smem:$0x3FAF];
	_ =	sdelay $0x3  }
0x33: {  	p0 =	seq.s32 s10, $0x1;
	s10 =	sld [smem:$0x3FB1];
	_ =	sdelay $0x3  }
0x34: {  	[smem:$0x3FB1] =	sst s10  }
0x35: {  	s10 =	sld [smem:$0x3FB0];
	_ =	sdelay $0x3  }
0x36: {  	p1 =	seq.s32 s10, $0x1;
	s10 =	sld [smem:$0x3FB1];
	_ =	sdelay $0x3  }
0x37: {  	[smem:$0x3FB1] =	sst s10  }
0x38: {  	s10 =	sld [smem:$0x3FB2]  }
0x39: {  	_ = 	snop;
	(pc) =	sbr.ind lr, $3  }
0x3a: {  	_ = 	snop  }
0x3b: {  	_ = 	snop  }
0x3c: {  	p2 =	seq.s32 s10, $0x1;
	s10 =	sld [smem:$0x3FB1]  }
0x3d: {  	_ =	shalt  }
0x3e: {  	_ =	shalt  }
0x3f: {  	_ =	shalt  }
0x40: {  	_ =	shalt  }
0x41: {  	_ =	shalt  }
0x42: {  	_ =	shalt  }
0x43: {  	_ =	shalt  }
0x44: {  	_ =	shalt  }
0x45: {  	_ =	shalt  }
0x46: {  	_ =	shalt  }
0x47: {  	_ =	shalt  }
0x48: {  	_ =	shalt  }
0x49: {  	_ =	shalt  }
0x4a: {  	_ =	shalt  }
0x4b: {  	_ =	shalt  }
0x4c: {  	_ =	shalt  }
0x4d: {  	_ =	shalt  }
0x4e: {  	_ =	shalt  }
0x4f: {  	_ =	shalt  }
0x50: {  	_ =	shalt  }
0x51: {  	_ =	shalt  }
0x52: {  	_ =	shalt  }
0x53: {  	_ =	shalt  }
0x54: {  	_ =	shalt  }
0x55: {  	_ =	shalt  }
0x56: {  	_ =	shalt  }
0x57: {  	_ =	shalt  }
0x58: {  	_ =	shalt  }
0x59: {  	_ =	shalt  }
0x5a: {  	_ =	shalt  }
0x5b: {  	_ =	shalt  }
0x5c: {  	_ =	shalt  }
0x5d: {  	_ =	shalt  }
0x5e: {  	_ =	shalt  }
0x5f: {  	_ =	shalt  }
0x60: {  	_ =	shalt  }
0x61: {  	_ =	shalt  }
0x62: {  	_ =	shalt  }
0x63: {  	_ =	shalt  }
0x64: {  	_ =	shalt  }
0x65: {  	_ =	shalt  }
0x66: {  	_ =	shalt  }
0x67: {  	_ =	shalt  }
0x68: {  	_ =	shalt  }
0x69: {  	_ =	shalt  }
0x6a: {  	_ =	shalt  }
0x6b: {  	_ =	shalt  }
0x6c: {  	_ =	shalt  }
0x6d: {  	_ =	shalt  }
0x6e: {  	_ =	shalt  }
0x6f: {  	_ =	shalt  }
0x70: {  	_ =	shalt  }
0x71: {  	_ =	shalt  }
0x72: {  	_ =	shalt  }
0x73: {  	_ =	shalt  }
0x74: {  	_ =	shalt  }
0x75: {  	_ =	shalt  }
0x76: {  	_ =	shalt  }
0x77: {  	_ =	shalt  }
0x78: {  	_ =	shalt  }
0x79: {  	_ =	shalt  }
0x7a: {  	_ =	shalt  }
0x7b: {  	_ =	shalt  }
0x7c: {  	_ =	shalt  }
0x7d: {  	_ =	shalt  }
0x7e: {  	_ =	shalt  }
0x7f: {  	_ =	shalt  }
0x80: {  	_ =	shalt  }
0x81: {  	_ =	shalt  }
0x82: {  	_ =	shalt  }
0x83: {  	_ =	shalt  }
0x84: {  	_ =	shalt  }
0x85: {  	_ =	shalt  }
0x86: {  	_ =	shalt  }
0x87: {  	_ =	shalt  }
.Lfunc_end0:
.L_simem_size_0:
called_computation.1_lowered:
.L_overlay_start_0:
0x88: {  	s2 =	sld [smem:$0x3FD9]  }
0x89: {  	s3 =	sld [smem:$0x3FFE];
	_ =	sdelay $0x1  }
0x8a: {  	s1 =	srdreg.scid  }
0x8b: {  	s0 =	sand.u32 $0x1, s1  }
0x8c: {  	s14 =	sshll.u32 s0, $0xA;
	s2 =	sadd.s32 s3, s2  }
0x8d: {  	s2 =	sadd.s32 s2, s14  }
0x8e: {  	[smem:$0x3FBD] =	sst s2  }
0x8f: {  	_ = 	snop  }
0x90: {  	s2 =	sld [smem:$0x3FD0];
	_ =	sdelay $0x2  }
0x91: {  	s15 =	simm.s32 $0xA;
	s4 =	simm.s32 $0x10  }
0x92: {  	[smem:s4], [sflag:s15] =	dma.local [hbm:s2], $0x1  }
0x93: {  	_ =	swait.eq [sflag:s15], $0x1  }
0x94: {  	[sflag:s15] =	ssyncset.done $0x0  }
0x95: {  	[sflag:s15] =	ssyncadd.s32 $0xFFFFFFFF  }
0x96: {  	s16 =	sld [smem:$0x10];
	(tm) =	ssettm $0x1  }
0x97: {  	s17 =	sld [smem:$0x3FFB];
	_ =	sdelay $0x3  }
0x98: {  	_ =	strace s17  }
0x99: {  	s3 =	sld [smem:$0x3FFC];
	_ =	sdelay $0x3  }
0x9a: {  	_ =	strace s3  }
0x9b: {  	s3 =	sld [smem:$0x3FFD];
	_ =	sdelay $0x3  }
0x9c: {  	_ =	strace s3  }
0x9d: {  	_ =	strace $0x8FFFFFFF  }
0x9e: {  	s18 =	sld [smem:$0x3FDB];
	_ =	sdelay $0x1  }
0x9f: {  	s19 =	simm.s32 $_scs_section_size  }
0xa0: {  	s5 =	simm.s32 $_size__tile_overlayer_lowered;
	s6 =	simm.s32 $_tile_overlayer_lowered  }
0xa1: {  	s22 =	simm.s32 $0x1BFF;
	s21 =	sshll.u32 s6, $0x1;
	s3 =	sadd.s32 s19, s18  }
0xa2: {  	s7 =	simm.s32 $0x0;
	s20 =	sshll.u32 s5, $0x1;
	s5 =	sadd.s32 s21, s3  }
0xa3: {  	[timem:s7], [sflag:s22] =	dma.local [hbm:s5], s20  }
0xa4: {  	_ =	swait.ge [sflag:s22], s20  }
0xa5: {  	s4 =	ssub.s32 $0x0, s20;
	[sflag:s22] =	ssyncset.done $0x0  }
0xa6: {  	[sflag:s22] =	ssyncadd.s32 s4;
	_ =	sdelay $0x1  }
0xa7: {  	s23 =	simm.s32 $0x1B8B  }
0xa8: {  	_ =	swait.ge [sflag:s23], $0x1  }
0xa9: {  	[sflag:s23] =	ssyncset.done $0x0  }
0xaa: {  	s25 =	simm.s32 $0x1B8E;
	s24 =	sld [smem:$0x3FFE];
	[sflag:s23] =	ssyncadd.s32 $0xFFFFFFFF  }
0xab: {  	s26 =	simm.s32 $execute0_lowered;
	[smem:$0x3FD2] =	sst s25  }
0xac: {  	s5 =	sshll.u32 s26, $0x1;
	_ =	strace $0x80000049;
	[dreg:$0x1] =	wrdreg $0xFFFFFFFF  }
0xad: {  	s28 =	simm.s32 $_size_execute0_lowered;
	s3 =	sadd.s32 s3, s5;
	[dreg:$0x0] =	wrdreg $0x0  }
0xae: {  	s5 =	sshll.u32 s28, $0x1;
	[dreg:$0x2] =	wrdreg s3  }
0xaf: {  	[dreg:$0x3] =	wrdreg s5  }
0xb0: {  	[dreg:$0x4] =	wrdreg $0xC0  }
0xb1: {  	_ =	task [dreg:s7], $0x5FFFF  }
0xb2: {  	[dreg:$0x1] =	wrdreg $0xFFFFFFFF  }
0xb3: {  	[dreg:$0x0] =	wrdreg $0x60  }
0xb4: {  	[dreg:$0x2] =	wrdreg s24  }
0xb5: {  	[dreg:$0x3] =	wrdreg s16  }
0xb6: {  	[dreg:$0x4] =	wrdreg $0xA4000  }
0xb7: {  	[dreg:$0x5] =	wrdreg $0x9  }
0xb8: {  	_ =	task.clear_ibuf [dreg:s7], $0x6FFFF;
	_ =	strace $0x90000049  }
0xb9: {  	s29 =	simm.s32 $0x9;
	_ =	strace $0x8000004B  }
0xba: {  	_ =	swait.ge [sflag:s29], $0x1  }
0xbb: {  	[sflag:s29] =	ssyncadd.s32 $0xFFFFFFFF  }
0xbc: {  	_ =	strace $0x9000004B  }
0xbd: {  	_ =	sfence  }
0xbe: {  	s30 =	sld [smem:$0x0];
	_ =	sdelay $0x2  }
0xbf: {  	s31 =	sshll.u32 s1, $0xD;
	s1 =	sshrl.u32 s1, $0x2  }
0xc0: {  	s3 =	sand.u32 $0x4000, s31;
	s1 =	sadd.s32 s1, s30  }
0xc1: {  	s0 =	sor.u32 s3, s0;
	s1 =	sshll.u32 s1, $0x11  }
0xc2: {  	s0 =	sor.u32 s1, s0  }
0xc3: {  	s0 =	sadd.s32 $0x8F2B, s0  }
0xc4: {  	[sflag:s0] =	ssyncadd.remote.s32 $0x1  }
0xc5: {  	_ =	sfence.sel $0xFFFF  }
0xc6: {  	[dreg:$0x0] =	wrdreg $0xFFFFFFFF;
	(pc) =	sbr.abs _section_cstart, $3  }
0xc7: {  	[dreg:$0x1] =	wrdreg $0xFFFFFFFF  }
0xc8: {  	_ =	task.clear_ibuf [dreg:s7], $0x2FFFF;
	_ =	strace $0x9FFFFFFF  }
0xc9: {  	(tm) =	ssettm $0x7FFFFFFF  }
tec
execute0_lowered:
.L_overlay_start_1:
0x0: {  	(tag) =	ssettag $0x1  }
0x1: {  	s3 =	rddreg [dreg:$0x0]  }
0x2: {  	s0 =	srdreg.scid;
	s4 =	rddreg [dreg:$0x1]  }
0x3: {  	s17 =	stileid.u32;
	s1 =	simm.s32 $0x0;
	s16 =	rddreg [dreg:$0x2]  }
0x4: {  	s2 =	sand.u32 $0x1, s0;
	s18 =	sshll.u32 s17, $0x1;
	s12 =	smul.u32 $0x50, s17  }
0x5: {  	s31 =	simm.s32 $0x400;
	s0 =	sor.u32 s2, s18;
	s18 =	smul.u32 $0x28000, s2  }
0x6: {  	s30 =	simm.s32 $0x1;
	[smem:$0x7FF] =	sst s1;
	s5 =	smul.u32 $0x2710, s0  }
0x7: {  	s8 =	sadd.s32 $0x9E4C00, s3;
	s6 =	ssub.s32 $0x2, s2;
	s7 =	smul.u32 $0x27100, s0  }
0x8: {  	s19 =	sshrl.u32 s6, $0x1;
	s28 =	sadd.s32 s12, s4;
	s12 =	smul.u32 $0x4E200, s17  }
0x9: {  	s9 =	sadd.s32 $0xEC6C00, s3;
	s0 =	ssub.s32 s6, s19;
	s19 =	smul.u32 $0x27100, s2  }
0xa: {  	s2 =	smul.u32 $0x2710, s2;
	s20 =	sadd.s32 s8, s7;
	s6 =	sadd.s32 $0x28, s5  }
0xb: {  	s7 =	sadd.s32 s9, s7;
	s10 =	sadd.s32 $0x50, s5;
	s13 =	sadd.s32 $0x78, s5  }
0xc: {  	s4 =	sadd.s32 s12, s9;
	[dreg:$0xa] =	wrdreg s20;
	s21 =	sshll.u32 s6, $0x4  }
0xd: {  	[dreg:$0xb] =	wrdreg s7;
	s22 =	sshll.u32 s10, $0x4;
	s11 =	sadd.s32 s8, s21  }
0xe: {  	s24 =	sshll.u32 s13, $0x4;
	s7 =	sadd.s32 s9, s21;
	[dreg:$0xc] =	wrdreg s11  }
0xf: {  	s20 =	smul.u32 $0x4E20, s17;
	[dreg:$0xd] =	wrdreg s7;
	s11 =	sadd.s32 s9, s22  }
0x10: {  	s23 =	sadd.s32 s8, s22;
	[dreg:$0xf] =	wrdreg s11;
	s11 =	sadd.s32 $0x26C0, s5  }
0x11: {  	[dreg:$0xe] =	wrdreg s23;
	s7 =	sadd.s32 s9, s24;
	s26 =	sshll.u32 s11, $0x4  }
0x12: {  	s4 =	sadd.s32 s19, s4;
	[dreg:$0x11] =	wrdreg s7;
	s7 =	sadd.s32 s9, s26  }
0x13: {  	s25 =	sadd.s32 s8, s24;
	[dreg:$0x13] =	wrdreg s7;
	s7 =	sadd.s32 $0x26E8, s5  }
0x14: {  	[dreg:$0x10] =	wrdreg s25;
	s14 =	sadd.s32 s8, s26;
	s29 =	sshll.u32 s7, $0x4  }
0x15: {  	s23 =	sadd.s32 $0x3000, s3;
	[dreg:$0x12] =	wrdreg s14;
	s15 =	sadd.s32 s8, s29  }
0x16: {  	s14 =	sadd.s32 s9, s29;
	s8 =	sadd.s32 s12, s8;
	[dreg:$0x14] =	wrdreg s15  }
0x17: {  	s24 =	sadd.s32 $0x16C00, s3;
	[dreg:$0x15] =	wrdreg s14;
	s8 =	sadd.s32 s19, s8  }
0x18: {  	s25 =	sshrl.u32 s5, $0x3;
	_ =	strace $0x8000004A;
	[dreg:$0x4] =	wrdreg s8  }
0x19: {  	s26 =	sshrl.u32 s6, $0x3;
	s6 =	sshrl.u32 s10, $0x3;
	[dreg:$0x5] =	wrdreg s4  }
0x1a: {  	s9 =	sadd.s32 s2, s20;
	s2 =	sadd.s32 s23, s25;
	[dreg:$0x16] =	wrdreg s24  }
0x1b: {  	s10 =	sshrl.u32 s13, $0x3;
	s5 =	sadd.s32 s23, s26;
	[dreg:$0x18] =	wrdreg s2  }
0x1c: {  	s0 =	smax.u32 s0, $0x1;
	s15 =	sadd.s32 s23, s10;
	[dreg:$0x1a] =	wrdreg s5  }
0x1d: {  	s21 =	smul.u32 $0x2800, s17;
	s22 =	sadd.s32 s18, s3;
	[dreg:$0x1e] =	wrdreg s15  }
0x1e: {  	s17 =	sshrl.u32 s11, $0x3;
	s11 =	simm.s32 $0x0;
	[dreg:$0x7] =	wrdreg s23  }
0x1f: {  	s18 =	sshrl.u32 s7, $0x3;
	s12 =	simm.s32 $0x6800;
	[smem:$0x7FA] =	sst s0  }
0x20: {  	s8 =	sadd.s32 s21, s22;
	s2 =	sadd.s32 s23, s6;
	[smem:$0x7FD] =	sst s28  }
0x21: {  	s22 =	sadd.s32 $0xCE00, s3;
	s21 =	sadd.s32 s23, s18;
	[dreg:$0x1c] =	wrdreg s2  }
0x22: {  	s24 =	sadd.s32 $0xF0, s9;
	s29 =	sadd.s32 s22, s25;
	[smem:$0x7F9] =	sst s21  }
0x23: {  	s0 =	simm.s32 $0x28;
	s4 =	sadd.s32 s22, s26;
	[dreg:$0x17] =	wrdreg s29  }
0x24: {  	s15 =	simm.s32 $0x2;
	s13 =	sadd.s32 s22, s6;
	[dreg:$0x19] =	wrdreg s4  }
0x25: {  	s14 =	sadd.s32 s22, s10;
	s19 =	sadd.s32 s22, s17;
	[dreg:$0x1b] =	wrdreg s13  }
0x26: {  	s2 =	sadd.s32 s23, s17;
	s20 =	sadd.s32 s22, s18;
	[dreg:$0x1d] =	wrdreg s14  }
0x27: {  	s23 =	sadd.s32 $0x118, s9;
	s25 =	sadd.s32 $0xC8, s9;
	[dreg:$0x1f] =	wrdreg s19  }
0x28: {  	s26 =	sadd.s32 $0xA0, s9;
	s21 =	simm.s32 $0x80;
	[smem:$0x7F7] =	sst s2  }
0x29: {  	s18 =	simm.s32 $0x2C00;
	s6 =	simm.s32 $0x3;
	[smem:$0x7F8] =	sst s20  }
0x2a: {  	s17 =	simm.s32 $0x4;
	[smem:$0x7FB] =	sst s26;
	s29 =	sadd.s32 $0x17000, s8  }
0x2b: {  	s4 =	sshrl.u32 s23, $0x3;
	s25 =	sshrl.u32 s25, $0x3;
	[smem:$0x7FC] =	sst s29  }
0x2c: {  	s19 =	sshrl.u32 s24, $0x3;
	s8 =	simm.s32 $0x9;
	[dreg:$0x6] =	wrdreg s25  }
0x2d: {  	s20 =	simm.s32 $0x5400;
	s24 =	simm.s32 $0x1800;
	[dreg:$0x8] =	wrdreg s19  }
0x2e: {  	s26 =	simm.s32 $0x280;
	s2 =	simm.s32 $0x100;
	[dreg:$0x9] =	wrdreg s4  }
.LBB2_1:
0x2f: {  	[smem:$0x7F6] =	sst s11  }
0x30: {  	s10 =	rddreg [dreg:$0x16]  }
0x31: {  	[tilespmem:s31], [sflag:$0x9] =	stream.linear.gather [hbm4b:s10+s1], $0x1400, $0x38;
	[tilespmem:$0x1E400] =	vst v63  }
0x32: {  	_ =	swait.ge [sflag:s8], $0x1400  }
0x33: {  	[sflag:s8] =	ssyncset.done $0x0  }
0x34: {  	s29 =	sadd.s32 $0x0, s28;
	[sflag:s8] =	ssyncadd.s32 $0xFFFFEC00  }
0x35: {  	[tilespmem:s1], [sflag:$0x9] =	stream.linear.gather [hbm4b:s29+s1], $0x28, $0x38;
	[tilespmem:$0x1E400] =	vst v63  }
0x36: {  	_ =	swait.ge [sflag:s8], $0x28  }
0x37: {  	[sflag:s8] =	ssyncset.done $0x0  }
0x38: {  	[sflag:s8] =	ssyncadd.s32 $0xFFFFFFD8  }
0x39: {  	[spmem:s16] =	stream.indirect.scatter [tilespmem:s31], [sflag:$0x9], $0x80, s1, s0, $0xb8;
	[tilespmem:$0x1E400] =	vst v63  }
0x3a: {  	_ =	swait.ge [sflag:s8], $0x1400  }
0x3b: {  	s11 =	simm.s32 $0xA;
	s10 =	simm.s32 $0x5;
	[sflag:s8] =	ssyncset.done $0x0  }
.LBB2_2:
0x3c: {  	s13 =	sadd.s32 s10, s28  }
0x3d: {  	[sflag:s8] =	ssyncadd.s32 $0xFFFFEC00;
	s10 =	smov.u32 s11;
	s14 =	sadd.s32 $0x5, s11  }
0x3e: {  	[tilespmem:s1], [sflag:$0x9] =	stream.linear.gather [hbm4b:s13+s1], $0x28, $0x38;
	[tilespmem:$0x1E400] =	vst v63  }
0x3f: {  	p0 =	sne.s32 s11, $0x4B;
	_ =	swait.ge [sflag:s8], $0x28  }
.Ltmp0:
0x40: {  	[sflag:s8] =	ssyncset.done $0x0;
	(pc) =	sbr.rel @p0 .LBB2_2-.Ltmp0, $4  }
0x41: {  	[sflag:s8] =	ssyncadd.s32 $0xFFFFFFD8  }
0x42: {  	[spmem:s16] =	stream.indirect.scatter [tilespmem:s31], [sflag:$0x9], $0x80, s1, s0, $0xb8;
	[tilespmem:$0x1E400] =	vst v63  }
0x43: {  	_ =	swait.ge [sflag:s8], $0x1400  }
0x44: {  	s11 =	smov.u32 s14;
	[sflag:s8] =	ssyncset.done $0x0  }
0x45: {  	s10 =	sadd.s32 s10, s28;
	[sflag:s8] =	ssyncadd.s32 $0xFFFFEC00  }
0x46: {  	[tilespmem:s1], [sflag:$0x9] =	stream.linear.gather [hbm4b:s10+s1], $0x28, $0x38;
	[tilespmem:$0x1E400] =	vst v63  }
0x47: {  	_ =	swait.ge [sflag:s8], $0x28  }
0x48: {  	[sflag:s8] =	ssyncset.done $0x0  }
0x49: {  	[sflag:s8] =	ssyncadd.s32 $0xFFFFFFD8  }
0x4a: {  	[spmem:s16] =	stream.indirect.scatter [tilespmem:s31], [sflag:$0x9], $0x80, s1, s0, $0xb8;
	[tilespmem:$0x1E400] =	vst v63  }
0x4b: {  	_ =	swait.ge [sflag:s8], $0x1400  }
0x4c: {  	[sflag:s8] =	ssyncset.done $0x0  }
0x4d: {  	[sflag:s8] =	ssyncadd.s32 $0xFFFFEC00  }
0x4e: {  	[bflag:$0x0] =	sbarrier.arrive $0xFFFF  }
0x4f: {  	s10 =	simm.s32 $0x0;
	s11 =	rddreg [dreg:$0x17]  }
0x50: {  	[tilespmem:s10], [sflag:$0x1] =	stream.linear.gather [hbm4b:s11+s10], $0x28, $0x38;
	[tilespmem:$0x1E400] =	vst v63  }
0x51: {  	s23 =	rddreg [dreg:$0xa]  }
0x52: {  	[tilespmem:s31], [sflag:$0x1] =	stream.linear.gather [hbm4b:s23+s10], $0x1400, $0x38;
	[tilespmem:$0x1E400] =	vst v63  }
0x53: {  	s3 =	simm.s32 $0x200;
	s28 =	rddreg [dreg:$0x18]  }
0x54: {  	[tilespmem:s3], [sflag:$0x1] =	stream.linear.gather [hbm4b:s28+s10], $0x28, $0x38;
	[tilespmem:$0x1E400] =	vst v63  }
0x55: {  	s29 =	rddreg [dreg:$0xb]  }
0x56: {  	[tilespmem:s20], [sflag:$0x1] =	stream.linear.gather [hbm4b:s29+s10], $0x1400, $0x38;
	[tilespmem:$0x1E400] =	vst v63  }
0x57: {  	s5 =	rddreg [dreg:$0x19]  }
0x58: {  	[tilespmem:s21], [sflag:$0x2] =	stream.linear.gather [hbm4b:s5+s10], $0x28, $0x38;
	[tilespmem:$0x1E400] =	vst v63  }
0x59: {  	s7 =	rddreg [dreg:$0xc]  }
0x5a: {  	[tilespmem:s24], [sflag:$0x2] =	stream.linear.gather [hbm4b:s7+s10], $0x1400, $0x38;
	[tilespmem:$0x1E400] =	vst v63  }
0x5b: {  	s9 =	rddreg [dreg:$0x1a]  }
0x5c: {  	[tilespmem:s26], [sflag:$0x2] =	stream.linear.gather [hbm4b:s9+s10], $0x28, $0x38;
	[tilespmem:$0x1E400] =	vst v63  }
0x5d: {  	s13 =	rddreg [dreg:$0xd]  }
0x5e: {  	[tilespmem:s12], [sflag:$0x2] =	stream.linear.gather [hbm4b:s13+s10], $0x1400, $0x38;
	[tilespmem:$0x1E400] =	vst v63  }
0x5f: {  	s14 =	rddreg [dreg:$0x1b]  }
0x60: {  	[tilespmem:s2], [sflag:$0x3] =	stream.linear.gather [hbm4b:s14+s10], $0x28, $0x38;
	[tilespmem:$0x1E400] =	vst v63  }
0x61: {  	s23 =	rddreg [dreg:$0xe]  }
0x62: {  	[tilespmem:s18], [sflag:$0x3] =	stream.linear.gather [hbm4b:s23+s10], $0x1400, $0x38;
	[tilespmem:$0x1E400] =	vst v63  }
0x63: {  	s28 =	rddreg [dreg:$0x1c];
	s29 =	simm.s32 $0x300  }
0x64: {  	[tilespmem:s29], [sflag:$0x3] =	stream.linear.gather [hbm4b:s28+s10], $0x28, $0x38;
	[tilespmem:$0x1E400] =	vst v63  }
0x65: {  	s5 =	rddreg [dreg:$0xf];
	s7 =	simm.s32 $0x7C00  }
0x66: {  	[tilespmem:s7], [sflag:$0x3] =	stream.linear.gather [hbm4b:s5+s10], $0x1400, $0x38;
	[tilespmem:$0x1E400] =	vst v63  }
0x67: {  	s9 =	rddreg [dreg:$0x1d];
	s13 =	simm.s32 $0x180  }
0x68: {  	[tilespmem:s13], [sflag:$0x4] =	stream.linear.gather [hbm4b:s9+s10], $0x28, $0x38;
	[tilespmem:$0x1E400] =	vst v63  }
0x69: {  	s14 =	rddreg [dreg:$0x10];
	s5 =	simm.s32 $0x4000  }
0x6a: {  	[tilespmem:s5], [sflag:$0x4] =	stream.linear.gather [hbm4b:s14+s10], $0x1400, $0x38;
	[tilespmem:$0x1E400] =	vst v63  }
0x6b: {  	s23 =	rddreg [dreg:$0x1e];
	s28 =	simm.s32 $0x380  }
0x6c: {  	[tilespmem:s28], [sflag:$0x4] =	stream.linear.gather [hbm4b:s23+s10], $0x28, $0x38;
	[tilespmem:$0x1E400] =	vst v63  }
0x6d: {  	s9 =	simm.s32 $0x9000;
	s5 =	rddreg [dreg:$0x11]  }
0x6e: {  	[tilespmem:s9], [sflag:$0x4] =	stream.linear.gather [hbm4b:s5+s10], $0x1400, $0x38;
	[tilespmem:$0x1E400] =	vst v63  }
0x6f: {  	_ =	swait.ge [sflag:s30], $0x28  }
0x70: {  	[sflag:s30] =	ssyncset.done $0x0  }
0x71: {  	[sflag:s30] =	ssyncadd.s32 $0xFFFFFFD8  }
0x72: {  	_ =	swait.ge [sflag:s30], $0x1400  }
0x73: {  	[sflag:s30] =	ssyncset.done $0x0  }
0x74: {  	[sflag:s30] =	ssyncadd.s32 $0xFFFFEC00  }
0x75: {  	_ =	swait.ge [sflag:s30], $0x28  }
0x76: {  	[sflag:s30] =	ssyncset.done $0x0  }
0x77: {  	[sflag:s30] =	ssyncadd.s32 $0xFFFFFFD8  }
0x78: {  	_ =	swait.ge [sflag:s30], $0x1400  }
0x79: {  	[sflag:s30] =	ssyncset.done $0x0  }
0x7a: {  	[sflag:s30] =	ssyncadd.s32 $0xFFFFEC00  }
0x7b: {  	[spmem:s16] =	stream.indirect.scatter.add.f32 [tilespmem:s31], [sflag:$0x5], $0x80, s1, s0, $0xb8;
	[tilespmem:$0x1E400] =	vst v63  }
0x7c: {  	s14 =	simm.s32 $0x5  }
0x7d: {  	[spmem:s16] =	stream.indirect.scatter.add.f32 [tilespmem:s20], [sflag:$0x5], $0x80, s3, s0, $0xb8;
	[tilespmem:$0x1E400] =	vst v63  }
0x7e: {  	_ =	swait.ge [sflag:s14], $0x1400  }
0x7f: {  	[sflag:s14] =	ssyncset.done $0x0  }
0x80: {  	[sflag:s14] =	ssyncadd.s32 $0xFFFFEC00  }
0x81: {  	_ =	swait.ge [sflag:s14], $0x1400  }
0x82: {  	s20 =	sld [smem:$0x7FB];
	_ =	sdelay $0x1  }
0x83: {  	s23 =	rddreg [dreg:$0x4]  }
0x84: {  	[sflag:s14] =	ssyncset.done $0x0;
	s5 =	rddreg [dreg:$0x5];
	s11 =	sshrl.u32 s20, $0x3  }
0x85: {  	[sflag:s14] =	ssyncadd.s32 $0xFFFFEC00;
	s10 =	sadd.s32 $0x0, s23;
	s0 =	sadd.s32 s22, s11  }
0x86: {  	[tilespmem:s1], [sflag:$0x1] =	stream.linear.gather [hbm4b:s0+s1], $0x28, $0x38;
	[tilespmem:$0x1E400] =	vst v63  }
0x87: {  	s23 =	rddreg [dreg:$0x7];
	s14 =	sadd.s32 $0xA00, s10  }
0x88: {  	[tilespmem:s31], [sflag:$0x1] =	stream.linear.gather [hbm4b:s14+s1], $0x1400, $0x38;
	[tilespmem:$0x1E400] =	vst v63  }
0x89: {  	s0 =	sadd.s32 s23, s11;
	s11 =	sadd.s32 $0x0, s5  }
0x8a: {  	[tilespmem:s3], [sflag:$0x1] =	stream.linear.gather [hbm4b:s0+s1], $0x28, $0x38;
	[tilespmem:$0x1E400] =	vst v63  }
0x8b: {  	s28 =	simm.s32 $0x5400;
	s13 =	sadd.s32 $0xA00, s11  }
0x8c: {  	[tilespmem:s28], [sflag:$0x1] =	stream.linear.gather [hbm4b:s13+s1], $0x1400, $0x38;
	[tilespmem:$0x1E400] =	vst v63  }
0x8d: {  	_ =	swait.ge [sflag:s15], $0x28  }
0x8e: {  	[sflag:s15] =	ssyncset.done $0x0  }
0x8f: {  	[sflag:s15] =	ssyncadd.s32 $0xFFFFFFD8  }
0x90: {  	_ =	swait.ge [sflag:s15], $0x1400  }
0x91: {  	[sflag:s15] =	ssyncset.done $0x0  }
0x92: {  	[sflag:s15] =	ssyncadd.s32 $0xFFFFEC00  }
0x93: {  	_ =	swait.ge [sflag:s15], $0x28  }
0x94: {  	[sflag:s15] =	ssyncset.done $0x0  }
0x95: {  	[sflag:s15] =	ssyncadd.s32 $0xFFFFFFD8  }
0x96: {  	_ =	swait.ge [sflag:s15], $0x1400  }
0x97: {  	[sflag:s15] =	ssyncset.done $0x0  }
0x98: {  	s9 =	simm.s32 $0x28;
	[sflag:s15] =	ssyncadd.s32 $0xFFFFEC00  }
0x99: {  	[spmem:s16] =	stream.indirect.scatter.add.f32 [tilespmem:s24], [sflag:$0x6], $0x80, s21, s9, $0xb8;
	[tilespmem:$0x1E400] =	vst v63  }
0x9a: {  	s28 =	simm.s32 $0x6  }
0x9b: {  	[spmem:s16] =	stream.indirect.scatter.add.f32 [tilespmem:s12], [sflag:$0x6], $0x80, s26, s9, $0xb8;
	[tilespmem:$0x1E400] =	vst v63  }
0x9c: {  	_ =	swait.ge [sflag:s28], $0x1400  }
0x9d: {  	[sflag:s28] =	ssyncset.done $0x0  }
0x9e: {  	[sflag:s28] =	ssyncadd.s32 $0xFFFFEC00  }
0x9f: {  	_ =	swait.ge [sflag:s28], $0x1400  }
0xa0: {  	[sflag:s28] =	ssyncset.done $0x0  }
0xa1: {  	s3 =	sadd.s32 s22, s25;
	[sflag:s28] =	ssyncadd.s32 $0xFFFFEC00  }
0xa2: {  	[tilespmem:s21], [sflag:$0x2] =	stream.linear.gather [hbm4b:s3+s1], $0x28, $0x38;
	[tilespmem:$0x1E400] =	vst v63  }
0xa3: {  	s14 =	sadd.s32 $0xC80, s10  }
0xa4: {  	[tilespmem:s24], [sflag:$0x2] =	stream.linear.gather [hbm4b:s14+s1], $0x1400, $0x38;
	[tilespmem:$0x1E400] =	vst v63  }
0xa5: {  	s24 =	sadd.s32 s23, s25  }
0xa6: {  	[tilespmem:s26], [sflag:$0x2] =	stream.linear.gather [hbm4b:s24+s1], $0x28, $0x38;
	[tilespmem:$0x1E400] =	vst v63  }
0xa7: {  	s25 =	sadd.s32 $0xC80, s11  }
0xa8: {  	[tilespmem:s12], [sflag:$0x2] =	stream.linear.gather [hbm4b:s25+s1], $0x1400, $0x38;
	[tilespmem:$0x1E400] =	vst v63  }
0xa9: {  	_ =	swait.ge [sflag:s6], $0x28  }
0xaa: {  	[sflag:s6] =	ssyncset.done $0x0  }
0xab: {  	[sflag:s6] =	ssyncadd.s32 $0xFFFFFFD8  }
0xac: {  	_ =	swait.ge [sflag:s6], $0x1400  }
0xad: {  	[sflag:s6] =	ssyncset.done $0x0  }
0xae: {  	[sflag:s6] =	ssyncadd.s32 $0xFFFFEC00  }
0xaf: {  	_ =	swait.ge [sflag:s6], $0x28  }
0xb0: {  	[sflag:s6] =	ssyncset.done $0x0  }
0xb1: {  	[sflag:s6] =	ssyncadd.s32 $0xFFFFFFD8  }
0xb2: {  	_ =	swait.ge [sflag:s6], $0x1400  }
0xb3: {  	[sflag:s6] =	ssyncset.done $0x0  }
0xb4: {  	[sflag:s6] =	ssyncadd.s32 $0xFFFFEC00  }
0xb5: {  	[spmem:s16] =	stream.indirect.scatter.add.f32 [tilespmem:s18], [sflag:$0x7], $0x80, s2, s9, $0xb8;
	[tilespmem:$0x1E400] =	vst v63  }
0xb6: {  	s28 =	simm.s32 $0x7  }
0xb7: {  	[spmem:s16] =	stream.indirect.scatter.add.f32 [tilespmem:s7], [sflag:$0x7], $0x80, s29, s9, $0xb8;
	[tilespmem:$0x1E400] =	vst v63  }
0xb8: {  	_ =	swait.ge [sflag:s28], $0x1400  }
0xb9: {  	[sflag:s28] =	ssyncset.done $0x0  }
0xba: {  	[sflag:s28] =	ssyncadd.s32 $0xFFFFEC00  }
0xbb: {  	_ =	swait.ge [sflag:s28], $0x1400  }
0xbc: {  	[sflag:s28] =	ssyncset.done $0x0  }
0xbd: {  	s3 =	sadd.s32 s22, s19;
	[sflag:s28] =	ssyncadd.s32 $0xFFFFEC00  }
0xbe: {  	[tilespmem:s2], [sflag:$0x3] =	stream.linear.gather [hbm4b:s3+s1], $0x28, $0x38;
	[tilespmem:$0x1E400] =	vst v63  }
0xbf: {  	s12 =	sadd.s32 $0xF00, s10  }
0xc0: {  	[tilespmem:s18], [sflag:$0x3] =	stream.linear.gather [hbm4b:s12+s1], $0x1400, $0x38;
	[tilespmem:$0x1E400] =	vst v63  }
0xc1: {  	s19 =	sadd.s32 s23, s19  }
0xc2: {  	[tilespmem:s29], [sflag:$0x3] =	stream.linear.gather [hbm4b:s19+s1], $0x28, $0x38;
	[tilespmem:$0x1E400] =	vst v63  }
0xc3: {  	s24 =	sadd.s32 $0xF00, s11  }
0xc4: {  	[tilespmem:s7], [sflag:$0x3] =	stream.linear.gather [hbm4b:s24+s1], $0x1400, $0x38;
	[tilespmem:$0x1E400] =	vst v63  }
0xc5: {  	_ =	swait.ge [sflag:s17], $0x28  }
0xc6: {  	[sflag:s17] =	ssyncset.done $0x0  }
0xc7: {  	[sflag:s17] =	ssyncadd.s32 $0xFFFFFFD8  }
0xc8: {  	_ =	swait.ge [sflag:s17], $0x1400  }
0xc9: {  	[sflag:s17] =	ssyncset.done $0x0  }
0xca: {  	[sflag:s17] =	ssyncadd.s32 $0xFFFFEC00  }
0xcb: {  	_ =	swait.ge [sflag:s17], $0x28  }
0xcc: {  	[sflag:s17] =	ssyncset.done $0x0  }
0xcd: {  	[sflag:s17] =	ssyncadd.s32 $0xFFFFFFD8  }
0xce: {  	_ =	swait.ge [sflag:s17], $0x1400  }
0xcf: {  	[sflag:s17] =	ssyncset.done $0x0  }
0xd0: {  	s14 =	simm.s32 $0x180;
	s25 =	simm.s32 $0x4000;
	[sflag:s17] =	ssyncadd.s32 $0xFFFFEC00  }
0xd1: {  	[spmem:s16] =	stream.indirect.scatter.add.f32 [tilespmem:s25], [sflag:$0x8], $0x80, s14, s9, $0xb8;
	[tilespmem:$0x1E400] =	vst v63  }
0xd2: {  	s0 =	simm.s32 $0x8;
	s21 =	simm.s32 $0x380;
	s26 =	simm.s32 $0x9000  }
0xd3: {  	[spmem:s16] =	stream.indirect.scatter.add.f32 [tilespmem:s26], [sflag:$0x8], $0x80, s21, s9, $0xb8;
	[tilespmem:$0x1E400] =	vst v63  }
0xd4: {  	_ =	swait.ge [sflag:s0], $0x1400  }
0xd5: {  	[sflag:s0] =	ssyncset.done $0x0  }
0xd6: {  	[sflag:s0] =	ssyncadd.s32 $0xFFFFEC00  }
0xd7: {  	_ =	swait.ge [sflag:s0], $0x1400  }
0xd8: {  	s5 =	simm.s32 $0x200;
	[sflag:s0] =	ssyncset.done $0x0  }
0xd9: {  	s13 =	smov.u32 s23;
	s28 =	sadd.s32 s22, s4;
	[sflag:s0] =	ssyncadd.s32 $0xFFFFEC00  }
0xda: {  	[tilespmem:s14], [sflag:$0x4] =	stream.linear.gather [hbm4b:s28+s1], $0x28, $0x38;
	[tilespmem:$0x1E400] =	vst v63  }
0xdb: {  	s10 =	sadd.s32 $0x1180, s10;
	s29 =	sadd.s32 s23, s4;
	s19 =	sadd.s32 $0x1180, s11  }
0xdc: {  	[tilespmem:s25], [sflag:$0x4] =	stream.linear.gather [hbm4b:s10+s1], $0x1400, $0x38;
	[tilespmem:$0x1E400] =	vst v63  }
0xdd: {  	s11 =	smov.u32 s22;
	s14 =	smov.u32 s20;
	s10 =	simm.s32 $0xA00  }
0xde: {  	[tilespmem:s21], [sflag:$0x4] =	stream.linear.gather [hbm4b:s29+s1], $0x28, $0x38;
	[tilespmem:$0x1E400] =	vst v63  }
.LBB2_4:
0xdf: {  	[tilespmem:s26], [sflag:$0x4] =	stream.linear.gather [hbm4b:s19+s1], $0x1400, $0x38;
	[tilespmem:$0x1E400] =	vst v63  }
0xe0: {  	_ =	swait.ge [sflag:s30], $0x28  }
0xe1: {  	[sflag:s30] =	ssyncset.done $0x0  }
0xe2: {  	[sflag:s30] =	ssyncadd.s32 $0xFFFFFFD8  }
0xe3: {  	_ =	swait.ge [sflag:s30], $0x1400  }
0xe4: {  	[sflag:s30] =	ssyncset.done $0x0  }
0xe5: {  	[sflag:s30] =	ssyncadd.s32 $0xFFFFEC00  }
0xe6: {  	_ =	swait.ge [sflag:s30], $0x28  }
0xe7: {  	[sflag:s30] =	ssyncset.done $0x0  }
0xe8: {  	[sflag:s30] =	ssyncadd.s32 $0xFFFFFFD8  }
0xe9: {  	_ =	swait.ge [sflag:s30], $0x1400  }
0xea: {  	[sflag:s30] =	ssyncset.done $0x0  }
0xeb: {  	[sflag:s30] =	ssyncadd.s32 $0xFFFFEC00  }
0xec: {  	s2 =	simm.s32 $0x28;
	s9 =	rddreg [dreg:$0x2]  }
0xed: {  	[spmem:s9] =	stream.indirect.scatter.add.f32 [tilespmem:s31], [sflag:$0x5], $0x80, s1, s2, $0xb8;
	[tilespmem:$0x1E400] =	vst v63  }
0xee: {  	s28 =	simm.s32 $0x5400;
	s7 =	simm.s32 $0x5  }
0xef: {  	[spmem:s9] =	stream.indirect.scatter.add.f32 [tilespmem:s28], [sflag:$0x5], $0x80, s5, s2, $0xb8;
	[tilespmem:$0x1E400] =	vst v63  }
0xf0: {  	_ =	swait.ge [sflag:s7], $0x1400  }
0xf1: {  	[sflag:s7] =	ssyncset.done $0x0  }
0xf2: {  	s14 =	sadd.s32 $0xA0, s14;
	[sflag:s7] =	ssyncadd.s32 $0xFFFFEC00  }
0xf3: {  	s20 =	smov.u32 s10;
	s21 =	sshrl.u32 s14, $0x3;
	_ =	swait.ge [sflag:s7], $0x1400  }
0xf4: {  	s4 =	sadd.s32 s22, s21;
	[sflag:s7] =	ssyncset.done $0x0;
	s3 =	rddreg [dreg:$0x4]  }
0xf5: {  	s5 =	rddreg [dreg:$0x5];
	[sflag:s7] =	ssyncadd.s32 $0xFFFFEC00;
	s19 =	sadd.s32 s20, s3  }
0xf6: {  	[tilespmem:s1], [sflag:$0x1] =	stream.linear.gather [hbm4b:s4+s1], $0x28, $0x38;
	[tilespmem:$0x1E400] =	vst v63  }
0xf7: {  	s16 =	rddreg [dreg:$0x7];
	s23 =	sadd.s32 $0xA00, s19  }
0xf8: {  	[tilespmem:s31], [sflag:$0x1] =	stream.linear.gather [hbm4b:s23+s1], $0x1400, $0x38;
	[tilespmem:$0x1E400] =	vst v63  }
0xf9: {  	s3 =	simm.s32 $0x200;
	s21 =	sadd.s32 s16, s21;
	s20 =	sadd.s32 s20, s5  }
0xfa: {  	[tilespmem:s3], [sflag:$0x1] =	stream.linear.gather [hbm4b:s21+s1], $0x28, $0x38;
	[tilespmem:$0x1E400] =	vst v63  }
0xfb: {  	s18 =	sadd.s32 $0xA00, s20  }
0xfc: {  	[tilespmem:s28], [sflag:$0x1] =	stream.linear.gather [hbm4b:s18+s1], $0x1400, $0x38;
	[tilespmem:$0x1E400] =	vst v63  }
0xfd: {  	_ =	swait.ge [sflag:s15], $0x28  }
0xfe: {  	[sflag:s15] =	ssyncset.done $0x0  }
0xff: {  	[sflag:s15] =	ssyncadd.s32 $0xFFFFFFD8  }
0x100: {  	_ =	swait.ge [sflag:s15], $0x1400  }
0x101: {  	[sflag:s15] =	ssyncset.done $0x0  }
0x102: {  	[sflag:s15] =	ssyncadd.s32 $0xFFFFEC00  }
0x103: {  	_ =	swait.ge [sflag:s15], $0x28  }
0x104: {  	[sflag:s15] =	ssyncset.done $0x0  }
0x105: {  	[sflag:s15] =	ssyncadd.s32 $0xFFFFFFD8  }
0x106: {  	_ =	swait.ge [sflag:s15], $0x1400  }
0x107: {  	s24 =	smov.u32 s22;
	[sflag:s15] =	ssyncset.done $0x0  }
0x108: {  	s4 =	simm.s32 $0x80;
	s23 =	simm.s32 $0x1800;
	[sflag:s15] =	ssyncadd.s32 $0xFFFFEC00  }
0x109: {  	[spmem:s9] =	stream.indirect.scatter.add.f32 [tilespmem:s23], [sflag:$0x6], $0x80, s4, s2, $0xb8;
	[tilespmem:$0x1E400] =	vst v63  }
0x10a: {  	s22 =	simm.s32 $0x6;
	s7 =	simm.s32 $0x280;
	s16 =	simm.s32 $0x6800  }
0x10b: {  	[spmem:s9] =	stream.indirect.scatter.add.f32 [tilespmem:s16], [sflag:$0x6], $0x80, s7, s2, $0xb8;
	[tilespmem:$0x1E400] =	vst v63  }
0x10c: {  	_ =	swait.ge [sflag:s22], $0x1400  }
0x10d: {  	[sflag:s22] =	ssyncset.done $0x0  }
0x10e: {  	[sflag:s22] =	ssyncadd.s32 $0xFFFFEC00  }
0x10f: {  	_ =	swait.ge [sflag:s22], $0x1400  }
0x110: {  	s11 =	sadd.s32 $0x14, s11;
	[sflag:s22] =	ssyncset.done $0x0;
	s18 =	rddreg [dreg:$0x6]  }
0x111: {  	s25 =	sadd.s32 s11, s18;
	[sflag:s22] =	ssyncadd.s32 $0xFFFFEC00  }
0x112: {  	[tilespmem:s4], [sflag:$0x2] =	stream.linear.gather [hbm4b:s25+s1], $0x28, $0x38;
	[tilespmem:$0x1E400] =	vst v63  }
0x113: {  	s13 =	sadd.s32 $0x14, s13;
	s28 =	sadd.s32 $0xC80, s19  }
0x114: {  	[tilespmem:s23], [sflag:$0x2] =	stream.linear.gather [hbm4b:s28+s1], $0x1400, $0x38;
	[tilespmem:$0x1E400] =	vst v63  }
0x115: {  	s4 =	sadd.s32 s13, s18  }
0x116: {  	[tilespmem:s7], [sflag:$0x2] =	stream.linear.gather [hbm4b:s4+s1], $0x28, $0x38;
	[tilespmem:$0x1E400] =	vst v63  }
0x117: {  	s28 =	sadd.s32 $0xC80, s20  }
0x118: {  	[tilespmem:s16], [sflag:$0x2] =	stream.linear.gather [hbm4b:s28+s1], $0x1400, $0x38;
	[tilespmem:$0x1E400] =	vst v63  }
0x119: {  	_ =	swait.ge [sflag:s6], $0x28  }
0x11a: {  	[sflag:s6] =	ssyncset.done $0x0  }
0x11b: {  	[sflag:s6] =	ssyncadd.s32 $0xFFFFFFD8  }
0x11c: {  	_ =	swait.ge [sflag:s6], $0x1400  }
0x11d: {  	[sflag:s6] =	ssyncset.done $0x0  }
0x11e: {  	[sflag:s6] =	ssyncadd.s32 $0xFFFFEC00  }
0x11f: {  	_ =	swait.ge [sflag:s6], $0x28  }
0x120: {  	[sflag:s6] =	ssyncset.done $0x0  }
0x121: {  	[sflag:s6] =	ssyncadd.s32 $0xFFFFFFD8  }
0x122: {  	_ =	swait.ge [sflag:s6], $0x1400  }
0x123: {  	[sflag:s6] =	ssyncset.done $0x0  }
0x124: {  	s29 =	simm.s32 $0x2C00;
	s7 =	simm.s32 $0x100;
	[sflag:s6] =	ssyncadd.s32 $0xFFFFEC00  }
0x125: {  	[spmem:s9] =	stream.indirect.scatter.add.f32 [tilespmem:s29], [sflag:$0x7], $0x80, s7, s2, $0xb8;
	[tilespmem:$0x1E400] =	vst v63  }
0x126: {  	s31 =	simm.s32 $0x7C00;
	s22 =	simm.s32 $0x7;
	s28 =	simm.s32 $0x300  }
0x127: {  	[spmem:s9] =	stream.indirect.scatter.add.f32 [tilespmem:s31], [sflag:$0x7], $0x80, s28, s2, $0xb8;
	[tilespmem:$0x1E400] =	vst v63  }
0x128: {  	_ =	swait.ge [sflag:s22], $0x1400  }
0x129: {  	[sflag:s22] =	ssyncset.done $0x0  }
0x12a: {  	[sflag:s22] =	ssyncadd.s32 $0xFFFFEC00  }
0x12b: {  	_ =	swait.ge [sflag:s22], $0x1400  }
0x12c: {  	[sflag:s22] =	ssyncset.done $0x0;
	s23 =	rddreg [dreg:$0x8]  }
0x12d: {  	s21 =	sadd.s32 s11, s23;
	[sflag:s22] =	ssyncadd.s32 $0xFFFFEC00  }
0x12e: {  	[tilespmem:s7], [sflag:$0x3] =	stream.linear.gather [hbm4b:s21+s1], $0x28, $0x38;
	[tilespmem:$0x1E400] =	vst v63  }
0x12f: {  	s22 =	sadd.s32 $0xF00, s19  }
0x130: {  	[tilespmem:s29], [sflag:$0x3] =	stream.linear.gather [hbm4b:s22+s1], $0x1400, $0x38;
	[tilespmem:$0x1E400] =	vst v63  }
0x131: {  	s7 =	sadd.s32 s13, s23  }
0x132: {  	[tilespmem:s28], [sflag:$0x3] =	stream.linear.gather [hbm4b:s7+s1], $0x28, $0x38;
	[tilespmem:$0x1E400] =	vst v63  }
0x133: {  	s22 =	sadd.s32 $0xF00, s20  }
0x134: {  	[tilespmem:s31], [sflag:$0x3] =	stream.linear.gather [hbm4b:s22+s1], $0x1400, $0x38;
	[tilespmem:$0x1E400] =	vst v63  }
0x135: {  	_ =	swait.ge [sflag:s17], $0x28  }
0x136: {  	[sflag:s17] =	ssyncset.done $0x0  }
0x137: {  	[sflag:s17] =	ssyncadd.s32 $0xFFFFFFD8  }
0x138: {  	_ =	swait.ge [sflag:s17], $0x1400  }
0x139: {  	[sflag:s17] =	ssyncset.done $0x0  }
0x13a: {  	[sflag:s17] =	ssyncadd.s32 $0xFFFFEC00  }
0x13b: {  	_ =	swait.ge [sflag:s17], $0x28  }
0x13c: {  	[sflag:s17] =	ssyncset.done $0x0  }
0x13d: {  	[sflag:s17] =	ssyncadd.s32 $0xFFFFFFD8  }
0x13e: {  	_ =	swait.ge [sflag:s17], $0x1400  }
0x13f: {  	s28 =	simm.s32 $0x4000;
	[sflag:s17] =	ssyncset.done $0x0  }
0x140: {  	s22 =	smov.u32 s24;
	s24 =	simm.s32 $0x180;
	[sflag:s17] =	ssyncadd.s32 $0xFFFFEC00  }
0x141: {  	[spmem:s9] =	stream.indirect.scatter.add.f32 [tilespmem:s28], [sflag:$0x8], $0x80, s24, s2, $0xb8;
	[tilespmem:$0x1E400] =	vst v63  }
0x142: {  	s12 =	simm.s32 $0x9000;
	s26 =	simm.s32 $0x380  }
0x143: {  	[spmem:s9] =	stream.indirect.scatter.add.f32 [tilespmem:s12], [sflag:$0x8], $0x80, s26, s2, $0xb8;
	[tilespmem:$0x1E400] =	vst v63  }
0x144: {  	p0 =	sne.s32 s10, $0x25800;
	s10 =	sadd.s32 $0xA00, s10;
	_ =	swait.ge [sflag:s0], $0x1400  }
0x145: {  	s5 =	simm.s32 $0x200;
	s3 =	simm.s32 $0x80;
	[sflag:s0] =	ssyncset.done $0x0  }
0x146: {  	s18 =	simm.s32 $0x1800;
	s25 =	simm.s32 $0x280;
	[sflag:s0] =	ssyncadd.s32 $0xFFFFEC00  }
0x147: {  	s4 =	simm.s32 $0x6800;
	s16 =	simm.s32 $0x100;
	_ =	swait.ge [sflag:s0], $0x1400  }
0x148: {  	s19 =	sadd.s32 $0x1180, s19;
	[sflag:s0] =	ssyncset.done $0x0;
	s9 =	rddreg [dreg:$0x9]  }
0x149: {  	s23 =	simm.s32 $0x2C00;
	s12 =	sadd.s32 s11, s9;
	[sflag:s0] =	ssyncadd.s32 $0xFFFFEC00  }
0x14a: {  	[tilespmem:s24], [sflag:$0x4] =	stream.linear.gather [hbm4b:s12+s1], $0x28, $0x38;
	[tilespmem:$0x1E400] =	vst v63  }
.Ltmp1:
0x14b: {  	s29 =	simm.s32 $0x300;
	s7 =	simm.s32 $0x7C00;
	(pc) =	sbr.rel @p0 .LBB2_4-.Ltmp1, $4  }
0x14c: {  	[tilespmem:s28], [sflag:$0x4] =	stream.linear.gather [hbm4b:s19+s1], $0x1400, $0x38;
	[tilespmem:$0x1E400] =	vst v63  }
0x14d: {  	s31 =	simm.s32 $0x400;
	s9 =	sadd.s32 s13, s9;
	s12 =	simm.s32 $0x4000  }
0x14e: {  	[tilespmem:s26], [sflag:$0x4] =	stream.linear.gather [hbm4b:s9+s1], $0x28, $0x38;
	[tilespmem:$0x1E400] =	vst v63  }
0x14f: {  	s19 =	sadd.s32 $0x1180, s20;
	s20 =	simm.s32 $0x380;
	s26 =	simm.s32 $0x9000  }
0x150: {  	[tilespmem:s26], [sflag:$0x4] =	stream.linear.gather [hbm4b:s19+s1], $0x1400, $0x38;
	[tilespmem:$0x1E400] =	vst v63  }
0x151: {  	_ =	swait.ge [sflag:s30], $0x28  }
0x152: {  	[sflag:s30] =	ssyncset.done $0x0  }
0x153: {  	[sflag:s30] =	ssyncadd.s32 $0xFFFFFFD8  }
0x154: {  	_ =	swait.ge [sflag:s30], $0x1400  }
0x155: {  	[sflag:s30] =	ssyncset.done $0x0  }
0x156: {  	[sflag:s30] =	ssyncadd.s32 $0xFFFFEC00  }
0x157: {  	_ =	swait.ge [sflag:s30], $0x28  }
0x158: {  	[sflag:s30] =	ssyncset.done $0x0  }
0x159: {  	[sflag:s30] =	ssyncadd.s32 $0xFFFFFFD8  }
0x15a: {  	_ =	swait.ge [sflag:s30], $0x1400  }
0x15b: {  	[sflag:s30] =	ssyncset.done $0x0  }
0x15c: {  	[sflag:s30] =	ssyncadd.s32 $0xFFFFEC00  }
0x15d: {  	s10 =	simm.s32 $0x0;
	s11 =	simm.s32 $0x28;
	s9 =	rddreg [dreg:$0x2]  }
0x15e: {  	[spmem:s9] =	stream.indirect.scatter.add.f32 [tilespmem:s31], [sflag:$0x5], $0x80, s10, s11, $0xb8;
	[tilespmem:$0x1E400] =	vst v63  }
0x15f: {  	s2 =	simm.s32 $0x5400;
	s5 =	simm.s32 $0x200;
	s13 =	simm.s32 $0x5  }
0x160: {  	[spmem:s9] =	stream.indirect.scatter.add.f32 [tilespmem:s2], [sflag:$0x5], $0x80, s5, s11, $0xb8;
	[tilespmem:$0x1E400] =	vst v63  }
0x161: {  	_ =	swait.ge [sflag:s13], $0x1400  }
0x162: {  	[sflag:s13] =	ssyncset.done $0x0  }
0x163: {  	[sflag:s13] =	ssyncadd.s32 $0xFFFFEC00  }
0x164: {  	_ =	swait.ge [sflag:s13], $0x1400  }
0x165: {  	[sflag:s13] =	ssyncset.done $0x0  }
0x166: {  	[sflag:s13] =	ssyncadd.s32 $0xFFFFEC00  }
0x167: {  	_ =	swait.ge [sflag:s15], $0x28  }
0x168: {  	[sflag:s15] =	ssyncset.done $0x0  }
0x169: {  	[sflag:s15] =	ssyncadd.s32 $0xFFFFFFD8  }
0x16a: {  	_ =	swait.ge [sflag:s15], $0x1400  }
0x16b: {  	[sflag:s15] =	ssyncset.done $0x0  }
0x16c: {  	[sflag:s15] =	ssyncadd.s32 $0xFFFFEC00  }
0x16d: {  	_ =	swait.ge [sflag:s15], $0x28  }
0x16e: {  	[sflag:s15] =	ssyncset.done $0x0  }
0x16f: {  	[sflag:s15] =	ssyncadd.s32 $0xFFFFFFD8  }
0x170: {  	_ =	swait.ge [sflag:s15], $0x1400  }
0x171: {  	[sflag:s15] =	ssyncset.done $0x0  }
0x172: {  	[sflag:s15] =	ssyncadd.s32 $0xFFFFEC00  }
0x173: {  	[spmem:s9] =	stream.indirect.scatter.add.f32 [tilespmem:s18], [sflag:$0x6], $0x80, s3, s11, $0xb8;
	[tilespmem:$0x1E400] =	vst v63  }
0x174: {  	_ = 	snop  }
0x175: {  	[spmem:s9] =	stream.indirect.scatter.add.f32 [tilespmem:s4], [sflag:$0x6], $0x80, s25, s11, $0xb8;
	[tilespmem:$0x1E400] =	vst v63  }
0x176: {  	s4 =	simm.s32 $0x6  }
0x177: {  	_ =	swait.ge [sflag:s4], $0x1400  }
0x178: {  	[sflag:s4] =	ssyncset.done $0x0  }
0x179: {  	[sflag:s4] =	ssyncadd.s32 $0xFFFFEC00  }
0x17a: {  	_ =	swait.ge [sflag:s4], $0x1400  }
0x17b: {  	[sflag:s4] =	ssyncset.done $0x0  }
0x17c: {  	[sflag:s4] =	ssyncadd.s32 $0xFFFFEC00  }
0x17d: {  	_ =	swait.ge [sflag:s6], $0x28  }
0x17e: {  	[sflag:s6] =	ssyncset.done $0x0  }
0x17f: {  	[sflag:s6] =	ssyncadd.s32 $0xFFFFFFD8  }
0x180: {  	_ =	swait.ge [sflag:s6], $0x1400  }
0x181: {  	[sflag:s6] =	ssyncset.done $0x0  }
0x182: {  	[sflag:s6] =	ssyncadd.s32 $0xFFFFEC00  }
0x183: {  	_ =	swait.ge [sflag:s6], $0x28  }
0x184: {  	[sflag:s6] =	ssyncset.done $0x0  }
0x185: {  	[sflag:s6] =	ssyncadd.s32 $0xFFFFFFD8  }
0x186: {  	_ =	swait.ge [sflag:s6], $0x1400  }
0x187: {  	[sflag:s6] =	ssyncset.done $0x0  }
0x188: {  	[sflag:s6] =	ssyncadd.s32 $0xFFFFEC00  }
0x189: {  	[spmem:s9] =	stream.indirect.scatter.add.f32 [tilespmem:s23], [sflag:$0x7], $0x80, s16, s11, $0xb8;
	[tilespmem:$0x1E400] =	vst v63  }
0x18a: {  	_ = 	snop  }
0x18b: {  	[spmem:s9] =	stream.indirect.scatter.add.f32 [tilespmem:s7], [sflag:$0x7], $0x80, s29, s11, $0xb8;
	[tilespmem:$0x1E400] =	vst v63  }
0x18c: {  	s7 =	simm.s32 $0x7  }
0x18d: {  	_ =	swait.ge [sflag:s7], $0x1400  }
0x18e: {  	[sflag:s7] =	ssyncset.done $0x0  }
0x18f: {  	[sflag:s7] =	ssyncadd.s32 $0xFFFFEC00  }
0x190: {  	_ =	swait.ge [sflag:s7], $0x1400  }
0x191: {  	[sflag:s7] =	ssyncset.done $0x0  }
0x192: {  	[sflag:s7] =	ssyncadd.s32 $0xFFFFEC00  }
0x193: {  	_ =	swait.ge [sflag:s17], $0x28  }
0x194: {  	[sflag:s17] =	ssyncset.done $0x0  }
0x195: {  	[sflag:s17] =	ssyncadd.s32 $0xFFFFFFD8  }
0x196: {  	_ =	swait.ge [sflag:s17], $0x1400  }
0x197: {  	[sflag:s17] =	ssyncset.done $0x0  }
0x198: {  	[sflag:s17] =	ssyncadd.s32 $0xFFFFEC00  }
0x199: {  	_ =	swait.ge [sflag:s17], $0x28  }
0x19a: {  	[sflag:s17] =	ssyncset.done $0x0  }
0x19b: {  	[sflag:s17] =	ssyncadd.s32 $0xFFFFFFD8  }
0x19c: {  	_ =	swait.ge [sflag:s17], $0x1400  }
0x19d: {  	[sflag:s17] =	ssyncset.done $0x0  }
0x19e: {  	[sflag:s17] =	ssyncadd.s32 $0xFFFFEC00  }
0x19f: {  	[spmem:s9] =	stream.indirect.scatter.add.f32 [tilespmem:s12], [sflag:$0x8], $0x80, s24, s11, $0xb8;
	[tilespmem:$0x1E400] =	vst v63  }
0x1a0: {  	_ = 	snop  }
0x1a1: {  	[spmem:s9] =	stream.indirect.scatter.add.f32 [tilespmem:s26], [sflag:$0x8], $0x80, s20, s11, $0xb8;
	[tilespmem:$0x1E400] =	vst v63  }
0x1a2: {  	_ =	swait.ge [sflag:s0], $0x1400  }
0x1a3: {  	[sflag:s0] =	ssyncset.done $0x0  }
0x1a4: {  	[sflag:s0] =	ssyncadd.s32 $0xFFFFEC00  }
0x1a5: {  	_ =	swait.ge [sflag:s0], $0x1400  }
0x1a6: {  	[sflag:s0] =	ssyncset.done $0x0  }
0x1a7: {  	s14 =	rddreg [dreg:$0x1f];
	[sflag:s0] =	ssyncadd.s32 $0xFFFFEC00  }
0x1a8: {  	[tilespmem:s10], [sflag:$0x9] =	stream.linear.gather [hbm4b:s14+s10], $0x28, $0x38;
	[tilespmem:$0x1E400] =	vst v63  }
0x1a9: {  	_ =	swait.ge [sflag:s8], $0x28  }
0x1aa: {  	[sflag:s8] =	ssyncset.done $0x0  }
0x1ab: {  	s18 =	rddreg [dreg:$0x12];
	[sflag:s8] =	ssyncadd.s32 $0xFFFFFFD8  }
0x1ac: {  	[tilespmem:s31], [sflag:$0x9] =	stream.linear.gather [hbm4b:s18+s10], $0x1400, $0x38;
	[tilespmem:$0x1E400] =	vst v63  }
0x1ad: {  	_ =	swait.ge [sflag:s8], $0x1400  }
0x1ae: {  	s19 =	sld [smem:$0x7F7]  }
0x1af: {  	[sflag:s8] =	ssyncset.done $0x0  }
0x1b0: {  	[sflag:s8] =	ssyncadd.s32 $0xFFFFEC00  }
0x1b1: {  	[tilespmem:s5], [sflag:$0x9] =	stream.linear.gather [hbm4b:s19+s10], $0x28, $0x38;
	[tilespmem:$0x1E400] =	vst v63  }
0x1b2: {  	_ =	swait.ge [sflag:s8], $0x28  }
0x1b3: {  	[sflag:s8] =	ssyncset.done $0x0  }
0x1b4: {  	s20 =	rddreg [dreg:$0x13];
	[sflag:s8] =	ssyncadd.s32 $0xFFFFFFD8  }
0x1b5: {  	[tilespmem:s2], [sflag:$0x9] =	stream.linear.gather [hbm4b:s20+s10], $0x1400, $0x38;
	[tilespmem:$0x1E400] =	vst v63  }
0x1b6: {  	_ =	swait.ge [sflag:s8], $0x1400  }
0x1b7: {  	[sflag:s8] =	ssyncset.done $0x0  }
0x1b8: {  	s0 =	simm.s32 $0x28;
	[sflag:s8] =	ssyncadd.s32 $0xFFFFEC00  }
0x1b9: {  	[spmem:s9] =	stream.indirect.scatter.add.f32 [tilespmem:s31], [sflag:$0x5], $0x80, s10, s0, $0xb8;
	[tilespmem:$0x1E400] =	vst v63  }
0x1ba: {  	_ = 	snop  }
0x1bb: {  	[spmem:s9] =	stream.indirect.scatter.add.f32 [tilespmem:s2], [sflag:$0x5], $0x80, s5, s0, $0xb8;
	[tilespmem:$0x1E400] =	vst v63  }
0x1bc: {  	_ =	swait.ge [sflag:s13], $0x1400  }
0x1bd: {  	[sflag:s13] =	ssyncset.done $0x0  }
0x1be: {  	[sflag:s13] =	ssyncadd.s32 $0xFFFFEC00  }
0x1bf: {  	_ =	swait.ge [sflag:s13], $0x1400  }
0x1c0: {  	s21 =	sld [smem:$0x7F8]  }
0x1c1: {  	[sflag:s13] =	ssyncset.done $0x0  }
0x1c2: {  	[sflag:s13] =	ssyncadd.s32 $0xFFFFEC00  }
0x1c3: {  	[tilespmem:s10], [sflag:$0x9] =	stream.linear.gather [hbm4b:s21+s10], $0x28, $0x38;
	[tilespmem:$0x1E400] =	vst v63  }
0x1c4: {  	_ =	swait.ge [sflag:s8], $0x28  }
0x1c5: {  	[sflag:s8] =	ssyncset.done $0x0  }
0x1c6: {  	s23 =	rddreg [dreg:$0x14];
	[sflag:s8] =	ssyncadd.s32 $0xFFFFFFD8  }
0x1c7: {  	[tilespmem:s31], [sflag:$0x9] =	stream.linear.gather [hbm4b:s23+s10], $0x1400, $0x38;
	[tilespmem:$0x1E400] =	vst v63  }
0x1c8: {  	_ =	swait.ge [sflag:s8], $0x1400  }
0x1c9: {  	s24 =	sld [smem:$0x7F9]  }
0x1ca: {  	[sflag:s8] =	ssyncset.done $0x0  }
0x1cb: {  	[sflag:s8] =	ssyncadd.s32 $0xFFFFEC00  }
0x1cc: {  	[tilespmem:s5], [sflag:$0x9] =	stream.linear.gather [hbm4b:s24+s10], $0x28, $0x38;
	[tilespmem:$0x1E400] =	vst v63  }
0x1cd: {  	_ =	swait.ge [sflag:s8], $0x28  }
0x1ce: {  	[sflag:s8] =	ssyncset.done $0x0  }
0x1cf: {  	s25 =	rddreg [dreg:$0x15];
	[sflag:s8] =	ssyncadd.s32 $0xFFFFFFD8  }
0x1d0: {  	[tilespmem:s2], [sflag:$0x9] =	stream.linear.gather [hbm4b:s25+s10], $0x1400, $0x38;
	[tilespmem:$0x1E400] =	vst v63  }
0x1d1: {  	_ =	swait.ge [sflag:s8], $0x1400  }
0x1d2: {  	[sflag:s8] =	ssyncset.done $0x0  }
0x1d3: {  	[sflag:s8] =	ssyncadd.s32 $0xFFFFEC00  }
0x1d4: {  	[spmem:s9] =	stream.indirect.scatter.add.f32 [tilespmem:s31], [sflag:$0x5], $0x80, s10, s0, $0xb8;
	[tilespmem:$0x1E400] =	vst v63  }
0x1d5: {  	_ = 	snop  }
0x1d6: {  	[spmem:s9] =	stream.indirect.scatter.add.f32 [tilespmem:s2], [sflag:$0x5], $0x80, s5, s0, $0xb8;
	[tilespmem:$0x1E400] =	vst v63  }
0x1d7: {  	_ =	swait.ge [sflag:s13], $0x1400  }
0x1d8: {  	[sflag:s13] =	ssyncset.done $0x0  }
0x1d9: {  	[sflag:s13] =	ssyncadd.s32 $0xFFFFEC00  }
0x1da: {  	_ =	swait.ge [sflag:s13], $0x1400  }
0x1db: {  	[sflag:s13] =	ssyncset.done $0x0  }
0x1dc: {  	[sflag:s13] =	ssyncadd.s32 $0xFFFFEC00  }
0x1dd: {  	[bflag:$0x0] =	sbarrier.arrive $0xFFFF  }
0x1de: {  	s28 =	sld [smem:$0x7FD];
	_ =	sdelay $0x2  }
0x1df: {  	s26 =	sadd.s32 $0x0, s28  }
0x1e0: {  	[tilespmem:s1], [sflag:$0x9] =	stream.linear.gather [hbm4b:s26+s1], $0x28, $0x38;
	[tilespmem:$0x1E400] =	vst v63  }
0x1e1: {  	_ =	swait.ge [sflag:s8], $0x28  }
0x1e2: {  	[sflag:s8] =	ssyncset.done $0x0  }
0x1e3: {  	[sflag:s8] =	ssyncadd.s32 $0xFFFFFFD8  }
0x1e4: {  	[tilespmem:s31], [sflag:$0x9] =	stream.indirect.gather [spmem:s9], $0x80, s1, s0, $0xb8;
	[tilespmem:$0x1E400] =	vst v63  }
0x1e5: {  	s16 =	smov.u32 s9;
	_ =	swait.ge [sflag:s8], $0x1400  }
0x1e6: {  	s12 =	simm.s32 $0x6800;
	s11 =	simm.s32 $0x5;
	s29 =	sld [smem:$0x7FC]  }
0x1e7: {  	s18 =	simm.s32 $0x2C00;
	s20 =	simm.s32 $0x5400;
	[sflag:s8] =	ssyncset.done $0x0  }
0x1e8: {  	s21 =	simm.s32 $0x80;
	s24 =	simm.s32 $0x1800;
	[sflag:s8] =	ssyncadd.s32 $0xFFFFEC00  }
0x1e9: {  	[hbm4b:s29+s1] =	stream.linear.scatter [tilespmem:s31], [sflag:$0x9], $0x1400, $0x38;
	[tilespmem:$0x1E400] =	vst v63  }
0x1ea: {  	s2 =	simm.s32 $0x100;
	s13 =	simm.s32 $0xA;
	_ =	swait.ge [sflag:s8], $0x1400  }
0x1eb: {  	s26 =	simm.s32 $0x280;
	s10 =	sadd.s32 $0x280, s29;
	[sflag:s8] =	ssyncset.done $0x0  }
.LBB2_6:
0x1ec: {  	s14 =	sadd.s32 s11, s28  }
0x1ed: {  	[sflag:s8] =	ssyncadd.s32 $0xFFFFEC00;
	s11 =	smov.u32 s13;
	s19 =	sadd.s32 $0x5, s13  }
0x1ee: {  	[tilespmem:s1], [sflag:$0x9] =	stream.linear.gather [hbm4b:s14+s1], $0x28, $0x38;
	[tilespmem:$0x1E400] =	vst v63  }
0x1ef: {  	p0 =	sne.s32 s13, $0x4B;
	_ =	swait.ge [sflag:s8], $0x28  }
0x1f0: {  	[sflag:s8] =	ssyncset.done $0x0  }
0x1f1: {  	[sflag:s8] =	ssyncadd.s32 $0xFFFFFFD8  }
0x1f2: {  	[tilespmem:s31], [sflag:$0x9] =	stream.indirect.gather [spmem:s16], $0x80, s1, s0, $0xb8;
	[tilespmem:$0x1E400] =	vst v63  }
0x1f3: {  	_ =	swait.ge [sflag:s8], $0x1400  }
.Ltmp2:
0x1f4: {  	[sflag:s8] =	ssyncset.done $0x0;
	(pc) =	sbr.rel @p0 .LBB2_6-.Ltmp2, $4  }
0x1f5: {  	[sflag:s8] =	ssyncadd.s32 $0xFFFFEC00  }
0x1f6: {  	[hbm4b:s10+s1] =	stream.linear.scatter [tilespmem:s31], [sflag:$0x9], $0x1400, $0x38;
	[tilespmem:$0x1E400] =	vst v63  }
0x1f7: {  	_ =	swait.ge [sflag:s8], $0x1400  }
0x1f8: {  	s13 =	smov.u32 s19;
	s10 =	sadd.s32 $0x280, s10;
	[sflag:s8] =	ssyncset.done $0x0  }
0x1f9: {  	s11 =	sadd.s32 s11, s28;
	[sflag:s8] =	ssyncadd.s32 $0xFFFFEC00  }
0x1fa: {  	[tilespmem:s1], [sflag:$0x9] =	stream.linear.gather [hbm4b:s11+s1], $0x28, $0x38;
	[tilespmem:$0x1E400] =	vst v63  }
0x1fb: {  	_ =	swait.ge [sflag:s8], $0x28  }
0x1fc: {  	[sflag:s8] =	ssyncset.done $0x0  }
0x1fd: {  	[sflag:s8] =	ssyncadd.s32 $0xFFFFFFD8  }
0x1fe: {  	[tilespmem:s31], [sflag:$0x9] =	stream.indirect.gather [spmem:s16], $0x80, s1, s0, $0xb8;
	[tilespmem:$0x1E400] =	vst v63  }
0x1ff: {  	_ =	swait.ge [sflag:s8], $0x1400  }
0x200: {  	[sflag:s8] =	ssyncset.done $0x0  }
0x201: {  	[sflag:s8] =	ssyncadd.s32 $0xFFFFEC00  }
0x202: {  	[hbm4b:s10+s1] =	stream.linear.scatter [tilespmem:s31], [sflag:$0x9], $0x1400, $0x38;
	[tilespmem:$0x1E400] =	vst v63  }
0x203: {  	_ =	swait.ge [sflag:s8], $0x1400  }
0x204: {  	s25 =	sld [smem:$0x7F6]  }
0x205: {  	s29 =	sld [smem:$0x7FA];
	_ =	sdelay $0x1  }
0x206: {  	s11 =	sadd.s32 $0x1, s25  }
0x207: {  	p0 =	sne.s32 s11, s29  }
.Ltmp3:
0x208: {  	_ = 	snop;
	(pc) =	sbr.rel @p0 .LBB2_1-.Ltmp3, $4  }
0x209: {  	_ = 	snop  }
0x20a: {  	s4 =	rddreg [dreg:$0x9]  }
0x20b: {  	[sflag:s8] =	ssyncset.done $0x0;
	s19 =	rddreg [dreg:$0x8]  }
0x20c: {  	[sflag:s8] =	ssyncadd.s32 $0xFFFFEC00;
	s25 =	rddreg [dreg:$0x6]  }
0x20d: {  	_ =	sfence.sel $0x180000  }
0x20e: {  	[bflag:$0x0] =	sbarrier.arrive $0xFFFF  }
0x20f: {  	_ =	strace $0x9000004A  }
0x210: {  	s0 =	stileid.u32;
	[bflag:$0x2] =	sbarrier.arrive $0xFFFF  }
0x211: {  	p0 =	sne.s32 s0, $0x0;
	s0 =	rddreg [dreg:$0x3]  }
0x212: {  	s0 =	sadd.s32 @!p0 $0x100000, s0  }
0x213: {  	[sflag:s0] =	ssyncadd.tile.s32 @!p0 $0x1;
	_ =	shalt  }
.Lfunc_end2:
_tile_overlayer_lowered:
.L_overlay_start_2:
0x214: {  	(tag) =	ssettag $0x2  }
0x215: {  	s0 =	rddreg [dreg:$0x0];
	s2 =	stileid.u32  }
0x216: {  	s1 =	rddreg [dreg:$0x1];
	p0 =	sne.s32 s2, $0x0  }
0x217: {  	s3 =	rddreg [dreg:$0x2];
	[bflag:$0x3] =	sbarrier.arrive $0xFFFF;
	s2 =	simm.s32 @!p0 $0x1C09  }
0x218: {  	[timem:s3], [sflag:s2] =	dma.local @!p0 [hbm:s0], s1  }
0x219: {  	s0 =	simm.s32 @!p0 $0x9  }
0x21a: {  	_ =	swait.ge @!p0 [sflag:s0], s1  }
0x21b: {  	s1 =	ssub.s32 @!p0 $0x0, s1;
	[sflag:s0] =	ssyncset.done @!p0 $0x0  }
0x21c: {  	[sflag:s0] =	ssyncadd.s32 @!p0 s1  }
0x21d: {  	[bflag:$0x3] =	sbarrier.arrive $0xFFFF  }
0x21e: {  	_ =	shalt  }

// kernel: kernel.8.cloned.1.call-start
scs
__scs_entry_jumppad:
0x0: {  	(pc) =	sbr.rel $0x88, $3  }
0x1: {  	(tag) =	ssettag $0x0;
	lr =	simm.s32 $0x1  }
0x2: {  	[smem:$0x3F96] =	sst lr;
	_ =	strace $0xD0000000  }
0x3: {  	_ = 	snop  }
0x4: {  	_ = 	snop  }
0x5: {  	_ = 	snop  }
0x6: {  	_ = 	snop  }
0x7: {  	_ = 	snop  }
__scs_overlays_trampoline_lowered:
0x8: {  	[smem:$0x3FA5] =	sst s0  }
0x9: {  	[smem:$0x3FA6] =	sst s1  }
0xa: {  	[smem:$0x3FA7] =	sst s2  }
0xb: {  	[smem:$0x3FA8] =	sst s3  }
0xc: {  	[smem:$0x3FA9] =	sst s4  }
0xd: {  	[smem:$0x3FAA] =	sst s5  }
0xe: {  	[smem:$0x3FAB] =	sst s6  }
0xf: {  	[smem:$0x3FAC] =	sst s7  }
0x10: {  	[smem:$0x3FAD] =	sst s8  }
0x11: {  	[smem:$0x3FAE] =	sst s9;
	s0 =	simm.s32 @!p0 $0x0  }
0x12: {  	s1 =	sld [smem:$0x3F94];
	s0 =	simm.s32 @p0 $0x1  }
0x13: {  	[smem:$0x3FAF] =	sst s0;
	s0 =	simm.s32 @!p1 $0x0  }
0x14: {  	s2 =	sld [smem:$0x3F93];
	s0 =	simm.s32 @p1 $0x1  }
0x15: {  	[smem:$0x3FB0] =	sst s0;
	s0 =	simm.s32 @!p2 $0x0  }
0x16: {  	s3 =	sld [smem:$0x3FDB];
	s0 =	simm.s32 @p2 $0x1  }
0x17: {  	s4 =	simm.s32 $0x1BF5;
	[smem:$0x3FB2] =	sst s0  }
0x18: {  	s0 =	sld [smem:$0x3F95];
	_ =	swait.ge [sflag:s4], $0x0  }
0x19: {  	s7 =	sld [smem:$0x3F96]  }
0x1a: {  	s8 =	sadd.s32 $0xFFFFE003, lr  }
0x1b: {  	s9 =	sadd.s32 $0xFFFFFEF7, lr;
	s5 =	simm.s32 $0xFFFFFFFF;
	p2 =	slt.u32 s8, $0xFFFFF086  }
0x1c: {  	p1 =	slt.u32 s9, $0xF7A;
	s5 =	simm.s32 @!p2 $0x0  }
0x1d: {  	s5 =	simm.s32 @p1 $0x1;
	p0 =	seq.s32 s7, s2  }
0x1e: {  	s7 =	smul.u32 @!p0 $0xF7A, s2;
	p2 =	seq.s32 @!p0 s5, $0x0  }
0x1f: {  	s9 =	smul.u32 $0xF7A, s1;
	s8 =	simm.s32 @!p0 $0x1BF5;
	p2 =	por !p2, p0  }
0x20: {  	[sflag:s8] =	ssyncset.s32 @!p0 $0xFFFFF086;
	s6 =	sadd.s32 @!p0 s3, s7;
	s7 =	simm.s32 @!p0 $0x108  }
0x21: {  	s3 =	sadd.s32 s3, s9;
	s6 =	sadd.s32 @!p0 $0x88, s6;
	s7 =	simm.s32 @p2 $0x1082  }
0x22: {  	[simem:s7], [sflag:s8] =	dma.local @!p0 [hbm:s6], $0xF7A  }
0x23: {  	s9 =	sor.u32 $0xD0000000, s2;
	s6 =	simm.s32 $0x108;
	_ =	swait.ge @!p0 [sflag:s8], $0x0  }
0x24: {  	s3 =	sadd.s32 $0x88, s3;
	s6 =	simm.s32 @!p1 $0x1082;
	[sflag:s4] =	ssyncset.s32 $0xFFFFF086  }
0x25: {  	[simem:s6], [sflag:s4] =	dma.local [hbm:s3], $0xF7A  }
0x26: {  	[smem:$0x3F96] =	sst s1;
	(tag) =	ssettag s2;
	_ =	strace s9  }
0x27: {  	s1 =	sld [smem:$0x3FA6]  }
0x28: {  	s2 =	sld [smem:$0x3FA7]  }
0x29: {  	s4 =	sld [smem:$0x3FA9]  }
0x2a: {  	p0 =	seq.s32 s5, $0x0;
	s5 =	sld [smem:$0x3FAA]  }
0x2b: {  	s6 =	sld [smem:$0x3FAB]  }
0x2c: {  	s7 =	sld [smem:$0x3FAC]  }
0x2d: {  	s3 =	simm.s32 $0x108;
	s8 =	sld [smem:$0x3FAD]  }
0x2e: {  	s3 =	simm.s32 @!p0 $0x1082;
	s9 =	sld [smem:$0x3FAE]  }
0x2f: {  	lr =	sadd.s32 s0, s3;
	s0 =	sld [smem:$0x3FA5]  }
0x30: {  	s3 =	sld [smem:$0x3FA8]  }
0x31: {  	[smem:$0x3FB1] =	sst s10  }
0x32: {  	s10 =	sld [smem:$0x3FAF];
	_ =	sdelay $0x3  }
0x33: {  	p0 =	seq.s32 s10, $0x1;
	s10 =	sld [smem:$0x3FB1];
	_ =	sdelay $0x3  }
0x34: {  	[smem:$0x3FB1] =	sst s10  }
0x35: {  	s10 =	sld [smem:$0x3FB0];
	_ =	sdelay $0x3  }
0x36: {  	p1 =	seq.s32 s10, $0x1;
	s10 =	sld [smem:$0x3FB1];
	_ =	sdelay $0x3  }
0x37: {  	[smem:$0x3FB1] =	sst s10  }
0x38: {  	s10 =	sld [smem:$0x3FB2]  }
0x39: {  	_ = 	snop;
	(pc) =	sbr.ind lr, $3  }
0x3a: {  	_ = 	snop  }
0x3b: {  	_ = 	snop  }
0x3c: {  	p2 =	seq.s32 s10, $0x1;
	s10 =	sld [smem:$0x3FB1]  }
0x3d: {  	_ =	shalt  }
0x3e: {  	_ =	shalt  }
0x3f: {  	_ =	shalt  }
0x40: {  	_ =	shalt  }
0x41: {  	_ =	shalt  }
0x42: {  	_ =	shalt  }
0x43: {  	_ =	shalt  }
0x44: {  	_ =	shalt  }
0x45: {  	_ =	shalt  }
0x46: {  	_ =	shalt  }
0x47: {  	_ =	shalt  }
0x48: {  	_ =	shalt  }
0x49: {  	_ =	shalt  }
0x4a: {  	_ =	shalt  }
0x4b: {  	_ =	shalt  }
0x4c: {  	_ =	shalt  }
0x4d: {  	_ =	shalt  }
0x4e: {  	_ =	shalt  }
0x4f: {  	_ =	shalt  }
0x50: {  	_ =	shalt  }
0x51: {  	_ =	shalt  }
0x52: {  	_ =	shalt  }
0x53: {  	_ =	shalt  }
0x54: {  	_ =	shalt  }
0x55: {  	_ =	shalt  }
0x56: {  	_ =	shalt  }
0x57: {  	_ =	shalt  }
0x58: {  	_ =	shalt  }
0x59: {  	_ =	shalt  }
0x5a: {  	_ =	shalt  }
0x5b: {  	_ =	shalt  }
0x5c: {  	_ =	shalt  }
0x5d: {  	_ =	shalt  }
0x5e: {  	_ =	shalt  }
0x5f: {  	_ =	shalt  }
0x60: {  	_ =	shalt  }
0x61: {  	_ =	shalt  }
0x62: {  	_ =	shalt  }
0x63: {  	_ =	shalt  }
0x64: {  	_ =	shalt  }
0x65: {  	_ =	shalt  }
0x66: {  	_ =	shalt  }
0x67: {  	_ =	shalt  }
0x68: {  	_ =	shalt  }
0x69: {  	_ =	shalt  }
0x6a: {  	_ =	shalt  }
0x6b: {  	_ =	shalt  }
0x6c: {  	_ =	shalt  }
0x6d: {  	_ =	shalt  }
0x6e: {  	_ =	shalt  }
0x6f: {  	_ =	shalt  }
0x70: {  	_ =	shalt  }
0x71: {  	_ =	shalt  }
0x72: {  	_ =	shalt  }
0x73: {  	_ =	shalt  }
0x74: {  	_ =	shalt  }
0x75: {  	_ =	shalt  }
0x76: {  	_ =	shalt  }
0x77: {  	_ =	shalt  }
0x78: {  	_ =	shalt  }
0x79: {  	_ =	shalt  }
0x7a: {  	_ =	shalt  }
0x7b: {  	_ =	shalt  }
0x7c: {  	_ =	shalt  }
0x7d: {  	_ =	shalt  }
0x7e: {  	_ =	shalt  }
0x7f: {  	_ =	shalt  }
0x80: {  	_ =	shalt  }
0x81: {  	_ =	shalt  }
0x82: {  	_ =	shalt  }
0x83: {  	_ =	shalt  }
0x84: {  	_ =	shalt  }
0x85: {  	_ =	shalt  }
0x86: {  	_ =	shalt  }
0x87: {  	_ =	shalt  }
.Lfunc_end0:
.L_simem_size_0:
called_computation_lowered:
.L_overlay_start_0:
0x88: {  	s2 =	sld [smem:$0x3FD9]  }
0x89: {  	s3 =	sld [smem:$0x3FFE];
	_ =	sdelay $0x1  }
0x8a: {  	s1 =	srdreg.scid  }
0x8b: {  	s0 =	sand.u32 $0x1, s1  }
0x8c: {  	s14 =	sshll.u32 s0, $0xA;
	s2 =	sadd.s32 s3, s2  }
0x8d: {  	s2 =	sadd.s32 s2, s14  }
0x8e: {  	[smem:$0x3FBD] =	sst s2  }
0x8f: {  	_ = 	snop  }
0x90: {  	s2 =	sld [smem:$0x3FD0];
	_ =	sdelay $0x2  }
0x91: {  	s15 =	simm.s32 $0xA;
	s4 =	simm.s32 $0x10  }
0x92: {  	[smem:s4], [sflag:s15] =	dma.local [hbm:s2], $0x1  }
0x93: {  	_ =	swait.eq [sflag:s15], $0x1  }
0x94: {  	[sflag:s15] =	ssyncset.done $0x0  }
0x95: {  	s16 =	sld [smem:$0x10];
	[sflag:s15] =	ssyncadd.s32 $0xFFFFFFFF  }
0x96: {  	s17 =	sld [smem:$0x11];
	(tm) =	ssettm $0x1  }
0x97: {  	s18 =	sld [smem:$0x3FFB];
	_ =	sdelay $0x3  }
0x98: {  	_ =	strace s18  }
0x99: {  	s4 =	sld [smem:$0x3FFC];
	_ =	sdelay $0x3  }
0x9a: {  	_ =	strace s4  }
0x9b: {  	s4 =	sld [smem:$0x3FFD];
	_ =	sdelay $0x3  }
0x9c: {  	_ =	strace s4  }
0x9d: {  	_ =	strace $0x8FFFFFFF  }
0x9e: {  	s19 =	sld [smem:$0x3FDB];
	_ =	sdelay $0x1  }
0x9f: {  	s5 =	simm.s32 $_scs_section_size  }
0xa0: {  	s6 =	simm.s32 $_size__tile_overlayer_lowered;
	s7 =	simm.s32 $_tile_overlayer_lowered  }
0xa1: {  	s22 =	simm.s32 $0x1BFF;
	s21 =	sshll.u32 s7, $0x1;
	s4 =	sadd.s32 s5, s19  }
0xa2: {  	s8 =	simm.s32 $0x0;
	s20 =	sshll.u32 s6, $0x1;
	s6 =	sadd.s32 s21, s4  }
0xa3: {  	[timem:s8], [sflag:s22] =	dma.local [hbm:s6], s20  }
0xa4: {  	_ =	swait.ge [sflag:s22], s20  }
0xa5: {  	s5 =	ssub.s32 $0x0, s20;
	[sflag:s22] =	ssyncset.done $0x0  }
0xa6: {  	[sflag:s22] =	ssyncadd.s32 s5;
	_ =	sdelay $0x1  }
0xa7: {  	s23 =	simm.s32 $0x1B8B  }
0xa8: {  	_ =	swait.ge [sflag:s23], $0x1  }
0xa9: {  	[sflag:s23] =	ssyncset.done $0x0  }
0xaa: {  	s25 =	simm.s32 $0x1B8E;
	s24 =	sld [smem:$0x3FFE];
	[sflag:s23] =	ssyncadd.s32 $0xFFFFFFFF  }
0xab: {  	s26 =	simm.s32 $execute0_lowered;
	[smem:$0x3FD2] =	sst s25  }
0xac: {  	s6 =	sshll.u32 s26, $0x1;
	_ =	strace $0x80000046;
	[dreg:$0x1] =	wrdreg $0xFFFFFFFF  }
0xad: {  	s28 =	simm.s32 $_size_execute0_lowered;
	s4 =	sadd.s32 s4, s6;
	[dreg:$0x0] =	wrdreg $0x0  }
0xae: {  	s6 =	sshll.u32 s28, $0x1;
	[dreg:$0x2] =	wrdreg s4  }
0xaf: {  	[dreg:$0x3] =	wrdreg s6  }
0xb0: {  	[dreg:$0x4] =	wrdreg $0xC0  }
0xb1: {  	_ =	task [dreg:s8], $0x5FFFF  }
0xb2: {  	[dreg:$0x1] =	wrdreg $0xFFFFFFFF  }
0xb3: {  	[dreg:$0x0] =	wrdreg $0x60  }
0xb4: {  	[dreg:$0x2] =	wrdreg s16  }
0xb5: {  	[dreg:$0x3] =	wrdreg s17  }
0xb6: {  	[dreg:$0x4] =	wrdreg s24  }
0xb7: {  	[dreg:$0x5] =	wrdreg $0x9  }
0xb8: {  	_ =	task.clear_ibuf [dreg:s8], $0x6FFFF;
	_ =	strace $0x90000046  }
0xb9: {  	s29 =	simm.s32 $0x9;
	_ =	strace $0x80000048  }
0xba: {  	_ =	swait.ge [sflag:s29], $0x1  }
0xbb: {  	[sflag:s29] =	ssyncadd.s32 $0xFFFFFFFF  }
0xbc: {  	_ =	strace $0x90000048  }
0xbd: {  	_ =	sfence  }
0xbe: {  	s30 =	sld [smem:$0x0];
	_ =	sdelay $0x2  }
0xbf: {  	s31 =	sshll.u32 s1, $0xD;
	s1 =	sshrl.u32 s1, $0x2  }
0xc0: {  	s3 =	sand.u32 $0x4000, s31;
	s1 =	sadd.s32 s1, s30  }
0xc1: {  	s0 =	sor.u32 s3, s0;
	s1 =	sshll.u32 s1, $0x11  }
0xc2: {  	s0 =	sor.u32 s1, s0  }
0xc3: {  	s0 =	sadd.s32 $0x8F2B, s0  }
0xc4: {  	[sflag:s0] =	ssyncadd.remote.s32 $0x1  }
0xc5: {  	_ =	sfence.sel $0xFFFF  }
0xc6: {  	[dreg:$0x0] =	wrdreg $0xFFFFFFFF;
	(pc) =	sbr.abs _section_cstart, $3  }
0xc7: {  	[dreg:$0x1] =	wrdreg $0xFFFFFFFF  }
0xc8: {  	_ =	task.clear_ibuf [dreg:s8], $0x2FFFF;
	_ =	strace $0x9FFFFFFF  }
0xc9: {  	(tm) =	ssettm $0x7FFFFFFF  }
tec
execute0_lowered:
.L_overlay_start_1:
0x0: {  	(tag) =	ssettag $0x1  }
0x1: {  	s3 =	rddreg [dreg:$0x0]  }
0x2: {  	s28 =	rddreg [dreg:$0x1]  }
0x3: {  	s0 =	rddreg [dreg:$0x2];
	s2 =	srdreg.scid  }
0x4: {  	s13 =	stileid.u32;
	s4 =	simm.s32 $0x0;
	s31 =	simm.s32 $0xB  }
0x5: {  	s30 =	simm.s32 $0x6;
	s29 =	simm.s32 $0x1;
	s8 =	sand.u32 $0x1, s2  }
0x6: {  	s23 =	sshll.u32 s13, $0x1;
	[smem:$0x7FF] =	sst s4;
	s26 =	smul.u32 $0x271000, s13  }
0x7: {  	s15 =	sadd.s32 $0xCE00, s0;
	s16 =	sadd.s32 $0x3000, s0;
	s17 =	smul.u32 $0x4E20, s13  }
0x8: {  	s7 =	sadd.s32 $0x4F8C00, s0;
	s2 =	sor.u32 s8, s23;
	s14 =	smul.u32 $0x138800, s8  }
0x9: {  	s6 =	sadd.s32 $0x16C00, s0;
	_ =	strace $0x80000047;
	s5 =	smul.u32 $0x500, s2  }
0xa: {  	s10 =	ssub.s32 $0x2, s8;
	[dreg:$0x16] =	wrdreg s15;
	s9 =	smul.u32 $0x2710, s2  }
0xb: {  	s8 =	smul.u32 $0x2710, s8;
	[dreg:$0x17] =	wrdreg s16;
	s11 =	sshrl.u32 s10, $0x1  }
0xc: {  	s24 =	smul.u32 $0x138800, s2;
	s0 =	sadd.s32 s5, s0;
	s5 =	sshrl.u32 s9, $0x3  }
0xd: {  	s2 =	ssub.s32 s10, s11;
	s11 =	sadd.s32 s14, s26;
	s12 =	sadd.s32 s15, s5  }
0xe: {  	s25 =	sadd.s32 $0xA, s5;
	s0 =	sadd.s32 $0x9DAC00, s0;
	[dreg:$0x18] =	wrdreg s12  }
0xf: {  	s9 =	sshrl.u32 s24, $0x3;
	s1 =	sadd.s32 s15, s25;
	[smem:$0x7FB] =	sst s0  }
0x10: {  	s18 =	sadd.s32 $0x25800, s9;
	s10 =	sadd.s32 s16, s25;
	[dreg:$0x19] =	wrdreg s1  }
0x11: {  	s8 =	sadd.s32 s8, s17;
	s19 =	sadd.s32 s6, s18;
	[dreg:$0x1a] =	wrdreg s10  }
0x12: {  	s13 =	sadd.s32 $0x25D00, s9;
	s20 =	sadd.s32 s7, s18;
	[dreg:$0x1b] =	wrdreg s19  }
0x13: {  	s21 =	sadd.s32 $0xA000, s11;
	s22 =	sadd.s32 s6, s13;
	[dreg:$0x1c] =	wrdreg s20  }
0x14: {  	s12 =	sshrl.u32 s21, $0x3;
	s13 =	sadd.s32 s7, s13;
	[dreg:$0x1d] =	wrdreg s22  }
0x15: {  	s14 =	sadd.s32 $0x2D0, s8;
	s23 =	sadd.s32 s12, s7;
	[dreg:$0x1e] =	wrdreg s13  }
0x16: {  	s25 =	sshrl.u32 s14, $0x3;
	s24 =	sadd.s32 s12, s6;
	[dreg:$0x4] =	wrdreg s23  }
0x17: {  	s0 =	simm.s32 $0x3;
	s26 =	sadd.s32 s25, s16;
	[dreg:$0x5] =	wrdreg s24  }
0x18: {  	s1 =	sadd.s32 $0x7800, s11;
	s12 =	sadd.s32 s25, s15;
	[dreg:$0x6] =	wrdreg s26  }
0x19: {  	s19 =	sadd.s32 $0x280, s8;
	s17 =	sshrl.u32 s1, $0x3;
	[dreg:$0x7] =	wrdreg s12  }
0x1a: {  	s21 =	sshrl.u32 s19, $0x3;
	s23 =	sadd.s32 $0x5000, s11;
	s18 =	sadd.s32 s17, s7  }
0x1b: {  	s1 =	sadd.s32 $0x230, s8;
	s20 =	sadd.s32 s17, s6;
	[dreg:$0x8] =	wrdreg s18  }
0x1c: {  	s22 =	sadd.s32 s21, s16;
	s24 =	sadd.s32 s21, s15;
	[dreg:$0x9] =	wrdreg s20  }
0x1d: {  	s25 =	sshrl.u32 s23, $0x3;
	s14 =	sshrl.u32 s1, $0x3;
	[dreg:$0xa] =	wrdreg s22  }
0x1e: {  	s23 =	sadd.s32 $0x1E0, s8;
	[dreg:$0xb] =	wrdreg s24;
	s26 =	sadd.s32 s25, s7  }
0x1f: {  	s12 =	sadd.s32 s25, s6;
	s17 =	sadd.s32 s14, s16;
	[dreg:$0xc] =	wrdreg s26  }
0x20: {  	s18 =	sadd.s32 $0x2800, s11;
	s19 =	sadd.s32 s14, s15;
	[dreg:$0xd] =	wrdreg s12  }
0x21: {  	s22 =	sadd.s32 $0x26200, s9;
	s10 =	sshrl.u32 s23, $0x3;
	[dreg:$0xe] =	wrdreg s17  }
0x22: {  	s11 =	sshrl.u32 s11, $0x3;
	[dreg:$0xf] =	wrdreg s19;
	s24 =	sadd.s32 s6, s22  }
0x23: {  	s20 =	sshrl.u32 s18, $0x3;
	s13 =	sadd.s32 s7, s22;
	[dreg:$0x1f] =	wrdreg s24  }
0x24: {  	s25 =	sadd.s32 s10, s16;
	s10 =	sadd.s32 s10, s15;
	[smem:$0x7EF] =	sst s13  }
0x25: {  	s26 =	sadd.s32 $0x26700, s9;
	s1 =	sadd.s32 s11, s7;
	[dreg:$0x12] =	wrdreg s25  }
0x26: {  	s9 =	sadd.s32 $0x26C00, s9;
	s17 =	sadd.s32 s11, s6;
	[dreg:$0x13] =	wrdreg s10  }
0x27: {  	s19 =	sadd.s32 $0x14, s5;
	s22 =	sadd.s32 s16, s5;
	[dreg:$0x14] =	wrdreg s1  }
0x28: {  	s21 =	sadd.s32 s20, s7;
	s12 =	sadd.s32 s20, s6;
	[dreg:$0x15] =	wrdreg s17  }
0x29: {  	s13 =	sadd.s32 s6, s26;
	s14 =	sadd.s32 s7, s26;
	[smem:$0x7F6] =	sst s22  }
0x2a: {  	s6 =	sadd.s32 s6, s9;
	s18 =	sadd.s32 s7, s9;
	[dreg:$0x10] =	wrdreg s21  }
0x2b: {  	s20 =	sadd.s32 s15, s19;
	s25 =	smax.u32 s2, $0x1;
	[dreg:$0x11] =	wrdreg s12  }
0x2c: {  	s26 =	sadd.s32 $0x190, s8;
	s2 =	simm.s32 $0x19500;
	[smem:$0x7F0] =	sst s13  }
0x2d: {  	s7 =	simm.s32 $0x50;
	s17 =	simm.s32 $0x300;
	[smem:$0x7F1] =	sst s14  }
0x2e: {  	s22 =	simm.s32 $0x5500;
	s8 =	simm.s32 $0x8;
	[smem:$0x7F2] =	sst s6  }
0x2f: {  	s10 =	simm.s32 $0x9;
	s9 =	simm.s32 $0x4;
	[smem:$0x7F3] =	sst s18  }
0x30: {  	s1 =	simm.s32 $0x5;
	[smem:$0x7F4] =	sst s20;
	s6 =	sadd.s32 s16, s19  }
0x31: {  	s21 =	sadd.s32 $0x1E, s5;
	s5 =	sadd.s32 $0x28, s5;
	[smem:$0x7FC] =	sst s25  }
0x32: {  	[smem:$0x7FD] =	sst s26;
	s13 =	simm.s32 $0x280;
	s14 =	simm.s32 $0x500  }
0x33: {  	s18 =	simm.s32 $0x2D00;
	s19 =	simm.s32 $0xF500;
	s20 =	simm.s32 $0x100  }
0x34: {  	s25 =	simm.s32 $0x400;
	[smem:$0x7F5] =	sst s6;
	s23 =	sadd.s32 s15, s21  }
0x35: {  	s12 =	simm.s32 $0x0;
	s6 =	sadd.s32 s16, s21;
	[smem:$0x7F7] =	sst s23  }
0x36: {  	s26 =	simm.s32 $0xA;
	s24 =	sadd.s32 s15, s5;
	[smem:$0x7F8] =	sst s6  }
0x37: {  	s5 =	sadd.s32 s16, s5;
	s15 =	simm.s32 $0xCD00;
	[smem:$0x7F9] =	sst s24  }
0x38: {  	s16 =	simm.s32 $0x80;
	s21 =	simm.s32 $0x380;
	[smem:$0x7FA] =	sst s5  }
0x39: {  	v0 =	vimm.f32 $0.0e+00;
	v1 =	vimm.f32 $1.000000000e+00;
	s23 =	simm.s32 $0x11D00;
	s24 =	simm.s32 $0x180;
	s5 =	simm.s32 $0x2  }
.LBB2_1:
0x3a: {  	[smem:$0x7EE] =	sst s12;
	s11 =	simm.s32 $0x40;
	s12 =	simm.s32 $0x0  }
.LBB2_2:
0x3b: {  	p0 =	sne.s32 s11, $0x9FC0;
	[tilespmem:s12+$0x19500] =	vst v0;
	s12 =	smov.u32 s11;
	s11 =	sadd.s32 $0x40, s11  }
.Ltmp0:
0x3c: {  	(pc) =	sbr.rel @p0 .LBB2_2-.Ltmp0, $2  }
0x3d: {  	_ =	sdelay $0x2  }
0x3e: {  	s12 =	sshra.s32 s12, $0x2  }
0x3f: {  	[tilespmem:s12+$0x19500] =	vst v0;
	s11 =	simm.s32 $0x0;
	s6 =	rddreg [dreg:$0x18]  }
0x40: {  	[tilespmem:s11], [sflag:$0xB] =	stream.linear.gather [hbm4b:s6+s11], $0x50, $0x38;
	[tilespmem:$0x1BD00] =	vst v63  }
0x41: {  	_ =	swait.ge [sflag:s31], $0x50  }
0x42: {  	s6 =	sld [smem:$0x7F6]  }
0x43: {  	[sflag:s31] =	ssyncset.done $0x0  }
0x44: {  	[sflag:s31] =	ssyncadd.s32 $0xFFFFFFB0  }
0x45: {  	[tilespmem:s13], [sflag:$0xB] =	stream.linear.gather [hbm4b:s6+s11], $0x50, $0x38;
	[tilespmem:$0x1BD00] =	vst v63  }
0x46: {  	_ =	swait.ge [sflag:s31], $0x50  }
0x47: {  	[sflag:s31] =	ssyncset.done $0x0  }
0x48: {  	[sflag:s31] =	ssyncadd.s32 $0xFFFFFFB0  }
0x49: {  	v2 =	vld [tilespmem:$0x0];
	_ =	sdelay $0x7  }
0x4a: {  	[tilespmem:v2+s2+$0x0] =	vst.idx.add.f32.msk $0xffff, v1  }
0x4b: {  	v2 =	vld [tilespmem:$0x10];
	_ =	sdelay $0x7  }
0x4c: {  	[tilespmem:v2+s2+$0x0] =	vst.idx.add.f32.msk $0xffff, v1  }
0x4d: {  	v2 =	vld [tilespmem:$0x20];
	_ =	sdelay $0x7  }
0x4e: {  	[tilespmem:v2+s2+$0x0] =	vst.idx.add.f32.msk $0xffff, v1  }
0x4f: {  	v2 =	vld [tilespmem:$0x30];
	_ =	sdelay $0x7  }
0x50: {  	[tilespmem:v2+s2+$0x0] =	vst.idx.add.f32.msk $0xffff, v1  }
0x51: {  	v2 =	vld [tilespmem:$0x40];
	_ =	sdelay $0x7  }
0x52: {  	[tilespmem:v2+s2+$0x0] =	vst.idx.add.f32.msk $0xffff, v1  }
0x53: {  	v2 =	vld [tilespmem:$0x280];
	_ =	sdelay $0x7  }
0x54: {  	[tilespmem:v2+s2+$0x0] =	vst.idx.add.f32.msk $0xffff, v1  }
0x55: {  	v2 =	vld [tilespmem:$0x290];
	_ =	sdelay $0x7  }
0x56: {  	[tilespmem:v2+s2+$0x0] =	vst.idx.add.f32.msk $0xffff, v1  }
0x57: {  	v2 =	vld [tilespmem:$0x2A0];
	_ =	sdelay $0x7  }
0x58: {  	[tilespmem:v2+s2+$0x0] =	vst.idx.add.f32.msk $0xffff, v1  }
0x59: {  	v2 =	vld [tilespmem:$0x2B0];
	_ =	sdelay $0x7  }
0x5a: {  	[tilespmem:v2+s2+$0x0] =	vst.idx.add.f32.msk $0xffff, v1  }
0x5b: {  	v2 =	vld [tilespmem:$0x2C0];
	_ =	sdelay $0x7  }
0x5c: {  	[tilespmem:v2+s2+$0x0] =	vst.idx.add.f32.msk $0xffff, v1  }
0x5d: {  	[tilespmem:s14], [sflag:$0x1] =	stream.indirect.gather [hbm4b:s3+s7], $0x80, s11, s7, $0xb8;
	[tilespmem:$0x1BD00] =	vst v63  }
0x5e: {  	_ = 	snop  }
0x5f: {  	[tilespmem:s15], [sflag:$0x1] =	stream.indirect.gather [hbm4b:s28+s7], $0x80, s13, s7, $0xb8;
	[tilespmem:$0x1BD00] =	vst v63  }
0x60: {  	s6 =	rddreg [dreg:$0x19]  }
0x61: {  	[tilespmem:s16], [sflag:$0xB] =	stream.linear.gather [hbm4b:s6+s11], $0x50, $0x38;
	[tilespmem:$0x1BD00] =	vst v63  }
0x62: {  	_ =	swait.ge [sflag:s31], $0x50  }
0x63: {  	[sflag:s31] =	ssyncset.done $0x0  }
0x64: {  	s13 =	rddreg [dreg:$0x1a];
	[sflag:s31] =	ssyncadd.s32 $0xFFFFFFB0  }
0x65: {  	[tilespmem:s17], [sflag:$0xB] =	stream.linear.gather [hbm4b:s13+s11], $0x50, $0x38;
	[tilespmem:$0x1BD00] =	vst v63  }
0x66: {  	_ =	swait.ge [sflag:s31], $0x50  }
0x67: {  	[sflag:s31] =	ssyncset.done $0x0  }
0x68: {  	[sflag:s31] =	ssyncadd.s32 $0xFFFFFFB0  }
0x69: {  	v2 =	vld [tilespmem:$0x80];
	_ =	sdelay $0x7  }
0x6a: {  	[tilespmem:v2+s2+$0x0] =	vst.idx.add.f32.msk $0xffff, v1  }
0x6b: {  	v2 =	vld [tilespmem:$0x90];
	_ =	sdelay $0x7  }
0x6c: {  	[tilespmem:v2+s2+$0x0] =	vst.idx.add.f32.msk $0xffff, v1  }
0x6d: {  	v2 =	vld [tilespmem:$0xA0];
	_ =	sdelay $0x7  }
0x6e: {  	[tilespmem:v2+s2+$0x0] =	vst.idx.add.f32.msk $0xffff, v1  }
0x6f: {  	v2 =	vld [tilespmem:$0xB0];
	_ =	sdelay $0x7  }
0x70: {  	[tilespmem:v2+s2+$0x0] =	vst.idx.add.f32.msk $0xffff, v1  }
0x71: {  	v2 =	vld [tilespmem:$0xC0];
	_ =	sdelay $0x7  }
0x72: {  	[tilespmem:v2+s2+$0x0] =	vst.idx.add.f32.msk $0xffff, v1  }
0x73: {  	v2 =	vld [tilespmem:$0x300];
	_ =	sdelay $0x7  }
0x74: {  	[tilespmem:v2+s2+$0x0] =	vst.idx.add.f32.msk $0xffff, v1  }
0x75: {  	v2 =	vld [tilespmem:$0x310];
	_ =	sdelay $0x7  }
0x76: {  	[tilespmem:v2+s2+$0x0] =	vst.idx.add.f32.msk $0xffff, v1  }
0x77: {  	v2 =	vld [tilespmem:$0x320];
	_ =	sdelay $0x7  }
0x78: {  	[tilespmem:v2+s2+$0x0] =	vst.idx.add.f32.msk $0xffff, v1  }
0x79: {  	v2 =	vld [tilespmem:$0x330];
	_ =	sdelay $0x7  }
0x7a: {  	[tilespmem:v2+s2+$0x0] =	vst.idx.add.f32.msk $0xffff, v1  }
0x7b: {  	v2 =	vld [tilespmem:$0x340];
	_ =	sdelay $0x7  }
0x7c: {  	[tilespmem:v2+s2+$0x0] =	vst.idx.add.f32.msk $0xffff, v1  }
0x7d: {  	[tilespmem:s18], [sflag:$0x2] =	stream.indirect.gather [hbm4b:s3+s7], $0x80, s16, s7, $0xb8;
	[tilespmem:$0x1BD00] =	vst v63  }
0x7e: {  	s14 =	sld [smem:$0x7F4]  }
0x7f: {  	[tilespmem:s19], [sflag:$0x2] =	stream.indirect.gather [hbm4b:s28+s7], $0x80, s17, s7, $0xb8;
	[tilespmem:$0x1BD00] =	vst v63  }
0x80: {  	_ = 	snop  }
0x81: {  	[tilespmem:s20], [sflag:$0xB] =	stream.linear.gather [hbm4b:s14+s11], $0x50, $0x38;
	[tilespmem:$0x1BD00] =	vst v63  }
0x82: {  	_ =	swait.ge [sflag:s31], $0x50  }
0x83: {  	s15 =	sld [smem:$0x7F5]  }
0x84: {  	[sflag:s31] =	ssyncset.done $0x0  }
0x85: {  	[sflag:s31] =	ssyncadd.s32 $0xFFFFFFB0  }
0x86: {  	[tilespmem:s21], [sflag:$0xB] =	stream.linear.gather [hbm4b:s15+s11], $0x50, $0x38;
	[tilespmem:$0x1BD00] =	vst v63  }
0x87: {  	_ =	swait.ge [sflag:s31], $0x50  }
0x88: {  	[sflag:s31] =	ssyncset.done $0x0  }
0x89: {  	[sflag:s31] =	ssyncadd.s32 $0xFFFFFFB0  }
0x8a: {  	v2 =	vld [tilespmem:$0x100];
	_ =	sdelay $0x7  }
0x8b: {  	[tilespmem:v2+s2+$0x0] =	vst.idx.add.f32.msk $0xffff, v1  }
0x8c: {  	v2 =	vld [tilespmem:$0x110];
	_ =	sdelay $0x7  }
0x8d: {  	[tilespmem:v2+s2+$0x0] =	vst.idx.add.f32.msk $0xffff, v1  }
0x8e: {  	v2 =	vld [tilespmem:$0x120];
	_ =	sdelay $0x7  }
0x8f: {  	[tilespmem:v2+s2+$0x0] =	vst.idx.add.f32.msk $0xffff, v1  }
0x90: {  	v2 =	vld [tilespmem:$0x130];
	_ =	sdelay $0x7  }
0x91: {  	[tilespmem:v2+s2+$0x0] =	vst.idx.add.f32.msk $0xffff, v1  }
0x92: {  	v2 =	vld [tilespmem:$0x140];
	_ =	sdelay $0x7  }
0x93: {  	[tilespmem:v2+s2+$0x0] =	vst.idx.add.f32.msk $0xffff, v1  }
0x94: {  	v2 =	vld [tilespmem:$0x380];
	_ =	sdelay $0x7  }
0x95: {  	[tilespmem:v2+s2+$0x0] =	vst.idx.add.f32.msk $0xffff, v1  }
0x96: {  	v2 =	vld [tilespmem:$0x390];
	_ =	sdelay $0x7  }
0x97: {  	[tilespmem:v2+s2+$0x0] =	vst.idx.add.f32.msk $0xffff, v1  }
0x98: {  	v2 =	vld [tilespmem:$0x3A0];
	_ =	sdelay $0x7  }
0x99: {  	[tilespmem:v2+s2+$0x0] =	vst.idx.add.f32.msk $0xffff, v1  }
0x9a: {  	v2 =	vld [tilespmem:$0x3B0];
	_ =	sdelay $0x7  }
0x9b: {  	[tilespmem:v2+s2+$0x0] =	vst.idx.add.f32.msk $0xffff, v1  }
0x9c: {  	v2 =	vld [tilespmem:$0x3C0];
	_ =	sdelay $0x7  }
0x9d: {  	[tilespmem:v2+s2+$0x0] =	vst.idx.add.f32.msk $0xffff, v1  }
0x9e: {  	[tilespmem:s22], [sflag:$0x3] =	stream.indirect.gather [hbm4b:s3+s7], $0x80, s20, s7, $0xb8;
	[tilespmem:$0x1BD00] =	vst v63  }
0x9f: {  	s16 =	sld [smem:$0x7F7]  }
0xa0: {  	[tilespmem:s23], [sflag:$0x3] =	stream.indirect.gather [hbm4b:s28+s7], $0x80, s21, s7, $0xb8;
	[tilespmem:$0x1BD00] =	vst v63  }
0xa1: {  	_ = 	snop  }
0xa2: {  	[tilespmem:s24], [sflag:$0xB] =	stream.linear.gather [hbm4b:s16+s11], $0x50, $0x38;
	[tilespmem:$0x1BD00] =	vst v63  }
0xa3: {  	_ =	swait.ge [sflag:s31], $0x50  }
0xa4: {  	s17 =	sld [smem:$0x7F8]  }
0xa5: {  	[sflag:s31] =	ssyncset.done $0x0  }
0xa6: {  	[sflag:s31] =	ssyncadd.s32 $0xFFFFFFB0  }
0xa7: {  	[tilespmem:s25], [sflag:$0xB] =	stream.linear.gather [hbm4b:s17+s11], $0x50, $0x38;
	[tilespmem:$0x1BD00] =	vst v63  }
0xa8: {  	_ =	swait.ge [sflag:s31], $0x50  }
0xa9: {  	[sflag:s31] =	ssyncset.done $0x0  }
0xaa: {  	[sflag:s31] =	ssyncadd.s32 $0xFFFFFFB0  }
0xab: {  	v2 =	vld [tilespmem:$0x180];
	_ =	sdelay $0x7  }
0xac: {  	[tilespmem:v2+s2+$0x0] =	vst.idx.add.f32.msk $0xffff, v1  }
0xad: {  	v2 =	vld [tilespmem:$0x190];
	_ =	sdelay $0x7  }
0xae: {  	[tilespmem:v2+s2+$0x0] =	vst.idx.add.f32.msk $0xffff, v1  }
0xaf: {  	v2 =	vld [tilespmem:$0x1A0];
	_ =	sdelay $0x7  }
0xb0: {  	[tilespmem:v2+s2+$0x0] =	vst.idx.add.f32.msk $0xffff, v1  }
0xb1: {  	v2 =	vld [tilespmem:$0x1B0];
	_ =	sdelay $0x7  }
0xb2: {  	[tilespmem:v2+s2+$0x0] =	vst.idx.add.f32.msk $0xffff, v1  }
0xb3: {  	v2 =	vld [tilespmem:$0x1C0];
	_ =	sdelay $0x7  }
0xb4: {  	[tilespmem:v2+s2+$0x0] =	vst.idx.add.f32.msk $0xffff, v1  }
0xb5: {  	v2 =	vld [tilespmem:$0x400];
	_ =	sdelay $0x7  }
0xb6: {  	[tilespmem:v2+s2+$0x0] =	vst.idx.add.f32.msk $0xffff, v1  }
0xb7: {  	v2 =	vld [tilespmem:$0x410];
	_ =	sdelay $0x7  }
0xb8: {  	[tilespmem:v2+s2+$0x0] =	vst.idx.add.f32.msk $0xffff, v1  }
0xb9: {  	v2 =	vld [tilespmem:$0x420];
	_ =	sdelay $0x7  }
0xba: {  	[tilespmem:v2+s2+$0x0] =	vst.idx.add.f32.msk $0xffff, v1  }
0xbb: {  	v2 =	vld [tilespmem:$0x430];
	_ =	sdelay $0x7  }
0xbc: {  	[tilespmem:v2+s2+$0x0] =	vst.idx.add.f32.msk $0xffff, v1  }
0xbd: {  	v2 =	vld [tilespmem:$0x440];
	_ =	sdelay $0x7  }
0xbe: {  	s18 =	simm.s32 $0x7D00;
	[tilespmem:v2+s2+$0x0] =	vst.idx.add.f32.msk $0xffff, v1  }
0xbf: {  	[tilespmem:s18], [sflag:$0x4] =	stream.indirect.gather [hbm4b:s3+s7], $0x80, s24, s7, $0xb8;
	[tilespmem:$0x1BD00] =	vst v63  }
0xc0: {  	s19 =	simm.s32 $0x14500;
	s20 =	sld [smem:$0x7F9]  }
0xc1: {  	[tilespmem:s19], [sflag:$0x4] =	stream.indirect.gather [hbm4b:s28+s7], $0x80, s25, s7, $0xb8;
	[tilespmem:$0x1BD00] =	vst v63  }
0xc2: {  	s21 =	simm.s32 $0x200  }
0xc3: {  	[tilespmem:s21], [sflag:$0xB] =	stream.linear.gather [hbm4b:s20+s11], $0x50, $0x38;
	[tilespmem:$0x1BD00] =	vst v63  }
0xc4: {  	_ =	swait.ge [sflag:s31], $0x50  }
0xc5: {  	s22 =	sld [smem:$0x7FA]  }
0xc6: {  	[sflag:s31] =	ssyncset.done $0x0  }
0xc7: {  	s23 =	simm.s32 $0x480;
	[sflag:s31] =	ssyncadd.s32 $0xFFFFFFB0  }
0xc8: {  	[tilespmem:s23], [sflag:$0xB] =	stream.linear.gather [hbm4b:s22+s11], $0x50, $0x38;
	[tilespmem:$0x1BD00] =	vst v63  }
0xc9: {  	_ =	swait.ge [sflag:s31], $0x50  }
0xca: {  	[sflag:s31] =	ssyncset.done $0x0  }
0xcb: {  	[sflag:s31] =	ssyncadd.s32 $0xFFFFFFB0  }
0xcc: {  	v2 =	vld [tilespmem:$0x200];
	_ =	sdelay $0x7  }
0xcd: {  	[tilespmem:v2+s2+$0x0] =	vst.idx.add.f32.msk $0xffff, v1  }
0xce: {  	v2 =	vld [tilespmem:$0x210];
	_ =	sdelay $0x7  }
0xcf: {  	[tilespmem:v2+s2+$0x0] =	vst.idx.add.f32.msk $0xffff, v1  }
0xd0: {  	v2 =	vld [tilespmem:$0x220];
	_ =	sdelay $0x7  }
0xd1: {  	[tilespmem:v2+s2+$0x0] =	vst.idx.add.f32.msk $0xffff, v1  }
0xd2: {  	v2 =	vld [tilespmem:$0x230];
	_ =	sdelay $0x7  }
0xd3: {  	[tilespmem:v2+s2+$0x0] =	vst.idx.add.f32.msk $0xffff, v1  }
0xd4: {  	v2 =	vld [tilespmem:$0x240];
	_ =	sdelay $0x7  }
0xd5: {  	[tilespmem:v2+s2+$0x0] =	vst.idx.add.f32.msk $0xffff, v1  }
0xd6: {  	v2 =	vld [tilespmem:$0x480];
	_ =	sdelay $0x7  }
0xd7: {  	[tilespmem:v2+s2+$0x0] =	vst.idx.add.f32.msk $0xffff, v1  }
0xd8: {  	v2 =	vld [tilespmem:$0x490];
	_ =	sdelay $0x7  }
0xd9: {  	[tilespmem:v2+s2+$0x0] =	vst.idx.add.f32.msk $0xffff, v1  }
0xda: {  	v2 =	vld [tilespmem:$0x4A0];
	_ =	sdelay $0x7  }
0xdb: {  	[tilespmem:v2+s2+$0x0] =	vst.idx.add.f32.msk $0xffff, v1  }
0xdc: {  	v2 =	vld [tilespmem:$0x4B0];
	_ =	sdelay $0x7  }
0xdd: {  	[tilespmem:v2+s2+$0x0] =	vst.idx.add.f32.msk $0xffff, v1  }
0xde: {  	v2 =	vld [tilespmem:$0x4C0];
	_ =	sdelay $0x7  }
0xdf: {  	s6 =	simm.s32 $0x7;
	s24 =	simm.s32 $0xA500;
	[tilespmem:v2+s2+$0x0] =	vst.idx.add.f32.msk $0xffff, v1  }
0xe0: {  	[tilespmem:s24], [sflag:$0x5] =	stream.indirect.gather [hbm4b:s3+s7], $0x80, s21, s7, $0xb8;
	[tilespmem:$0x1BD00] =	vst v63  }
0xe1: {  	s13 =	simm.s32 $0x0;
	s25 =	simm.s32 $0x16D00;
	s12 =	sld [smem:$0x7FD]  }
0xe2: {  	[tilespmem:s25], [sflag:$0x5] =	stream.indirect.gather [hbm4b:s28+s7], $0x80, s23, s7, $0xb8;
	[tilespmem:$0x1BD00] =	vst v63  }
.LBB2_4:
0xe3: {  	_ =	swait.ge [sflag:s29], $0x2800  }
0xe4: {  	[sflag:s29] =	ssyncset.done $0x0  }
0xe5: {  	[sflag:s29] =	ssyncadd.s32 $0xFFFFD800  }
0xe6: {  	s17 =	simm.s32 $0x500;
	_ =	swait.ge [sflag:s29], $0x2800  }
0xe7: {  	s16 =	simm.s32 $0xCD00;
	s14 =	rddreg [dreg:$0x15];
	[sflag:s29] =	ssyncset.done $0x0  }
0xe8: {  	s15 =	rddreg [dreg:$0x14];
	[sflag:s29] =	ssyncadd.s32 $0xFFFFD800;
	s14 =	sadd.s32 s13, s14  }
0xe9: {  	[hbm4b:s14+s4] =	stream.linear.scatter [tilespmem:s17], [sflag:$0x6], $0x2800, $0x38;
	[tilespmem:$0x1BD00] =	vst v63  }
0xea: {  	s25 =	sshrl.u32 s12, $0x3;
	s18 =	rddreg [dreg:$0x16];
	s24 =	sadd.s32 s13, s15  }
0xeb: {  	[hbm4b:s24+s4] =	stream.linear.scatter [tilespmem:s16], [sflag:$0x6], $0x2800, $0x38;
	[tilespmem:$0x1BD00] =	vst v63  }
0xec: {  	s15 =	sadd.s32 s18, s25  }
0xed: {  	[tilespmem:s4], [sflag:$0xB] =	stream.linear.gather [hbm4b:s15+s4], $0x50, $0x38;
	[tilespmem:$0x1BD00] =	vst v63  }
0xee: {  	_ =	swait.ge [sflag:s31], $0x50  }
0xef: {  	[sflag:s31] =	ssyncset.done $0x0;
	s20 =	rddreg [dreg:$0x17]  }
0xf0: {  	s21 =	simm.s32 $0x280;
	[sflag:s31] =	ssyncadd.s32 $0xFFFFFFB0;
	s14 =	sadd.s32 s20, s25  }
0xf1: {  	[tilespmem:s21], [sflag:$0xB] =	stream.linear.gather [hbm4b:s14+s4], $0x50, $0x38;
	[tilespmem:$0x1BD00] =	vst v63  }
0xf2: {  	_ =	swait.ge [sflag:s31], $0x50  }
0xf3: {  	[sflag:s31] =	ssyncset.done $0x0  }
0xf4: {  	[sflag:s31] =	ssyncadd.s32 $0xFFFFFFB0  }
0xf5: {  	v2 =	vld [tilespmem:$0x0];
	_ =	sdelay $0x7  }
0xf6: {  	[tilespmem:v2+s2+$0x0] =	vst.idx.add.f32.msk $0xffff, v1  }
0xf7: {  	v2 =	vld [tilespmem:$0x10];
	_ =	sdelay $0x7  }
0xf8: {  	[tilespmem:v2+s2+$0x0] =	vst.idx.add.f32.msk $0xffff, v1  }
0xf9: {  	v2 =	vld [tilespmem:$0x20];
	_ =	sdelay $0x7  }
0xfa: {  	[tilespmem:v2+s2+$0x0] =	vst.idx.add.f32.msk $0xffff, v1  }
0xfb: {  	v2 =	vld [tilespmem:$0x30];
	_ =	sdelay $0x7  }
0xfc: {  	[tilespmem:v2+s2+$0x0] =	vst.idx.add.f32.msk $0xffff, v1  }
0xfd: {  	v2 =	vld [tilespmem:$0x40];
	_ =	sdelay $0x7  }
0xfe: {  	[tilespmem:v2+s2+$0x0] =	vst.idx.add.f32.msk $0xffff, v1  }
0xff: {  	v2 =	vld [tilespmem:$0x280];
	_ =	sdelay $0x7  }
0x100: {  	[tilespmem:v2+s2+$0x0] =	vst.idx.add.f32.msk $0xffff, v1  }
0x101: {  	v2 =	vld [tilespmem:$0x290];
	_ =	sdelay $0x7  }
0x102: {  	[tilespmem:v2+s2+$0x0] =	vst.idx.add.f32.msk $0xffff, v1  }
0x103: {  	v2 =	vld [tilespmem:$0x2A0];
	_ =	sdelay $0x7  }
0x104: {  	[tilespmem:v2+s2+$0x0] =	vst.idx.add.f32.msk $0xffff, v1  }
0x105: {  	v2 =	vld [tilespmem:$0x2B0];
	_ =	sdelay $0x7  }
0x106: {  	[tilespmem:v2+s2+$0x0] =	vst.idx.add.f32.msk $0xffff, v1  }
0x107: {  	v2 =	vld [tilespmem:$0x2C0];
	_ =	sdelay $0x7  }
0x108: {  	[tilespmem:v2+s2+$0x0] =	vst.idx.add.f32.msk $0xffff, v1  }
0x109: {  	_ =	swait.ge [sflag:s30], $0x2800  }
0x10a: {  	[sflag:s30] =	ssyncset.done $0x0  }
0x10b: {  	[sflag:s30] =	ssyncadd.s32 $0xFFFFD800  }
0x10c: {  	_ =	swait.ge [sflag:s30], $0x2800  }
0x10d: {  	[sflag:s30] =	ssyncset.done $0x0  }
0x10e: {  	[sflag:s30] =	ssyncadd.s32 $0xFFFFD800  }
0x10f: {  	[tilespmem:s17], [sflag:$0x1] =	stream.indirect.gather [hbm4b:s3+s7], $0x80, s4, s7, $0xb8;
	[tilespmem:$0x1BD00] =	vst v63  }
0x110: {  	_ = 	snop  }
0x111: {  	[tilespmem:s16], [sflag:$0x1] =	stream.indirect.gather [hbm4b:s28+s7], $0x80, s21, s7, $0xb8;
	[tilespmem:$0x1BD00] =	vst v63  }
0x112: {  	_ =	swait.ge [sflag:s5], $0x2800  }
0x113: {  	[sflag:s5] =	ssyncset.done $0x0  }
0x114: {  	[sflag:s5] =	ssyncadd.s32 $0xFFFFD800  }
0x115: {  	_ =	swait.ge [sflag:s5], $0x2800  }
0x116: {  	s20 =	simm.s32 $0x2D00;
	s22 =	rddreg [dreg:$0x11];
	[sflag:s5] =	ssyncset.done $0x0  }
0x117: {  	s23 =	rddreg [dreg:$0x10];
	[sflag:s5] =	ssyncadd.s32 $0xFFFFD800;
	s14 =	sadd.s32 s13, s22  }
0x118: {  	[hbm4b:s14+s4] =	stream.linear.scatter [tilespmem:s20], [sflag:$0x7], $0x2800, $0x38;
	[tilespmem:$0x1BD00] =	vst v63  }
0x119: {  	s18 =	simm.s32 $0xF500;
	s24 =	rddreg [dreg:$0x13];
	s15 =	sadd.s32 s13, s23  }
0x11a: {  	[hbm4b:s15+s4] =	stream.linear.scatter [tilespmem:s18], [sflag:$0x7], $0x2800, $0x38;
	[tilespmem:$0x1BD00] =	vst v63  }
0x11b: {  	s25 =	simm.s32 $0x80;
	s14 =	sadd.s32 s11, s24  }
0x11c: {  	[tilespmem:s25], [sflag:$0xB] =	stream.linear.gather [hbm4b:s14+s4], $0x50, $0x38;
	[tilespmem:$0x1BD00] =	vst v63  }
0x11d: {  	_ =	swait.ge [sflag:s31], $0x50  }
0x11e: {  	s16 =	rddreg [dreg:$0x12];
	[sflag:s31] =	ssyncset.done $0x0  }
0x11f: {  	s21 =	simm.s32 $0x300;
	[sflag:s31] =	ssyncadd.s32 $0xFFFFFFB0;
	s14 =	sadd.s32 s11, s16  }
0x120: {  	[tilespmem:s21], [sflag:$0xB] =	stream.linear.gather [hbm4b:s14+s4], $0x50, $0x38;
	[tilespmem:$0x1BD00] =	vst v63  }
0x121: {  	_ =	swait.ge [sflag:s31], $0x50  }
0x122: {  	[sflag:s31] =	ssyncset.done $0x0  }
0x123: {  	[sflag:s31] =	ssyncadd.s32 $0xFFFFFFB0  }
0x124: {  	v2 =	vld [tilespmem:$0x80];
	_ =	sdelay $0x7  }
0x125: {  	[tilespmem:v2+s2+$0x0] =	vst.idx.add.f32.msk $0xffff, v1  }
0x126: {  	v2 =	vld [tilespmem:$0x90];
	_ =	sdelay $0x7  }
0x127: {  	[tilespmem:v2+s2+$0x0] =	vst.idx.add.f32.msk $0xffff, v1  }
0x128: {  	v2 =	vld [tilespmem:$0xA0];
	_ =	sdelay $0x7  }
0x129: {  	[tilespmem:v2+s2+$0x0] =	vst.idx.add.f32.msk $0xffff, v1  }
0x12a: {  	v2 =	vld [tilespmem:$0xB0];
	_ =	sdelay $0x7  }
0x12b: {  	[tilespmem:v2+s2+$0x0] =	vst.idx.add.f32.msk $0xffff, v1  }
0x12c: {  	v2 =	vld [tilespmem:$0xC0];
	_ =	sdelay $0x7  }
0x12d: {  	[tilespmem:v2+s2+$0x0] =	vst.idx.add.f32.msk $0xffff, v1  }
0x12e: {  	v2 =	vld [tilespmem:$0x300];
	_ =	sdelay $0x7  }
0x12f: {  	[tilespmem:v2+s2+$0x0] =	vst.idx.add.f32.msk $0xffff, v1  }
0x130: {  	v2 =	vld [tilespmem:$0x310];
	_ =	sdelay $0x7  }
0x131: {  	[tilespmem:v2+s2+$0x0] =	vst.idx.add.f32.msk $0xffff, v1  }
0x132: {  	v2 =	vld [tilespmem:$0x320];
	_ =	sdelay $0x7  }
0x133: {  	[tilespmem:v2+s2+$0x0] =	vst.idx.add.f32.msk $0xffff, v1  }
0x134: {  	v2 =	vld [tilespmem:$0x330];
	_ =	sdelay $0x7  }
0x135: {  	[tilespmem:v2+s2+$0x0] =	vst.idx.add.f32.msk $0xffff, v1  }
0x136: {  	v2 =	vld [tilespmem:$0x340];
	_ =	sdelay $0x7  }
0x137: {  	[tilespmem:v2+s2+$0x0] =	vst.idx.add.f32.msk $0xffff, v1  }
0x138: {  	_ =	swait.ge [sflag:s6], $0x2800  }
0x139: {  	[sflag:s6] =	ssyncset.done $0x0  }
0x13a: {  	[sflag:s6] =	ssyncadd.s32 $0xFFFFD800  }
0x13b: {  	_ =	swait.ge [sflag:s6], $0x2800  }
0x13c: {  	[sflag:s6] =	ssyncset.done $0x0  }
0x13d: {  	[sflag:s6] =	ssyncadd.s32 $0xFFFFD800  }
0x13e: {  	[tilespmem:s20], [sflag:$0x2] =	stream.indirect.gather [hbm4b:s3+s7], $0x80, s25, s7, $0xb8;
	[tilespmem:$0x1BD00] =	vst v63  }
0x13f: {  	_ = 	snop  }
0x140: {  	[tilespmem:s18], [sflag:$0x2] =	stream.indirect.gather [hbm4b:s28+s7], $0x80, s21, s7, $0xb8;
	[tilespmem:$0x1BD00] =	vst v63  }
0x141: {  	_ =	swait.ge [sflag:s0], $0x2800  }
0x142: {  	[sflag:s0] =	ssyncset.done $0x0  }
0x143: {  	[sflag:s0] =	ssyncadd.s32 $0xFFFFD800  }
0x144: {  	_ =	swait.ge [sflag:s0], $0x2800  }
0x145: {  	s21 =	rddreg [dreg:$0xd]  }
0x146: {  	[sflag:s0] =	ssyncset.done $0x0;
	s22 =	rddreg [dreg:$0xc]  }
0x147: {  	[sflag:s0] =	ssyncadd.s32 $0xFFFFD800;
	s14 =	sadd.s32 s13, s21;
	s21 =	simm.s32 $0x5500  }
0x148: {  	[hbm4b:s14+s4] =	stream.linear.scatter [tilespmem:s21], [sflag:$0x8], $0x2800, $0x38;
	[tilespmem:$0x1BD00] =	vst v63  }
0x149: {  	s18 =	simm.s32 $0x11D00;
	s23 =	rddreg [dreg:$0xf];
	s15 =	sadd.s32 s13, s22  }
0x14a: {  	[hbm4b:s15+s4] =	stream.linear.scatter [tilespmem:s18], [sflag:$0x8], $0x2800, $0x38;
	[tilespmem:$0x1BD00] =	vst v63  }
0x14b: {  	s22 =	simm.s32 $0x100;
	s14 =	sadd.s32 s11, s23  }
0x14c: {  	[tilespmem:s22], [sflag:$0xB] =	stream.linear.gather [hbm4b:s14+s4], $0x50, $0x38;
	[tilespmem:$0x1BD00] =	vst v63  }
0x14d: {  	_ =	swait.ge [sflag:s31], $0x50  }
0x14e: {  	s24 =	rddreg [dreg:$0xe];
	[sflag:s31] =	ssyncset.done $0x0  }
0x14f: {  	s25 =	simm.s32 $0x380;
	[sflag:s31] =	ssyncadd.s32 $0xFFFFFFB0;
	s14 =	sadd.s32 s11, s24  }
0x150: {  	[tilespmem:s25], [sflag:$0xB] =	stream.linear.gather [hbm4b:s14+s4], $0x50, $0x38;
	[tilespmem:$0x1BD00] =	vst v63  }
0x151: {  	_ =	swait.ge [sflag:s31], $0x50  }
0x152: {  	[sflag:s31] =	ssyncset.done $0x0  }
0x153: {  	[sflag:s31] =	ssyncadd.s32 $0xFFFFFFB0  }
0x154: {  	v2 =	vld [tilespmem:$0x100];
	_ =	sdelay $0x7  }
0x155: {  	[tilespmem:v2+s2+$0x0] =	vst.idx.add.f32.msk $0xffff, v1  }
0x156: {  	v2 =	vld [tilespmem:$0x110];
	_ =	sdelay $0x7  }
0x157: {  	[tilespmem:v2+s2+$0x0] =	vst.idx.add.f32.msk $0xffff, v1  }
0x158: {  	v2 =	vld [tilespmem:$0x120];
	_ =	sdelay $0x7  }
0x159: {  	[tilespmem:v2+s2+$0x0] =	vst.idx.add.f32.msk $0xffff, v1  }
0x15a: {  	v2 =	vld [tilespmem:$0x130];
	_ =	sdelay $0x7  }
0x15b: {  	[tilespmem:v2+s2+$0x0] =	vst.idx.add.f32.msk $0xffff, v1  }
0x15c: {  	v2 =	vld [tilespmem:$0x140];
	_ =	sdelay $0x7  }
0x15d: {  	[tilespmem:v2+s2+$0x0] =	vst.idx.add.f32.msk $0xffff, v1  }
0x15e: {  	v2 =	vld [tilespmem:$0x380];
	_ =	sdelay $0x7  }
0x15f: {  	[tilespmem:v2+s2+$0x0] =	vst.idx.add.f32.msk $0xffff, v1  }
0x160: {  	v2 =	vld [tilespmem:$0x390];
	_ =	sdelay $0x7  }
0x161: {  	[tilespmem:v2+s2+$0x0] =	vst.idx.add.f32.msk $0xffff, v1  }
0x162: {  	v2 =	vld [tilespmem:$0x3A0];
	_ =	sdelay $0x7  }
0x163: {  	[tilespmem:v2+s2+$0x0] =	vst.idx.add.f32.msk $0xffff, v1  }
0x164: {  	v2 =	vld [tilespmem:$0x3B0];
	_ =	sdelay $0x7  }
0x165: {  	[tilespmem:v2+s2+$0x0] =	vst.idx.add.f32.msk $0xffff, v1  }
0x166: {  	v2 =	vld [tilespmem:$0x3C0];
	_ =	sdelay $0x7  }
0x167: {  	[tilespmem:v2+s2+$0x0] =	vst.idx.add.f32.msk $0xffff, v1  }
0x168: {  	_ =	swait.ge [sflag:s8], $0x2800  }
0x169: {  	[sflag:s8] =	ssyncset.done $0x0  }
0x16a: {  	[sflag:s8] =	ssyncadd.s32 $0xFFFFD800  }
0x16b: {  	_ =	swait.ge [sflag:s8], $0x2800  }
0x16c: {  	[sflag:s8] =	ssyncset.done $0x0  }
0x16d: {  	[sflag:s8] =	ssyncadd.s32 $0xFFFFD800  }
0x16e: {  	[tilespmem:s21], [sflag:$0x3] =	stream.indirect.gather [hbm4b:s3+s7], $0x80, s22, s7, $0xb8;
	[tilespmem:$0x1BD00] =	vst v63  }
0x16f: {  	_ = 	snop  }
0x170: {  	[tilespmem:s18], [sflag:$0x3] =	stream.indirect.gather [hbm4b:s28+s7], $0x80, s25, s7, $0xb8;
	[tilespmem:$0x1BD00] =	vst v63  }
0x171: {  	_ =	swait.ge [sflag:s9], $0x2800  }
0x172: {  	[sflag:s9] =	ssyncset.done $0x0  }
0x173: {  	[sflag:s9] =	ssyncadd.s32 $0xFFFFD800  }
0x174: {  	_ =	swait.ge [sflag:s9], $0x2800  }
0x175: {  	s18 =	rddreg [dreg:$0x9]  }
0x176: {  	[sflag:s9] =	ssyncset.done $0x0;
	s21 =	rddreg [dreg:$0x8]  }
0x177: {  	[sflag:s9] =	ssyncadd.s32 $0xFFFFD800;
	s14 =	sadd.s32 s13, s18;
	s18 =	simm.s32 $0x7D00  }
0x178: {  	[hbm4b:s14+s4] =	stream.linear.scatter [tilespmem:s18], [sflag:$0x9], $0x2800, $0x38;
	[tilespmem:$0x1BD00] =	vst v63  }
0x179: {  	s24 =	rddreg [dreg:$0xb];
	s15 =	sadd.s32 s13, s21;
	s21 =	simm.s32 $0x14500  }
0x17a: {  	[hbm4b:s15+s4] =	stream.linear.scatter [tilespmem:s21], [sflag:$0x9], $0x2800, $0x38;
	[tilespmem:$0x1BD00] =	vst v63  }
0x17b: {  	s14 =	sadd.s32 s11, s24;
	s15 =	simm.s32 $0x180  }
0x17c: {  	[tilespmem:s15], [sflag:$0xB] =	stream.linear.gather [hbm4b:s14+s4], $0x50, $0x38;
	[tilespmem:$0x1BD00] =	vst v63  }
0x17d: {  	_ =	swait.ge [sflag:s31], $0x50  }
0x17e: {  	s25 =	rddreg [dreg:$0xa];
	[sflag:s31] =	ssyncset.done $0x0  }
0x17f: {  	[sflag:s31] =	ssyncadd.s32 $0xFFFFFFB0;
	s14 =	sadd.s32 s11, s25;
	s25 =	simm.s32 $0x400  }
0x180: {  	[tilespmem:s25], [sflag:$0xB] =	stream.linear.gather [hbm4b:s14+s4], $0x50, $0x38;
	[tilespmem:$0x1BD00] =	vst v63  }
0x181: {  	_ =	swait.ge [sflag:s31], $0x50  }
0x182: {  	[sflag:s31] =	ssyncset.done $0x0  }
0x183: {  	[sflag:s31] =	ssyncadd.s32 $0xFFFFFFB0  }
0x184: {  	v2 =	vld [tilespmem:$0x180];
	_ =	sdelay $0x7  }
0x185: {  	[tilespmem:v2+s2+$0x0] =	vst.idx.add.f32.msk $0xffff, v1  }
0x186: {  	v2 =	vld [tilespmem:$0x190];
	_ =	sdelay $0x7  }
0x187: {  	[tilespmem:v2+s2+$0x0] =	vst.idx.add.f32.msk $0xffff, v1  }
0x188: {  	v2 =	vld [tilespmem:$0x1A0];
	_ =	sdelay $0x7  }
0x189: {  	[tilespmem:v2+s2+$0x0] =	vst.idx.add.f32.msk $0xffff, v1  }
0x18a: {  	v2 =	vld [tilespmem:$0x1B0];
	_ =	sdelay $0x7  }
0x18b: {  	[tilespmem:v2+s2+$0x0] =	vst.idx.add.f32.msk $0xffff, v1  }
0x18c: {  	v2 =	vld [tilespmem:$0x1C0];
	_ =	sdelay $0x7  }
0x18d: {  	[tilespmem:v2+s2+$0x0] =	vst.idx.add.f32.msk $0xffff, v1  }
0x18e: {  	v2 =	vld [tilespmem:$0x400];
	_ =	sdelay $0x7  }
0x18f: {  	[tilespmem:v2+s2+$0x0] =	vst.idx.add.f32.msk $0xffff, v1  }
0x190: {  	v2 =	vld [tilespmem:$0x410];
	_ =	sdelay $0x7  }
0x191: {  	[tilespmem:v2+s2+$0x0] =	vst.idx.add.f32.msk $0xffff, v1  }
0x192: {  	v2 =	vld [tilespmem:$0x420];
	_ =	sdelay $0x7  }
0x193: {  	[tilespmem:v2+s2+$0x0] =	vst.idx.add.f32.msk $0xffff, v1  }
0x194: {  	v2 =	vld [tilespmem:$0x430];
	_ =	sdelay $0x7  }
0x195: {  	[tilespmem:v2+s2+$0x0] =	vst.idx.add.f32.msk $0xffff, v1  }
0x196: {  	v2 =	vld [tilespmem:$0x440];
	_ =	sdelay $0x7  }
0x197: {  	[tilespmem:v2+s2+$0x0] =	vst.idx.add.f32.msk $0xffff, v1  }
0x198: {  	_ =	swait.ge [sflag:s10], $0x2800  }
0x199: {  	[sflag:s10] =	ssyncset.done $0x0  }
0x19a: {  	[sflag:s10] =	ssyncadd.s32 $0xFFFFD800  }
0x19b: {  	_ =	swait.ge [sflag:s10], $0x2800  }
0x19c: {  	[sflag:s10] =	ssyncset.done $0x0  }
0x19d: {  	[sflag:s10] =	ssyncadd.s32 $0xFFFFD800  }
0x19e: {  	[tilespmem:s18], [sflag:$0x4] =	stream.indirect.gather [hbm4b:s3+s7], $0x80, s15, s7, $0xb8;
	[tilespmem:$0x1BD00] =	vst v63  }
0x19f: {  	_ = 	snop  }
0x1a0: {  	[tilespmem:s21], [sflag:$0x4] =	stream.indirect.gather [hbm4b:s28+s7], $0x80, s25, s7, $0xb8;
	[tilespmem:$0x1BD00] =	vst v63  }
0x1a1: {  	_ =	swait.ge [sflag:s1], $0x2800  }
0x1a2: {  	[sflag:s1] =	ssyncset.done $0x0  }
0x1a3: {  	[sflag:s1] =	ssyncadd.s32 $0xFFFFD800  }
0x1a4: {  	_ =	swait.ge [sflag:s1], $0x2800  }
0x1a5: {  	s21 =	rddreg [dreg:$0x5]  }
0x1a6: {  	[sflag:s1] =	ssyncset.done $0x0;
	s15 =	rddreg [dreg:$0x4]  }
0x1a7: {  	[sflag:s1] =	ssyncadd.s32 $0xFFFFD800;
	s14 =	sadd.s32 s13, s21;
	s21 =	simm.s32 $0xA500  }
0x1a8: {  	[hbm4b:s14+s4] =	stream.linear.scatter [tilespmem:s21], [sflag:$0xA], $0x2800, $0x38;
	[tilespmem:$0x1BD00] =	vst v63  }
0x1a9: {  	s19 =	simm.s32 $0x16D00;
	s25 =	rddreg [dreg:$0x7];
	s15 =	sadd.s32 s13, s15  }
0x1aa: {  	[hbm4b:s15+s4] =	stream.linear.scatter [tilespmem:s19], [sflag:$0xA], $0x2800, $0x38;
	[tilespmem:$0x1BD00] =	vst v63  }
0x1ab: {  	s14 =	sadd.s32 s11, s25;
	s19 =	simm.s32 $0x200  }
0x1ac: {  	[tilespmem:s19], [sflag:$0xB] =	stream.linear.gather [hbm4b:s14+s4], $0x50, $0x38;
	[tilespmem:$0x1BD00] =	vst v63  }
0x1ad: {  	_ =	swait.ge [sflag:s31], $0x50  }
0x1ae: {  	s25 =	rddreg [dreg:$0x6];
	[sflag:s31] =	ssyncset.done $0x0  }
0x1af: {  	[sflag:s31] =	ssyncadd.s32 $0xFFFFFFB0;
	s14 =	sadd.s32 s11, s25;
	s25 =	simm.s32 $0x480  }
0x1b0: {  	[tilespmem:s25], [sflag:$0xB] =	stream.linear.gather [hbm4b:s14+s4], $0x50, $0x38;
	[tilespmem:$0x1BD00] =	vst v63  }
0x1b1: {  	_ =	swait.ge [sflag:s31], $0x50  }
0x1b2: {  	[sflag:s31] =	ssyncset.done $0x0  }
0x1b3: {  	[sflag:s31] =	ssyncadd.s32 $0xFFFFFFB0  }
0x1b4: {  	v2 =	vld [tilespmem:$0x200];
	_ =	sdelay $0x7  }
0x1b5: {  	[tilespmem:v2+s2+$0x0] =	vst.idx.add.f32.msk $0xffff, v1  }
0x1b6: {  	v2 =	vld [tilespmem:$0x210];
	_ =	sdelay $0x7  }
0x1b7: {  	[tilespmem:v2+s2+$0x0] =	vst.idx.add.f32.msk $0xffff, v1  }
0x1b8: {  	v2 =	vld [tilespmem:$0x220];
	_ =	sdelay $0x7  }
0x1b9: {  	[tilespmem:v2+s2+$0x0] =	vst.idx.add.f32.msk $0xffff, v1  }
0x1ba: {  	v2 =	vld [tilespmem:$0x230];
	_ =	sdelay $0x7  }
0x1bb: {  	[tilespmem:v2+s2+$0x0] =	vst.idx.add.f32.msk $0xffff, v1  }
0x1bc: {  	v2 =	vld [tilespmem:$0x240];
	_ =	sdelay $0x7  }
0x1bd: {  	[tilespmem:v2+s2+$0x0] =	vst.idx.add.f32.msk $0xffff, v1  }
0x1be: {  	v2 =	vld [tilespmem:$0x480];
	_ =	sdelay $0x7  }
0x1bf: {  	[tilespmem:v2+s2+$0x0] =	vst.idx.add.f32.msk $0xffff, v1  }
0x1c0: {  	v2 =	vld [tilespmem:$0x490];
	_ =	sdelay $0x7  }
0x1c1: {  	[tilespmem:v2+s2+$0x0] =	vst.idx.add.f32.msk $0xffff, v1  }
0x1c2: {  	v2 =	vld [tilespmem:$0x4A0];
	_ =	sdelay $0x7  }
0x1c3: {  	[tilespmem:v2+s2+$0x0] =	vst.idx.add.f32.msk $0xffff, v1  }
0x1c4: {  	v2 =	vld [tilespmem:$0x4B0];
	_ =	sdelay $0x7  }
0x1c5: {  	[tilespmem:v2+s2+$0x0] =	vst.idx.add.f32.msk $0xffff, v1  }
0x1c6: {  	v2 =	vld [tilespmem:$0x4C0];
	_ =	sdelay $0x7  }
0x1c7: {  	[tilespmem:v2+s2+$0x0] =	vst.idx.add.f32.msk $0xffff, v1  }
0x1c8: {  	p0 =	sne.s32 s13, $0x23F00;
	_ =	swait.ge [sflag:s26], $0x2800  }
0x1c9: {  	s12 =	sadd.s32 $0x190, s12;
	s17 =	simm.s32 $0xCD00;
	[sflag:s26] =	ssyncset.done $0x0  }
0x1ca: {  	s16 =	simm.s32 $0x2D00;
	s20 =	simm.s32 $0xF500;
	[sflag:s26] =	ssyncadd.s32 $0xFFFFD800  }
0x1cb: {  	s23 =	simm.s32 $0x5500;
	s22 =	simm.s32 $0x11D00;
	_ =	swait.ge [sflag:s26], $0x2800  }
.Ltmp1:
0x1cc: {  	s24 =	simm.s32 $0x7D00;
	[sflag:s26] =	ssyncset.done $0x0;
	(pc) =	sbr.rel @p0 .LBB2_4-.Ltmp1, $4  }
0x1cd: {  	s18 =	simm.s32 $0x14500;
	s13 =	sadd.s32 $0x1900, s13;
	[sflag:s26] =	ssyncadd.s32 $0xFFFFD800  }
0x1ce: {  	[tilespmem:s21], [sflag:$0x5] =	stream.indirect.gather [hbm4b:s3+s7], $0x80, s19, s7, $0xb8;
	[tilespmem:$0x1BD00] =	vst v63  }
0x1cf: {  	s15 =	simm.s32 $0x16D00;
	s11 =	sadd.s32 $0x32, s11;
	s14 =	simm.s32 $0xA500  }
0x1d0: {  	[tilespmem:s15], [sflag:$0x5] =	stream.indirect.gather [hbm4b:s28+s7], $0x80, s25, s7, $0xb8;
	[tilespmem:$0x1BD00] =	vst v63  }
0x1d1: {  	_ =	swait.ge [sflag:s29], $0x2800  }
0x1d2: {  	[sflag:s29] =	ssyncset.done $0x0  }
0x1d3: {  	[sflag:s29] =	ssyncadd.s32 $0xFFFFD800  }
0x1d4: {  	_ =	swait.ge [sflag:s29], $0x2800  }
0x1d5: {  	[sflag:s29] =	ssyncset.done $0x0  }
0x1d6: {  	s6 =	simm.s32 $0x500;
	s11 =	rddreg [dreg:$0x1b];
	[sflag:s29] =	ssyncadd.s32 $0xFFFFD800  }
0x1d7: {  	[hbm4b:s11+s4] =	stream.linear.scatter [tilespmem:s6], [sflag:$0xB], $0x2800, $0x38;
	[tilespmem:$0x1BD00] =	vst v63  }
0x1d8: {  	_ =	swait.ge [sflag:s31], $0x2800  }
0x1d9: {  	[sflag:s31] =	ssyncset.done $0x0  }
0x1da: {  	s12 =	rddreg [dreg:$0x1c];
	[sflag:s31] =	ssyncadd.s32 $0xFFFFD800  }
0x1db: {  	[hbm4b:s12+s4] =	stream.linear.scatter [tilespmem:s17], [sflag:$0xB], $0x2800, $0x38;
	[tilespmem:$0x1BD00] =	vst v63  }
0x1dc: {  	_ =	swait.ge [sflag:s31], $0x2800  }
0x1dd: {  	[sflag:s31] =	ssyncset.done $0x0  }
0x1de: {  	[sflag:s31] =	ssyncadd.s32 $0xFFFFD800  }
0x1df: {  	_ =	swait.ge [sflag:s5], $0x2800  }
0x1e0: {  	[sflag:s5] =	ssyncset.done $0x0  }
0x1e1: {  	[sflag:s5] =	ssyncadd.s32 $0xFFFFD800  }
0x1e2: {  	_ =	swait.ge [sflag:s5], $0x2800  }
0x1e3: {  	[sflag:s5] =	ssyncset.done $0x0  }
0x1e4: {  	s13 =	rddreg [dreg:$0x1d];
	[sflag:s5] =	ssyncadd.s32 $0xFFFFD800  }
0x1e5: {  	[hbm4b:s13+s4] =	stream.linear.scatter [tilespmem:s16], [sflag:$0xB], $0x2800, $0x38;
	[tilespmem:$0x1BD00] =	vst v63  }
0x1e6: {  	_ =	swait.ge [sflag:s31], $0x2800  }
0x1e7: {  	[sflag:s31] =	ssyncset.done $0x0  }
0x1e8: {  	s16 =	rddreg [dreg:$0x1e];
	[sflag:s31] =	ssyncadd.s32 $0xFFFFD800  }
0x1e9: {  	[hbm4b:s16+s4] =	stream.linear.scatter [tilespmem:s20], [sflag:$0xB], $0x2800, $0x38;
	[tilespmem:$0x1BD00] =	vst v63  }
0x1ea: {  	_ =	swait.ge [sflag:s31], $0x2800  }
0x1eb: {  	[sflag:s31] =	ssyncset.done $0x0  }
0x1ec: {  	[sflag:s31] =	ssyncadd.s32 $0xFFFFD800  }
0x1ed: {  	_ =	swait.ge [sflag:s0], $0x2800  }
0x1ee: {  	[sflag:s0] =	ssyncset.done $0x0  }
0x1ef: {  	[sflag:s0] =	ssyncadd.s32 $0xFFFFD800  }
0x1f0: {  	_ =	swait.ge [sflag:s0], $0x2800  }
0x1f1: {  	[sflag:s0] =	ssyncset.done $0x0  }
0x1f2: {  	s17 =	rddreg [dreg:$0x1f];
	[sflag:s0] =	ssyncadd.s32 $0xFFFFD800  }
0x1f3: {  	[hbm4b:s17+s4] =	stream.linear.scatter [tilespmem:s23], [sflag:$0xB], $0x2800, $0x38;
	[tilespmem:$0x1BD00] =	vst v63  }
0x1f4: {  	_ =	swait.ge [sflag:s31], $0x2800  }
0x1f5: {  	s19 =	sld [smem:$0x7EF]  }
0x1f6: {  	[sflag:s31] =	ssyncset.done $0x0  }
0x1f7: {  	[sflag:s31] =	ssyncadd.s32 $0xFFFFD800  }
0x1f8: {  	[hbm4b:s19+s4] =	stream.linear.scatter [tilespmem:s22], [sflag:$0xB], $0x2800, $0x38;
	[tilespmem:$0x1BD00] =	vst v63  }
0x1f9: {  	_ =	swait.ge [sflag:s31], $0x2800  }
0x1fa: {  	[sflag:s31] =	ssyncset.done $0x0  }
0x1fb: {  	[sflag:s31] =	ssyncadd.s32 $0xFFFFD800  }
0x1fc: {  	_ =	swait.ge [sflag:s9], $0x2800  }
0x1fd: {  	[sflag:s9] =	ssyncset.done $0x0  }
0x1fe: {  	[sflag:s9] =	ssyncadd.s32 $0xFFFFD800  }
0x1ff: {  	_ =	swait.ge [sflag:s9], $0x2800  }
0x200: {  	s20 =	sld [smem:$0x7F0]  }
0x201: {  	[sflag:s9] =	ssyncset.done $0x0  }
0x202: {  	[sflag:s9] =	ssyncadd.s32 $0xFFFFD800  }
0x203: {  	[hbm4b:s20+s4] =	stream.linear.scatter [tilespmem:s24], [sflag:$0xB], $0x2800, $0x38;
	[tilespmem:$0x1BD00] =	vst v63  }
0x204: {  	_ =	swait.ge [sflag:s31], $0x2800  }
0x205: {  	s21 =	sld [smem:$0x7F1]  }
0x206: {  	[sflag:s31] =	ssyncset.done $0x0  }
0x207: {  	[sflag:s31] =	ssyncadd.s32 $0xFFFFD800  }
0x208: {  	[hbm4b:s21+s4] =	stream.linear.scatter [tilespmem:s18], [sflag:$0xB], $0x2800, $0x38;
	[tilespmem:$0x1BD00] =	vst v63  }
0x209: {  	_ =	swait.ge [sflag:s31], $0x2800  }
0x20a: {  	[sflag:s31] =	ssyncset.done $0x0  }
0x20b: {  	[sflag:s31] =	ssyncadd.s32 $0xFFFFD800  }
0x20c: {  	_ =	swait.ge [sflag:s1], $0x2800  }
0x20d: {  	[sflag:s1] =	ssyncset.done $0x0  }
0x20e: {  	[sflag:s1] =	ssyncadd.s32 $0xFFFFD800  }
0x20f: {  	_ =	swait.ge [sflag:s1], $0x2800  }
0x210: {  	s22 =	sld [smem:$0x7F2]  }
0x211: {  	[sflag:s1] =	ssyncset.done $0x0  }
0x212: {  	[sflag:s1] =	ssyncadd.s32 $0xFFFFD800  }
0x213: {  	[hbm4b:s22+s4] =	stream.linear.scatter [tilespmem:s14], [sflag:$0xB], $0x2800, $0x38;
	[tilespmem:$0x1BD00] =	vst v63  }
0x214: {  	_ =	swait.ge [sflag:s31], $0x2800  }
0x215: {  	s23 =	sld [smem:$0x7F3]  }
0x216: {  	[sflag:s31] =	ssyncset.done $0x0  }
0x217: {  	[sflag:s31] =	ssyncadd.s32 $0xFFFFD800  }
0x218: {  	[hbm4b:s23+s4] =	stream.linear.scatter [tilespmem:s15], [sflag:$0xB], $0x2800, $0x38;
	[tilespmem:$0x1BD00] =	vst v63  }
0x219: {  	_ =	swait.ge [sflag:s31], $0x2800  }
0x21a: {  	s24 =	sld [smem:$0x7FB]  }
0x21b: {  	[sflag:s31] =	ssyncset.done $0x0  }
0x21c: {  	[sflag:s31] =	ssyncadd.s32 $0xFFFFD800  }
0x21d: {  	[hbm4b:s24+s4] =	stream.linear.scatter [tilespmem:s2], [sflag:$0xB], $0x2800, $0x38;
	[tilespmem:$0x1BD00] =	vst v63  }
0x21e: {  	_ =	swait.ge [sflag:s31], $0x2800  }
0x21f: {  	s12 =	sld [smem:$0x7EE]  }
0x220: {  	s25 =	sld [smem:$0x7FC];
	_ =	sdelay $0x1  }
0x221: {  	s12 =	sadd.s32 $0x1, s12  }
0x222: {  	s13 =	simm.s32 $0x280;
	p0 =	sne.s32 s12, s25  }
.Ltmp2:
0x223: {  	s16 =	simm.s32 $0x80;
	s17 =	simm.s32 $0x300;
	(pc) =	sbr.rel @p0 .LBB2_1-.Ltmp2, $4  }
0x224: {  	s19 =	simm.s32 $0xF500;
	s20 =	simm.s32 $0x100;
	s18 =	simm.s32 $0x2D00  }
0x225: {  	s21 =	simm.s32 $0x380;
	s14 =	simm.s32 $0x500;
	s22 =	simm.s32 $0x5500  }
0x226: {  	s15 =	simm.s32 $0xCD00;
	s23 =	simm.s32 $0x11D00;
	[sflag:s31] =	ssyncset.done $0x0  }
0x227: {  	s24 =	simm.s32 $0x180;
	[sflag:s31] =	ssyncadd.s32 $0xFFFFD800;
	s25 =	simm.s32 $0x400  }
0x228: {  	_ =	sfence.sel $0x180000  }
0x229: {  	[bflag:$0x0] =	sbarrier.arrive $0xFFFF  }
0x22a: {  	_ =	strace $0x90000047  }
0x22b: {  	s0 =	stileid.u32;
	[bflag:$0x2] =	sbarrier.arrive $0xFFFF  }
0x22c: {  	p0 =	sne.s32 s0, $0x0;
	s0 =	rddreg [dreg:$0x3]  }
0x22d: {  	s0 =	sadd.s32 @!p0 $0x100000, s0  }
0x22e: {  	[sflag:s0] =	ssyncadd.tile.s32 @!p0 $0x1;
	_ =	shalt  }
.Lfunc_end2:
_tile_overlayer_lowered:
.L_overlay_start_2:
0x22f: {  	(tag) =	ssettag $0x2  }
0x230: {  	s0 =	rddreg [dreg:$0x0];
	s2 =	stileid.u32  }
0x231: {  	s1 =	rddreg [dreg:$0x1];
	p0 =	sne.s32 s2, $0x0  }
0x232: {  	s3 =	rddreg [dreg:$0x2];
	[bflag:$0x3] =	sbarrier.arrive $0xFFFF;
	s2 =	simm.s32 @!p0 $0x1C0B  }
0x233: {  	[timem:s3], [sflag:s2] =	dma.local @!p0 [hbm:s0], s1  }
0x234: {  	s0 =	simm.s32 @!p0 $0xB  }
0x235: {  	_ =	swait.ge @!p0 [sflag:s0], s1  }
0x236: {  	s1 =	ssub.s32 @!p0 $0x0, s1;
	[sflag:s0] =	ssyncset.done @!p0 $0x0  }
0x237: {  	[sflag:s0] =	ssyncadd.s32 @!p0 s1  }
0x238: {  	[bflag:$0x3] =	sbarrier.arrive $0xFFFF  }
0x239: {  	_ =	shalt  }

</sc_bundles>
